<compile_context>
chip_gen: v7x
topology: tpu7x:2x2x1
jax: 0.10.2.dev20260603
libtpu: 0.0.44.dev20260713+nightly
codegen_flags: <defaults>
</compile_context>

<pallas_src>
import functools
import jax
import jax.numpy as jnp
from jax import lax
from jax.experimental import pallas as pl
from jax.experimental.pallas import tpu as pltpu
from jax.experimental.pallas import tpu_sc as plsc

_NC, _NS = 2, 16
_C = 8


def kernel(input_embeddings, table):
    B, S, D = input_embeddings.shape
    BS = B * S
    NW = _NC * _NS
    s_per_w = S // NW
    chunks = s_per_w // _C
    BC = B * _C

    mesh = plsc.VectorSubcoreMesh(core_axis_name="c", subcore_axis_name="s")

    @functools.partial(
        pl.kernel,
        mesh=mesh,
        out_type=jax.ShapeDtypeStruct((BS, D), jnp.float32),
        scratch_types=[
            pltpu.VMEM((BC, D), jnp.float32),
            pltpu.VMEM((BC, D), jnp.float32),
            pltpu.VMEM((_C, D), jnp.float32),
            pltpu.VMEM((_C, D), jnp.float32),
            pltpu.SemaphoreType.DMA,
            pltpu.SemaphoreType.DMA,
            pltpu.SemaphoreType.DMA,
            pltpu.SemaphoreType.DMA,
        ],
        compiler_params=pltpu.CompilerParams(use_tc_tiling_on_sc=True),
    )
    def sc_add(x_hbm, t_hbm, out_hbm, xb0, xb1, tb0, tb1, is0, is1, os0, os1):
        wid = lax.axis_index("s") * _NC + lax.axis_index("c")
        s0 = wid * s_per_w
        xbufs, tbufs = (xb0, xb1), (tb0, tb1)
        isems, osems = (is0, is1), (os0, os1)

        def start_in(j, b):
            sbase = s0 + j * _C
            pltpu.async_copy(t_hbm.at[pl.ds(sbase, _C)], tbufs[b], isems[b])
            for bb in range(B):
                pltpu.async_copy(
                    x_hbm.at[pl.ds(bb * S + sbase, _C)],
                    xbufs[b].at[pl.ds(bb * _C, _C)], isems[b])

        def wait_in(j, b):
            sbase = s0 + j * _C
            pltpu.make_async_copy(
                t_hbm.at[pl.ds(sbase, _C)], tbufs[b], isems[b]).wait()
            for bb in range(B):
                pltpu.make_async_copy(
                    x_hbm.at[pl.ds(bb * S + sbase, _C)],
                    xbufs[b].at[pl.ds(bb * _C, _C)], isems[b]).wait()

        def start_out(j, b):
            sbase = s0 + j * _C
            for bb in range(B):
                pltpu.async_copy(
                    xbufs[b].at[pl.ds(bb * _C, _C)],
                    out_hbm.at[pl.ds(bb * S + sbase, _C)], osems[b])

        def wait_out(j, b):
            sbase = s0 + j * _C
            for bb in range(B):
                pltpu.make_async_copy(
                    xbufs[b].at[pl.ds(bb * _C, _C)],
                    out_hbm.at[pl.ds(bb * S + sbase, _C)], osems[b]).wait()

        start_in(0, 0)

        def half_step(jj, b):
            j = jj * 2 + b
            xb, tb = xbufs[b], tbufs[b]

            @pl.when(j + 1 < chunks)
            def _():
                @pl.when(j >= 1)
                def _():
                    wait_out(j - 1, 1 - b)
                start_in(j + 1, 1 - b)

            wait_in(j, b)

            @plsc.parallel_loop(0, D, 16, unroll=4)
            def _(i):
                sl = pl.ds(i, 16)
                for r in range(BC):
                    xb[r, sl] = xb[r, sl] + tb[r % _C, sl]

            start_out(j, b)

        def body(jj, carry):
            half_step(jj, 0)
            half_step(jj, 1)
            return carry

        lax.fori_loop(0, chunks // 2, body, 0)
        wait_out(chunks - 2, 0)
        wait_out(chunks - 1, 1)

    out = sc_add(input_embeddings.reshape(BS, D), table)
    return out.reshape(B, S, D)

# --- scband reference (transcript-rebuilt; emitter-appended) ---
"""Pipeline reference for scband-position-embedding-41695542509697 (READ-ONLY COPY).

The authoritative reference and input builder live on the scoring server;
editing this copy changes nothing except your own understanding.
"""

import jax, jax.numpy as jnp
import numpy as np

MAX_SEQ = 8192
EMB_DIM = 1024
B, S, D = 4, 8192, 1024

def setup_inputs(seed: int = 0) -> dict:
    key = jax.random.key(seed)
    k1, k2 = jax.random.split(key)
    input_embeddings = jax.random.normal(k1, (B, S, D), dtype=jnp.float32)
    # nn.Embedding default init: N(0, 1)
    table = jax.random.normal(k2, (MAX_SEQ, EMB_DIM), dtype=jnp.float32)
    return {"input_embeddings": input_embeddings, "table": table}

def reference(input_embeddings, table):
    seq_len = input_embeddings.shape[1]
    positions = jnp.arange(seq_len)
    pos_emb = jnp.take(table, positions, axis=0)  # [S, D]
    return input_embeddings + pos_emb[None, :, :]

if __name__ == "__main__":
    import jax
    _d = setup_inputs()
    print(jax.jit(kernel)(*tuple(_d.values())))

</pallas_src>

<mosaic_0001>
#map = affine_map<(d0, d1) -> (0, 0)>
module attributes {stable_mosaic.version = 14 : i64} {
  func.func @sc_add(%arg0: i32, %arg1: i32, %arg2: memref<32768x1024xf32, #tpu.memory_space<hbm>>, %arg3: memref<8192x1024xf32, #tpu.memory_space<hbm>>, %arg4: memref<32768x1024xf32, #tpu.memory_space<hbm>>, %arg5: memref<32x1024xf32, #tpu.memory_space<vmem>>, %arg6: memref<32x1024xf32, #tpu.memory_space<vmem>>, %arg7: memref<8x1024xf32, #tpu.memory_space<vmem>>, %arg8: memref<8x1024xf32, #tpu.memory_space<vmem>>, %arg9: memref<!tpu.dma_semaphore, #tpu.memory_space<semaphore_mem>>, %arg10: memref<!tpu.dma_semaphore, #tpu.memory_space<semaphore_mem>>, %arg11: memref<!tpu.dma_semaphore, #tpu.memory_space<semaphore_mem>>, %arg12: memref<!tpu.dma_semaphore, #tpu.memory_space<semaphore_mem>>) attributes {dimension_semantics = [#tpu.dimension_semantics<core_parallel>, #tpu.dimension_semantics<subcore_parallel>], iteration_bounds = array<i64: 2, 16>, scalar_prefetch = 0 : i64, scratch_operands = 8 : i64, tpu.core_type = #tpu.core_type<sc_vector_subcore>, window_params = [{transform_indices = #map}, {transform_indices = #map}, {transform_indices = #map}]} {
    %mul3A = arith.constant 2 : i32
    %mul3A_0 = arith.muli %arg1, %mul3A : i32
    %add3A = arith.addi %mul3A_0, %arg0 : i32
    %mul3A_1 = arith.constant 256 : i32
    %mul3A_2 = arith.muli %add3A, %mul3A_1 : i32
    %add3A_3 = arith.constant 0 : i32
    %add3A_4 = arith.addi %mul3A_2, %add3A_3 : i32
    %dma_start3A = arith.constant 0 : i32
    %dma_start3A_5 = tpu.memref_slice %arg3[%add3A_4, %dma_start3A] : memref<8192x1024xf32, #tpu.memory_space<hbm>> -> memref<8x1024xf32, #tpu.memory_space<hbm>>
    %dma_start3A_6 = arith.constant 0 : i32
    %dma_start3A_7 = tpu.memref_slice %arg3[%add3A_4, %dma_start3A_6] : memref<8192x1024xf32, #tpu.memory_space<hbm>> -> memref<8x1024xf32, #tpu.memory_space<hbm>>
    tpu.enqueue_dma source(%dma_start3A_7 : memref<8x1024xf32, #tpu.memory_space<hbm>>) target(%arg7 : memref<8x1024xf32, #tpu.memory_space<vmem>>) target_semaphore(%arg9 : memref<!tpu.dma_semaphore, #tpu.memory_space<semaphore_mem>>)
    %add3A_8 = arith.constant 0 : i32
    %add3A_9 = arith.addi %add3A_8, %add3A_4 : i32
    %dma_start3A_10 = arith.constant 0 : i32
    %dma_start3A_11 = arith.constant 0 : i32
    %dma_start3A_12 = tpu.memref_slice %arg5[%dma_start3A_10, %dma_start3A_11] : memref<32x1024xf32, #tpu.memory_space<vmem>> -> memref<8x1024xf32, #tpu.memory_space<vmem>>
    %dma_start3A_13 = arith.constant 0 : i32
    %dma_start3A_14 = tpu.memref_slice %arg2[%add3A_9, %dma_start3A_13] : memref<32768x1024xf32, #tpu.memory_space<hbm>> -> memref<8x1024xf32, #tpu.memory_space<hbm>>
    %dma_start3A_15 = arith.constant 0 : i32
    %dma_start3A_16 = arith.constant 0 : i32
    %dma_start3A_17 = tpu.memref_slice %arg5[%dma_start3A_15, %dma_start3A_16] : memref<32x1024xf32, #tpu.memory_space<vmem>> -> memref<8x1024xf32, #tpu.memory_space<vmem>>
    %dma_start3A_18 = arith.constant 0 : i32
    %dma_start3A_19 = tpu.memref_slice %arg2[%add3A_9, %dma_start3A_18] : memref<32768x1024xf32, #tpu.memory_space<hbm>> -> memref<8x1024xf32, #tpu.memory_space<hbm>>
    tpu.enqueue_dma source(%dma_start3A_19 : memref<8x1024xf32, #tpu.memory_space<hbm>>) target(%dma_start3A_17 : memref<8x1024xf32, #tpu.memory_space<vmem>>) target_semaphore(%arg9 : memref<!tpu.dma_semaphore, #tpu.memory_space<semaphore_mem>>)
    %add3A_20 = arith.constant 8192 : i32
    %add3A_21 = arith.addi %add3A_20, %add3A_4 : i32
    %dma_start3A_22 = arith.constant 8 : i32
    %dma_start3A_23 = arith.constant 0 : i32
    %dma_start3A_24 = tpu.memref_slice %arg5[%dma_start3A_22, %dma_start3A_23] : memref<32x1024xf32, #tpu.memory_space<vmem>> -> memref<8x1024xf32, #tpu.memory_space<vmem>>
    %dma_start3A_25 = arith.constant 0 : i32
    %dma_start3A_26 = tpu.memref_slice %arg2[%add3A_21, %dma_start3A_25] : memref<32768x1024xf32, #tpu.memory_space<hbm>> -> memref<8x1024xf32, #tpu.memory_space<hbm>>
    %dma_start3A_27 = arith.constant 8 : i32
    %dma_start3A_28 = arith.constant 0 : i32
    %dma_start3A_29 = tpu.memref_slice %arg5[%dma_start3A_27, %dma_start3A_28] : memref<32x1024xf32, #tpu.memory_space<vmem>> -> memref<8x1024xf32, #tpu.memory_space<vmem>>
    %dma_start3A_30 = arith.constant 0 : i32
    %dma_start3A_31 = tpu.memref_slice %arg2[%add3A_21, %dma_start3A_30] : memref<32768x1024xf32, #tpu.memory_space<hbm>> -> memref<8x1024xf32, #tpu.memory_space<hbm>>
    tpu.enqueue_dma source(%dma_start3A_31 : memref<8x1024xf32, #tpu.memory_space<hbm>>) target(%dma_start3A_29 : memref<8x1024xf32, #tpu.memory_space<vmem>>) target_semaphore(%arg9 : memref<!tpu.dma_semaphore, #tpu.memory_space<semaphore_mem>>)
    %add3A_32 = arith.constant 16384 : i32
    %add3A_33 = arith.addi %add3A_32, %add3A_4 : i32
    %dma_start3A_34 = arith.constant 16 : i32
    %dma_start3A_35 = arith.constant 0 : i32
    %dma_start3A_36 = tpu.memref_slice %arg5[%dma_start3A_34, %dma_start3A_35] : memref<32x1024xf32, #tpu.memory_space<vmem>> -> memref<8x1024xf32, #tpu.memory_space<vmem>>
    %dma_start3A_37 = arith.constant 0 : i32
    %dma_start3A_38 = tpu.memref_slice %arg2[%add3A_33, %dma_start3A_37] : memref<32768x1024xf32, #tpu.memory_space<hbm>> -> memref<8x1024xf32, #tpu.memory_space<hbm>>
    %dma_start3A_39 = arith.constant 16 : i32
    %dma_start3A_40 = arith.constant 0 : i32
    %dma_start3A_41 = tpu.memref_slice %arg5[%dma_start3A_39, %dma_start3A_40] : memref<32x1024xf32, #tpu.memory_space<vmem>> -> memref<8x1024xf32, #tpu.memory_space<vmem>>
    %dma_start3A_42 = arith.constant 0 : i32
    %dma_start3A_43 = tpu.memref_slice %arg2[%add3A_33, %dma_start3A_42] : memref<32768x1024xf32, #tpu.memory_space<hbm>> -> memref<8x1024xf32, #tpu.memory_space<hbm>>
    tpu.enqueue_dma source(%dma_start3A_43 : memref<8x1024xf32, #tpu.memory_space<hbm>>) target(%dma_start3A_41 : memref<8x1024xf32, #tpu.memory_space<vmem>>) target_semaphore(%arg9 : memref<!tpu.dma_semaphore, #tpu.memory_space<semaphore_mem>>)
    %add3A_44 = arith.constant 24576 : i32
    %add3A_45 = arith.addi %add3A_44, %add3A_4 : i32
    %dma_start3A_46 = arith.constant 24 : i32
    %dma_start3A_47 = arith.constant 0 : i32
    %dma_start3A_48 = tpu.memref_slice %arg5[%dma_start3A_46, %dma_start3A_47] : memref<32x1024xf32, #tpu.memory_space<vmem>> -> memref<8x1024xf32, #tpu.memory_space<vmem>>
    %dma_start3A_49 = arith.constant 0 : i32
    %dma_start3A_50 = tpu.memref_slice %arg2[%add3A_45, %dma_start3A_49] : memref<32768x1024xf32, #tpu.memory_space<hbm>> -> memref<8x1024xf32, #tpu.memory_space<hbm>>
    %dma_start3A_51 = arith.constant 24 : i32
    %dma_start3A_52 = arith.constant 0 : i32
    %dma_start3A_53 = tpu.memref_slice %arg5[%dma_start3A_51, %dma_start3A_52] : memref<32x1024xf32, #tpu.memory_space<vmem>> -> memref<8x1024xf32, #tpu.memory_space<vmem>>
    %dma_start3A_54 = arith.constant 0 : i32
    %dma_start3A_55 = tpu.memref_slice %arg2[%add3A_45, %dma_start3A_54] : memref<32768x1024xf32, #tpu.memory_space<hbm>> -> memref<8x1024xf32, #tpu.memory_space<hbm>>
    tpu.enqueue_dma source(%dma_start3A_55 : memref<8x1024xf32, #tpu.memory_space<hbm>>) target(%dma_start3A_53 : memref<8x1024xf32, #tpu.memory_space<vmem>>) target_semaphore(%arg9 : memref<!tpu.dma_semaphore, #tpu.memory_space<semaphore_mem>>)
    %scan3A = arith.constant 0 : i32
    %scan3A_56 = arith.constant 0 : i32
    %scan3A_57 = arith.constant 16 : i32
    %scan3A_58 = arith.addi %scan3A_56, %scan3A_57 : i32
    %scan3A_59 = arith.constant 1 : i32
    scf.for %scan3A_160 = %scan3A_56 to %scan3A_58 step %scan3A_59  : i32 {
      %mul3A_161 = arith.constant 2 : i32
      %mul3A_162 = arith.muli %scan3A_160, %mul3A_161 : i32
      %add3A_163 = arith.constant 0 : i32
      %add3A_164 = arith.addi %mul3A_162, %add3A_163 : i32
      %add3A_165 = arith.constant 1 : i32
      %add3A_166 = arith.addi %add3A_164, %add3A_165 : i32
      %lt3A = arith.constant 32 : i32
      %lt3A_167 = arith.cmpi slt, %add3A_166, %lt3A : i32
      %convert_element_type3A = arith.extui %lt3A_167 : i1 to i32
      %cond3A = arith.constant 0 : i32
      %cond3A_168 = arith.cmpi ne, %convert_element_type3A, %cond3A : i32
      scf.if %cond3A_168 {
        %ge3A = arith.constant 1 : i32
        %ge3A_397 = arith.cmpi sge, %add3A_164, %ge3A : i32
        %convert_element_type3A_398 = arith.extui %ge3A_397 : i1 to i32
        %cond3A_399 = arith.constant 0 : i32
        %cond3A_400 = arith.cmpi ne, %convert_element_type3A_398, %cond3A_399 : i32
        scf.if %cond3A_400 {
          %sub3A = arith.constant 1 : i32
          %sub3A_458 = arith.subi %add3A_164, %sub3A : i32
          %mul3A_459 = arith.constant 8 : i32
          %mul3A_460 = arith.muli %sub3A_458, %mul3A_459 : i32
          %add3A_461 = arith.addi %mul3A_2, %mul3A_460 : i32
          %add3A_462 = arith.constant 0 : i32
          %add3A_463 = arith.addi %add3A_462, %add3A_461 : i32
          %dma_wait3A_464 = arith.constant 0 : i32
          %dma_wait3A_465 = arith.constant 0 : i32
          %dma_wait3A_466 = tpu.memref_slice %arg6[%dma_wait3A_464, %dma_wait3A_465] : memref<32x1024xf32, #tpu.memory_space<vmem>> -> memref<8x1024xf32, #tpu.memory_space<vmem>>
          %dma_wait3A_467 = arith.constant 0 : i32
          %dma_wait3A_468 = tpu.memref_slice %arg4[%add3A_463, %dma_wait3A_467] : memref<32768x1024xf32, #tpu.memory_space<hbm>> -> memref<8x1024xf32, #tpu.memory_space<hbm>>
          %dma_wait3A_469 = arith.constant 0 : i32
          %dma_wait3A_470 = tpu.memref_slice %arg4[%add3A_463, %dma_wait3A_469] : memref<32768x1024xf32, #tpu.memory_space<hbm>> -> memref<8x1024xf32, #tpu.memory_space<hbm>>
          %dma_wait3A_471 = arith.constant 0 : i32
          %dma_wait3A_472 = arith.constant 0 : i32
          %dma_wait3A_473 = tpu.memref_slice %arg6[%dma_wait3A_471, %dma_wait3A_472] : memref<32x1024xf32, #tpu.memory_space<vmem>> -> memref<8x1024xf32, #tpu.memory_space<vmem>>
          tpu.wait_dma2 semaphore(%arg12 : memref<!tpu.dma_semaphore, #tpu.memory_space<semaphore_mem>>) src(%dma_wait3A_473 : memref<8x1024xf32, #tpu.memory_space<vmem>>) dst(%dma_wait3A_470 : memref<8x1024xf32, #tpu.memory_space<hbm>>)
          %add3A_474 = arith.constant 8192 : i32
          %add3A_475 = arith.addi %add3A_474, %add3A_461 : i32
          %dma_wait3A_476 = arith.constant 8 : i32
          %dma_wait3A_477 = arith.constant 0 : i32
          %dma_wait3A_478 = tpu.memref_slice %arg6[%dma_wait3A_476, %dma_wait3A_477] : memref<32x1024xf32, #tpu.memory_space<vmem>> -> memref<8x1024xf32, #tpu.memory_space<vmem>>
          %dma_wait3A_479 = arith.constant 0 : i32
          %dma_wait3A_480 = tpu.memref_slice %arg4[%add3A_475, %dma_wait3A_479] : memref<32768x1024xf32, #tpu.memory_space<hbm>> -> memref<8x1024xf32, #tpu.memory_space<hbm>>
          %dma_wait3A_481 = arith.constant 0 : i32
          %dma_wait3A_482 = tpu.memref_slice %arg4[%add3A_475, %dma_wait3A_481] : memref<32768x1024xf32, #tpu.memory_space<hbm>> -> memref<8x1024xf32, #tpu.memory_space<hbm>>
          %dma_wait3A_483 = arith.constant 8 : i32
          %dma_wait3A_484 = arith.constant 0 : i32
          %dma_wait3A_485 = tpu.memref_slice %arg6[%dma_wait3A_483, %dma_wait3A_484] : memref<32x1024xf32, #tpu.memory_space<vmem>> -> memref<8x1024xf32, #tpu.memory_space<vmem>>
          tpu.wait_dma2 semaphore(%arg12 : memref<!tpu.dma_semaphore, #tpu.memory_space<semaphore_mem>>) src(%dma_wait3A_485 : memref<8x1024xf32, #tpu.memory_space<vmem>>) dst(%dma_wait3A_482 : memref<8x1024xf32, #tpu.memory_space<hbm>>)
          %add3A_486 = arith.constant 16384 : i32
          %add3A_487 = arith.addi %add3A_486, %add3A_461 : i32
          %dma_wait3A_488 = arith.constant 16 : i32
          %dma_wait3A_489 = arith.constant 0 : i32
          %dma_wait3A_490 = tpu.memref_slice %arg6[%dma_wait3A_488, %dma_wait3A_489] : memref<32x1024xf32, #tpu.memory_space<vmem>> -> memref<8x1024xf32, #tpu.memory_space<vmem>>
          %dma_wait3A_491 = arith.constant 0 : i32
          %dma_wait3A_492 = tpu.memref_slice %arg4[%add3A_487, %dma_wait3A_491] : memref<32768x1024xf32, #tpu.memory_space<hbm>> -> memref<8x1024xf32, #tpu.memory_space<hbm>>
          %dma_wait3A_493 = arith.constant 0 : i32
          %dma_wait3A_494 = tpu.memref_slice %arg4[%add3A_487, %dma_wait3A_493] : memref<32768x1024xf32, #tpu.memory_space<hbm>> -> memref<8x1024xf32, #tpu.memory_space<hbm>>
          %dma_wait3A_495 = arith.constant 16 : i32
          %dma_wait3A_496 = arith.constant 0 : i32
          %dma_wait3A_497 = tpu.memref_slice %arg6[%dma_wait3A_495, %dma_wait3A_496] : memref<32x1024xf32, #tpu.memory_space<vmem>> -> memref<8x1024xf32, #tpu.memory_space<vmem>>
          tpu.wait_dma2 semaphore(%arg12 : memref<!tpu.dma_semaphore, #tpu.memory_space<semaphore_mem>>) src(%dma_wait3A_497 : memref<8x1024xf32, #tpu.memory_space<vmem>>) dst(%dma_wait3A_494 : memref<8x1024xf32, #tpu.memory_space<hbm>>)
          %add3A_498 = arith.constant 24576 : i32
          %add3A_499 = arith.addi %add3A_498, %add3A_461 : i32
          %dma_wait3A_500 = arith.constant 24 : i32
          %dma_wait3A_501 = arith.constant 0 : i32
          %dma_wait3A_502 = tpu.memref_slice %arg6[%dma_wait3A_500, %dma_wait3A_501] : memref<32x1024xf32, #tpu.memory_space<vmem>> -> memref<8x1024xf32, #tpu.memory_space<vmem>>
          %dma_wait3A_503 = arith.constant 0 : i32
          %dma_wait3A_504 = tpu.memref_slice %arg4[%add3A_499, %dma_wait3A_503] : memref<32768x1024xf32, #tpu.memory_space<hbm>> -> memref<8x1024xf32, #tpu.memory_space<hbm>>
          %dma_wait3A_505 = arith.constant 0 : i32
          %dma_wait3A_506 = tpu.memref_slice %arg4[%add3A_499, %dma_wait3A_505] : memref<32768x1024xf32, #tpu.memory_space<hbm>> -> memref<8x1024xf32, #tpu.memory_space<hbm>>
          %dma_wait3A_507 = arith.constant 24 : i32
          %dma_wait3A_508 = arith.constant 0 : i32
          %dma_wait3A_509 = tpu.memref_slice %arg6[%dma_wait3A_507, %dma_wait3A_508] : memref<32x1024xf32, #tpu.memory_space<vmem>> -> memref<8x1024xf32, #tpu.memory_space<vmem>>
          tpu.wait_dma2 semaphore(%arg12 : memref<!tpu.dma_semaphore, #tpu.memory_space<semaphore_mem>>) src(%dma_wait3A_509 : memref<8x1024xf32, #tpu.memory_space<vmem>>) dst(%dma_wait3A_506 : memref<8x1024xf32, #tpu.memory_space<hbm>>)
        } else {
        }
        %add3A_401 = arith.constant 1 : i32
        %add3A_402 = arith.addi %add3A_164, %add3A_401 : i32
        %mul3A_403 = arith.constant 8 : i32
        %mul3A_404 = arith.muli %add3A_402, %mul3A_403 : i32
        %add3A_405 = arith.addi %mul3A_2, %mul3A_404 : i32
        %dma_start3A_406 = arith.constant 0 : i32
        %dma_start3A_407 = tpu.memref_slice %arg3[%add3A_405, %dma_start3A_406] : memref<8192x1024xf32, #tpu.memory_space<hbm>> -> memref<8x1024xf32, #tpu.memory_space<hbm>>
        %dma_start3A_408 = arith.constant 0 : i32
        %dma_start3A_409 = tpu.memref_slice %arg3[%add3A_405, %dma_start3A_408] : memref<8192x1024xf32, #tpu.memory_space<hbm>> -> memref<8x1024xf32, #tpu.memory_space<hbm>>
        tpu.enqueue_dma source(%dma_start3A_409 : memref<8x1024xf32, #tpu.memory_space<hbm>>) target(%arg8 : memref<8x1024xf32, #tpu.memory_space<vmem>>) target_semaphore(%arg10 : memref<!tpu.dma_semaphore, #tpu.memory_space<semaphore_mem>>)
        %add3A_410 = arith.constant 0 : i32
        %add3A_411 = arith.addi %add3A_410, %add3A_405 : i32
        %dma_start3A_412 = arith.constant 0 : i32
        %dma_start3A_413 = arith.constant 0 : i32
        %dma_start3A_414 = tpu.memref_slice %arg6[%dma_start3A_412, %dma_start3A_413] : memref<32x1024xf32, #tpu.memory_space<vmem>> -> memref<8x1024xf32, #tpu.memory_space<vmem>>
        %dma_start3A_415 = arith.constant 0 : i32
        %dma_start3A_416 = tpu.memref_slice %arg2[%add3A_411, %dma_start3A_415] : memref<32768x1024xf32, #tpu.memory_space<hbm>> -> memref<8x1024xf32, #tpu.memory_space<hbm>>
        %dma_start3A_417 = arith.constant 0 : i32
        %dma_start3A_418 = arith.constant 0 : i32
        %dma_start3A_419 = tpu.memref_slice %arg6[%dma_start3A_417, %dma_start3A_418] : memref<32x1024xf32, #tpu.memory_space<vmem>> -> memref<8x1024xf32, #tpu.memory_space<vmem>>
        %dma_start3A_420 = arith.constant 0 : i32
        %dma_start3A_421 = tpu.memref_slice %arg2[%add3A_411, %dma_start3A_420] : memref<32768x1024xf32, #tpu.memory_space<hbm>> -> memref<8x1024xf32, #tpu.memory_space<hbm>>
        tpu.enqueue_dma source(%dma_start3A_421 : memref<8x1024xf32, #tpu.memory_space<hbm>>) target(%dma_start3A_419 : memref<8x1024xf32, #tpu.memory_space<vmem>>) target_semaphore(%arg10 : memref<!tpu.dma_semaphore, #tpu.memory_space<semaphore_mem>>)
        %add3A_422 = arith.constant 8192 : i32
        %add3A_423 = arith.addi %add3A_422, %add3A_405 : i32
        %dma_start3A_424 = arith.constant 8 : i32
        %dma_start3A_425 = arith.constant 0 : i32
        %dma_start3A_426 = tpu.memref_slice %arg6[%dma_start3A_424, %dma_start3A_425] : memref<32x1024xf32, #tpu.memory_space<vmem>> -> memref<8x1024xf32, #tpu.memory_space<vmem>>
        %dma_start3A_427 = arith.constant 0 : i32
        %dma_start3A_428 = tpu.memref_slice %arg2[%add3A_423, %dma_start3A_427] : memref<32768x1024xf32, #tpu.memory_space<hbm>> -> memref<8x1024xf32, #tpu.memory_space<hbm>>
        %dma_start3A_429 = arith.constant 8 : i32
        %dma_start3A_430 = arith.constant 0 : i32
        %dma_start3A_431 = tpu.memref_slice %arg6[%dma_start3A_429, %dma_start3A_430] : memref<32x1024xf32, #tpu.memory_space<vmem>> -> memref<8x1024xf32, #tpu.memory_space<vmem>>
        %dma_start3A_432 = arith.constant 0 : i32
        %dma_start3A_433 = tpu.memref_slice %arg2[%add3A_423, %dma_start3A_432] : memref<32768x1024xf32, #tpu.memory_space<hbm>> -> memref<8x1024xf32, #tpu.memory_space<hbm>>
        tpu.enqueue_dma source(%dma_start3A_433 : memref<8x1024xf32, #tpu.memory_space<hbm>>) target(%dma_start3A_431 : memref<8x1024xf32, #tpu.memory_space<vmem>>) target_semaphore(%arg10 : memref<!tpu.dma_semaphore, #tpu.memory_space<semaphore_mem>>)
        %add3A_434 = arith.constant 16384 : i32
        %add3A_435 = arith.addi %add3A_434, %add3A_405 : i32
        %dma_start3A_436 = arith.constant 16 : i32
        %dma_start3A_437 = arith.constant 0 : i32
        %dma_start3A_438 = tpu.memref_slice %arg6[%dma_start3A_436, %dma_start3A_437] : memref<32x1024xf32, #tpu.memory_space<vmem>> -> memref<8x1024xf32, #tpu.memory_space<vmem>>
        %dma_start3A_439 = arith.constant 0 : i32
        %dma_start3A_440 = tpu.memref_slice %arg2[%add3A_435, %dma_start3A_439] : memref<32768x1024xf32, #tpu.memory_space<hbm>> -> memref<8x1024xf32, #tpu.memory_space<hbm>>
        %dma_start3A_441 = arith.constant 16 : i32
        %dma_start3A_442 = arith.constant 0 : i32
        %dma_start3A_443 = tpu.memref_slice %arg6[%dma_start3A_441, %dma_start3A_442] : memref<32x1024xf32, #tpu.memory_space<vmem>> -> memref<8x1024xf32, #tpu.memory_space<vmem>>
        %dma_start3A_444 = arith.constant 0 : i32
        %dma_start3A_445 = tpu.memref_slice %arg2[%add3A_435, %dma_start3A_444] : memref<32768x1024xf32, #tpu.memory_space<hbm>> -> memref<8x1024xf32, #tpu.memory_space<hbm>>
        tpu.enqueue_dma source(%dma_start3A_445 : memref<8x1024xf32, #tpu.memory_space<hbm>>) target(%dma_start3A_443 : memref<8x1024xf32, #tpu.memory_space<vmem>>) target_semaphore(%arg10 : memref<!tpu.dma_semaphore, #tpu.memory_space<semaphore_mem>>)
        %add3A_446 = arith.constant 24576 : i32
        %add3A_447 = arith.addi %add3A_446, %add3A_405 : i32
        %dma_start3A_448 = arith.constant 24 : i32
        %dma_start3A_449 = arith.constant 0 : i32
        %dma_start3A_450 = tpu.memref_slice %arg6[%dma_start3A_448, %dma_start3A_449] : memref<32x1024xf32, #tpu.memory_space<vmem>> -> memref<8x1024xf32, #tpu.memory_space<vmem>>
        %dma_start3A_451 = arith.constant 0 : i32
        %dma_start3A_452 = tpu.memref_slice %arg2[%add3A_447, %dma_start3A_451] : memref<32768x1024xf32, #tpu.memory_space<hbm>> -> memref<8x1024xf32, #tpu.memory_space<hbm>>
        %dma_start3A_453 = arith.constant 24 : i32
        %dma_start3A_454 = arith.constant 0 : i32
        %dma_start3A_455 = tpu.memref_slice %arg6[%dma_start3A_453, %dma_start3A_454] : memref<32x1024xf32, #tpu.memory_space<vmem>> -> memref<8x1024xf32, #tpu.memory_space<vmem>>
        %dma_start3A_456 = arith.constant 0 : i32
        %dma_start3A_457 = tpu.memref_slice %arg2[%add3A_447, %dma_start3A_456] : memref<32768x1024xf32, #tpu.memory_space<hbm>> -> memref<8x1024xf32, #tpu.memory_space<hbm>>
        tpu.enqueue_dma source(%dma_start3A_457 : memref<8x1024xf32, #tpu.memory_space<hbm>>) target(%dma_start3A_455 : memref<8x1024xf32, #tpu.memory_space<vmem>>) target_semaphore(%arg10 : memref<!tpu.dma_semaphore, #tpu.memory_space<semaphore_mem>>)
      } else {
      }
      %mul3A_169 = arith.constant 8 : i32
      %mul3A_170 = arith.muli %add3A_164, %mul3A_169 : i32
      %add3A_171 = arith.addi %mul3A_2, %mul3A_170 : i32
      %dma_wait3A_172 = arith.constant 0 : i32
      %dma_wait3A_173 = tpu.memref_slice %arg3[%add3A_171, %dma_wait3A_172] : memref<8192x1024xf32, #tpu.memory_space<hbm>> -> memref<8x1024xf32, #tpu.memory_space<hbm>>
      %dma_wait3A_174 = arith.constant 0 : i32
      %dma_wait3A_175 = tpu.memref_slice %arg3[%add3A_171, %dma_wait3A_174] : memref<8192x1024xf32, #tpu.memory_space<hbm>> -> memref<8x1024xf32, #tpu.memory_space<hbm>>
      tpu.wait_dma2 semaphore(%arg9 : memref<!tpu.dma_semaphore, #tpu.memory_space<semaphore_mem>>) src(%dma_wait3A_175 : memref<8x1024xf32, #tpu.memory_space<hbm>>) dst(%arg7 : memref<8x1024xf32, #tpu.memory_space<vmem>>)
      %add3A_176 = arith.constant 0 : i32
      %add3A_177 = arith.addi %add3A_176, %add3A_171 : i32
      %dma_wait3A_178 = arith.constant 0 : i32
      %dma_wait3A_179 = arith.constant 0 : i32
      %dma_wait3A_180 = tpu.memref_slice %arg5[%dma_wait3A_178, %dma_wait3A_179] : memref<32x1024xf32, #tpu.memory_space<vmem>> -> memref<8x1024xf32, #tpu.memory_space<vmem>>
      %dma_wait3A_181 = arith.constant 0 : i32
      %dma_wait3A_182 = tpu.memref_slice %arg2[%add3A_177, %dma_wait3A_181] : memref<32768x1024xf32, #tpu.memory_space<hbm>> -> memref<8x1024xf32, #tpu.memory_space<hbm>>
      %dma_wait3A_183 = arith.constant 0 : i32
      %dma_wait3A_184 = arith.constant 0 : i32
      %dma_wait3A_185 = tpu.memref_slice %arg5[%dma_wait3A_183, %dma_wait3A_184] : memref<32x1024xf32, #tpu.memory_space<vmem>> -> memref<8x1024xf32, #tpu.memory_space<vmem>>
      %dma_wait3A_186 = arith.constant 0 : i32
      %dma_wait3A_187 = tpu.memref_slice %arg2[%add3A_177, %dma_wait3A_186] : memref<32768x1024xf32, #tpu.memory_space<hbm>> -> memref<8x1024xf32, #tpu.memory_space<hbm>>
      tpu.wait_dma2 semaphore(%arg9 : memref<!tpu.dma_semaphore, #tpu.memory_space<semaphore_mem>>) src(%dma_wait3A_187 : memref<8x1024xf32, #tpu.memory_space<hbm>>) dst(%dma_wait3A_185 : memref<8x1024xf32, #tpu.memory_space<vmem>>)
      %add3A_188 = arith.constant 8192 : i32
      %add3A_189 = arith.addi %add3A_188, %add3A_171 : i32
      %dma_wait3A_190 = arith.constant 8 : i32
      %dma_wait3A_191 = arith.constant 0 : i32
      %dma_wait3A_192 = tpu.memref_slice %arg5[%dma_wait3A_190, %dma_wait3A_191] : memref<32x1024xf32, #tpu.memory_space<vmem>> -> memref<8x1024xf32, #tpu.memory_space<vmem>>
      %dma_wait3A_193 = arith.constant 0 : i32
      %dma_wait3A_194 = tpu.memref_slice %arg2[%add3A_189, %dma_wait3A_193] : memref<32768x1024xf32, #tpu.memory_space<hbm>> -> memref<8x1024xf32, #tpu.memory_space<hbm>>
      %dma_wait3A_195 = arith.constant 8 : i32
      %dma_wait3A_196 = arith.constant 0 : i32
      %dma_wait3A_197 = tpu.memref_slice %arg5[%dma_wait3A_195, %dma_wait3A_196] : memref<32x1024xf32, #tpu.memory_space<vmem>> -> memref<8x1024xf32, #tpu.memory_space<vmem>>
      %dma_wait3A_198 = arith.constant 0 : i32
      %dma_wait3A_199 = tpu.memref_slice %arg2[%add3A_189, %dma_wait3A_198] : memref<32768x1024xf32, #tpu.memory_space<hbm>> -> memref<8x1024xf32, #tpu.memory_space<hbm>>
      tpu.wait_dma2 semaphore(%arg9 : memref<!tpu.dma_semaphore, #tpu.memory_space<semaphore_mem>>) src(%dma_wait3A_199 : memref<8x1024xf32, #tpu.memory_space<hbm>>) dst(%dma_wait3A_197 : memref<8x1024xf32, #tpu.memory_space<vmem>>)
      %add3A_200 = arith.constant 16384 : i32
      %add3A_201 = arith.addi %add3A_200, %add3A_171 : i32
      %dma_wait3A_202 = arith.constant 16 : i32
      %dma_wait3A_203 = arith.constant 0 : i32
      %dma_wait3A_204 = tpu.memref_slice %arg5[%dma_wait3A_202, %dma_wait3A_203] : memref<32x1024xf32, #tpu.memory_space<vmem>> -> memref<8x1024xf32, #tpu.memory_space<vmem>>
      %dma_wait3A_205 = arith.constant 0 : i32
      %dma_wait3A_206 = tpu.memref_slice %arg2[%add3A_201, %dma_wait3A_205] : memref<32768x1024xf32, #tpu.memory_space<hbm>> -> memref<8x1024xf32, #tpu.memory_space<hbm>>
      %dma_wait3A_207 = arith.constant 16 : i32
      %dma_wait3A_208 = arith.constant 0 : i32
      %dma_wait3A_209 = tpu.memref_slice %arg5[%dma_wait3A_207, %dma_wait3A_208] : memref<32x1024xf32, #tpu.memory_space<vmem>> -> memref<8x1024xf32, #tpu.memory_space<vmem>>
      %dma_wait3A_210 = arith.constant 0 : i32
      %dma_wait3A_211 = tpu.memref_slice %arg2[%add3A_201, %dma_wait3A_210] : memref<32768x1024xf32, #tpu.memory_space<hbm>> -> memref<8x1024xf32, #tpu.memory_space<hbm>>
      tpu.wait_dma2 semaphore(%arg9 : memref<!tpu.dma_semaphore, #tpu.memory_space<semaphore_mem>>) src(%dma_wait3A_211 : memref<8x1024xf32, #tpu.memory_space<hbm>>) dst(%dma_wait3A_209 : memref<8x1024xf32, #tpu.memory_space<vmem>>)
      %add3A_212 = arith.constant 24576 : i32
      %add3A_213 = arith.addi %add3A_212, %add3A_171 : i32
      %dma_wait3A_214 = arith.constant 24 : i32
      %dma_wait3A_215 = arith.constant 0 : i32
      %dma_wait3A_216 = tpu.memref_slice %arg5[%dma_wait3A_214, %dma_wait3A_215] : memref<32x1024xf32, #tpu.memory_space<vmem>> -> memref<8x1024xf32, #tpu.memory_space<vmem>>
      %dma_wait3A_217 = arith.constant 0 : i32
      %dma_wait3A_218 = tpu.memref_slice %arg2[%add3A_213, %dma_wait3A_217] : memref<32768x1024xf32, #tpu.memory_space<hbm>> -> memref<8x1024xf32, #tpu.memory_space<hbm>>
      %dma_wait3A_219 = arith.constant 24 : i32
      %dma_wait3A_220 = arith.constant 0 : i32
      %dma_wait3A_221 = tpu.memref_slice %arg5[%dma_wait3A_219, %dma_wait3A_220] : memref<32x1024xf32, #tpu.memory_space<vmem>> -> memref<8x1024xf32, #tpu.memory_space<vmem>>
      %dma_wait3A_222 = arith.constant 0 : i32
      %dma_wait3A_223 = tpu.memref_slice %arg2[%add3A_213, %dma_wait3A_222] : memref<32768x1024xf32, #tpu.memory_space<hbm>> -> memref<8x1024xf32, #tpu.memory_space<hbm>>
      tpu.wait_dma2 semaphore(%arg9 : memref<!tpu.dma_semaphore, #tpu.memory_space<semaphore_mem>>) src(%dma_wait3A_223 : memref<8x1024xf32, #tpu.memory_space<hbm>>) dst(%dma_wait3A_221 : memref<8x1024xf32, #tpu.memory_space<vmem>>)
      %parallel_loop3A = arith.constant 0 : i32
      %parallel_loop3A_224 = arith.constant 1024 : i32
      %parallel_loop3A_225 = arith.constant 16 : i32
      scf.for %parallel_loop3A_397 = %parallel_loop3A to %parallel_loop3A_224 step %parallel_loop3A_225  : i32 {
        %parallel_loop3A_398 = arith.constant 0 : i32
        %parallel_loop3A_399 = arith.index_cast %parallel_loop3A_398 : i32 to index
        %parallel_loop3A_400 = arith.index_cast %parallel_loop3A_397 : i32 to index
        %parallel_loop3A_401 = tpu.vector_load %arg5[%parallel_loop3A_399, %parallel_loop3A_400] {strides = array<i32>} : memref<32x1024xf32, #tpu.memory_space<vmem>>, vector<1x16xf32>,
        %parallel_loop3A_402 = vector.shape_cast %parallel_loop3A_401 : vector<1x16xf32> to vector<16xf32>
        %parallel_loop3A_403 = arith.constant 0 : i32
        %parallel_loop3A_404 = arith.index_cast %parallel_loop3A_403 : i32 to index
        %parallel_loop3A_405 = arith.index_cast %parallel_loop3A_397 : i32 to index
        %parallel_loop3A_406 = tpu.vector_load %arg7[%parallel_loop3A_404, %parallel_loop3A_405] {strides = array<i32>} : memref<8x1024xf32, #tpu.memory_space<vmem>>, vector<1x16xf32>,
        %parallel_loop3A_407 = vector.shape_cast %parallel_loop3A_406 : vector<1x16xf32> to vector<16xf32>
        %parallel_loop3A_408 = arith.addf %parallel_loop3A_402, %parallel_loop3A_407 : vector<16xf32>
        %parallel_loop3A_409 = arith.constant 0 : i32
        %parallel_loop3A_410 = arith.index_cast %parallel_loop3A_409 : i32 to index
        %parallel_loop3A_411 = arith.index_cast %parallel_loop3A_397 : i32 to index
        %parallel_loop3A_412 = tpu.vector_load %arg5[%parallel_loop3A_410, %parallel_loop3A_411] {strides = array<i32>} : memref<32x1024xf32, #tpu.memory_space<vmem>>, vector<1x16xf32>,
        %parallel_loop3A_413 = vector.shape_cast %parallel_loop3A_412 : vector<1x16xf32> to vector<16xf32>
        %parallel_loop3A_414 = vector.shape_cast %parallel_loop3A_408 : vector<16xf32> to vector<1x16xf32>
        tpu.vector_store %arg5[%parallel_loop3A_410, %parallel_loop3A_411], %parallel_loop3A_414 {strides = array<i32>} : memref<32x1024xf32, #tpu.memory_space<vmem>>, vector<1x16xf32>,
        %parallel_loop3A_415 = arith.constant 1 : i32
        %parallel_loop3A_416 = arith.index_cast %parallel_loop3A_415 : i32 to index
        %parallel_loop3A_417 = arith.index_cast %parallel_loop3A_397 : i32 to index
        %parallel_loop3A_418 = tpu.vector_load %arg5[%parallel_loop3A_416, %parallel_loop3A_417] {strides = array<i32>} : memref<32x1024xf32, #tpu.memory_space<vmem>>, vector<1x16xf32>,
        %parallel_loop3A_419 = vector.shape_cast %parallel_loop3A_418 : vector<1x16xf32> to vector<16xf32>
        %parallel_loop3A_420 = arith.constant 1 : i32
        %parallel_loop3A_421 = arith.index_cast %parallel_loop3A_420 : i32 to index
        %parallel_loop3A_422 = arith.index_cast %parallel_loop3A_397 : i32 to index
        %parallel_loop3A_423 = tpu.vector_load %arg7[%parallel_loop3A_421, %parallel_loop3A_422] {strides = array<i32>} : memref<8x1024xf32, #tpu.memory_space<vmem>>, vector<1x16xf32>,
        %parallel_loop3A_424 = vector.shape_cast %parallel_loop3A_423 : vector<1x16xf32> to vector<16xf32>
        %parallel_loop3A_425 = arith.addf %parallel_loop3A_419, %parallel_loop3A_424 : vector<16xf32>
        %parallel_loop3A_426 = arith.constant 1 : i32
        %parallel_loop3A_427 = arith.index_cast %parallel_loop3A_426 : i32 to index
        %parallel_loop3A_428 = arith.index_cast %parallel_loop3A_397 : i32 to index
        %parallel_loop3A_429 = tpu.vector_load %arg5[%parallel_loop3A_427, %parallel_loop3A_428] {strides = array<i32>} : memref<32x1024xf32, #tpu.memory_space<vmem>>, vector<1x16xf32>,
        %parallel_loop3A_430 = vector.shape_cast %parallel_loop3A_429 : vector<1x16xf32> to vector<16xf32>
        %parallel_loop3A_431 = vector.shape_cast %parallel_loop3A_425 : vector<16xf32> to vector<1x16xf32>
        tpu.vector_store %arg5[%parallel_loop3A_427, %parallel_loop3A_428], %parallel_loop3A_431 {strides = array<i32>} : memref<32x1024xf32, #tpu.memory_space<vmem>>, vector<1x16xf32>,
        %parallel_loop3A_432 = arith.constant 2 : i32
        %parallel_loop3A_433 = arith.index_cast %parallel_loop3A_432 : i32 to index
        %parallel_loop3A_434 = arith.index_cast %parallel_loop3A_397 : i32 to index
        %parallel_loop3A_435 = tpu.vector_load %arg5[%parallel_loop3A_433, %parallel_loop3A_434] {strides = array<i32>} : memref<32x1024xf32, #tpu.memory_space<vmem>>, vector<1x16xf32>,
        %parallel_loop3A_436 = vector.shape_cast %parallel_loop3A_435 : vector<1x16xf32> to vector<16xf32>
        %parallel_loop3A_437 = arith.constant 2 : i32
        %parallel_loop3A_438 = arith.index_cast %parallel_loop3A_437 : i32 to index
        %parallel_loop3A_439 = arith.index_cast %parallel_loop3A_397 : i32 to index
        %parallel_loop3A_440 = tpu.vector_load %arg7[%parallel_loop3A_438, %parallel_loop3A_439] {strides = array<i32>} : memref<8x1024xf32, #tpu.memory_space<vmem>>, vector<1x16xf32>,
        %parallel_loop3A_441 = vector.shape_cast %parallel_loop3A_440 : vector<1x16xf32> to vector<16xf32>
        %parallel_loop3A_442 = arith.addf %parallel_loop3A_436, %parallel_loop3A_441 : vector<16xf32>
        %parallel_loop3A_443 = arith.constant 2 : i32
        %parallel_loop3A_444 = arith.index_cast %parallel_loop3A_443 : i32 to index
        %parallel_loop3A_445 = arith.index_cast %parallel_loop3A_397 : i32 to index
        %parallel_loop3A_446 = tpu.vector_load %arg5[%parallel_loop3A_444, %parallel_loop3A_445] {strides = array<i32>} : memref<32x1024xf32, #tpu.memory_space<vmem>>, vector<1x16xf32>,
        %parallel_loop3A_447 = vector.shape_cast %parallel_loop3A_446 : vector<1x16xf32> to vector<16xf32>
        %parallel_loop3A_448 = vector.shape_cast %parallel_loop3A_442 : vector<16xf32> to vector<1x16xf32>
        tpu.vector_store %arg5[%parallel_loop3A_444, %parallel_loop3A_445], %parallel_loop3A_448 {strides = array<i32>} : memref<32x1024xf32, #tpu.memory_space<vmem>>, vector<1x16xf32>,
        %parallel_loop3A_449 = arith.constant 3 : i32
        %parallel_loop3A_450 = arith.index_cast %parallel_loop3A_449 : i32 to index
        %parallel_loop3A_451 = arith.index_cast %parallel_loop3A_397 : i32 to index
        %parallel_loop3A_452 = tpu.vector_load %arg5[%parallel_loop3A_450, %parallel_loop3A_451] {strides = array<i32>} : memref<32x1024xf32, #tpu.memory_space<vmem>>, vector<1x16xf32>,
        %parallel_loop3A_453 = vector.shape_cast %parallel_loop3A_452 : vector<1x16xf32> to vector<16xf32>
        %parallel_loop3A_454 = arith.constant 3 : i32
        %parallel_loop3A_455 = arith.index_cast %parallel_loop3A_454 : i32 to index
        %parallel_loop3A_456 = arith.index_cast %parallel_loop3A_397 : i32 to index
        %parallel_loop3A_457 = tpu.vector_load %arg7[%parallel_loop3A_455, %parallel_loop3A_456] {strides = array<i32>} : memref<8x1024xf32, #tpu.memory_space<vmem>>, vector<1x16xf32>,
        %parallel_loop3A_458 = vector.shape_cast %parallel_loop3A_457 : vector<1x16xf32> to vector<16xf32>
        %parallel_loop3A_459 = arith.addf %parallel_loop3A_453, %parallel_loop3A_458 : vector<16xf32>
        %parallel_loop3A_460 = arith.constant 3 : i32
        %parallel_loop3A_461 = arith.index_cast %parallel_loop3A_460 : i32 to index
        %parallel_loop3A_462 = arith.index_cast %parallel_loop3A_397 : i32 to index
        %parallel_loop3A_463 = tpu.vector_load %arg5[%parallel_loop3A_461, %parallel_loop3A_462] {strides = array<i32>} : memref<32x1024xf32, #tpu.memory_space<vmem>>, vector<1x16xf32>,
        %parallel_loop3A_464 = vector.shape_cast %parallel_loop3A_463 : vector<1x16xf32> to vector<16xf32>
        %parallel_loop3A_465 = vector.shape_cast %parallel_loop3A_459 : vector<16xf32> to vector<1x16xf32>
        tpu.vector_store %arg5[%parallel_loop3A_461, %parallel_loop3A_462], %parallel_loop3A_465 {strides = array<i32>} : memref<32x1024xf32, #tpu.memory_space<vmem>>, vector<1x16xf32>,
        %parallel_loop3A_466 = arith.constant 4 : i32
        %parallel_loop3A_467 = arith.index_cast %parallel_loop3A_466 : i32 to index
        %parallel_loop3A_468 = arith.index_cast %parallel_loop3A_397 : i32 to index
        %parallel_loop3A_469 = tpu.vector_load %arg5[%parallel_loop3A_467, %parallel_loop3A_468] {strides = array<i32>} : memref<32x1024xf32, #tpu.memory_space<vmem>>, vector<1x16xf32>,
        %parallel_loop3A_470 = vector.shape_cast %parallel_loop3A_469 : vector<1x16xf32> to vector<16xf32>
        %parallel_loop3A_471 = arith.constant 4 : i32
        %parallel_loop3A_472 = arith.index_cast %parallel_loop3A_471 : i32 to index
        %parallel_loop3A_473 = arith.index_cast %parallel_loop3A_397 : i32 to index
        %parallel_loop3A_474 = tpu.vector_load %arg7[%parallel_loop3A_472, %parallel_loop3A_473] {strides = array<i32>} : memref<8x1024xf32, #tpu.memory_space<vmem>>, vector<1x16xf32>,
        %parallel_loop3A_475 = vector.shape_cast %parallel_loop3A_474 : vector<1x16xf32> to vector<16xf32>
        %parallel_loop3A_476 = arith.addf %parallel_loop3A_470, %parallel_loop3A_475 : vector<16xf32>
        %parallel_loop3A_477 = arith.constant 4 : i32
        %parallel_loop3A_478 = arith.index_cast %parallel_loop3A_477 : i32 to index
        %parallel_loop3A_479 = arith.index_cast %parallel_loop3A_397 : i32 to index
        %parallel_loop3A_480 = tpu.vector_load %arg5[%parallel_loop3A_478, %parallel_loop3A_479] {strides = array<i32>} : memref<32x1024xf32, #tpu.memory_space<vmem>>, vector<1x16xf32>,
        %parallel_loop3A_481 = vector.shape_cast %parallel_loop3A_480 : vector<1x16xf32> to vector<16xf32>
        %parallel_loop3A_482 = vector.shape_cast %parallel_loop3A_476 : vector<16xf32> to vector<1x16xf32>
        tpu.vector_store %arg5[%parallel_loop3A_478, %parallel_loop3A_479], %parallel_loop3A_482 {strides = array<i32>} : memref<32x1024xf32, #tpu.memory_space<vmem>>, vector<1x16xf32>,
        %parallel_loop3A_483 = arith.constant 5 : i32
        %parallel_loop3A_484 = arith.index_cast %parallel_loop3A_483 : i32 to index
        %parallel_loop3A_485 = arith.index_cast %parallel_loop3A_397 : i32 to index
        %parallel_loop3A_486 = tpu.vector_load %arg5[%parallel_loop3A_484, %parallel_loop3A_485] {strides = array<i32>} : memref<32x1024xf32, #tpu.memory_space<vmem>>, vector<1x16xf32>,
        %parallel_loop3A_487 = vector.shape_cast %parallel_loop3A_486 : vector<1x16xf32> to vector<16xf32>
        %parallel_loop3A_488 = arith.constant 5 : i32
        %parallel_loop3A_489 = arith.index_cast %parallel_loop3A_488 : i32 to index
        %parallel_loop3A_490 = arith.index_cast %parallel_loop3A_397 : i32 to index
        %parallel_loop3A_491 = tpu.vector_load %arg7[%parallel_loop3A_489, %parallel_loop3A_490] {strides = array<i32>} : memref<8x1024xf32, #tpu.memory_space<vmem>>, vector<1x16xf32>,
        %parallel_loop3A_492 = vector.shape_cast %parallel_loop3A_491 : vector<1x16xf32> to vector<16xf32>
        %parallel_loop3A_493 = arith.addf %parallel_loop3A_487, %parallel_loop3A_492 : vector<16xf32>
        %parallel_loop3A_494 = arith.constant 5 : i32
        %parallel_loop3A_495 = arith.index_cast %parallel_loop3A_494 : i32 to index
        %parallel_loop3A_496 = arith.index_cast %parallel_loop3A_397 : i32 to index
        %parallel_loop3A_497 = tpu.vector_load %arg5[%parallel_loop3A_495, %parallel_loop3A_496] {strides = array<i32>} : memref<32x1024xf32, #tpu.memory_space<vmem>>, vector<1x16xf32>,
        %parallel_loop3A_498 = vector.shape_cast %parallel_loop3A_497 : vector<1x16xf32> to vector<16xf32>
        %parallel_loop3A_499 = vector.shape_cast %parallel_loop3A_493 : vector<16xf32> to vector<1x16xf32>
        tpu.vector_store %arg5[%parallel_loop3A_495, %parallel_loop3A_496], %parallel_loop3A_499 {strides = array<i32>} : memref<32x1024xf32, #tpu.memory_space<vmem>>, vector<1x16xf32>,
        %parallel_loop3A_500 = arith.constant 6 : i32
        %parallel_loop3A_501 = arith.index_cast %parallel_loop3A_500 : i32 to index
        %parallel_loop3A_502 = arith.index_cast %parallel_loop3A_397 : i32 to index
        %parallel_loop3A_503 = tpu.vector_load %arg5[%parallel_loop3A_501, %parallel_loop3A_502] {strides = array<i32>} : memref<32x1024xf32, #tpu.memory_space<vmem>>, vector<1x16xf32>,
        %parallel_loop3A_504 = vector.shape_cast %parallel_loop3A_503 : vector<1x16xf32> to vector<16xf32>
        %parallel_loop3A_505 = arith.constant 6 : i32
        %parallel_loop3A_506 = arith.index_cast %parallel_loop3A_505 : i32 to index
        %parallel_loop3A_507 = arith.index_cast %parallel_loop3A_397 : i32 to index
        %parallel_loop3A_508 = tpu.vector_load %arg7[%parallel_loop3A_506, %parallel_loop3A_507] {strides = array<i32>} : memref<8x1024xf32, #tpu.memory_space<vmem>>, vector<1x16xf32>,
        %parallel_loop3A_509 = vector.shape_cast %parallel_loop3A_508 : vector<1x16xf32> to vector<16xf32>
        %parallel_loop3A_510 = arith.addf %parallel_loop3A_504, %parallel_loop3A_509 : vector<16xf32>
        %parallel_loop3A_511 = arith.constant 6 : i32
        %parallel_loop3A_512 = arith.index_cast %parallel_loop3A_511 : i32 to index
        %parallel_loop3A_513 = arith.index_cast %parallel_loop3A_397 : i32 to index
        %parallel_loop3A_514 = tpu.vector_load %arg5[%parallel_loop3A_512, %parallel_loop3A_513] {strides = array<i32>} : memref<32x1024xf32, #tpu.memory_space<vmem>>, vector<1x16xf32>,
        %parallel_loop3A_515 = vector.shape_cast %parallel_loop3A_514 : vector<1x16xf32> to vector<16xf32>
        %parallel_loop3A_516 = vector.shape_cast %parallel_loop3A_510 : vector<16xf32> to vector<1x16xf32>
        tpu.vector_store %arg5[%parallel_loop3A_512, %parallel_loop3A_513], %parallel_loop3A_516 {strides = array<i32>} : memref<32x1024xf32, #tpu.memory_space<vmem>>, vector<1x16xf32>,
        %parallel_loop3A_517 = arith.constant 7 : i32
        %parallel_loop3A_518 = arith.index_cast %parallel_loop3A_517 : i32 to index
        %parallel_loop3A_519 = arith.index_cast %parallel_loop3A_397 : i32 to index
        %parallel_loop3A_520 = tpu.vector_load %arg5[%parallel_loop3A_518, %parallel_loop3A_519] {strides = array<i32>} : memref<32x1024xf32, #tpu.memory_space<vmem>>, vector<1x16xf32>,
        %parallel_loop3A_521 = vector.shape_cast %parallel_loop3A_520 : vector<1x16xf32> to vector<16xf32>
        %parallel_loop3A_522 = arith.constant 7 : i32
        %parallel_loop3A_523 = arith.index_cast %parallel_loop3A_522 : i32 to index
        %parallel_loop3A_524 = arith.index_cast %parallel_loop3A_397 : i32 to index
        %parallel_loop3A_525 = tpu.vector_load %arg7[%parallel_loop3A_523, %parallel_loop3A_524] {strides = array<i32>} : memref<8x1024xf32, #tpu.memory_space<vmem>>, vector<1x16xf32>,
        %parallel_loop3A_526 = vector.shape_cast %parallel_loop3A_525 : vector<1x16xf32> to vector<16xf32>
        %parallel_loop3A_527 = arith.addf %parallel_loop3A_521, %parallel_loop3A_526 : vector<16xf32>
        %parallel_loop3A_528 = arith.constant 7 : i32
        %parallel_loop3A_529 = arith.index_cast %parallel_loop3A_528 : i32 to index
        %parallel_loop3A_530 = arith.index_cast %parallel_loop3A_397 : i32 to index
        %parallel_loop3A_531 = tpu.vector_load %arg5[%parallel_loop3A_529, %parallel_loop3A_530] {strides = array<i32>} : memref<32x1024xf32, #tpu.memory_space<vmem>>, vector<1x16xf32>,
        %parallel_loop3A_532 = vector.shape_cast %parallel_loop3A_531 : vector<1x16xf32> to vector<16xf32>
        %parallel_loop3A_533 = vector.shape_cast %parallel_loop3A_527 : vector<16xf32> to vector<1x16xf32>
        tpu.vector_store %arg5[%parallel_loop3A_529, %parallel_loop3A_530], %parallel_loop3A_533 {strides = array<i32>} : memref<32x1024xf32, #tpu.memory_space<vmem>>, vector<1x16xf32>,
        %parallel_loop3A_534 = arith.constant 8 : i32
        %parallel_loop3A_535 = arith.index_cast %parallel_loop3A_534 : i32 to index
        %parallel_loop3A_536 = arith.index_cast %parallel_loop3A_397 : i32 to index
        %parallel_loop3A_537 = tpu.vector_load %arg5[%parallel_loop3A_535, %parallel_loop3A_536] {strides = array<i32>} : memref<32x1024xf32, #tpu.memory_space<vmem>>, vector<1x16xf32>,
        %parallel_loop3A_538 = vector.shape_cast %parallel_loop3A_537 : vector<1x16xf32> to vector<16xf32>
        %parallel_loop3A_539 = arith.constant 0 : i32
        %parallel_loop3A_540 = arith.index_cast %parallel_loop3A_539 : i32 to index
        %parallel_loop3A_541 = arith.index_cast %parallel_loop3A_397 : i32 to index
        %parallel_loop3A_542 = tpu.vector_load %arg7[%parallel_loop3A_540, %parallel_loop3A_541] {strides = array<i32>} : memref<8x1024xf32, #tpu.memory_space<vmem>>, vector<1x16xf32>,
        %parallel_loop3A_543 = vector.shape_cast %parallel_loop3A_542 : vector<1x16xf32> to vector<16xf32>
        %parallel_loop3A_544 = arith.addf %parallel_loop3A_538, %parallel_loop3A_543 : vector<16xf32>
        %parallel_loop3A_545 = arith.constant 8 : i32
        %parallel_loop3A_546 = arith.index_cast %parallel_loop3A_545 : i32 to index
        %parallel_loop3A_547 = arith.index_cast %parallel_loop3A_397 : i32 to index
        %parallel_loop3A_548 = tpu.vector_load %arg5[%parallel_loop3A_546, %parallel_loop3A_547] {strides = array<i32>} : memref<32x1024xf32, #tpu.memory_space<vmem>>, vector<1x16xf32>,
        %parallel_loop3A_549 = vector.shape_cast %parallel_loop3A_548 : vector<1x16xf32> to vector<16xf32>
        %parallel_loop3A_550 = vector.shape_cast %parallel_loop3A_544 : vector<16xf32> to vector<1x16xf32>
        tpu.vector_store %arg5[%parallel_loop3A_546, %parallel_loop3A_547], %parallel_loop3A_550 {strides = array<i32>} : memref<32x1024xf32, #tpu.memory_space<vmem>>, vector<1x16xf32>,
        %parallel_loop3A_551 = arith.constant 9 : i32
        %parallel_loop3A_552 = arith.index_cast %parallel_loop3A_551 : i32 to index
        %parallel_loop3A_553 = arith.index_cast %parallel_loop3A_397 : i32 to index
        %parallel_loop3A_554 = tpu.vector_load %arg5[%parallel_loop3A_552, %parallel_loop3A_553] {strides = array<i32>} : memref<32x1024xf32, #tpu.memory_space<vmem>>, vector<1x16xf32>,
        %parallel_loop3A_555 = vector.shape_cast %parallel_loop3A_554 : vector<1x16xf32> to vector<16xf32>
        %parallel_loop3A_556 = arith.constant 1 : i32
        %parallel_loop3A_557 = arith.index_cast %parallel_loop3A_556 : i32 to index
        %parallel_loop3A_558 = arith.index_cast %parallel_loop3A_397 : i32 to index
        %parallel_loop3A_559 = tpu.vector_load %arg7[%parallel_loop3A_557, %parallel_loop3A_558] {strides = array<i32>} : memref<8x1024xf32, #tpu.memory_space<vmem>>, vector<1x16xf32>,
        %parallel_loop3A_560 = vector.shape_cast %parallel_loop3A_559 : vector<1x16xf32> to vector<16xf32>
        %parallel_loop3A_561 = arith.addf %parallel_loop3A_555, %parallel_loop3A_560 : vector<16xf32>
        %parallel_loop3A_562 = arith.constant 9 : i32
        %parallel_loop3A_563 = arith.index_cast %parallel_loop3A_562 : i32 to index
        %parallel_loop3A_564 = arith.index_cast %parallel_loop3A_397 : i32 to index
        %parallel_loop3A_565 = tpu.vector_load %arg5[%parallel_loop3A_563, %parallel_loop3A_564] {strides = array<i32>} : memref<32x1024xf32, #tpu.memory_space<vmem>>, vector<1x16xf32>,
        %parallel_loop3A_566 = vector.shape_cast %parallel_loop3A_565 : vector<1x16xf32> to vector<16xf32>
        %parallel_loop3A_567 = vector.shape_cast %parallel_loop3A_561 : vector<16xf32> to vector<1x16xf32>
        tpu.vector_store %arg5[%parallel_loop3A_563, %parallel_loop3A_564], %parallel_loop3A_567 {strides = array<i32>} : memref<32x1024xf32, #tpu.memory_space<vmem>>, vector<1x16xf32>,
        %parallel_loop3A_568 = arith.constant 10 : i32
        %parallel_loop3A_569 = arith.index_cast %parallel_loop3A_568 : i32 to index
        %parallel_loop3A_570 = arith.index_cast %parallel_loop3A_397 : i32 to index
        %parallel_loop3A_571 = tpu.vector_load %arg5[%parallel_loop3A_569, %parallel_loop3A_570] {strides = array<i32>} : memref<32x1024xf32, #tpu.memory_space<vmem>>, vector<1x16xf32>,
        %parallel_loop3A_572 = vector.shape_cast %parallel_loop3A_571 : vector<1x16xf32> to vector<16xf32>
        %parallel_loop3A_573 = arith.constant 2 : i32
        %parallel_loop3A_574 = arith.index_cast %parallel_loop3A_573 : i32 to index
        %parallel_loop3A_575 = arith.index_cast %parallel_loop3A_397 : i32 to index
        %parallel_loop3A_576 = tpu.vector_load %arg7[%parallel_loop3A_574, %parallel_loop3A_575] {strides = array<i32>} : memref<8x1024xf32, #tpu.memory_space<vmem>>, vector<1x16xf32>,
        %parallel_loop3A_577 = vector.shape_cast %parallel_loop3A_576 : vector<1x16xf32> to vector<16xf32>
        %parallel_loop3A_578 = arith.addf %parallel_loop3A_572, %parallel_loop3A_577 : vector<16xf32>
        %parallel_loop3A_579 = arith.constant 10 : i32
        %parallel_loop3A_580 = arith.index_cast %parallel_loop3A_579 : i32 to index
        %parallel_loop3A_581 = arith.index_cast %parallel_loop3A_397 : i32 to index
        %parallel_loop3A_582 = tpu.vector_load %arg5[%parallel_loop3A_580, %parallel_loop3A_581] {strides = array<i32>} : memref<32x1024xf32, #tpu.memory_space<vmem>>, vector<1x16xf32>,
        %parallel_loop3A_583 = vector.shape_cast %parallel_loop3A_582 : vector<1x16xf32> to vector<16xf32>
        %parallel_loop3A_584 = vector.shape_cast %parallel_loop3A_578 : vector<16xf32> to vector<1x16xf32>
        tpu.vector_store %arg5[%parallel_loop3A_580, %parallel_loop3A_581], %parallel_loop3A_584 {strides = array<i32>} : memref<32x1024xf32, #tpu.memory_space<vmem>>, vector<1x16xf32>,
        %parallel_loop3A_585 = arith.constant 11 : i32
        %parallel_loop3A_586 = arith.index_cast %parallel_loop3A_585 : i32 to index
        %parallel_loop3A_587 = arith.index_cast %parallel_loop3A_397 : i32 to index
        %parallel_loop3A_588 = tpu.vector_load %arg5[%parallel_loop3A_586, %parallel_loop3A_587] {strides = array<i32>} : memref<32x1024xf32, #tpu.memory_space<vmem>>, vector<1x16xf32>,
        %parallel_loop3A_589 = vector.shape_cast %parallel_loop3A_588 : vector<1x16xf32> to vector<16xf32>
        %parallel_loop3A_590 = arith.constant 3 : i32
        %parallel_loop3A_591 = arith.index_cast %parallel_loop3A_590 : i32 to index
        %parallel_loop3A_592 = arith.index_cast %parallel_loop3A_397 : i32 to index
        %parallel_loop3A_593 = tpu.vector_load %arg7[%parallel_loop3A_591, %parallel_loop3A_592] {strides = array<i32>} : memref<8x1024xf32, #tpu.memory_space<vmem>>, vector<1x16xf32>,
        %parallel_loop3A_594 = vector.shape_cast %parallel_loop3A_593 : vector<1x16xf32> to vector<16xf32>
        %parallel_loop3A_595 = arith.addf %parallel_loop3A_589, %parallel_loop3A_594 : vector<16xf32>
        %parallel_loop3A_596 = arith.constant 11 : i32
        %parallel_loop3A_597 = arith.index_cast %parallel_loop3A_596 : i32 to index
        %parallel_loop3A_598 = arith.index_cast %parallel_loop3A_397 : i32 to index
        %parallel_loop3A_599 = tpu.vector_load %arg5[%parallel_loop3A_597, %parallel_loop3A_598] {strides = array<i32>} : memref<32x1024xf32, #tpu.memory_space<vmem>>, vector<1x16xf32>,
        %parallel_loop3A_600 = vector.shape_cast %parallel_loop3A_599 : vector<1x16xf32> to vector<16xf32>
        %parallel_loop3A_601 = vector.shape_cast %parallel_loop3A_595 : vector<16xf32> to vector<1x16xf32>
        tpu.vector_store %arg5[%parallel_loop3A_597, %parallel_loop3A_598], %parallel_loop3A_601 {strides = array<i32>} : memref<32x1024xf32, #tpu.memory_space<vmem>>, vector<1x16xf32>,
        %parallel_loop3A_602 = arith.constant 12 : i32
        %parallel_loop3A_603 = arith.index_cast %parallel_loop3A_602 : i32 to index
        %parallel_loop3A_604 = arith.index_cast %parallel_loop3A_397 : i32 to index
        %parallel_loop3A_605 = tpu.vector_load %arg5[%parallel_loop3A_603, %parallel_loop3A_604] {strides = array<i32>} : memref<32x1024xf32, #tpu.memory_space<vmem>>, vector<1x16xf32>,
        %parallel_loop3A_606 = vector.shape_cast %parallel_loop3A_605 : vector<1x16xf32> to vector<16xf32>
        %parallel_loop3A_607 = arith.constant 4 : i32
        %parallel_loop3A_608 = arith.index_cast %parallel_loop3A_607 : i32 to index
        %parallel_loop3A_609 = arith.index_cast %parallel_loop3A_397 : i32 to index
        %parallel_loop3A_610 = tpu.vector_load %arg7[%parallel_loop3A_608, %parallel_loop3A_609] {strides = array<i32>} : memref<8x1024xf32, #tpu.memory_space<vmem>>, vector<1x16xf32>,
        %parallel_loop3A_611 = vector.shape_cast %parallel_loop3A_610 : vector<1x16xf32> to vector<16xf32>
        %parallel_loop3A_612 = arith.addf %parallel_loop3A_606, %parallel_loop3A_611 : vector<16xf32>
        %parallel_loop3A_613 = arith.constant 12 : i32
        %parallel_loop3A_614 = arith.index_cast %parallel_loop3A_613 : i32 to index
        %parallel_loop3A_615 = arith.index_cast %parallel_loop3A_397 : i32 to index
        %parallel_loop3A_616 = tpu.vector_load %arg5[%parallel_loop3A_614, %parallel_loop3A_615] {strides = array<i32>} : memref<32x1024xf32, #tpu.memory_space<vmem>>, vector<1x16xf32>,
        %parallel_loop3A_617 = vector.shape_cast %parallel_loop3A_616 : vector<1x16xf32> to vector<16xf32>
        %parallel_loop3A_618 = vector.shape_cast %parallel_loop3A_612 : vector<16xf32> to vector<1x16xf32>
        tpu.vector_store %arg5[%parallel_loop3A_614, %parallel_loop3A_615], %parallel_loop3A_618 {strides = array<i32>} : memref<32x1024xf32, #tpu.memory_space<vmem>>, vector<1x16xf32>,
        %parallel_loop3A_619 = arith.constant 13 : i32
        %parallel_loop3A_620 = arith.index_cast %parallel_loop3A_619 : i32 to index
        %parallel_loop3A_621 = arith.index_cast %parallel_loop3A_397 : i32 to index
        %parallel_loop3A_622 = tpu.vector_load %arg5[%parallel_loop3A_620, %parallel_loop3A_621] {strides = array<i32>} : memref<32x1024xf32, #tpu.memory_space<vmem>>, vector<1x16xf32>,
        %parallel_loop3A_623 = vector.shape_cast %parallel_loop3A_622 : vector<1x16xf32> to vector<16xf32>
        %parallel_loop3A_624 = arith.constant 5 : i32
        %parallel_loop3A_625 = arith.index_cast %parallel_loop3A_624 : i32 to index
        %parallel_loop3A_626 = arith.index_cast %parallel_loop3A_397 : i32 to index
        %parallel_loop3A_627 = tpu.vector_load %arg7[%parallel_loop3A_625, %parallel_loop3A_626] {strides = array<i32>} : memref<8x1024xf32, #tpu.memory_space<vmem>>, vector<1x16xf32>,
        %parallel_loop3A_628 = vector.shape_cast %parallel_loop3A_627 : vector<1x16xf32> to vector<16xf32>
        %parallel_loop3A_629 = arith.addf %parallel_loop3A_623, %parallel_loop3A_628 : vector<16xf32>
        %parallel_loop3A_630 = arith.constant 13 : i32
        %parallel_loop3A_631 = arith.index_cast %parallel_loop3A_630 : i32 to index
        %parallel_loop3A_632 = arith.index_cast %parallel_loop3A_397 : i32 to index
        %parallel_loop3A_633 = tpu.vector_load %arg5[%parallel_loop3A_631, %parallel_loop3A_632] {strides = array<i32>} : memref<32x1024xf32, #tpu.memory_space<vmem>>, vector<1x16xf32>,
        %parallel_loop3A_634 = vector.shape_cast %parallel_loop3A_633 : vector<1x16xf32> to vector<16xf32>
        %parallel_loop3A_635 = vector.shape_cast %parallel_loop3A_629 : vector<16xf32> to vector<1x16xf32>
        tpu.vector_store %arg5[%parallel_loop3A_631, %parallel_loop3A_632], %parallel_loop3A_635 {strides = array<i32>} : memref<32x1024xf32, #tpu.memory_space<vmem>>, vector<1x16xf32>,
        %parallel_loop3A_636 = arith.constant 14 : i32
        %parallel_loop3A_637 = arith.index_cast %parallel_loop3A_636 : i32 to index
        %parallel_loop3A_638 = arith.index_cast %parallel_loop3A_397 : i32 to index
        %parallel_loop3A_639 = tpu.vector_load %arg5[%parallel_loop3A_637, %parallel_loop3A_638] {strides = array<i32>} : memref<32x1024xf32, #tpu.memory_space<vmem>>, vector<1x16xf32>,
        %parallel_loop3A_640 = vector.shape_cast %parallel_loop3A_639 : vector<1x16xf32> to vector<16xf32>
        %parallel_loop3A_641 = arith.constant 6 : i32
        %parallel_loop3A_642 = arith.index_cast %parallel_loop3A_641 : i32 to index
        %parallel_loop3A_643 = arith.index_cast %parallel_loop3A_397 : i32 to index
        %parallel_loop3A_644 = tpu.vector_load %arg7[%parallel_loop3A_642, %parallel_loop3A_643] {strides = array<i32>} : memref<8x1024xf32, #tpu.memory_space<vmem>>, vector<1x16xf32>,
        %parallel_loop3A_645 = vector.shape_cast %parallel_loop3A_644 : vector<1x16xf32> to vector<16xf32>
        %parallel_loop3A_646 = arith.addf %parallel_loop3A_640, %parallel_loop3A_645 : vector<16xf32>
        %parallel_loop3A_647 = arith.constant 14 : i32
        %parallel_loop3A_648 = arith.index_cast %parallel_loop3A_647 : i32 to index
        %parallel_loop3A_649 = arith.index_cast %parallel_loop3A_397 : i32 to index
        %parallel_loop3A_650 = tpu.vector_load %arg5[%parallel_loop3A_648, %parallel_loop3A_649] {strides = array<i32>} : memref<32x1024xf32, #tpu.memory_space<vmem>>, vector<1x16xf32>,
        %parallel_loop3A_651 = vector.shape_cast %parallel_loop3A_650 : vector<1x16xf32> to vector<16xf32>
        %parallel_loop3A_652 = vector.shape_cast %parallel_loop3A_646 : vector<16xf32> to vector<1x16xf32>
        tpu.vector_store %arg5[%parallel_loop3A_648, %parallel_loop3A_649], %parallel_loop3A_652 {strides = array<i32>} : memref<32x1024xf32, #tpu.memory_space<vmem>>, vector<1x16xf32>,
        %parallel_loop3A_653 = arith.constant 15 : i32
        %parallel_loop3A_654 = arith.index_cast %parallel_loop3A_653 : i32 to index
        %parallel_loop3A_655 = arith.index_cast %parallel_loop3A_397 : i32 to index
        %parallel_loop3A_656 = tpu.vector_load %arg5[%parallel_loop3A_654, %parallel_loop3A_655] {strides = array<i32>} : memref<32x1024xf32, #tpu.memory_space<vmem>>, vector<1x16xf32>,
        %parallel_loop3A_657 = vector.shape_cast %parallel_loop3A_656 : vector<1x16xf32> to vector<16xf32>
        %parallel_loop3A_658 = arith.constant 7 : i32
        %parallel_loop3A_659 = arith.index_cast %parallel_loop3A_658 : i32 to index
        %parallel_loop3A_660 = arith.index_cast %parallel_loop3A_397 : i32 to index
        %parallel_loop3A_661 = tpu.vector_load %arg7[%parallel_loop3A_659, %parallel_loop3A_660] {strides = array<i32>} : memref<8x1024xf32, #tpu.memory_space<vmem>>, vector<1x16xf32>,
        %parallel_loop3A_662 = vector.shape_cast %parallel_loop3A_661 : vector<1x16xf32> to vector<16xf32>
        %parallel_loop3A_663 = arith.addf %parallel_loop3A_657, %parallel_loop3A_662 : vector<16xf32>
        %parallel_loop3A_664 = arith.constant 15 : i32
        %parallel_loop3A_665 = arith.index_cast %parallel_loop3A_664 : i32 to index
        %parallel_loop3A_666 = arith.index_cast %parallel_loop3A_397 : i32 to index
        %parallel_loop3A_667 = tpu.vector_load %arg5[%parallel_loop3A_665, %parallel_loop3A_666] {strides = array<i32>} : memref<32x1024xf32, #tpu.memory_space<vmem>>, vector<1x16xf32>,
        %parallel_loop3A_668 = vector.shape_cast %parallel_loop3A_667 : vector<1x16xf32> to vector<16xf32>
        %parallel_loop3A_669 = vector.shape_cast %parallel_loop3A_663 : vector<16xf32> to vector<1x16xf32>
        tpu.vector_store %arg5[%parallel_loop3A_665, %parallel_loop3A_666], %parallel_loop3A_669 {strides = array<i32>} : memref<32x1024xf32, #tpu.memory_space<vmem>>, vector<1x16xf32>,
        %parallel_loop3A_670 = arith.constant 16 : i32
        %parallel_loop3A_671 = arith.index_cast %parallel_loop3A_670 : i32 to index
        %parallel_loop3A_672 = arith.index_cast %parallel_loop3A_397 : i32 to index
        %parallel_loop3A_673 = tpu.vector_load %arg5[%parallel_loop3A_671, %parallel_loop3A_672] {strides = array<i32>} : memref<32x1024xf32, #tpu.memory_space<vmem>>, vector<1x16xf32>,
        %parallel_loop3A_674 = vector.shape_cast %parallel_loop3A_673 : vector<1x16xf32> to vector<16xf32>
        %parallel_loop3A_675 = arith.constant 0 : i32
        %parallel_loop3A_676 = arith.index_cast %parallel_loop3A_675 : i32 to index
        %parallel_loop3A_677 = arith.index_cast %parallel_loop3A_397 : i32 to index
        %parallel_loop3A_678 = tpu.vector_load %arg7[%parallel_loop3A_676, %parallel_loop3A_677] {strides = array<i32>} : memref<8x1024xf32, #tpu.memory_space<vmem>>, vector<1x16xf32>,
        %parallel_loop3A_679 = vector.shape_cast %parallel_loop3A_678 : vector<1x16xf32> to vector<16xf32>
        %parallel_loop3A_680 = arith.addf %parallel_loop3A_674, %parallel_loop3A_679 : vector<16xf32>
        %parallel_loop3A_681 = arith.constant 16 : i32
        %parallel_loop3A_682 = arith.index_cast %parallel_loop3A_681 : i32 to index
        %parallel_loop3A_683 = arith.index_cast %parallel_loop3A_397 : i32 to index
        %parallel_loop3A_684 = tpu.vector_load %arg5[%parallel_loop3A_682, %parallel_loop3A_683] {strides = array<i32>} : memref<32x1024xf32, #tpu.memory_space<vmem>>, vector<1x16xf32>,
        %parallel_loop3A_685 = vector.shape_cast %parallel_loop3A_684 : vector<1x16xf32> to vector<16xf32>
        %parallel_loop3A_686 = vector.shape_cast %parallel_loop3A_680 : vector<16xf32> to vector<1x16xf32>
        tpu.vector_store %arg5[%parallel_loop3A_682, %parallel_loop3A_683], %parallel_loop3A_686 {strides = array<i32>} : memref<32x1024xf32, #tpu.memory_space<vmem>>, vector<1x16xf32>,
        %parallel_loop3A_687 = arith.constant 17 : i32
        %parallel_loop3A_688 = arith.index_cast %parallel_loop3A_687 : i32 to index
        %parallel_loop3A_689 = arith.index_cast %parallel_loop3A_397 : i32 to index
        %parallel_loop3A_690 = tpu.vector_load %arg5[%parallel_loop3A_688, %parallel_loop3A_689] {strides = array<i32>} : memref<32x1024xf32, #tpu.memory_space<vmem>>, vector<1x16xf32>,
        %parallel_loop3A_691 = vector.shape_cast %parallel_loop3A_690 : vector<1x16xf32> to vector<16xf32>
        %parallel_loop3A_692 = arith.constant 1 : i32
        %parallel_loop3A_693 = arith.index_cast %parallel_loop3A_692 : i32 to index
        %parallel_loop3A_694 = arith.index_cast %parallel_loop3A_397 : i32 to index
        %parallel_loop3A_695 = tpu.vector_load %arg7[%parallel_loop3A_693, %parallel_loop3A_694] {strides = array<i32>} : memref<8x1024xf32, #tpu.memory_space<vmem>>, vector<1x16xf32>,
        %parallel_loop3A_696 = vector.shape_cast %parallel_loop3A_695 : vector<1x16xf32> to vector<16xf32>
        %parallel_loop3A_697 = arith.addf %parallel_loop3A_691, %parallel_loop3A_696 : vector<16xf32>
        %parallel_loop3A_698 = arith.constant 17 : i32
        %parallel_loop3A_699 = arith.index_cast %parallel_loop3A_698 : i32 to index
        %parallel_loop3A_700 = arith.index_cast %parallel_loop3A_397 : i32 to index
        %parallel_loop3A_701 = tpu.vector_load %arg5[%parallel_loop3A_699, %parallel_loop3A_700] {strides = array<i32>} : memref<32x1024xf32, #tpu.memory_space<vmem>>, vector<1x16xf32>,
        %parallel_loop3A_702 = vector.shape_cast %parallel_loop3A_701 : vector<1x16xf32> to vector<16xf32>
        %parallel_loop3A_703 = vector.shape_cast %parallel_loop3A_697 : vector<16xf32> to vector<1x16xf32>
        tpu.vector_store %arg5[%parallel_loop3A_699, %parallel_loop3A_700], %parallel_loop3A_703 {strides = array<i32>} : memref<32x1024xf32, #tpu.memory_space<vmem>>, vector<1x16xf32>,
        %parallel_loop3A_704 = arith.constant 18 : i32
        %parallel_loop3A_705 = arith.index_cast %parallel_loop3A_704 : i32 to index
        %parallel_loop3A_706 = arith.index_cast %parallel_loop3A_397 : i32 to index
        %parallel_loop3A_707 = tpu.vector_load %arg5[%parallel_loop3A_705, %parallel_loop3A_706] {strides = array<i32>} : memref<32x1024xf32, #tpu.memory_space<vmem>>, vector<1x16xf32>,
        %parallel_loop3A_708 = vector.shape_cast %parallel_loop3A_707 : vector<1x16xf32> to vector<16xf32>
        %parallel_loop3A_709 = arith.constant 2 : i32
        %parallel_loop3A_710 = arith.index_cast %parallel_loop3A_709 : i32 to index
        %parallel_loop3A_711 = arith.index_cast %parallel_loop3A_397 : i32 to index
        %parallel_loop3A_712 = tpu.vector_load %arg7[%parallel_loop3A_710, %parallel_loop3A_711] {strides = array<i32>} : memref<8x1024xf32, #tpu.memory_space<vmem>>, vector<1x16xf32>,
        %parallel_loop3A_713 = vector.shape_cast %parallel_loop3A_712 : vector<1x16xf32> to vector<16xf32>
        %parallel_loop3A_714 = arith.addf %parallel_loop3A_708, %parallel_loop3A_713 : vector<16xf32>
        %parallel_loop3A_715 = arith.constant 18 : i32
        %parallel_loop3A_716 = arith.index_cast %parallel_loop3A_715 : i32 to index
        %parallel_loop3A_717 = arith.index_cast %parallel_loop3A_397 : i32 to index
        %parallel_loop3A_718 = tpu.vector_load %arg5[%parallel_loop3A_716, %parallel_loop3A_717] {strides = array<i32>} : memref<32x1024xf32, #tpu.memory_space<vmem>>, vector<1x16xf32>,
        %parallel_loop3A_719 = vector.shape_cast %parallel_loop3A_718 : vector<1x16xf32> to vector<16xf32>
        %parallel_loop3A_720 = vector.shape_cast %parallel_loop3A_714 : vector<16xf32> to vector<1x16xf32>
        tpu.vector_store %arg5[%parallel_loop3A_716, %parallel_loop3A_717], %parallel_loop3A_720 {strides = array<i32>} : memref<32x1024xf32, #tpu.memory_space<vmem>>, vector<1x16xf32>,
        %parallel_loop3A_721 = arith.constant 19 : i32
        %parallel_loop3A_722 = arith.index_cast %parallel_loop3A_721 : i32 to index
        %parallel_loop3A_723 = arith.index_cast %parallel_loop3A_397 : i32 to index
        %parallel_loop3A_724 = tpu.vector_load %arg5[%parallel_loop3A_722, %parallel_loop3A_723] {strides = array<i32>} : memref<32x1024xf32, #tpu.memory_space<vmem>>, vector<1x16xf32>,
        %parallel_loop3A_725 = vector.shape_cast %parallel_loop3A_724 : vector<1x16xf32> to vector<16xf32>
        %parallel_loop3A_726 = arith.constant 3 : i32
        %parallel_loop3A_727 = arith.index_cast %parallel_loop3A_726 : i32 to index
        %parallel_loop3A_728 = arith.index_cast %parallel_loop3A_397 : i32 to index
        %parallel_loop3A_729 = tpu.vector_load %arg7[%parallel_loop3A_727, %parallel_loop3A_728] {strides = array<i32>} : memref<8x1024xf32, #tpu.memory_space<vmem>>, vector<1x16xf32>,
        %parallel_loop3A_730 = vector.shape_cast %parallel_loop3A_729 : vector<1x16xf32> to vector<16xf32>
        %parallel_loop3A_731 = arith.addf %parallel_loop3A_725, %parallel_loop3A_730 : vector<16xf32>
        %parallel_loop3A_732 = arith.constant 19 : i32
        %parallel_loop3A_733 = arith.index_cast %parallel_loop3A_732 : i32 to index
        %parallel_loop3A_734 = arith.index_cast %parallel_loop3A_397 : i32 to index
        %parallel_loop3A_735 = tpu.vector_load %arg5[%parallel_loop3A_733, %parallel_loop3A_734] {strides = array<i32>} : memref<32x1024xf32, #tpu.memory_space<vmem>>, vector<1x16xf32>,
        %parallel_loop3A_736 = vector.shape_cast %parallel_loop3A_735 : vector<1x16xf32> to vector<16xf32>
        %parallel_loop3A_737 = vector.shape_cast %parallel_loop3A_731 : vector<16xf32> to vector<1x16xf32>
        tpu.vector_store %arg5[%parallel_loop3A_733, %parallel_loop3A_734], %parallel_loop3A_737 {strides = array<i32>} : memref<32x1024xf32, #tpu.memory_space<vmem>>, vector<1x16xf32>,
        %parallel_loop3A_738 = arith.constant 20 : i32
        %parallel_loop3A_739 = arith.index_cast %parallel_loop3A_738 : i32 to index
        %parallel_loop3A_740 = arith.index_cast %parallel_loop3A_397 : i32 to index
        %parallel_loop3A_741 = tpu.vector_load %arg5[%parallel_loop3A_739, %parallel_loop3A_740] {strides = array<i32>} : memref<32x1024xf32, #tpu.memory_space<vmem>>, vector<1x16xf32>,
        %parallel_loop3A_742 = vector.shape_cast %parallel_loop3A_741 : vector<1x16xf32> to vector<16xf32>
        %parallel_loop3A_743 = arith.constant 4 : i32
        %parallel_loop3A_744 = arith.index_cast %parallel_loop3A_743 : i32 to index
        %parallel_loop3A_745 = arith.index_cast %parallel_loop3A_397 : i32 to index
        %parallel_loop3A_746 = tpu.vector_load %arg7[%parallel_loop3A_744, %parallel_loop3A_745] {strides = array<i32>} : memref<8x1024xf32, #tpu.memory_space<vmem>>, vector<1x16xf32>,
        %parallel_loop3A_747 = vector.shape_cast %parallel_loop3A_746 : vector<1x16xf32> to vector<16xf32>
        %parallel_loop3A_748 = arith.addf %parallel_loop3A_742, %parallel_loop3A_747 : vector<16xf32>
        %parallel_loop3A_749 = arith.constant 20 : i32
        %parallel_loop3A_750 = arith.index_cast %parallel_loop3A_749 : i32 to index
        %parallel_loop3A_751 = arith.index_cast %parallel_loop3A_397 : i32 to index
        %parallel_loop3A_752 = tpu.vector_load %arg5[%parallel_loop3A_750, %parallel_loop3A_751] {strides = array<i32>} : memref<32x1024xf32, #tpu.memory_space<vmem>>, vector<1x16xf32>,
        %parallel_loop3A_753 = vector.shape_cast %parallel_loop3A_752 : vector<1x16xf32> to vector<16xf32>
        %parallel_loop3A_754 = vector.shape_cast %parallel_loop3A_748 : vector<16xf32> to vector<1x16xf32>
        tpu.vector_store %arg5[%parallel_loop3A_750, %parallel_loop3A_751], %parallel_loop3A_754 {strides = array<i32>} : memref<32x1024xf32, #tpu.memory_space<vmem>>, vector<1x16xf32>,
        %parallel_loop3A_755 = arith.constant 21 : i32
        %parallel_loop3A_756 = arith.index_cast %parallel_loop3A_755 : i32 to index
        %parallel_loop3A_757 = arith.index_cast %parallel_loop3A_397 : i32 to index
        %parallel_loop3A_758 = tpu.vector_load %arg5[%parallel_loop3A_756, %parallel_loop3A_757] {strides = array<i32>} : memref<32x1024xf32, #tpu.memory_space<vmem>>, vector<1x16xf32>,
        %parallel_loop3A_759 = vector.shape_cast %parallel_loop3A_758 : vector<1x16xf32> to vector<16xf32>
        %parallel_loop3A_760 = arith.constant 5 : i32
        %parallel_loop3A_761 = arith.index_cast %parallel_loop3A_760 : i32 to index
        %parallel_loop3A_762 = arith.index_cast %parallel_loop3A_397 : i32 to index
        %parallel_loop3A_763 = tpu.vector_load %arg7[%parallel_loop3A_761, %parallel_loop3A_762] {strides = array<i32>} : memref<8x1024xf32, #tpu.memory_space<vmem>>, vector<1x16xf32>,
        %parallel_loop3A_764 = vector.shape_cast %parallel_loop3A_763 : vector<1x16xf32> to vector<16xf32>
        %parallel_loop3A_765 = arith.addf %parallel_loop3A_759, %parallel_loop3A_764 : vector<16xf32>
        %parallel_loop3A_766 = arith.constant 21 : i32
        %parallel_loop3A_767 = arith.index_cast %parallel_loop3A_766 : i32 to index
        %parallel_loop3A_768 = arith.index_cast %parallel_loop3A_397 : i32 to index
        %parallel_loop3A_769 = tpu.vector_load %arg5[%parallel_loop3A_767, %parallel_loop3A_768] {strides = array<i32>} : memref<32x1024xf32, #tpu.memory_space<vmem>>, vector<1x16xf32>,
        %parallel_loop3A_770 = vector.shape_cast %parallel_loop3A_769 : vector<1x16xf32> to vector<16xf32>
        %parallel_loop3A_771 = vector.shape_cast %parallel_loop3A_765 : vector<16xf32> to vector<1x16xf32>
        tpu.vector_store %arg5[%parallel_loop3A_767, %parallel_loop3A_768], %parallel_loop3A_771 {strides = array<i32>} : memref<32x1024xf32, #tpu.memory_space<vmem>>, vector<1x16xf32>,
        %parallel_loop3A_772 = arith.constant 22 : i32
        %parallel_loop3A_773 = arith.index_cast %parallel_loop3A_772 : i32 to index
        %parallel_loop3A_774 = arith.index_cast %parallel_loop3A_397 : i32 to index
        %parallel_loop3A_775 = tpu.vector_load %arg5[%parallel_loop3A_773, %parallel_loop3A_774] {strides = array<i32>} : memref<32x1024xf32, #tpu.memory_space<vmem>>, vector<1x16xf32>,
        %parallel_loop3A_776 = vector.shape_cast %parallel_loop3A_775 : vector<1x16xf32> to vector<16xf32>
        %parallel_loop3A_777 = arith.constant 6 : i32
        %parallel_loop3A_778 = arith.index_cast %parallel_loop3A_777 : i32 to index
        %parallel_loop3A_779 = arith.index_cast %parallel_loop3A_397 : i32 to index
        %parallel_loop3A_780 = tpu.vector_load %arg7[%parallel_loop3A_778, %parallel_loop3A_779] {strides = array<i32>} : memref<8x1024xf32, #tpu.memory_space<vmem>>, vector<1x16xf32>,
        %parallel_loop3A_781 = vector.shape_cast %parallel_loop3A_780 : vector<1x16xf32> to vector<16xf32>
        %parallel_loop3A_782 = arith.addf %parallel_loop3A_776, %parallel_loop3A_781 : vector<16xf32>
        %parallel_loop3A_783 = arith.constant 22 : i32
        %parallel_loop3A_784 = arith.index_cast %parallel_loop3A_783 : i32 to index
        %parallel_loop3A_785 = arith.index_cast %parallel_loop3A_397 : i32 to index
        %parallel_loop3A_786 = tpu.vector_load %arg5[%parallel_loop3A_784, %parallel_loop3A_785] {strides = array<i32>} : memref<32x1024xf32, #tpu.memory_space<vmem>>, vector<1x16xf32>,
        %parallel_loop3A_787 = vector.shape_cast %parallel_loop3A_786 : vector<1x16xf32> to vector<16xf32>
        %parallel_loop3A_788 = vector.shape_cast %parallel_loop3A_782 : vector<16xf32> to vector<1x16xf32>
        tpu.vector_store %arg5[%parallel_loop3A_784, %parallel_loop3A_785], %parallel_loop3A_788 {strides = array<i32>} : memref<32x1024xf32, #tpu.memory_space<vmem>>, vector<1x16xf32>,
        %parallel_loop3A_789 = arith.constant 23 : i32
        %parallel_loop3A_790 = arith.index_cast %parallel_loop3A_789 : i32 to index
        %parallel_loop3A_791 = arith.index_cast %parallel_loop3A_397 : i32 to index
        %parallel_loop3A_792 = tpu.vector_load %arg5[%parallel_loop3A_790, %parallel_loop3A_791] {strides = array<i32>} : memref<32x1024xf32, #tpu.memory_space<vmem>>, vector<1x16xf32>,
        %parallel_loop3A_793 = vector.shape_cast %parallel_loop3A_792 : vector<1x16xf32> to vector<16xf32>
        %parallel_loop3A_794 = arith.constant 7 : i32
        %parallel_loop3A_795 = arith.index_cast %parallel_loop3A_794 : i32 to index
        %parallel_loop3A_796 = arith.index_cast %parallel_loop3A_397 : i32 to index
        %parallel_loop3A_797 = tpu.vector_load %arg7[%parallel_loop3A_795, %parallel_loop3A_796] {strides = array<i32>} : memref<8x1024xf32, #tpu.memory_space<vmem>>, vector<1x16xf32>,
        %parallel_loop3A_798 = vector.shape_cast %parallel_loop3A_797 : vector<1x16xf32> to vector<16xf32>
        %parallel_loop3A_799 = arith.addf %parallel_loop3A_793, %parallel_loop3A_798 : vector<16xf32>
        %parallel_loop3A_800 = arith.constant 23 : i32
        %parallel_loop3A_801 = arith.index_cast %parallel_loop3A_800 : i32 to index
        %parallel_loop3A_802 = arith.index_cast %parallel_loop3A_397 : i32 to index
        %parallel_loop3A_803 = tpu.vector_load %arg5[%parallel_loop3A_801, %parallel_loop3A_802] {strides = array<i32>} : memref<32x1024xf32, #tpu.memory_space<vmem>>, vector<1x16xf32>,
        %parallel_loop3A_804 = vector.shape_cast %parallel_loop3A_803 : vector<1x16xf32> to vector<16xf32>
        %parallel_loop3A_805 = vector.shape_cast %parallel_loop3A_799 : vector<16xf32> to vector<1x16xf32>
        tpu.vector_store %arg5[%parallel_loop3A_801, %parallel_loop3A_802], %parallel_loop3A_805 {strides = array<i32>} : memref<32x1024xf32, #tpu.memory_space<vmem>>, vector<1x16xf32>,
        %parallel_loop3A_806 = arith.constant 24 : i32
        %parallel_loop3A_807 = arith.index_cast %parallel_loop3A_806 : i32 to index
        %parallel_loop3A_808 = arith.index_cast %parallel_loop3A_397 : i32 to index
        %parallel_loop3A_809 = tpu.vector_load %arg5[%parallel_loop3A_807, %parallel_loop3A_808] {strides = array<i32>} : memref<32x1024xf32, #tpu.memory_space<vmem>>, vector<1x16xf32>,
        %parallel_loop3A_810 = vector.shape_cast %parallel_loop3A_809 : vector<1x16xf32> to vector<16xf32>
        %parallel_loop3A_811 = arith.constant 0 : i32
        %parallel_loop3A_812 = arith.index_cast %parallel_loop3A_811 : i32 to index
        %parallel_loop3A_813 = arith.index_cast %parallel_loop3A_397 : i32 to index
        %parallel_loop3A_814 = tpu.vector_load %arg7[%parallel_loop3A_812, %parallel_loop3A_813] {strides = array<i32>} : memref<8x1024xf32, #tpu.memory_space<vmem>>, vector<1x16xf32>,
        %parallel_loop3A_815 = vector.shape_cast %parallel_loop3A_814 : vector<1x16xf32> to vector<16xf32>
        %parallel_loop3A_816 = arith.addf %parallel_loop3A_810, %parallel_loop3A_815 : vector<16xf32>
        %parallel_loop3A_817 = arith.constant 24 : i32
        %parallel_loop3A_818 = arith.index_cast %parallel_loop3A_817 : i32 to index
        %parallel_loop3A_819 = arith.index_cast %parallel_loop3A_397 : i32 to index
        %parallel_loop3A_820 = tpu.vector_load %arg5[%parallel_loop3A_818, %parallel_loop3A_819] {strides = array<i32>} : memref<32x1024xf32, #tpu.memory_space<vmem>>, vector<1x16xf32>,
        %parallel_loop3A_821 = vector.shape_cast %parallel_loop3A_820 : vector<1x16xf32> to vector<16xf32>
        %parallel_loop3A_822 = vector.shape_cast %parallel_loop3A_816 : vector<16xf32> to vector<1x16xf32>
        tpu.vector_store %arg5[%parallel_loop3A_818, %parallel_loop3A_819], %parallel_loop3A_822 {strides = array<i32>} : memref<32x1024xf32, #tpu.memory_space<vmem>>, vector<1x16xf32>,
        %parallel_loop3A_823 = arith.constant 25 : i32
        %parallel_loop3A_824 = arith.index_cast %parallel_loop3A_823 : i32 to index
        %parallel_loop3A_825 = arith.index_cast %parallel_loop3A_397 : i32 to index
        %parallel_loop3A_826 = tpu.vector_load %arg5[%parallel_loop3A_824, %parallel_loop3A_825] {strides = array<i32>} : memref<32x1024xf32, #tpu.memory_space<vmem>>, vector<1x16xf32>,
        %parallel_loop3A_827 = vector.shape_cast %parallel_loop3A_826 : vector<1x16xf32> to vector<16xf32>
        %parallel_loop3A_828 = arith.constant 1 : i32
        %parallel_loop3A_829 = arith.index_cast %parallel_loop3A_828 : i32 to index
        %parallel_loop3A_830 = arith.index_cast %parallel_loop3A_397 : i32 to index
        %parallel_loop3A_831 = tpu.vector_load %arg7[%parallel_loop3A_829, %parallel_loop3A_830] {strides = array<i32>} : memref<8x1024xf32, #tpu.memory_space<vmem>>, vector<1x16xf32>,
        %parallel_loop3A_832 = vector.shape_cast %parallel_loop3A_831 : vector<1x16xf32> to vector<16xf32>
        %parallel_loop3A_833 = arith.addf %parallel_loop3A_827, %parallel_loop3A_832 : vector<16xf32>
        %parallel_loop3A_834 = arith.constant 25 : i32
        %parallel_loop3A_835 = arith.index_cast %parallel_loop3A_834 : i32 to index
        %parallel_loop3A_836 = arith.index_cast %parallel_loop3A_397 : i32 to index
        %parallel_loop3A_837 = tpu.vector_load %arg5[%parallel_loop3A_835, %parallel_loop3A_836] {strides = array<i32>} : memref<32x1024xf32, #tpu.memory_space<vmem>>, vector<1x16xf32>,
        %parallel_loop3A_838 = vector.shape_cast %parallel_loop3A_837 : vector<1x16xf32> to vector<16xf32>
        %parallel_loop3A_839 = vector.shape_cast %parallel_loop3A_833 : vector<16xf32> to vector<1x16xf32>
        tpu.vector_store %arg5[%parallel_loop3A_835, %parallel_loop3A_836], %parallel_loop3A_839 {strides = array<i32>} : memref<32x1024xf32, #tpu.memory_space<vmem>>, vector<1x16xf32>,
        %parallel_loop3A_840 = arith.constant 26 : i32
        %parallel_loop3A_841 = arith.index_cast %parallel_loop3A_840 : i32 to index
        %parallel_loop3A_842 = arith.index_cast %parallel_loop3A_397 : i32 to index
        %parallel_loop3A_843 = tpu.vector_load %arg5[%parallel_loop3A_841, %parallel_loop3A_842] {strides = array<i32>} : memref<32x1024xf32, #tpu.memory_space<vmem>>, vector<1x16xf32>,
        %parallel_loop3A_844 = vector.shape_cast %parallel_loop3A_843 : vector<1x16xf32> to vector<16xf32>
        %parallel_loop3A_845 = arith.constant 2 : i32
        %parallel_loop3A_846 = arith.index_cast %parallel_loop3A_845 : i32 to index
        %parallel_loop3A_847 = arith.index_cast %parallel_loop3A_397 : i32 to index
        %parallel_loop3A_848 = tpu.vector_load %arg7[%parallel_loop3A_846, %parallel_loop3A_847] {strides = array<i32>} : memref<8x1024xf32, #tpu.memory_space<vmem>>, vector<1x16xf32>,
        %parallel_loop3A_849 = vector.shape_cast %parallel_loop3A_848 : vector<1x16xf32> to vector<16xf32>
        %parallel_loop3A_850 = arith.addf %parallel_loop3A_844, %parallel_loop3A_849 : vector<16xf32>
        %parallel_loop3A_851 = arith.constant 26 : i32
        %parallel_loop3A_852 = arith.index_cast %parallel_loop3A_851 : i32 to index
        %parallel_loop3A_853 = arith.index_cast %parallel_loop3A_397 : i32 to index
        %parallel_loop3A_854 = tpu.vector_load %arg5[%parallel_loop3A_852, %parallel_loop3A_853] {strides = array<i32>} : memref<32x1024xf32, #tpu.memory_space<vmem>>, vector<1x16xf32>,
        %parallel_loop3A_855 = vector.shape_cast %parallel_loop3A_854 : vector<1x16xf32> to vector<16xf32>
        %parallel_loop3A_856 = vector.shape_cast %parallel_loop3A_850 : vector<16xf32> to vector<1x16xf32>
        tpu.vector_store %arg5[%parallel_loop3A_852, %parallel_loop3A_853], %parallel_loop3A_856 {strides = array<i32>} : memref<32x1024xf32, #tpu.memory_space<vmem>>, vector<1x16xf32>,
        %parallel_loop3A_857 = arith.constant 27 : i32
        %parallel_loop3A_858 = arith.index_cast %parallel_loop3A_857 : i32 to index
        %parallel_loop3A_859 = arith.index_cast %parallel_loop3A_397 : i32 to index
        %parallel_loop3A_860 = tpu.vector_load %arg5[%parallel_loop3A_858, %parallel_loop3A_859] {strides = array<i32>} : memref<32x1024xf32, #tpu.memory_space<vmem>>, vector<1x16xf32>,
        %parallel_loop3A_861 = vector.shape_cast %parallel_loop3A_860 : vector<1x16xf32> to vector<16xf32>
        %parallel_loop3A_862 = arith.constant 3 : i32
        %parallel_loop3A_863 = arith.index_cast %parallel_loop3A_862 : i32 to index
        %parallel_loop3A_864 = arith.index_cast %parallel_loop3A_397 : i32 to index
        %parallel_loop3A_865 = tpu.vector_load %arg7[%parallel_loop3A_863, %parallel_loop3A_864] {strides = array<i32>} : memref<8x1024xf32, #tpu.memory_space<vmem>>, vector<1x16xf32>,
        %parallel_loop3A_866 = vector.shape_cast %parallel_loop3A_865 : vector<1x16xf32> to vector<16xf32>
        %parallel_loop3A_867 = arith.addf %parallel_loop3A_861, %parallel_loop3A_866 : vector<16xf32>
        %parallel_loop3A_868 = arith.constant 27 : i32
        %parallel_loop3A_869 = arith.index_cast %parallel_loop3A_868 : i32 to index
        %parallel_loop3A_870 = arith.index_cast %parallel_loop3A_397 : i32 to index
        %parallel_loop3A_871 = tpu.vector_load %arg5[%parallel_loop3A_869, %parallel_loop3A_870] {strides = array<i32>} : memref<32x1024xf32, #tpu.memory_space<vmem>>, vector<1x16xf32>,
        %parallel_loop3A_872 = vector.shape_cast %parallel_loop3A_871 : vector<1x16xf32> to vector<16xf32>
        %parallel_loop3A_873 = vector.shape_cast %parallel_loop3A_867 : vector<16xf32> to vector<1x16xf32>
        tpu.vector_store %arg5[%parallel_loop3A_869, %parallel_loop3A_870], %parallel_loop3A_873 {strides = array<i32>} : memref<32x1024xf32, #tpu.memory_space<vmem>>, vector<1x16xf32>,
        %parallel_loop3A_874 = arith.constant 28 : i32
        %parallel_loop3A_875 = arith.index_cast %parallel_loop3A_874 : i32 to index
        %parallel_loop3A_876 = arith.index_cast %parallel_loop3A_397 : i32 to index
        %parallel_loop3A_877 = tpu.vector_load %arg5[%parallel_loop3A_875, %parallel_loop3A_876] {strides = array<i32>} : memref<32x1024xf32, #tpu.memory_space<vmem>>, vector<1x16xf32>,
        %parallel_loop3A_878 = vector.shape_cast %parallel_loop3A_877 : vector<1x16xf32> to vector<16xf32>
        %parallel_loop3A_879 = arith.constant 4 : i32
        %parallel_loop3A_880 = arith.index_cast %parallel_loop3A_879 : i32 to index
        %parallel_loop3A_881 = arith.index_cast %parallel_loop3A_397 : i32 to index
        %parallel_loop3A_882 = tpu.vector_load %arg7[%parallel_loop3A_880, %parallel_loop3A_881] {strides = array<i32>} : memref<8x1024xf32, #tpu.memory_space<vmem>>, vector<1x16xf32>,
        %parallel_loop3A_883 = vector.shape_cast %parallel_loop3A_882 : vector<1x16xf32> to vector<16xf32>
        %parallel_loop3A_884 = arith.addf %parallel_loop3A_878, %parallel_loop3A_883 : vector<16xf32>
        %parallel_loop3A_885 = arith.constant 28 : i32
        %parallel_loop3A_886 = arith.index_cast %parallel_loop3A_885 : i32 to index
        %parallel_loop3A_887 = arith.index_cast %parallel_loop3A_397 : i32 to index
        %parallel_loop3A_888 = tpu.vector_load %arg5[%parallel_loop3A_886, %parallel_loop3A_887] {strides = array<i32>} : memref<32x1024xf32, #tpu.memory_space<vmem>>, vector<1x16xf32>,
        %parallel_loop3A_889 = vector.shape_cast %parallel_loop3A_888 : vector<1x16xf32> to vector<16xf32>
        %parallel_loop3A_890 = vector.shape_cast %parallel_loop3A_884 : vector<16xf32> to vector<1x16xf32>
        tpu.vector_store %arg5[%parallel_loop3A_886, %parallel_loop3A_887], %parallel_loop3A_890 {strides = array<i32>} : memref<32x1024xf32, #tpu.memory_space<vmem>>, vector<1x16xf32>,
        %parallel_loop3A_891 = arith.constant 29 : i32
        %parallel_loop3A_892 = arith.index_cast %parallel_loop3A_891 : i32 to index
        %parallel_loop3A_893 = arith.index_cast %parallel_loop3A_397 : i32 to index
        %parallel_loop3A_894 = tpu.vector_load %arg5[%parallel_loop3A_892, %parallel_loop3A_893] {strides = array<i32>} : memref<32x1024xf32, #tpu.memory_space<vmem>>, vector<1x16xf32>,
        %parallel_loop3A_895 = vector.shape_cast %parallel_loop3A_894 : vector<1x16xf32> to vector<16xf32>
        %parallel_loop3A_896 = arith.constant 5 : i32
        %parallel_loop3A_897 = arith.index_cast %parallel_loop3A_896 : i32 to index
        %parallel_loop3A_898 = arith.index_cast %parallel_loop3A_397 : i32 to index
        %parallel_loop3A_899 = tpu.vector_load %arg7[%parallel_loop3A_897, %parallel_loop3A_898] {strides = array<i32>} : memref<8x1024xf32, #tpu.memory_space<vmem>>, vector<1x16xf32>,
        %parallel_loop3A_900 = vector.shape_cast %parallel_loop3A_899 : vector<1x16xf32> to vector<16xf32>
        %parallel_loop3A_901 = arith.addf %parallel_loop3A_895, %parallel_loop3A_900 : vector<16xf32>
        %parallel_loop3A_902 = arith.constant 29 : i32
        %parallel_loop3A_903 = arith.index_cast %parallel_loop3A_902 : i32 to index
        %parallel_loop3A_904 = arith.index_cast %parallel_loop3A_397 : i32 to index
        %parallel_loop3A_905 = tpu.vector_load %arg5[%parallel_loop3A_903, %parallel_loop3A_904] {strides = array<i32>} : memref<32x1024xf32, #tpu.memory_space<vmem>>, vector<1x16xf32>,
        %parallel_loop3A_906 = vector.shape_cast %parallel_loop3A_905 : vector<1x16xf32> to vector<16xf32>
        %parallel_loop3A_907 = vector.shape_cast %parallel_loop3A_901 : vector<16xf32> to vector<1x16xf32>
        tpu.vector_store %arg5[%parallel_loop3A_903, %parallel_loop3A_904], %parallel_loop3A_907 {strides = array<i32>} : memref<32x1024xf32, #tpu.memory_space<vmem>>, vector<1x16xf32>,
        %parallel_loop3A_908 = arith.constant 30 : i32
        %parallel_loop3A_909 = arith.index_cast %parallel_loop3A_908 : i32 to index
        %parallel_loop3A_910 = arith.index_cast %parallel_loop3A_397 : i32 to index
        %parallel_loop3A_911 = tpu.vector_load %arg5[%parallel_loop3A_909, %parallel_loop3A_910] {strides = array<i32>} : memref<32x1024xf32, #tpu.memory_space<vmem>>, vector<1x16xf32>,
        %parallel_loop3A_912 = vector.shape_cast %parallel_loop3A_911 : vector<1x16xf32> to vector<16xf32>
        %parallel_loop3A_913 = arith.constant 6 : i32
        %parallel_loop3A_914 = arith.index_cast %parallel_loop3A_913 : i32 to index
        %parallel_loop3A_915 = arith.index_cast %parallel_loop3A_397 : i32 to index
        %parallel_loop3A_916 = tpu.vector_load %arg7[%parallel_loop3A_914, %parallel_loop3A_915] {strides = array<i32>} : memref<8x1024xf32, #tpu.memory_space<vmem>>, vector<1x16xf32>,
        %parallel_loop3A_917 = vector.shape_cast %parallel_loop3A_916 : vector<1x16xf32> to vector<16xf32>
        %parallel_loop3A_918 = arith.addf %parallel_loop3A_912, %parallel_loop3A_917 : vector<16xf32>
        %parallel_loop3A_919 = arith.constant 30 : i32
        %parallel_loop3A_920 = arith.index_cast %parallel_loop3A_919 : i32 to index
        %parallel_loop3A_921 = arith.index_cast %parallel_loop3A_397 : i32 to index
        %parallel_loop3A_922 = tpu.vector_load %arg5[%parallel_loop3A_920, %parallel_loop3A_921] {strides = array<i32>} : memref<32x1024xf32, #tpu.memory_space<vmem>>, vector<1x16xf32>,
        %parallel_loop3A_923 = vector.shape_cast %parallel_loop3A_922 : vector<1x16xf32> to vector<16xf32>
        %parallel_loop3A_924 = vector.shape_cast %parallel_loop3A_918 : vector<16xf32> to vector<1x16xf32>
        tpu.vector_store %arg5[%parallel_loop3A_920, %parallel_loop3A_921], %parallel_loop3A_924 {strides = array<i32>} : memref<32x1024xf32, #tpu.memory_space<vmem>>, vector<1x16xf32>,
        %parallel_loop3A_925 = arith.constant 31 : i32
        %parallel_loop3A_926 = arith.index_cast %parallel_loop3A_925 : i32 to index
        %parallel_loop3A_927 = arith.index_cast %parallel_loop3A_397 : i32 to index
        %parallel_loop3A_928 = tpu.vector_load %arg5[%parallel_loop3A_926, %parallel_loop3A_927] {strides = array<i32>} : memref<32x1024xf32, #tpu.memory_space<vmem>>, vector<1x16xf32>,
        %parallel_loop3A_929 = vector.shape_cast %parallel_loop3A_928 : vector<1x16xf32> to vector<16xf32>
        %parallel_loop3A_930 = arith.constant 7 : i32
        %parallel_loop3A_931 = arith.index_cast %parallel_loop3A_930 : i32 to index
        %parallel_loop3A_932 = arith.index_cast %parallel_loop3A_397 : i32 to index
        %parallel_loop3A_933 = tpu.vector_load %arg7[%parallel_loop3A_931, %parallel_loop3A_932] {strides = array<i32>} : memref<8x1024xf32, #tpu.memory_space<vmem>>, vector<1x16xf32>,
        %parallel_loop3A_934 = vector.shape_cast %parallel_loop3A_933 : vector<1x16xf32> to vector<16xf32>
        %parallel_loop3A_935 = arith.addf %parallel_loop3A_929, %parallel_loop3A_934 : vector<16xf32>
        %parallel_loop3A_936 = arith.constant 31 : i32
        %parallel_loop3A_937 = arith.index_cast %parallel_loop3A_936 : i32 to index
        %parallel_loop3A_938 = arith.index_cast %parallel_loop3A_397 : i32 to index
        %parallel_loop3A_939 = tpu.vector_load %arg5[%parallel_loop3A_937, %parallel_loop3A_938] {strides = array<i32>} : memref<32x1024xf32, #tpu.memory_space<vmem>>, vector<1x16xf32>,
        %parallel_loop3A_940 = vector.shape_cast %parallel_loop3A_939 : vector<1x16xf32> to vector<16xf32>
        %parallel_loop3A_941 = vector.shape_cast %parallel_loop3A_935 : vector<16xf32> to vector<1x16xf32>
        tpu.vector_store %arg5[%parallel_loop3A_937, %parallel_loop3A_938], %parallel_loop3A_941 {strides = array<i32>} : memref<32x1024xf32, #tpu.memory_space<vmem>>, vector<1x16xf32>,
      } {sc.loop_unroll_factor = 4 : i64, sc.parallel_access}
      %mul3A_226 = arith.constant 8 : i32
      %mul3A_227 = arith.muli %add3A_164, %mul3A_226 : i32
      %add3A_228 = arith.addi %mul3A_2, %mul3A_227 : i32
      %add3A_229 = arith.constant 0 : i32
      %add3A_230 = arith.addi %add3A_229, %add3A_228 : i32
      %dma_start3A_231 = arith.constant 0 : i32
      %dma_start3A_232 = arith.constant 0 : i32
      %dma_start3A_233 = tpu.memref_slice %arg5[%dma_start3A_231, %dma_start3A_232] : memref<32x1024xf32, #tpu.memory_space<vmem>> -> memref<8x1024xf32, #tpu.memory_space<vmem>>
      %dma_start3A_234 = arith.constant 0 : i32
      %dma_start3A_235 = tpu.memref_slice %arg4[%add3A_230, %dma_start3A_234] : memref<32768x1024xf32, #tpu.memory_space<hbm>> -> memref<8x1024xf32, #tpu.memory_space<hbm>>
      %dma_start3A_236 = arith.constant 0 : i32
      %dma_start3A_237 = tpu.memref_slice %arg4[%add3A_230, %dma_start3A_236] : memref<32768x1024xf32, #tpu.memory_space<hbm>> -> memref<8x1024xf32, #tpu.memory_space<hbm>>
      %dma_start3A_238 = arith.constant 0 : i32
      %dma_start3A_239 = arith.constant 0 : i32
      %dma_start3A_240 = tpu.memref_slice %arg5[%dma_start3A_238, %dma_start3A_239] : memref<32x1024xf32, #tpu.memory_space<vmem>> -> memref<8x1024xf32, #tpu.memory_space<vmem>>
      tpu.enqueue_dma source(%dma_start3A_240 : memref<8x1024xf32, #tpu.memory_space<vmem>>) target(%dma_start3A_237 : memref<8x1024xf32, #tpu.memory_space<hbm>>) target_semaphore(%arg11 : memref<!tpu.dma_semaphore, #tpu.memory_space<semaphore_mem>>)
      %add3A_241 = arith.constant 8192 : i32
      %add3A_242 = arith.addi %add3A_241, %add3A_228 : i32
      %dma_start3A_243 = arith.constant 8 : i32
      %dma_start3A_244 = arith.constant 0 : i32
      %dma_start3A_245 = tpu.memref_slice %arg5[%dma_start3A_243, %dma_start3A_244] : memref<32x1024xf32, #tpu.memory_space<vmem>> -> memref<8x1024xf32, #tpu.memory_space<vmem>>
      %dma_start3A_246 = arith.constant 0 : i32
      %dma_start3A_247 = tpu.memref_slice %arg4[%add3A_242, %dma_start3A_246] : memref<32768x1024xf32, #tpu.memory_space<hbm>> -> memref<8x1024xf32, #tpu.memory_space<hbm>>
      %dma_start3A_248 = arith.constant 0 : i32
      %dma_start3A_249 = tpu.memref_slice %arg4[%add3A_242, %dma_start3A_248] : memref<32768x1024xf32, #tpu.memory_space<hbm>> -> memref<8x1024xf32, #tpu.memory_space<hbm>>
      %dma_start3A_250 = arith.constant 8 : i32
      %dma_start3A_251 = arith.constant 0 : i32
      %dma_start3A_252 = tpu.memref_slice %arg5[%dma_start3A_250, %dma_start3A_251] : memref<32x1024xf32, #tpu.memory_space<vmem>> -> memref<8x1024xf32, #tpu.memory_space<vmem>>
      tpu.enqueue_dma source(%dma_start3A_252 : memref<8x1024xf32, #tpu.memory_space<vmem>>) target(%dma_start3A_249 : memref<8x1024xf32, #tpu.memory_space<hbm>>) target_semaphore(%arg11 : memref<!tpu.dma_semaphore, #tpu.memory_space<semaphore_mem>>)
      %add3A_253 = arith.constant 16384 : i32
      %add3A_254 = arith.addi %add3A_253, %add3A_228 : i32
      %dma_start3A_255 = arith.constant 16 : i32
      %dma_start3A_256 = arith.constant 0 : i32
      %dma_start3A_257 = tpu.memref_slice %arg5[%dma_start3A_255, %dma_start3A_256] : memref<32x1024xf32, #tpu.memory_space<vmem>> -> memref<8x1024xf32, #tpu.memory_space<vmem>>
      %dma_start3A_258 = arith.constant 0 : i32
      %dma_start3A_259 = tpu.memref_slice %arg4[%add3A_254, %dma_start3A_258] : memref<32768x1024xf32, #tpu.memory_space<hbm>> -> memref<8x1024xf32, #tpu.memory_space<hbm>>
      %dma_start3A_260 = arith.constant 0 : i32
      %dma_start3A_261 = tpu.memref_slice %arg4[%add3A_254, %dma_start3A_260] : memref<32768x1024xf32, #tpu.memory_space<hbm>> -> memref<8x1024xf32, #tpu.memory_space<hbm>>
      %dma_start3A_262 = arith.constant 16 : i32
      %dma_start3A_263 = arith.constant 0 : i32
      %dma_start3A_264 = tpu.memref_slice %arg5[%dma_start3A_262, %dma_start3A_263] : memref<32x1024xf32, #tpu.memory_space<vmem>> -> memref<8x1024xf32, #tpu.memory_space<vmem>>
      tpu.enqueue_dma source(%dma_start3A_264 : memref<8x1024xf32, #tpu.memory_space<vmem>>) target(%dma_start3A_261 : memref<8x1024xf32, #tpu.memory_space<hbm>>) target_semaphore(%arg11 : memref<!tpu.dma_semaphore, #tpu.memory_space<semaphore_mem>>)
      %add3A_265 = arith.constant 24576 : i32
      %add3A_266 = arith.addi %add3A_265, %add3A_228 : i32
      %dma_start3A_267 = arith.constant 24 : i32
      %dma_start3A_268 = arith.constant 0 : i32
      %dma_start3A_269 = tpu.memref_slice %arg5[%dma_start3A_267, %dma_start3A_268] : memref<32x1024xf32, #tpu.memory_space<vmem>> -> memref<8x1024xf32, #tpu.memory_space<vmem>>
      %dma_start3A_270 = arith.constant 0 : i32
      %dma_start3A_271 = tpu.memref_slice %arg4[%add3A_266, %dma_start3A_270] : memref<32768x1024xf32, #tpu.memory_space<hbm>> -> memref<8x1024xf32, #tpu.memory_space<hbm>>
      %dma_start3A_272 = arith.constant 0 : i32
      %dma_start3A_273 = tpu.memref_slice %arg4[%add3A_266, %dma_start3A_272] : memref<32768x1024xf32, #tpu.memory_space<hbm>> -> memref<8x1024xf32, #tpu.memory_space<hbm>>
      %dma_start3A_274 = arith.constant 24 : i32
      %dma_start3A_275 = arith.constant 0 : i32
      %dma_start3A_276 = tpu.memref_slice %arg5[%dma_start3A_274, %dma_start3A_275] : memref<32x1024xf32, #tpu.memory_space<vmem>> -> memref<8x1024xf32, #tpu.memory_space<vmem>>
      tpu.enqueue_dma source(%dma_start3A_276 : memref<8x1024xf32, #tpu.memory_space<vmem>>) target(%dma_start3A_273 : memref<8x1024xf32, #tpu.memory_space<hbm>>) target_semaphore(%arg11 : memref<!tpu.dma_semaphore, #tpu.memory_space<semaphore_mem>>)
      %mul3A_277 = arith.constant 2 : i32
      %mul3A_278 = arith.muli %scan3A_160, %mul3A_277 : i32
      %add3A_279 = arith.constant 1 : i32
      %add3A_280 = arith.addi %mul3A_278, %add3A_279 : i32
      %add3A_281 = arith.constant 1 : i32
      %add3A_282 = arith.addi %add3A_280, %add3A_281 : i32
      %lt3A_283 = arith.constant 32 : i32
      %lt3A_284 = arith.cmpi slt, %add3A_282, %lt3A_283 : i32
      %convert_element_type3A_285 = arith.extui %lt3A_284 : i1 to i32
      %cond3A_286 = arith.constant 0 : i32
      %cond3A_287 = arith.cmpi ne, %convert_element_type3A_285, %cond3A_286 : i32
      scf.if %cond3A_287 {
        %ge3A = arith.constant 1 : i32
        %ge3A_397 = arith.cmpi sge, %add3A_280, %ge3A : i32
        %convert_element_type3A_398 = arith.extui %ge3A_397 : i1 to i32
        %cond3A_399 = arith.constant 0 : i32
        %cond3A_400 = arith.cmpi ne, %convert_element_type3A_398, %cond3A_399 : i32
        scf.if %cond3A_400 {
          %sub3A = arith.constant 1 : i32
          %sub3A_458 = arith.subi %add3A_280, %sub3A : i32
          %mul3A_459 = arith.constant 8 : i32
          %mul3A_460 = arith.muli %sub3A_458, %mul3A_459 : i32
          %add3A_461 = arith.addi %mul3A_2, %mul3A_460 : i32
          %add3A_462 = arith.constant 0 : i32
          %add3A_463 = arith.addi %add3A_462, %add3A_461 : i32
          %dma_wait3A_464 = arith.constant 0 : i32
          %dma_wait3A_465 = arith.constant 0 : i32
          %dma_wait3A_466 = tpu.memref_slice %arg5[%dma_wait3A_464, %dma_wait3A_465] : memref<32x1024xf32, #tpu.memory_space<vmem>> -> memref<8x1024xf32, #tpu.memory_space<vmem>>
          %dma_wait3A_467 = arith.constant 0 : i32
          %dma_wait3A_468 = tpu.memref_slice %arg4[%add3A_463, %dma_wait3A_467] : memref<32768x1024xf32, #tpu.memory_space<hbm>> -> memref<8x1024xf32, #tpu.memory_space<hbm>>
          %dma_wait3A_469 = arith.constant 0 : i32
          %dma_wait3A_470 = tpu.memref_slice %arg4[%add3A_463, %dma_wait3A_469] : memref<32768x1024xf32, #tpu.memory_space<hbm>> -> memref<8x1024xf32, #tpu.memory_space<hbm>>
          %dma_wait3A_471 = arith.constant 0 : i32
          %dma_wait3A_472 = arith.constant 0 : i32
          %dma_wait3A_473 = tpu.memref_slice %arg5[%dma_wait3A_471, %dma_wait3A_472] : memref<32x1024xf32, #tpu.memory_space<vmem>> -> memref<8x1024xf32, #tpu.memory_space<vmem>>
          tpu.wait_dma2 semaphore(%arg11 : memref<!tpu.dma_semaphore, #tpu.memory_space<semaphore_mem>>) src(%dma_wait3A_473 : memref<8x1024xf32, #tpu.memory_space<vmem>>) dst(%dma_wait3A_470 : memref<8x1024xf32, #tpu.memory_space<hbm>>)
          %add3A_474 = arith.constant 8192 : i32
          %add3A_475 = arith.addi %add3A_474, %add3A_461 : i32
          %dma_wait3A_476 = arith.constant 8 : i32
          %dma_wait3A_477 = arith.constant 0 : i32
          %dma_wait3A_478 = tpu.memref_slice %arg5[%dma_wait3A_476, %dma_wait3A_477] : memref<32x1024xf32, #tpu.memory_space<vmem>> -> memref<8x1024xf32, #tpu.memory_space<vmem>>
          %dma_wait3A_479 = arith.constant 0 : i32
          %dma_wait3A_480 = tpu.memref_slice %arg4[%add3A_475, %dma_wait3A_479] : memref<32768x1024xf32, #tpu.memory_space<hbm>> -> memref<8x1024xf32, #tpu.memory_space<hbm>>
          %dma_wait3A_481 = arith.constant 0 : i32
          %dma_wait3A_482 = tpu.memref_slice %arg4[%add3A_475, %dma_wait3A_481] : memref<32768x1024xf32, #tpu.memory_space<hbm>> -> memref<8x1024xf32, #tpu.memory_space<hbm>>
          %dma_wait3A_483 = arith.constant 8 : i32
          %dma_wait3A_484 = arith.constant 0 : i32
          %dma_wait3A_485 = tpu.memref_slice %arg5[%dma_wait3A_483, %dma_wait3A_484] : memref<32x1024xf32, #tpu.memory_space<vmem>> -> memref<8x1024xf32, #tpu.memory_space<vmem>>
          tpu.wait_dma2 semaphore(%arg11 : memref<!tpu.dma_semaphore, #tpu.memory_space<semaphore_mem>>) src(%dma_wait3A_485 : memref<8x1024xf32, #tpu.memory_space<vmem>>) dst(%dma_wait3A_482 : memref<8x1024xf32, #tpu.memory_space<hbm>>)
          %add3A_486 = arith.constant 16384 : i32
          %add3A_487 = arith.addi %add3A_486, %add3A_461 : i32
          %dma_wait3A_488 = arith.constant 16 : i32
          %dma_wait3A_489 = arith.constant 0 : i32
          %dma_wait3A_490 = tpu.memref_slice %arg5[%dma_wait3A_488, %dma_wait3A_489] : memref<32x1024xf32, #tpu.memory_space<vmem>> -> memref<8x1024xf32, #tpu.memory_space<vmem>>
          %dma_wait3A_491 = arith.constant 0 : i32
          %dma_wait3A_492 = tpu.memref_slice %arg4[%add3A_487, %dma_wait3A_491] : memref<32768x1024xf32, #tpu.memory_space<hbm>> -> memref<8x1024xf32, #tpu.memory_space<hbm>>
          %dma_wait3A_493 = arith.constant 0 : i32
          %dma_wait3A_494 = tpu.memref_slice %arg4[%add3A_487, %dma_wait3A_493] : memref<32768x1024xf32, #tpu.memory_space<hbm>> -> memref<8x1024xf32, #tpu.memory_space<hbm>>
          %dma_wait3A_495 = arith.constant 16 : i32
          %dma_wait3A_496 = arith.constant 0 : i32
          %dma_wait3A_497 = tpu.memref_slice %arg5[%dma_wait3A_495, %dma_wait3A_496] : memref<32x1024xf32, #tpu.memory_space<vmem>> -> memref<8x1024xf32, #tpu.memory_space<vmem>>
          tpu.wait_dma2 semaphore(%arg11 : memref<!tpu.dma_semaphore, #tpu.memory_space<semaphore_mem>>) src(%dma_wait3A_497 : memref<8x1024xf32, #tpu.memory_space<vmem>>) dst(%dma_wait3A_494 : memref<8x1024xf32, #tpu.memory_space<hbm>>)
          %add3A_498 = arith.constant 24576 : i32
          %add3A_499 = arith.addi %add3A_498, %add3A_461 : i32
          %dma_wait3A_500 = arith.constant 24 : i32
          %dma_wait3A_501 = arith.constant 0 : i32
          %dma_wait3A_502 = tpu.memref_slice %arg5[%dma_wait3A_500, %dma_wait3A_501] : memref<32x1024xf32, #tpu.memory_space<vmem>> -> memref<8x1024xf32, #tpu.memory_space<vmem>>
          %dma_wait3A_503 = arith.constant 0 : i32
          %dma_wait3A_504 = tpu.memref_slice %arg4[%add3A_499, %dma_wait3A_503] : memref<32768x1024xf32, #tpu.memory_space<hbm>> -> memref<8x1024xf32, #tpu.memory_space<hbm>>
          %dma_wait3A_505 = arith.constant 0 : i32
          %dma_wait3A_506 = tpu.memref_slice %arg4[%add3A_499, %dma_wait3A_505] : memref<32768x1024xf32, #tpu.memory_space<hbm>> -> memref<8x1024xf32, #tpu.memory_space<hbm>>
          %dma_wait3A_507 = arith.constant 24 : i32
          %dma_wait3A_508 = arith.constant 0 : i32
          %dma_wait3A_509 = tpu.memref_slice %arg5[%dma_wait3A_507, %dma_wait3A_508] : memref<32x1024xf32, #tpu.memory_space<vmem>> -> memref<8x1024xf32, #tpu.memory_space<vmem>>
          tpu.wait_dma2 semaphore(%arg11 : memref<!tpu.dma_semaphore, #tpu.memory_space<semaphore_mem>>) src(%dma_wait3A_509 : memref<8x1024xf32, #tpu.memory_space<vmem>>) dst(%dma_wait3A_506 : memref<8x1024xf32, #tpu.memory_space<hbm>>)
        } else {
        }
        %add3A_401 = arith.constant 1 : i32
        %add3A_402 = arith.addi %add3A_280, %add3A_401 : i32
        %mul3A_403 = arith.constant 8 : i32
        %mul3A_404 = arith.muli %add3A_402, %mul3A_403 : i32
        %add3A_405 = arith.addi %mul3A_2, %mul3A_404 : i32
        %dma_start3A_406 = arith.constant 0 : i32
        %dma_start3A_407 = tpu.memref_slice %arg3[%add3A_405, %dma_start3A_406] : memref<8192x1024xf32, #tpu.memory_space<hbm>> -> memref<8x1024xf32, #tpu.memory_space<hbm>>
        %dma_start3A_408 = arith.constant 0 : i32
        %dma_start3A_409 = tpu.memref_slice %arg3[%add3A_405, %dma_start3A_408] : memref<8192x1024xf32, #tpu.memory_space<hbm>> -> memref<8x1024xf32, #tpu.memory_space<hbm>>
        tpu.enqueue_dma source(%dma_start3A_409 : memref<8x1024xf32, #tpu.memory_space<hbm>>) target(%arg7 : memref<8x1024xf32, #tpu.memory_space<vmem>>) target_semaphore(%arg9 : memref<!tpu.dma_semaphore, #tpu.memory_space<semaphore_mem>>)
        %add3A_410 = arith.constant 0 : i32
        %add3A_411 = arith.addi %add3A_410, %add3A_405 : i32
        %dma_start3A_412 = arith.constant 0 : i32
        %dma_start3A_413 = arith.constant 0 : i32
        %dma_start3A_414 = tpu.memref_slice %arg5[%dma_start3A_412, %dma_start3A_413] : memref<32x1024xf32, #tpu.memory_space<vmem>> -> memref<8x1024xf32, #tpu.memory_space<vmem>>
        %dma_start3A_415 = arith.constant 0 : i32
        %dma_start3A_416 = tpu.memref_slice %arg2[%add3A_411, %dma_start3A_415] : memref<32768x1024xf32, #tpu.memory_space<hbm>> -> memref<8x1024xf32, #tpu.memory_space<hbm>>
        %dma_start3A_417 = arith.constant 0 : i32
        %dma_start3A_418 = arith.constant 0 : i32
        %dma_start3A_419 = tpu.memref_slice %arg5[%dma_start3A_417, %dma_start3A_418] : memref<32x1024xf32, #tpu.memory_space<vmem>> -> memref<8x1024xf32, #tpu.memory_space<vmem>>
        %dma_start3A_420 = arith.constant 0 : i32
        %dma_start3A_421 = tpu.memref_slice %arg2[%add3A_411, %dma_start3A_420] : memref<32768x1024xf32, #tpu.memory_space<hbm>> -> memref<8x1024xf32, #tpu.memory_space<hbm>>
        tpu.enqueue_dma source(%dma_start3A_421 : memref<8x1024xf32, #tpu.memory_space<hbm>>) target(%dma_start3A_419 : memref<8x1024xf32, #tpu.memory_space<vmem>>) target_semaphore(%arg9 : memref<!tpu.dma_semaphore, #tpu.memory_space<semaphore_mem>>)
        %add3A_422 = arith.constant 8192 : i32
        %add3A_423 = arith.addi %add3A_422, %add3A_405 : i32
        %dma_start3A_424 = arith.constant 8 : i32
        %dma_start3A_425 = arith.constant 0 : i32
        %dma_start3A_426 = tpu.memref_slice %arg5[%dma_start3A_424, %dma_start3A_425] : memref<32x1024xf32, #tpu.memory_space<vmem>> -> memref<8x1024xf32, #tpu.memory_space<vmem>>
        %dma_start3A_427 = arith.constant 0 : i32
        %dma_start3A_428 = tpu.memref_slice %arg2[%add3A_423, %dma_start3A_427] : memref<32768x1024xf32, #tpu.memory_space<hbm>> -> memref<8x1024xf32, #tpu.memory_space<hbm>>
        %dma_start3A_429 = arith.constant 8 : i32
        %dma_start3A_430 = arith.constant 0 : i32
        %dma_start3A_431 = tpu.memref_slice %arg5[%dma_start3A_429, %dma_start3A_430] : memref<32x1024xf32, #tpu.memory_space<vmem>> -> memref<8x1024xf32, #tpu.memory_space<vmem>>
        %dma_start3A_432 = arith.constant 0 : i32
        %dma_start3A_433 = tpu.memref_slice %arg2[%add3A_423, %dma_start3A_432] : memref<32768x1024xf32, #tpu.memory_space<hbm>> -> memref<8x1024xf32, #tpu.memory_space<hbm>>
        tpu.enqueue_dma source(%dma_start3A_433 : memref<8x1024xf32, #tpu.memory_space<hbm>>) target(%dma_start3A_431 : memref<8x1024xf32, #tpu.memory_space<vmem>>) target_semaphore(%arg9 : memref<!tpu.dma_semaphore, #tpu.memory_space<semaphore_mem>>)
        %add3A_434 = arith.constant 16384 : i32
        %add3A_435 = arith.addi %add3A_434, %add3A_405 : i32
        %dma_start3A_436 = arith.constant 16 : i32
        %dma_start3A_437 = arith.constant 0 : i32
        %dma_start3A_438 = tpu.memref_slice %arg5[%dma_start3A_436, %dma_start3A_437] : memref<32x1024xf32, #tpu.memory_space<vmem>> -> memref<8x1024xf32, #tpu.memory_space<vmem>>
        %dma_start3A_439 = arith.constant 0 : i32
        %dma_start3A_440 = tpu.memref_slice %arg2[%add3A_435, %dma_start3A_439] : memref<32768x1024xf32, #tpu.memory_space<hbm>> -> memref<8x1024xf32, #tpu.memory_space<hbm>>
        %dma_start3A_441 = arith.constant 16 : i32
        %dma_start3A_442 = arith.constant 0 : i32
        %dma_start3A_443 = tpu.memref_slice %arg5[%dma_start3A_441, %dma_start3A_442] : memref<32x1024xf32, #tpu.memory_space<vmem>> -> memref<8x1024xf32, #tpu.memory_space<vmem>>
        %dma_start3A_444 = arith.constant 0 : i32
        %dma_start3A_445 = tpu.memref_slice %arg2[%add3A_435, %dma_start3A_444] : memref<32768x1024xf32, #tpu.memory_space<hbm>> -> memref<8x1024xf32, #tpu.memory_space<hbm>>
        tpu.enqueue_dma source(%dma_start3A_445 : memref<8x1024xf32, #tpu.memory_space<hbm>>) target(%dma_start3A_443 : memref<8x1024xf32, #tpu.memory_space<vmem>>) target_semaphore(%arg9 : memref<!tpu.dma_semaphore, #tpu.memory_space<semaphore_mem>>)
        %add3A_446 = arith.constant 24576 : i32
        %add3A_447 = arith.addi %add3A_446, %add3A_405 : i32
        %dma_start3A_448 = arith.constant 24 : i32
        %dma_start3A_449 = arith.constant 0 : i32
        %dma_start3A_450 = tpu.memref_slice %arg5[%dma_start3A_448, %dma_start3A_449] : memref<32x1024xf32, #tpu.memory_space<vmem>> -> memref<8x1024xf32, #tpu.memory_space<vmem>>
        %dma_start3A_451 = arith.constant 0 : i32
        %dma_start3A_452 = tpu.memref_slice %arg2[%add3A_447, %dma_start3A_451] : memref<32768x1024xf32, #tpu.memory_space<hbm>> -> memref<8x1024xf32, #tpu.memory_space<hbm>>
        %dma_start3A_453 = arith.constant 24 : i32
        %dma_start3A_454 = arith.constant 0 : i32
        %dma_start3A_455 = tpu.memref_slice %arg5[%dma_start3A_453, %dma_start3A_454] : memref<32x1024xf32, #tpu.memory_space<vmem>> -> memref<8x1024xf32, #tpu.memory_space<vmem>>
        %dma_start3A_456 = arith.constant 0 : i32
        %dma_start3A_457 = tpu.memref_slice %arg2[%add3A_447, %dma_start3A_456] : memref<32768x1024xf32, #tpu.memory_space<hbm>> -> memref<8x1024xf32, #tpu.memory_space<hbm>>
        tpu.enqueue_dma source(%dma_start3A_457 : memref<8x1024xf32, #tpu.memory_space<hbm>>) target(%dma_start3A_455 : memref<8x1024xf32, #tpu.memory_space<vmem>>) target_semaphore(%arg9 : memref<!tpu.dma_semaphore, #tpu.memory_space<semaphore_mem>>)
      } else {
      }
      %mul3A_288 = arith.constant 8 : i32
      %mul3A_289 = arith.muli %add3A_280, %mul3A_288 : i32
      %add3A_290 = arith.addi %mul3A_2, %mul3A_289 : i32
      %dma_wait3A_291 = arith.constant 0 : i32
      %dma_wait3A_292 = tpu.memref_slice %arg3[%add3A_290, %dma_wait3A_291] : memref<8192x1024xf32, #tpu.memory_space<hbm>> -> memref<8x1024xf32, #tpu.memory_space<hbm>>
      %dma_wait3A_293 = arith.constant 0 : i32
      %dma_wait3A_294 = tpu.memref_slice %arg3[%add3A_290, %dma_wait3A_293] : memref<8192x1024xf32, #tpu.memory_space<hbm>> -> memref<8x1024xf32, #tpu.memory_space<hbm>>
      tpu.wait_dma2 semaphore(%arg10 : memref<!tpu.dma_semaphore, #tpu.memory_space<semaphore_mem>>) src(%dma_wait3A_294 : memref<8x1024xf32, #tpu.memory_space<hbm>>) dst(%arg8 : memref<8x1024xf32, #tpu.memory_space<vmem>>)
      %add3A_295 = arith.constant 0 : i32
      %add3A_296 = arith.addi %add3A_295, %add3A_290 : i32
      %dma_wait3A_297 = arith.constant 0 : i32
      %dma_wait3A_298 = arith.constant 0 : i32
      %dma_wait3A_299 = tpu.memref_slice %arg6[%dma_wait3A_297, %dma_wait3A_298] : memref<32x1024xf32, #tpu.memory_space<vmem>> -> memref<8x1024xf32, #tpu.memory_space<vmem>>
      %dma_wait3A_300 = arith.constant 0 : i32
      %dma_wait3A_301 = tpu.memref_slice %arg2[%add3A_296, %dma_wait3A_300] : memref<32768x1024xf32, #tpu.memory_space<hbm>> -> memref<8x1024xf32, #tpu.memory_space<hbm>>
      %dma_wait3A_302 = arith.constant 0 : i32
      %dma_wait3A_303 = arith.constant 0 : i32
      %dma_wait3A_304 = tpu.memref_slice %arg6[%dma_wait3A_302, %dma_wait3A_303] : memref<32x1024xf32, #tpu.memory_space<vmem>> -> memref<8x1024xf32, #tpu.memory_space<vmem>>
      %dma_wait3A_305 = arith.constant 0 : i32
      %dma_wait3A_306 = tpu.memref_slice %arg2[%add3A_296, %dma_wait3A_305] : memref<32768x1024xf32, #tpu.memory_space<hbm>> -> memref<8x1024xf32, #tpu.memory_space<hbm>>
      tpu.wait_dma2 semaphore(%arg10 : memref<!tpu.dma_semaphore, #tpu.memory_space<semaphore_mem>>) src(%dma_wait3A_306 : memref<8x1024xf32, #tpu.memory_space<hbm>>) dst(%dma_wait3A_304 : memref<8x1024xf32, #tpu.memory_space<vmem>>)
      %add3A_307 = arith.constant 8192 : i32
      %add3A_308 = arith.addi %add3A_307, %add3A_290 : i32
      %dma_wait3A_309 = arith.constant 8 : i32
      %dma_wait3A_310 = arith.constant 0 : i32
      %dma_wait3A_311 = tpu.memref_slice %arg6[%dma_wait3A_309, %dma_wait3A_310] : memref<32x1024xf32, #tpu.memory_space<vmem>> -> memref<8x1024xf32, #tpu.memory_space<vmem>>
      %dma_wait3A_312 = arith.constant 0 : i32
      %dma_wait3A_313 = tpu.memref_slice %arg2[%add3A_308, %dma_wait3A_312] : memref<32768x1024xf32, #tpu.memory_space<hbm>> -> memref<8x1024xf32, #tpu.memory_space<hbm>>
      %dma_wait3A_314 = arith.constant 8 : i32
      %dma_wait3A_315 = arith.constant 0 : i32
      %dma_wait3A_316 = tpu.memref_slice %arg6[%dma_wait3A_314, %dma_wait3A_315] : memref<32x1024xf32, #tpu.memory_space<vmem>> -> memref<8x1024xf32, #tpu.memory_space<vmem>>
      %dma_wait3A_317 = arith.constant 0 : i32
      %dma_wait3A_318 = tpu.memref_slice %arg2[%add3A_308, %dma_wait3A_317] : memref<32768x1024xf32, #tpu.memory_space<hbm>> -> memref<8x1024xf32, #tpu.memory_space<hbm>>
      tpu.wait_dma2 semaphore(%arg10 : memref<!tpu.dma_semaphore, #tpu.memory_space<semaphore_mem>>) src(%dma_wait3A_318 : memref<8x1024xf32, #tpu.memory_space<hbm>>) dst(%dma_wait3A_316 : memref<8x1024xf32, #tpu.memory_space<vmem>>)
      %add3A_319 = arith.constant 16384 : i32
      %add3A_320 = arith.addi %add3A_319, %add3A_290 : i32
      %dma_wait3A_321 = arith.constant 16 : i32
      %dma_wait3A_322 = arith.constant 0 : i32
      %dma_wait3A_323 = tpu.memref_slice %arg6[%dma_wait3A_321, %dma_wait3A_322] : memref<32x1024xf32, #tpu.memory_space<vmem>> -> memref<8x1024xf32, #tpu.memory_space<vmem>>
      %dma_wait3A_324 = arith.constant 0 : i32
      %dma_wait3A_325 = tpu.memref_slice %arg2[%add3A_320, %dma_wait3A_324] : memref<32768x1024xf32, #tpu.memory_space<hbm>> -> memref<8x1024xf32, #tpu.memory_space<hbm>>
      %dma_wait3A_326 = arith.constant 16 : i32
      %dma_wait3A_327 = arith.constant 0 : i32
      %dma_wait3A_328 = tpu.memref_slice %arg6[%dma_wait3A_326, %dma_wait3A_327] : memref<32x1024xf32, #tpu.memory_space<vmem>> -> memref<8x1024xf32, #tpu.memory_space<vmem>>
      %dma_wait3A_329 = arith.constant 0 : i32
      %dma_wait3A_330 = tpu.memref_slice %arg2[%add3A_320, %dma_wait3A_329] : memref<32768x1024xf32, #tpu.memory_space<hbm>> -> memref<8x1024xf32, #tpu.memory_space<hbm>>
      tpu.wait_dma2 semaphore(%arg10 : memref<!tpu.dma_semaphore, #tpu.memory_space<semaphore_mem>>) src(%dma_wait3A_330 : memref<8x1024xf32, #tpu.memory_space<hbm>>) dst(%dma_wait3A_328 : memref<8x1024xf32, #tpu.memory_space<vmem>>)
      %add3A_331 = arith.constant 24576 : i32
      %add3A_332 = arith.addi %add3A_331, %add3A_290 : i32
      %dma_wait3A_333 = arith.constant 24 : i32
      %dma_wait3A_334 = arith.constant 0 : i32
      %dma_wait3A_335 = tpu.memref_slice %arg6[%dma_wait3A_333, %dma_wait3A_334] : memref<32x1024xf32, #tpu.memory_space<vmem>> -> memref<8x1024xf32, #tpu.memory_space<vmem>>
      %dma_wait3A_336 = arith.constant 0 : i32
      %dma_wait3A_337 = tpu.memref_slice %arg2[%add3A_332, %dma_wait3A_336] : memref<32768x1024xf32, #tpu.memory_space<hbm>> -> memref<8x1024xf32, #tpu.memory_space<hbm>>
      %dma_wait3A_338 = arith.constant 24 : i32
      %dma_wait3A_339 = arith.constant 0 : i32
      %dma_wait3A_340 = tpu.memref_slice %arg6[%dma_wait3A_338, %dma_wait3A_339] : memref<32x1024xf32, #tpu.memory_space<vmem>> -> memref<8x1024xf32, #tpu.memory_space<vmem>>
      %dma_wait3A_341 = arith.constant 0 : i32
      %dma_wait3A_342 = tpu.memref_slice %arg2[%add3A_332, %dma_wait3A_341] : memref<32768x1024xf32, #tpu.memory_space<hbm>> -> memref<8x1024xf32, #tpu.memory_space<hbm>>
      tpu.wait_dma2 semaphore(%arg10 : memref<!tpu.dma_semaphore, #tpu.memory_space<semaphore_mem>>) src(%dma_wait3A_342 : memref<8x1024xf32, #tpu.memory_space<hbm>>) dst(%dma_wait3A_340 : memref<8x1024xf32, #tpu.memory_space<vmem>>)
      %parallel_loop3A_343 = arith.constant 0 : i32
      %parallel_loop3A_344 = arith.constant 1024 : i32
      %parallel_loop3A_345 = arith.constant 16 : i32
      scf.for %parallel_loop3A_397 = %parallel_loop3A_343 to %parallel_loop3A_344 step %parallel_loop3A_345  : i32 {
        %parallel_loop3A_398 = arith.constant 0 : i32
        %parallel_loop3A_399 = arith.index_cast %parallel_loop3A_398 : i32 to index
        %parallel_loop3A_400 = arith.index_cast %parallel_loop3A_397 : i32 to index
        %parallel_loop3A_401 = tpu.vector_load %arg6[%parallel_loop3A_399, %parallel_loop3A_400] {strides = array<i32>} : memref<32x1024xf32, #tpu.memory_space<vmem>>, vector<1x16xf32>,
        %parallel_loop3A_402 = vector.shape_cast %parallel_loop3A_401 : vector<1x16xf32> to vector<16xf32>
        %parallel_loop3A_403 = arith.constant 0 : i32
        %parallel_loop3A_404 = arith.index_cast %parallel_loop3A_403 : i32 to index
        %parallel_loop3A_405 = arith.index_cast %parallel_loop3A_397 : i32 to index
        %parallel_loop3A_406 = tpu.vector_load %arg8[%parallel_loop3A_404, %parallel_loop3A_405] {strides = array<i32>} : memref<8x1024xf32, #tpu.memory_space<vmem>>, vector<1x16xf32>,
        %parallel_loop3A_407 = vector.shape_cast %parallel_loop3A_406 : vector<1x16xf32> to vector<16xf32>
        %parallel_loop3A_408 = arith.addf %parallel_loop3A_402, %parallel_loop3A_407 : vector<16xf32>
        %parallel_loop3A_409 = arith.constant 0 : i32
        %parallel_loop3A_410 = arith.index_cast %parallel_loop3A_409 : i32 to index
        %parallel_loop3A_411 = arith.index_cast %parallel_loop3A_397 : i32 to index
        %parallel_loop3A_412 = tpu.vector_load %arg6[%parallel_loop3A_410, %parallel_loop3A_411] {strides = array<i32>} : memref<32x1024xf32, #tpu.memory_space<vmem>>, vector<1x16xf32>,
        %parallel_loop3A_413 = vector.shape_cast %parallel_loop3A_412 : vector<1x16xf32> to vector<16xf32>
        %parallel_loop3A_414 = vector.shape_cast %parallel_loop3A_408 : vector<16xf32> to vector<1x16xf32>
        tpu.vector_store %arg6[%parallel_loop3A_410, %parallel_loop3A_411], %parallel_loop3A_414 {strides = array<i32>} : memref<32x1024xf32, #tpu.memory_space<vmem>>, vector<1x16xf32>,
        %parallel_loop3A_415 = arith.constant 1 : i32
        %parallel_loop3A_416 = arith.index_cast %parallel_loop3A_415 : i32 to index
        %parallel_loop3A_417 = arith.index_cast %parallel_loop3A_397 : i32 to index
        %parallel_loop3A_418 = tpu.vector_load %arg6[%parallel_loop3A_416, %parallel_loop3A_417] {strides = array<i32>} : memref<32x1024xf32, #tpu.memory_space<vmem>>, vector<1x16xf32>,
        %parallel_loop3A_419 = vector.shape_cast %parallel_loop3A_418 : vector<1x16xf32> to vector<16xf32>
        %parallel_loop3A_420 = arith.constant 1 : i32
        %parallel_loop3A_421 = arith.index_cast %parallel_loop3A_420 : i32 to index
        %parallel_loop3A_422 = arith.index_cast %parallel_loop3A_397 : i32 to index
        %parallel_loop3A_423 = tpu.vector_load %arg8[%parallel_loop3A_421, %parallel_loop3A_422] {strides = array<i32>} : memref<8x1024xf32, #tpu.memory_space<vmem>>, vector<1x16xf32>,
        %parallel_loop3A_424 = vector.shape_cast %parallel_loop3A_423 : vector<1x16xf32> to vector<16xf32>
        %parallel_loop3A_425 = arith.addf %parallel_loop3A_419, %parallel_loop3A_424 : vector<16xf32>
        %parallel_loop3A_426 = arith.constant 1 : i32
        %parallel_loop3A_427 = arith.index_cast %parallel_loop3A_426 : i32 to index
        %parallel_loop3A_428 = arith.index_cast %parallel_loop3A_397 : i32 to index
        %parallel_loop3A_429 = tpu.vector_load %arg6[%parallel_loop3A_427, %parallel_loop3A_428] {strides = array<i32>} : memref<32x1024xf32, #tpu.memory_space<vmem>>, vector<1x16xf32>,
        %parallel_loop3A_430 = vector.shape_cast %parallel_loop3A_429 : vector<1x16xf32> to vector<16xf32>
        %parallel_loop3A_431 = vector.shape_cast %parallel_loop3A_425 : vector<16xf32> to vector<1x16xf32>
        tpu.vector_store %arg6[%parallel_loop3A_427, %parallel_loop3A_428], %parallel_loop3A_431 {strides = array<i32>} : memref<32x1024xf32, #tpu.memory_space<vmem>>, vector<1x16xf32>,
        %parallel_loop3A_432 = arith.constant 2 : i32
        %parallel_loop3A_433 = arith.index_cast %parallel_loop3A_432 : i32 to index
        %parallel_loop3A_434 = arith.index_cast %parallel_loop3A_397 : i32 to index
        %parallel_loop3A_435 = tpu.vector_load %arg6[%parallel_loop3A_433, %parallel_loop3A_434] {strides = array<i32>} : memref<32x1024xf32, #tpu.memory_space<vmem>>, vector<1x16xf32>,
        %parallel_loop3A_436 = vector.shape_cast %parallel_loop3A_435 : vector<1x16xf32> to vector<16xf32>
        %parallel_loop3A_437 = arith.constant 2 : i32
        %parallel_loop3A_438 = arith.index_cast %parallel_loop3A_437 : i32 to index
        %parallel_loop3A_439 = arith.index_cast %parallel_loop3A_397 : i32 to index
        %parallel_loop3A_440 = tpu.vector_load %arg8[%parallel_loop3A_438, %parallel_loop3A_439] {strides = array<i32>} : memref<8x1024xf32, #tpu.memory_space<vmem>>, vector<1x16xf32>,
        %parallel_loop3A_441 = vector.shape_cast %parallel_loop3A_440 : vector<1x16xf32> to vector<16xf32>
        %parallel_loop3A_442 = arith.addf %parallel_loop3A_436, %parallel_loop3A_441 : vector<16xf32>
        %parallel_loop3A_443 = arith.constant 2 : i32
        %parallel_loop3A_444 = arith.index_cast %parallel_loop3A_443 : i32 to index
        %parallel_loop3A_445 = arith.index_cast %parallel_loop3A_397 : i32 to index
        %parallel_loop3A_446 = tpu.vector_load %arg6[%parallel_loop3A_444, %parallel_loop3A_445] {strides = array<i32>} : memref<32x1024xf32, #tpu.memory_space<vmem>>, vector<1x16xf32>,
        %parallel_loop3A_447 = vector.shape_cast %parallel_loop3A_446 : vector<1x16xf32> to vector<16xf32>
        %parallel_loop3A_448 = vector.shape_cast %parallel_loop3A_442 : vector<16xf32> to vector<1x16xf32>
        tpu.vector_store %arg6[%parallel_loop3A_444, %parallel_loop3A_445], %parallel_loop3A_448 {strides = array<i32>} : memref<32x1024xf32, #tpu.memory_space<vmem>>, vector<1x16xf32>,
        %parallel_loop3A_449 = arith.constant 3 : i32
        %parallel_loop3A_450 = arith.index_cast %parallel_loop3A_449 : i32 to index
        %parallel_loop3A_451 = arith.index_cast %parallel_loop3A_397 : i32 to index
        %parallel_loop3A_452 = tpu.vector_load %arg6[%parallel_loop3A_450, %parallel_loop3A_451] {strides = array<i32>} : memref<32x1024xf32, #tpu.memory_space<vmem>>, vector<1x16xf32>,
        %parallel_loop3A_453 = vector.shape_cast %parallel_loop3A_452 : vector<1x16xf32> to vector<16xf32>
        %parallel_loop3A_454 = arith.constant 3 : i32
        %parallel_loop3A_455 = arith.index_cast %parallel_loop3A_454 : i32 to index
        %parallel_loop3A_456 = arith.index_cast %parallel_loop3A_397 : i32 to index
        %parallel_loop3A_457 = tpu.vector_load %arg8[%parallel_loop3A_455, %parallel_loop3A_456] {strides = array<i32>} : memref<8x1024xf32, #tpu.memory_space<vmem>>, vector<1x16xf32>,
        %parallel_loop3A_458 = vector.shape_cast %parallel_loop3A_457 : vector<1x16xf32> to vector<16xf32>
        %parallel_loop3A_459 = arith.addf %parallel_loop3A_453, %parallel_loop3A_458 : vector<16xf32>
        %parallel_loop3A_460 = arith.constant 3 : i32
        %parallel_loop3A_461 = arith.index_cast %parallel_loop3A_460 : i32 to index
        %parallel_loop3A_462 = arith.index_cast %parallel_loop3A_397 : i32 to index
        %parallel_loop3A_463 = tpu.vector_load %arg6[%parallel_loop3A_461, %parallel_loop3A_462] {strides = array<i32>} : memref<32x1024xf32, #tpu.memory_space<vmem>>, vector<1x16xf32>,
        %parallel_loop3A_464 = vector.shape_cast %parallel_loop3A_463 : vector<1x16xf32> to vector<16xf32>
        %parallel_loop3A_465 = vector.shape_cast %parallel_loop3A_459 : vector<16xf32> to vector<1x16xf32>
        tpu.vector_store %arg6[%parallel_loop3A_461, %parallel_loop3A_462], %parallel_loop3A_465 {strides = array<i32>} : memref<32x1024xf32, #tpu.memory_space<vmem>>, vector<1x16xf32>,
        %parallel_loop3A_466 = arith.constant 4 : i32
        %parallel_loop3A_467 = arith.index_cast %parallel_loop3A_466 : i32 to index
        %parallel_loop3A_468 = arith.index_cast %parallel_loop3A_397 : i32 to index
        %parallel_loop3A_469 = tpu.vector_load %arg6[%parallel_loop3A_467, %parallel_loop3A_468] {strides = array<i32>} : memref<32x1024xf32, #tpu.memory_space<vmem>>, vector<1x16xf32>,
        %parallel_loop3A_470 = vector.shape_cast %parallel_loop3A_469 : vector<1x16xf32> to vector<16xf32>
        %parallel_loop3A_471 = arith.constant 4 : i32
        %parallel_loop3A_472 = arith.index_cast %parallel_loop3A_471 : i32 to index
        %parallel_loop3A_473 = arith.index_cast %parallel_loop3A_397 : i32 to index
        %parallel_loop3A_474 = tpu.vector_load %arg8[%parallel_loop3A_472, %parallel_loop3A_473] {strides = array<i32>} : memref<8x1024xf32, #tpu.memory_space<vmem>>, vector<1x16xf32>,
        %parallel_loop3A_475 = vector.shape_cast %parallel_loop3A_474 : vector<1x16xf32> to vector<16xf32>
        %parallel_loop3A_476 = arith.addf %parallel_loop3A_470, %parallel_loop3A_475 : vector<16xf32>
        %parallel_loop3A_477 = arith.constant 4 : i32
        %parallel_loop3A_478 = arith.index_cast %parallel_loop3A_477 : i32 to index
        %parallel_loop3A_479 = arith.index_cast %parallel_loop3A_397 : i32 to index
        %parallel_loop3A_480 = tpu.vector_load %arg6[%parallel_loop3A_478, %parallel_loop3A_479] {strides = array<i32>} : memref<32x1024xf32, #tpu.memory_space<vmem>>, vector<1x16xf32>,
        %parallel_loop3A_481 = vector.shape_cast %parallel_loop3A_480 : vector<1x16xf32> to vector<16xf32>
        %parallel_loop3A_482 = vector.shape_cast %parallel_loop3A_476 : vector<16xf32> to vector<1x16xf32>
        tpu.vector_store %arg6[%parallel_loop3A_478, %parallel_loop3A_479], %parallel_loop3A_482 {strides = array<i32>} : memref<32x1024xf32, #tpu.memory_space<vmem>>, vector<1x16xf32>,
        %parallel_loop3A_483 = arith.constant 5 : i32
        %parallel_loop3A_484 = arith.index_cast %parallel_loop3A_483 : i32 to index
        %parallel_loop3A_485 = arith.index_cast %parallel_loop3A_397 : i32 to index
        %parallel_loop3A_486 = tpu.vector_load %arg6[%parallel_loop3A_484, %parallel_loop3A_485] {strides = array<i32>} : memref<32x1024xf32, #tpu.memory_space<vmem>>, vector<1x16xf32>,
        %parallel_loop3A_487 = vector.shape_cast %parallel_loop3A_486 : vector<1x16xf32> to vector<16xf32>
        %parallel_loop3A_488 = arith.constant 5 : i32
        %parallel_loop3A_489 = arith.index_cast %parallel_loop3A_488 : i32 to index
        %parallel_loop3A_490 = arith.index_cast %parallel_loop3A_397 : i32 to index
        %parallel_loop3A_491 = tpu.vector_load %arg8[%parallel_loop3A_489, %parallel_loop3A_490] {strides = array<i32>} : memref<8x1024xf32, #tpu.memory_space<vmem>>, vector<1x16xf32>,
        %parallel_loop3A_492 = vector.shape_cast %parallel_loop3A_491 : vector<1x16xf32> to vector<16xf32>
        %parallel_loop3A_493 = arith.addf %parallel_loop3A_487, %parallel_loop3A_492 : vector<16xf32>
        %parallel_loop3A_494 = arith.constant 5 : i32
        %parallel_loop3A_495 = arith.index_cast %parallel_loop3A_494 : i32 to index
        %parallel_loop3A_496 = arith.index_cast %parallel_loop3A_397 : i32 to index
        %parallel_loop3A_497 = tpu.vector_load %arg6[%parallel_loop3A_495, %parallel_loop3A_496] {strides = array<i32>} : memref<32x1024xf32, #tpu.memory_space<vmem>>, vector<1x16xf32>,
        %parallel_loop3A_498 = vector.shape_cast %parallel_loop3A_497 : vector<1x16xf32> to vector<16xf32>
        %parallel_loop3A_499 = vector.shape_cast %parallel_loop3A_493 : vector<16xf32> to vector<1x16xf32>
        tpu.vector_store %arg6[%parallel_loop3A_495, %parallel_loop3A_496], %parallel_loop3A_499 {strides = array<i32>} : memref<32x1024xf32, #tpu.memory_space<vmem>>, vector<1x16xf32>,
        %parallel_loop3A_500 = arith.constant 6 : i32
        %parallel_loop3A_501 = arith.index_cast %parallel_loop3A_500 : i32 to index
        %parallel_loop3A_502 = arith.index_cast %parallel_loop3A_397 : i32 to index
        %parallel_loop3A_503 = tpu.vector_load %arg6[%parallel_loop3A_501, %parallel_loop3A_502] {strides = array<i32>} : memref<32x1024xf32, #tpu.memory_space<vmem>>, vector<1x16xf32>,
        %parallel_loop3A_504 = vector.shape_cast %parallel_loop3A_503 : vector<1x16xf32> to vector<16xf32>
        %parallel_loop3A_505 = arith.constant 6 : i32
        %parallel_loop3A_506 = arith.index_cast %parallel_loop3A_505 : i32 to index
        %parallel_loop3A_507 = arith.index_cast %parallel_loop3A_397 : i32 to index
        %parallel_loop3A_508 = tpu.vector_load %arg8[%parallel_loop3A_506, %parallel_loop3A_507] {strides = array<i32>} : memref<8x1024xf32, #tpu.memory_space<vmem>>, vector<1x16xf32>,
        %parallel_loop3A_509 = vector.shape_cast %parallel_loop3A_508 : vector<1x16xf32> to vector<16xf32>
        %parallel_loop3A_510 = arith.addf %parallel_loop3A_504, %parallel_loop3A_509 : vector<16xf32>
        %parallel_loop3A_511 = arith.constant 6 : i32
        %parallel_loop3A_512 = arith.index_cast %parallel_loop3A_511 : i32 to index
        %parallel_loop3A_513 = arith.index_cast %parallel_loop3A_397 : i32 to index
        %parallel_loop3A_514 = tpu.vector_load %arg6[%parallel_loop3A_512, %parallel_loop3A_513] {strides = array<i32>} : memref<32x1024xf32, #tpu.memory_space<vmem>>, vector<1x16xf32>,
        %parallel_loop3A_515 = vector.shape_cast %parallel_loop3A_514 : vector<1x16xf32> to vector<16xf32>
        %parallel_loop3A_516 = vector.shape_cast %parallel_loop3A_510 : vector<16xf32> to vector<1x16xf32>
        tpu.vector_store %arg6[%parallel_loop3A_512, %parallel_loop3A_513], %parallel_loop3A_516 {strides = array<i32>} : memref<32x1024xf32, #tpu.memory_space<vmem>>, vector<1x16xf32>,
        %parallel_loop3A_517 = arith.constant 7 : i32
        %parallel_loop3A_518 = arith.index_cast %parallel_loop3A_517 : i32 to index
        %parallel_loop3A_519 = arith.index_cast %parallel_loop3A_397 : i32 to index
        %parallel_loop3A_520 = tpu.vector_load %arg6[%parallel_loop3A_518, %parallel_loop3A_519] {strides = array<i32>} : memref<32x1024xf32, #tpu.memory_space<vmem>>, vector<1x16xf32>,
        %parallel_loop3A_521 = vector.shape_cast %parallel_loop3A_520 : vector<1x16xf32> to vector<16xf32>
        %parallel_loop3A_522 = arith.constant 7 : i32
        %parallel_loop3A_523 = arith.index_cast %parallel_loop3A_522 : i32 to index
        %parallel_loop3A_524 = arith.index_cast %parallel_loop3A_397 : i32 to index
        %parallel_loop3A_525 = tpu.vector_load %arg8[%parallel_loop3A_523, %parallel_loop3A_524] {strides = array<i32>} : memref<8x1024xf32, #tpu.memory_space<vmem>>, vector<1x16xf32>,
        %parallel_loop3A_526 = vector.shape_cast %parallel_loop3A_525 : vector<1x16xf32> to vector<16xf32>
        %parallel_loop3A_527 = arith.addf %parallel_loop3A_521, %parallel_loop3A_526 : vector<16xf32>
        %parallel_loop3A_528 = arith.constant 7 : i32
        %parallel_loop3A_529 = arith.index_cast %parallel_loop3A_528 : i32 to index
        %parallel_loop3A_530 = arith.index_cast %parallel_loop3A_397 : i32 to index
        %parallel_loop3A_531 = tpu.vector_load %arg6[%parallel_loop3A_529, %parallel_loop3A_530] {strides = array<i32>} : memref<32x1024xf32, #tpu.memory_space<vmem>>, vector<1x16xf32>,
        %parallel_loop3A_532 = vector.shape_cast %parallel_loop3A_531 : vector<1x16xf32> to vector<16xf32>
        %parallel_loop3A_533 = vector.shape_cast %parallel_loop3A_527 : vector<16xf32> to vector<1x16xf32>
        tpu.vector_store %arg6[%parallel_loop3A_529, %parallel_loop3A_530], %parallel_loop3A_533 {strides = array<i32>} : memref<32x1024xf32, #tpu.memory_space<vmem>>, vector<1x16xf32>,
        %parallel_loop3A_534 = arith.constant 8 : i32
        %parallel_loop3A_535 = arith.index_cast %parallel_loop3A_534 : i32 to index
        %parallel_loop3A_536 = arith.index_cast %parallel_loop3A_397 : i32 to index
        %parallel_loop3A_537 = tpu.vector_load %arg6[%parallel_loop3A_535, %parallel_loop3A_536] {strides = array<i32>} : memref<32x1024xf32, #tpu.memory_space<vmem>>, vector<1x16xf32>,
        %parallel_loop3A_538 = vector.shape_cast %parallel_loop3A_537 : vector<1x16xf32> to vector<16xf32>
        %parallel_loop3A_539 = arith.constant 0 : i32
        %parallel_loop3A_540 = arith.index_cast %parallel_loop3A_539 : i32 to index
        %parallel_loop3A_541 = arith.index_cast %parallel_loop3A_397 : i32 to index
        %parallel_loop3A_542 = tpu.vector_load %arg8[%parallel_loop3A_540, %parallel_loop3A_541] {strides = array<i32>} : memref<8x1024xf32, #tpu.memory_space<vmem>>, vector<1x16xf32>,
        %parallel_loop3A_543 = vector.shape_cast %parallel_loop3A_542 : vector<1x16xf32> to vector<16xf32>
        %parallel_loop3A_544 = arith.addf %parallel_loop3A_538, %parallel_loop3A_543 : vector<16xf32>
        %parallel_loop3A_545 = arith.constant 8 : i32
        %parallel_loop3A_546 = arith.index_cast %parallel_loop3A_545 : i32 to index
        %parallel_loop3A_547 = arith.index_cast %parallel_loop3A_397 : i32 to index
        %parallel_loop3A_548 = tpu.vector_load %arg6[%parallel_loop3A_546, %parallel_loop3A_547] {strides = array<i32>} : memref<32x1024xf32, #tpu.memory_space<vmem>>, vector<1x16xf32>,
        %parallel_loop3A_549 = vector.shape_cast %parallel_loop3A_548 : vector<1x16xf32> to vector<16xf32>
        %parallel_loop3A_550 = vector.shape_cast %parallel_loop3A_544 : vector<16xf32> to vector<1x16xf32>
        tpu.vector_store %arg6[%parallel_loop3A_546, %parallel_loop3A_547], %parallel_loop3A_550 {strides = array<i32>} : memref<32x1024xf32, #tpu.memory_space<vmem>>, vector<1x16xf32>,
        %parallel_loop3A_551 = arith.constant 9 : i32
        %parallel_loop3A_552 = arith.index_cast %parallel_loop3A_551 : i32 to index
        %parallel_loop3A_553 = arith.index_cast %parallel_loop3A_397 : i32 to index
        %parallel_loop3A_554 = tpu.vector_load %arg6[%parallel_loop3A_552, %parallel_loop3A_553] {strides = array<i32>} : memref<32x1024xf32, #tpu.memory_space<vmem>>, vector<1x16xf32>,
        %parallel_loop3A_555 = vector.shape_cast %parallel_loop3A_554 : vector<1x16xf32> to vector<16xf32>
        %parallel_loop3A_556 = arith.constant 1 : i32
        %parallel_loop3A_557 = arith.index_cast %parallel_loop3A_556 : i32 to index
        %parallel_loop3A_558 = arith.index_cast %parallel_loop3A_397 : i32 to index
        %parallel_loop3A_559 = tpu.vector_load %arg8[%parallel_loop3A_557, %parallel_loop3A_558] {strides = array<i32>} : memref<8x1024xf32, #tpu.memory_space<vmem>>, vector<1x16xf32>,
        %parallel_loop3A_560 = vector.shape_cast %parallel_loop3A_559 : vector<1x16xf32> to vector<16xf32>
        %parallel_loop3A_561 = arith.addf %parallel_loop3A_555, %parallel_loop3A_560 : vector<16xf32>
        %parallel_loop3A_562 = arith.constant 9 : i32
        %parallel_loop3A_563 = arith.index_cast %parallel_loop3A_562 : i32 to index
        %parallel_loop3A_564 = arith.index_cast %parallel_loop3A_397 : i32 to index
        %parallel_loop3A_565 = tpu.vector_load %arg6[%parallel_loop3A_563, %parallel_loop3A_564] {strides = array<i32>} : memref<32x1024xf32, #tpu.memory_space<vmem>>, vector<1x16xf32>,
        %parallel_loop3A_566 = vector.shape_cast %parallel_loop3A_565 : vector<1x16xf32> to vector<16xf32>
        %parallel_loop3A_567 = vector.shape_cast %parallel_loop3A_561 : vector<16xf32> to vector<1x16xf32>
        tpu.vector_store %arg6[%parallel_loop3A_563, %parallel_loop3A_564], %parallel_loop3A_567 {strides = array<i32>} : memref<32x1024xf32, #tpu.memory_space<vmem>>, vector<1x16xf32>,
        %parallel_loop3A_568 = arith.constant 10 : i32
        %parallel_loop3A_569 = arith.index_cast %parallel_loop3A_568 : i32 to index
        %parallel_loop3A_570 = arith.index_cast %parallel_loop3A_397 : i32 to index
        %parallel_loop3A_571 = tpu.vector_load %arg6[%parallel_loop3A_569, %parallel_loop3A_570] {strides = array<i32>} : memref<32x1024xf32, #tpu.memory_space<vmem>>, vector<1x16xf32>,
        %parallel_loop3A_572 = vector.shape_cast %parallel_loop3A_571 : vector<1x16xf32> to vector<16xf32>
        %parallel_loop3A_573 = arith.constant 2 : i32
        %parallel_loop3A_574 = arith.index_cast %parallel_loop3A_573 : i32 to index
        %parallel_loop3A_575 = arith.index_cast %parallel_loop3A_397 : i32 to index
        %parallel_loop3A_576 = tpu.vector_load %arg8[%parallel_loop3A_574, %parallel_loop3A_575] {strides = array<i32>} : memref<8x1024xf32, #tpu.memory_space<vmem>>, vector<1x16xf32>,
        %parallel_loop3A_577 = vector.shape_cast %parallel_loop3A_576 : vector<1x16xf32> to vector<16xf32>
        %parallel_loop3A_578 = arith.addf %parallel_loop3A_572, %parallel_loop3A_577 : vector<16xf32>
        %parallel_loop3A_579 = arith.constant 10 : i32
        %parallel_loop3A_580 = arith.index_cast %parallel_loop3A_579 : i32 to index
        %parallel_loop3A_581 = arith.index_cast %parallel_loop3A_397 : i32 to index
        %parallel_loop3A_582 = tpu.vector_load %arg6[%parallel_loop3A_580, %parallel_loop3A_581] {strides = array<i32>} : memref<32x1024xf32, #tpu.memory_space<vmem>>, vector<1x16xf32>,
        %parallel_loop3A_583 = vector.shape_cast %parallel_loop3A_582 : vector<1x16xf32> to vector<16xf32>
        %parallel_loop3A_584 = vector.shape_cast %parallel_loop3A_578 : vector<16xf32> to vector<1x16xf32>
        tpu.vector_store %arg6[%parallel_loop3A_580, %parallel_loop3A_581], %parallel_loop3A_584 {strides = array<i32>} : memref<32x1024xf32, #tpu.memory_space<vmem>>, vector<1x16xf32>,
        %parallel_loop3A_585 = arith.constant 11 : i32
        %parallel_loop3A_586 = arith.index_cast %parallel_loop3A_585 : i32 to index
        %parallel_loop3A_587 = arith.index_cast %parallel_loop3A_397 : i32 to index
        %parallel_loop3A_588 = tpu.vector_load %arg6[%parallel_loop3A_586, %parallel_loop3A_587] {strides = array<i32>} : memref<32x1024xf32, #tpu.memory_space<vmem>>, vector<1x16xf32>,
        %parallel_loop3A_589 = vector.shape_cast %parallel_loop3A_588 : vector<1x16xf32> to vector<16xf32>
        %parallel_loop3A_590 = arith.constant 3 : i32
        %parallel_loop3A_591 = arith.index_cast %parallel_loop3A_590 : i32 to index
        %parallel_loop3A_592 = arith.index_cast %parallel_loop3A_397 : i32 to index
        %parallel_loop3A_593 = tpu.vector_load %arg8[%parallel_loop3A_591, %parallel_loop3A_592] {strides = array<i32>} : memref<8x1024xf32, #tpu.memory_space<vmem>>, vector<1x16xf32>,
        %parallel_loop3A_594 = vector.shape_cast %parallel_loop3A_593 : vector<1x16xf32> to vector<16xf32>
        %parallel_loop3A_595 = arith.addf %parallel_loop3A_589, %parallel_loop3A_594 : vector<16xf32>
        %parallel_loop3A_596 = arith.constant 11 : i32
        %parallel_loop3A_597 = arith.index_cast %parallel_loop3A_596 : i32 to index
        %parallel_loop3A_598 = arith.index_cast %parallel_loop3A_397 : i32 to index
        %parallel_loop3A_599 = tpu.vector_load %arg6[%parallel_loop3A_597, %parallel_loop3A_598] {strides = array<i32>} : memref<32x1024xf32, #tpu.memory_space<vmem>>, vector<1x16xf32>,
        %parallel_loop3A_600 = vector.shape_cast %parallel_loop3A_599 : vector<1x16xf32> to vector<16xf32>
        %parallel_loop3A_601 = vector.shape_cast %parallel_loop3A_595 : vector<16xf32> to vector<1x16xf32>
        tpu.vector_store %arg6[%parallel_loop3A_597, %parallel_loop3A_598], %parallel_loop3A_601 {strides = array<i32>} : memref<32x1024xf32, #tpu.memory_space<vmem>>, vector<1x16xf32>,
        %parallel_loop3A_602 = arith.constant 12 : i32
        %parallel_loop3A_603 = arith.index_cast %parallel_loop3A_602 : i32 to index
        %parallel_loop3A_604 = arith.index_cast %parallel_loop3A_397 : i32 to index
        %parallel_loop3A_605 = tpu.vector_load %arg6[%parallel_loop3A_603, %parallel_loop3A_604] {strides = array<i32>} : memref<32x1024xf32, #tpu.memory_space<vmem>>, vector<1x16xf32>,
        %parallel_loop3A_606 = vector.shape_cast %parallel_loop3A_605 : vector<1x16xf32> to vector<16xf32>
        %parallel_loop3A_607 = arith.constant 4 : i32
        %parallel_loop3A_608 = arith.index_cast %parallel_loop3A_607 : i32 to index
        %parallel_loop3A_609 = arith.index_cast %parallel_loop3A_397 : i32 to index
        %parallel_loop3A_610 = tpu.vector_load %arg8[%parallel_loop3A_608, %parallel_loop3A_609] {strides = array<i32>} : memref<8x1024xf32, #tpu.memory_space<vmem>>, vector<1x16xf32>,
        %parallel_loop3A_611 = vector.shape_cast %parallel_loop3A_610 : vector<1x16xf32> to vector<16xf32>
        %parallel_loop3A_612 = arith.addf %parallel_loop3A_606, %parallel_loop3A_611 : vector<16xf32>
        %parallel_loop3A_613 = arith.constant 12 : i32
        %parallel_loop3A_614 = arith.index_cast %parallel_loop3A_613 : i32 to index
        %parallel_loop3A_615 = arith.index_cast %parallel_loop3A_397 : i32 to index
        %parallel_loop3A_616 = tpu.vector_load %arg6[%parallel_loop3A_614, %parallel_loop3A_615] {strides = array<i32>} : memref<32x1024xf32, #tpu.memory_space<vmem>>, vector<1x16xf32>,
        %parallel_loop3A_617 = vector.shape_cast %parallel_loop3A_616 : vector<1x16xf32> to vector<16xf32>
        %parallel_loop3A_618 = vector.shape_cast %parallel_loop3A_612 : vector<16xf32> to vector<1x16xf32>
        tpu.vector_store %arg6[%parallel_loop3A_614, %parallel_loop3A_615], %parallel_loop3A_618 {strides = array<i32>} : memref<32x1024xf32, #tpu.memory_space<vmem>>, vector<1x16xf32>,
        %parallel_loop3A_619 = arith.constant 13 : i32
        %parallel_loop3A_620 = arith.index_cast %parallel_loop3A_619 : i32 to index
        %parallel_loop3A_621 = arith.index_cast %parallel_loop3A_397 : i32 to index
        %parallel_loop3A_622 = tpu.vector_load %arg6[%parallel_loop3A_620, %parallel_loop3A_621] {strides = array<i32>} : memref<32x1024xf32, #tpu.memory_space<vmem>>, vector<1x16xf32>,
        %parallel_loop3A_623 = vector.shape_cast %parallel_loop3A_622 : vector<1x16xf32> to vector<16xf32>
        %parallel_loop3A_624 = arith.constant 5 : i32
        %parallel_loop3A_625 = arith.index_cast %parallel_loop3A_624 : i32 to index
        %parallel_loop3A_626 = arith.index_cast %parallel_loop3A_397 : i32 to index
        %parallel_loop3A_627 = tpu.vector_load %arg8[%parallel_loop3A_625, %parallel_loop3A_626] {strides = array<i32>} : memref<8x1024xf32, #tpu.memory_space<vmem>>, vector<1x16xf32>,
        %parallel_loop3A_628 = vector.shape_cast %parallel_loop3A_627 : vector<1x16xf32> to vector<16xf32>
        %parallel_loop3A_629 = arith.addf %parallel_loop3A_623, %parallel_loop3A_628 : vector<16xf32>
        %parallel_loop3A_630 = arith.constant 13 : i32
        %parallel_loop3A_631 = arith.index_cast %parallel_loop3A_630 : i32 to index
        %parallel_loop3A_632 = arith.index_cast %parallel_loop3A_397 : i32 to index
        %parallel_loop3A_633 = tpu.vector_load %arg6[%parallel_loop3A_631, %parallel_loop3A_632] {strides = array<i32>} : memref<32x1024xf32, #tpu.memory_space<vmem>>, vector<1x16xf32>,
        %parallel_loop3A_634 = vector.shape_cast %parallel_loop3A_633 : vector<1x16xf32> to vector<16xf32>
        %parallel_loop3A_635 = vector.shape_cast %parallel_loop3A_629 : vector<16xf32> to vector<1x16xf32>
        tpu.vector_store %arg6[%parallel_loop3A_631, %parallel_loop3A_632], %parallel_loop3A_635 {strides = array<i32>} : memref<32x1024xf32, #tpu.memory_space<vmem>>, vector<1x16xf32>,
        %parallel_loop3A_636 = arith.constant 14 : i32
        %parallel_loop3A_637 = arith.index_cast %parallel_loop3A_636 : i32 to index
        %parallel_loop3A_638 = arith.index_cast %parallel_loop3A_397 : i32 to index
        %parallel_loop3A_639 = tpu.vector_load %arg6[%parallel_loop3A_637, %parallel_loop3A_638] {strides = array<i32>} : memref<32x1024xf32, #tpu.memory_space<vmem>>, vector<1x16xf32>,
        %parallel_loop3A_640 = vector.shape_cast %parallel_loop3A_639 : vector<1x16xf32> to vector<16xf32>
        %parallel_loop3A_641 = arith.constant 6 : i32
        %parallel_loop3A_642 = arith.index_cast %parallel_loop3A_641 : i32 to index
        %parallel_loop3A_643 = arith.index_cast %parallel_loop3A_397 : i32 to index
        %parallel_loop3A_644 = tpu.vector_load %arg8[%parallel_loop3A_642, %parallel_loop3A_643] {strides = array<i32>} : memref<8x1024xf32, #tpu.memory_space<vmem>>, vector<1x16xf32>,
        %parallel_loop3A_645 = vector.shape_cast %parallel_loop3A_644 : vector<1x16xf32> to vector<16xf32>
        %parallel_loop3A_646 = arith.addf %parallel_loop3A_640, %parallel_loop3A_645 : vector<16xf32>
        %parallel_loop3A_647 = arith.constant 14 : i32
        %parallel_loop3A_648 = arith.index_cast %parallel_loop3A_647 : i32 to index
        %parallel_loop3A_649 = arith.index_cast %parallel_loop3A_397 : i32 to index
        %parallel_loop3A_650 = tpu.vector_load %arg6[%parallel_loop3A_648, %parallel_loop3A_649] {strides = array<i32>} : memref<32x1024xf32, #tpu.memory_space<vmem>>, vector<1x16xf32>,
        %parallel_loop3A_651 = vector.shape_cast %parallel_loop3A_650 : vector<1x16xf32> to vector<16xf32>
        %parallel_loop3A_652 = vector.shape_cast %parallel_loop3A_646 : vector<16xf32> to vector<1x16xf32>
        tpu.vector_store %arg6[%parallel_loop3A_648, %parallel_loop3A_649], %parallel_loop3A_652 {strides = array<i32>} : memref<32x1024xf32, #tpu.memory_space<vmem>>, vector<1x16xf32>,
        %parallel_loop3A_653 = arith.constant 15 : i32
        %parallel_loop3A_654 = arith.index_cast %parallel_loop3A_653 : i32 to index
        %parallel_loop3A_655 = arith.index_cast %parallel_loop3A_397 : i32 to index
        %parallel_loop3A_656 = tpu.vector_load %arg6[%parallel_loop3A_654, %parallel_loop3A_655] {strides = array<i32>} : memref<32x1024xf32, #tpu.memory_space<vmem>>, vector<1x16xf32>,
        %parallel_loop3A_657 = vector.shape_cast %parallel_loop3A_656 : vector<1x16xf32> to vector<16xf32>
        %parallel_loop3A_658 = arith.constant 7 : i32
        %parallel_loop3A_659 = arith.index_cast %parallel_loop3A_658 : i32 to index
        %parallel_loop3A_660 = arith.index_cast %parallel_loop3A_397 : i32 to index
        %parallel_loop3A_661 = tpu.vector_load %arg8[%parallel_loop3A_659, %parallel_loop3A_660] {strides = array<i32>} : memref<8x1024xf32, #tpu.memory_space<vmem>>, vector<1x16xf32>,
        %parallel_loop3A_662 = vector.shape_cast %parallel_loop3A_661 : vector<1x16xf32> to vector<16xf32>
        %parallel_loop3A_663 = arith.addf %parallel_loop3A_657, %parallel_loop3A_662 : vector<16xf32>
        %parallel_loop3A_664 = arith.constant 15 : i32
        %parallel_loop3A_665 = arith.index_cast %parallel_loop3A_664 : i32 to index
        %parallel_loop3A_666 = arith.index_cast %parallel_loop3A_397 : i32 to index
        %parallel_loop3A_667 = tpu.vector_load %arg6[%parallel_loop3A_665, %parallel_loop3A_666] {strides = array<i32>} : memref<32x1024xf32, #tpu.memory_space<vmem>>, vector<1x16xf32>,
        %parallel_loop3A_668 = vector.shape_cast %parallel_loop3A_667 : vector<1x16xf32> to vector<16xf32>
        %parallel_loop3A_669 = vector.shape_cast %parallel_loop3A_663 : vector<16xf32> to vector<1x16xf32>
        tpu.vector_store %arg6[%parallel_loop3A_665, %parallel_loop3A_666], %parallel_loop3A_669 {strides = array<i32>} : memref<32x1024xf32, #tpu.memory_space<vmem>>, vector<1x16xf32>,
        %parallel_loop3A_670 = arith.constant 16 : i32
        %parallel_loop3A_671 = arith.index_cast %parallel_loop3A_670 : i32 to index
        %parallel_loop3A_672 = arith.index_cast %parallel_loop3A_397 : i32 to index
        %parallel_loop3A_673 = tpu.vector_load %arg6[%parallel_loop3A_671, %parallel_loop3A_672] {strides = array<i32>} : memref<32x1024xf32, #tpu.memory_space<vmem>>, vector<1x16xf32>,
        %parallel_loop3A_674 = vector.shape_cast %parallel_loop3A_673 : vector<1x16xf32> to vector<16xf32>
        %parallel_loop3A_675 = arith.constant 0 : i32
        %parallel_loop3A_676 = arith.index_cast %parallel_loop3A_675 : i32 to index
        %parallel_loop3A_677 = arith.index_cast %parallel_loop3A_397 : i32 to index
        %parallel_loop3A_678 = tpu.vector_load %arg8[%parallel_loop3A_676, %parallel_loop3A_677] {strides = array<i32>} : memref<8x1024xf32, #tpu.memory_space<vmem>>, vector<1x16xf32>,
        %parallel_loop3A_679 = vector.shape_cast %parallel_loop3A_678 : vector<1x16xf32> to vector<16xf32>
        %parallel_loop3A_680 = arith.addf %parallel_loop3A_674, %parallel_loop3A_679 : vector<16xf32>
        %parallel_loop3A_681 = arith.constant 16 : i32
        %parallel_loop3A_682 = arith.index_cast %parallel_loop3A_681 : i32 to index
        %parallel_loop3A_683 = arith.index_cast %parallel_loop3A_397 : i32 to index
        %parallel_loop3A_684 = tpu.vector_load %arg6[%parallel_loop3A_682, %parallel_loop3A_683] {strides = array<i32>} : memref<32x1024xf32, #tpu.memory_space<vmem>>, vector<1x16xf32>,
        %parallel_loop3A_685 = vector.shape_cast %parallel_loop3A_684 : vector<1x16xf32> to vector<16xf32>
        %parallel_loop3A_686 = vector.shape_cast %parallel_loop3A_680 : vector<16xf32> to vector<1x16xf32>
        tpu.vector_store %arg6[%parallel_loop3A_682, %parallel_loop3A_683], %parallel_loop3A_686 {strides = array<i32>} : memref<32x1024xf32, #tpu.memory_space<vmem>>, vector<1x16xf32>,
        %parallel_loop3A_687 = arith.constant 17 : i32
        %parallel_loop3A_688 = arith.index_cast %parallel_loop3A_687 : i32 to index
        %parallel_loop3A_689 = arith.index_cast %parallel_loop3A_397 : i32 to index
        %parallel_loop3A_690 = tpu.vector_load %arg6[%parallel_loop3A_688, %parallel_loop3A_689] {strides = array<i32>} : memref<32x1024xf32, #tpu.memory_space<vmem>>, vector<1x16xf32>,
        %parallel_loop3A_691 = vector.shape_cast %parallel_loop3A_690 : vector<1x16xf32> to vector<16xf32>
        %parallel_loop3A_692 = arith.constant 1 : i32
        %parallel_loop3A_693 = arith.index_cast %parallel_loop3A_692 : i32 to index
        %parallel_loop3A_694 = arith.index_cast %parallel_loop3A_397 : i32 to index
        %parallel_loop3A_695 = tpu.vector_load %arg8[%parallel_loop3A_693, %parallel_loop3A_694] {strides = array<i32>} : memref<8x1024xf32, #tpu.memory_space<vmem>>, vector<1x16xf32>,
        %parallel_loop3A_696 = vector.shape_cast %parallel_loop3A_695 : vector<1x16xf32> to vector<16xf32>
        %parallel_loop3A_697 = arith.addf %parallel_loop3A_691, %parallel_loop3A_696 : vector<16xf32>
        %parallel_loop3A_698 = arith.constant 17 : i32
        %parallel_loop3A_699 = arith.index_cast %parallel_loop3A_698 : i32 to index
        %parallel_loop3A_700 = arith.index_cast %parallel_loop3A_397 : i32 to index
        %parallel_loop3A_701 = tpu.vector_load %arg6[%parallel_loop3A_699, %parallel_loop3A_700] {strides = array<i32>} : memref<32x1024xf32, #tpu.memory_space<vmem>>, vector<1x16xf32>,
        %parallel_loop3A_702 = vector.shape_cast %parallel_loop3A_701 : vector<1x16xf32> to vector<16xf32>
        %parallel_loop3A_703 = vector.shape_cast %parallel_loop3A_697 : vector<16xf32> to vector<1x16xf32>
        tpu.vector_store %arg6[%parallel_loop3A_699, %parallel_loop3A_700], %parallel_loop3A_703 {strides = array<i32>} : memref<32x1024xf32, #tpu.memory_space<vmem>>, vector<1x16xf32>,
        %parallel_loop3A_704 = arith.constant 18 : i32
        %parallel_loop3A_705 = arith.index_cast %parallel_loop3A_704 : i32 to index
        %parallel_loop3A_706 = arith.index_cast %parallel_loop3A_397 : i32 to index
        %parallel_loop3A_707 = tpu.vector_load %arg6[%parallel_loop3A_705, %parallel_loop3A_706] {strides = array<i32>} : memref<32x1024xf32, #tpu.memory_space<vmem>>, vector<1x16xf32>,
        %parallel_loop3A_708 = vector.shape_cast %parallel_loop3A_707 : vector<1x16xf32> to vector<16xf32>
        %parallel_loop3A_709 = arith.constant 2 : i32
        %parallel_loop3A_710 = arith.index_cast %parallel_loop3A_709 : i32 to index
        %parallel_loop3A_711 = arith.index_cast %parallel_loop3A_397 : i32 to index
        %parallel_loop3A_712 = tpu.vector_load %arg8[%parallel_loop3A_710, %parallel_loop3A_711] {strides = array<i32>} : memref<8x1024xf32, #tpu.memory_space<vmem>>, vector<1x16xf32>,
        %parallel_loop3A_713 = vector.shape_cast %parallel_loop3A_712 : vector<1x16xf32> to vector<16xf32>
        %parallel_loop3A_714 = arith.addf %parallel_loop3A_708, %parallel_loop3A_713 : vector<16xf32>
        %parallel_loop3A_715 = arith.constant 18 : i32
        %parallel_loop3A_716 = arith.index_cast %parallel_loop3A_715 : i32 to index
        %parallel_loop3A_717 = arith.index_cast %parallel_loop3A_397 : i32 to index
        %parallel_loop3A_718 = tpu.vector_load %arg6[%parallel_loop3A_716, %parallel_loop3A_717] {strides = array<i32>} : memref<32x1024xf32, #tpu.memory_space<vmem>>, vector<1x16xf32>,
        %parallel_loop3A_719 = vector.shape_cast %parallel_loop3A_718 : vector<1x16xf32> to vector<16xf32>
        %parallel_loop3A_720 = vector.shape_cast %parallel_loop3A_714 : vector<16xf32> to vector<1x16xf32>
        tpu.vector_store %arg6[%parallel_loop3A_716, %parallel_loop3A_717], %parallel_loop3A_720 {strides = array<i32>} : memref<32x1024xf32, #tpu.memory_space<vmem>>, vector<1x16xf32>,
        %parallel_loop3A_721 = arith.constant 19 : i32
        %parallel_loop3A_722 = arith.index_cast %parallel_loop3A_721 : i32 to index
        %parallel_loop3A_723 = arith.index_cast %parallel_loop3A_397 : i32 to index
        %parallel_loop3A_724 = tpu.vector_load %arg6[%parallel_loop3A_722, %parallel_loop3A_723] {strides = array<i32>} : memref<32x1024xf32, #tpu.memory_space<vmem>>, vector<1x16xf32>,
        %parallel_loop3A_725 = vector.shape_cast %parallel_loop3A_724 : vector<1x16xf32> to vector<16xf32>
        %parallel_loop3A_726 = arith.constant 3 : i32
        %parallel_loop3A_727 = arith.index_cast %parallel_loop3A_726 : i32 to index
        %parallel_loop3A_728 = arith.index_cast %parallel_loop3A_397 : i32 to index
        %parallel_loop3A_729 = tpu.vector_load %arg8[%parallel_loop3A_727, %parallel_loop3A_728] {strides = array<i32>} : memref<8x1024xf32, #tpu.memory_space<vmem>>, vector<1x16xf32>,
        %parallel_loop3A_730 = vector.shape_cast %parallel_loop3A_729 : vector<1x16xf32> to vector<16xf32>
        %parallel_loop3A_731 = arith.addf %parallel_loop3A_725, %parallel_loop3A_730 : vector<16xf32>
        %parallel_loop3A_732 = arith.constant 19 : i32
        %parallel_loop3A_733 = arith.index_cast %parallel_loop3A_732 : i32 to index
        %parallel_loop3A_734 = arith.index_cast %parallel_loop3A_397 : i32 to index
        %parallel_loop3A_735 = tpu.vector_load %arg6[%parallel_loop3A_733, %parallel_loop3A_734] {strides = array<i32>} : memref<32x1024xf32, #tpu.memory_space<vmem>>, vector<1x16xf32>,
        %parallel_loop3A_736 = vector.shape_cast %parallel_loop3A_735 : vector<1x16xf32> to vector<16xf32>
        %parallel_loop3A_737 = vector.shape_cast %parallel_loop3A_731 : vector<16xf32> to vector<1x16xf32>
        tpu.vector_store %arg6[%parallel_loop3A_733, %parallel_loop3A_734], %parallel_loop3A_737 {strides = array<i32>} : memref<32x1024xf32, #tpu.memory_space<vmem>>, vector<1x16xf32>,
        %parallel_loop3A_738 = arith.constant 20 : i32
        %parallel_loop3A_739 = arith.index_cast %parallel_loop3A_738 : i32 to index
        %parallel_loop3A_740 = arith.index_cast %parallel_loop3A_397 : i32 to index
        %parallel_loop3A_741 = tpu.vector_load %arg6[%parallel_loop3A_739, %parallel_loop3A_740] {strides = array<i32>} : memref<32x1024xf32, #tpu.memory_space<vmem>>, vector<1x16xf32>,
        %parallel_loop3A_742 = vector.shape_cast %parallel_loop3A_741 : vector<1x16xf32> to vector<16xf32>
        %parallel_loop3A_743 = arith.constant 4 : i32
        %parallel_loop3A_744 = arith.index_cast %parallel_loop3A_743 : i32 to index
        %parallel_loop3A_745 = arith.index_cast %parallel_loop3A_397 : i32 to index
        %parallel_loop3A_746 = tpu.vector_load %arg8[%parallel_loop3A_744, %parallel_loop3A_745] {strides = array<i32>} : memref<8x1024xf32, #tpu.memory_space<vmem>>, vector<1x16xf32>,
        %parallel_loop3A_747 = vector.shape_cast %parallel_loop3A_746 : vector<1x16xf32> to vector<16xf32>
        %parallel_loop3A_748 = arith.addf %parallel_loop3A_742, %parallel_loop3A_747 : vector<16xf32>
        %parallel_loop3A_749 = arith.constant 20 : i32
        %parallel_loop3A_750 = arith.index_cast %parallel_loop3A_749 : i32 to index
        %parallel_loop3A_751 = arith.index_cast %parallel_loop3A_397 : i32 to index
        %parallel_loop3A_752 = tpu.vector_load %arg6[%parallel_loop3A_750, %parallel_loop3A_751] {strides = array<i32>} : memref<32x1024xf32, #tpu.memory_space<vmem>>, vector<1x16xf32>,
        %parallel_loop3A_753 = vector.shape_cast %parallel_loop3A_752 : vector<1x16xf32> to vector<16xf32>
        %parallel_loop3A_754 = vector.shape_cast %parallel_loop3A_748 : vector<16xf32> to vector<1x16xf32>
        tpu.vector_store %arg6[%parallel_loop3A_750, %parallel_loop3A_751], %parallel_loop3A_754 {strides = array<i32>} : memref<32x1024xf32, #tpu.memory_space<vmem>>, vector<1x16xf32>,
        %parallel_loop3A_755 = arith.constant 21 : i32
        %parallel_loop3A_756 = arith.index_cast %parallel_loop3A_755 : i32 to index
        %parallel_loop3A_757 = arith.index_cast %parallel_loop3A_397 : i32 to index
        %parallel_loop3A_758 = tpu.vector_load %arg6[%parallel_loop3A_756, %parallel_loop3A_757] {strides = array<i32>} : memref<32x1024xf32, #tpu.memory_space<vmem>>, vector<1x16xf32>,
        %parallel_loop3A_759 = vector.shape_cast %parallel_loop3A_758 : vector<1x16xf32> to vector<16xf32>
        %parallel_loop3A_760 = arith.constant 5 : i32
        %parallel_loop3A_761 = arith.index_cast %parallel_loop3A_760 : i32 to index
        %parallel_loop3A_762 = arith.index_cast %parallel_loop3A_397 : i32 to index
        %parallel_loop3A_763 = tpu.vector_load %arg8[%parallel_loop3A_761, %parallel_loop3A_762] {strides = array<i32>} : memref<8x1024xf32, #tpu.memory_space<vmem>>, vector<1x16xf32>,
        %parallel_loop3A_764 = vector.shape_cast %parallel_loop3A_763 : vector<1x16xf32> to vector<16xf32>
        %parallel_loop3A_765 = arith.addf %parallel_loop3A_759, %parallel_loop3A_764 : vector<16xf32>
        %parallel_loop3A_766 = arith.constant 21 : i32
        %parallel_loop3A_767 = arith.index_cast %parallel_loop3A_766 : i32 to index
        %parallel_loop3A_768 = arith.index_cast %parallel_loop3A_397 : i32 to index
        %parallel_loop3A_769 = tpu.vector_load %arg6[%parallel_loop3A_767, %parallel_loop3A_768] {strides = array<i32>} : memref<32x1024xf32, #tpu.memory_space<vmem>>, vector<1x16xf32>,
        %parallel_loop3A_770 = vector.shape_cast %parallel_loop3A_769 : vector<1x16xf32> to vector<16xf32>
        %parallel_loop3A_771 = vector.shape_cast %parallel_loop3A_765 : vector<16xf32> to vector<1x16xf32>
        tpu.vector_store %arg6[%parallel_loop3A_767, %parallel_loop3A_768], %parallel_loop3A_771 {strides = array<i32>} : memref<32x1024xf32, #tpu.memory_space<vmem>>, vector<1x16xf32>,
        %parallel_loop3A_772 = arith.constant 22 : i32
        %parallel_loop3A_773 = arith.index_cast %parallel_loop3A_772 : i32 to index
        %parallel_loop3A_774 = arith.index_cast %parallel_loop3A_397 : i32 to index
        %parallel_loop3A_775 = tpu.vector_load %arg6[%parallel_loop3A_773, %parallel_loop3A_774] {strides = array<i32>} : memref<32x1024xf32, #tpu.memory_space<vmem>>, vector<1x16xf32>,
        %parallel_loop3A_776 = vector.shape_cast %parallel_loop3A_775 : vector<1x16xf32> to vector<16xf32>
        %parallel_loop3A_777 = arith.constant 6 : i32
        %parallel_loop3A_778 = arith.index_cast %parallel_loop3A_777 : i32 to index
        %parallel_loop3A_779 = arith.index_cast %parallel_loop3A_397 : i32 to index
        %parallel_loop3A_780 = tpu.vector_load %arg8[%parallel_loop3A_778, %parallel_loop3A_779] {strides = array<i32>} : memref<8x1024xf32, #tpu.memory_space<vmem>>, vector<1x16xf32>,
        %parallel_loop3A_781 = vector.shape_cast %parallel_loop3A_780 : vector<1x16xf32> to vector<16xf32>
        %parallel_loop3A_782 = arith.addf %parallel_loop3A_776, %parallel_loop3A_781 : vector<16xf32>
        %parallel_loop3A_783 = arith.constant 22 : i32
        %parallel_loop3A_784 = arith.index_cast %parallel_loop3A_783 : i32 to index
        %parallel_loop3A_785 = arith.index_cast %parallel_loop3A_397 : i32 to index
        %parallel_loop3A_786 = tpu.vector_load %arg6[%parallel_loop3A_784, %parallel_loop3A_785] {strides = array<i32>} : memref<32x1024xf32, #tpu.memory_space<vmem>>, vector<1x16xf32>,
        %parallel_loop3A_787 = vector.shape_cast %parallel_loop3A_786 : vector<1x16xf32> to vector<16xf32>
        %parallel_loop3A_788 = vector.shape_cast %parallel_loop3A_782 : vector<16xf32> to vector<1x16xf32>
        tpu.vector_store %arg6[%parallel_loop3A_784, %parallel_loop3A_785], %parallel_loop3A_788 {strides = array<i32>} : memref<32x1024xf32, #tpu.memory_space<vmem>>, vector<1x16xf32>,
        %parallel_loop3A_789 = arith.constant 23 : i32
        %parallel_loop3A_790 = arith.index_cast %parallel_loop3A_789 : i32 to index
        %parallel_loop3A_791 = arith.index_cast %parallel_loop3A_397 : i32 to index
        %parallel_loop3A_792 = tpu.vector_load %arg6[%parallel_loop3A_790, %parallel_loop3A_791] {strides = array<i32>} : memref<32x1024xf32, #tpu.memory_space<vmem>>, vector<1x16xf32>,
        %parallel_loop3A_793 = vector.shape_cast %parallel_loop3A_792 : vector<1x16xf32> to vector<16xf32>
        %parallel_loop3A_794 = arith.constant 7 : i32
        %parallel_loop3A_795 = arith.index_cast %parallel_loop3A_794 : i32 to index
        %parallel_loop3A_796 = arith.index_cast %parallel_loop3A_397 : i32 to index
        %parallel_loop3A_797 = tpu.vector_load %arg8[%parallel_loop3A_795, %parallel_loop3A_796] {strides = array<i32>} : memref<8x1024xf32, #tpu.memory_space<vmem>>, vector<1x16xf32>,
        %parallel_loop3A_798 = vector.shape_cast %parallel_loop3A_797 : vector<1x16xf32> to vector<16xf32>
        %parallel_loop3A_799 = arith.addf %parallel_loop3A_793, %parallel_loop3A_798 : vector<16xf32>
        %parallel_loop3A_800 = arith.constant 23 : i32
        %parallel_loop3A_801 = arith.index_cast %parallel_loop3A_800 : i32 to index
        %parallel_loop3A_802 = arith.index_cast %parallel_loop3A_397 : i32 to index
        %parallel_loop3A_803 = tpu.vector_load %arg6[%parallel_loop3A_801, %parallel_loop3A_802] {strides = array<i32>} : memref<32x1024xf32, #tpu.memory_space<vmem>>, vector<1x16xf32>,
        %parallel_loop3A_804 = vector.shape_cast %parallel_loop3A_803 : vector<1x16xf32> to vector<16xf32>
        %parallel_loop3A_805 = vector.shape_cast %parallel_loop3A_799 : vector<16xf32> to vector<1x16xf32>
        tpu.vector_store %arg6[%parallel_loop3A_801, %parallel_loop3A_802], %parallel_loop3A_805 {strides = array<i32>} : memref<32x1024xf32, #tpu.memory_space<vmem>>, vector<1x16xf32>,
        %parallel_loop3A_806 = arith.constant 24 : i32
        %parallel_loop3A_807 = arith.index_cast %parallel_loop3A_806 : i32 to index
        %parallel_loop3A_808 = arith.index_cast %parallel_loop3A_397 : i32 to index
        %parallel_loop3A_809 = tpu.vector_load %arg6[%parallel_loop3A_807, %parallel_loop3A_808] {strides = array<i32>} : memref<32x1024xf32, #tpu.memory_space<vmem>>, vector<1x16xf32>,
        %parallel_loop3A_810 = vector.shape_cast %parallel_loop3A_809 : vector<1x16xf32> to vector<16xf32>
        %parallel_loop3A_811 = arith.constant 0 : i32
        %parallel_loop3A_812 = arith.index_cast %parallel_loop3A_811 : i32 to index
        %parallel_loop3A_813 = arith.index_cast %parallel_loop3A_397 : i32 to index
        %parallel_loop3A_814 = tpu.vector_load %arg8[%parallel_loop3A_812, %parallel_loop3A_813] {strides = array<i32>} : memref<8x1024xf32, #tpu.memory_space<vmem>>, vector<1x16xf32>,
        %parallel_loop3A_815 = vector.shape_cast %parallel_loop3A_814 : vector<1x16xf32> to vector<16xf32>
        %parallel_loop3A_816 = arith.addf %parallel_loop3A_810, %parallel_loop3A_815 : vector<16xf32>
        %parallel_loop3A_817 = arith.constant 24 : i32
        %parallel_loop3A_818 = arith.index_cast %parallel_loop3A_817 : i32 to index
        %parallel_loop3A_819 = arith.index_cast %parallel_loop3A_397 : i32 to index
        %parallel_loop3A_820 = tpu.vector_load %arg6[%parallel_loop3A_818, %parallel_loop3A_819] {strides = array<i32>} : memref<32x1024xf32, #tpu.memory_space<vmem>>, vector<1x16xf32>,
        %parallel_loop3A_821 = vector.shape_cast %parallel_loop3A_820 : vector<1x16xf32> to vector<16xf32>
        %parallel_loop3A_822 = vector.shape_cast %parallel_loop3A_816 : vector<16xf32> to vector<1x16xf32>
        tpu.vector_store %arg6[%parallel_loop3A_818, %parallel_loop3A_819], %parallel_loop3A_822 {strides = array<i32>} : memref<32x1024xf32, #tpu.memory_space<vmem>>, vector<1x16xf32>,
        %parallel_loop3A_823 = arith.constant 25 : i32
        %parallel_loop3A_824 = arith.index_cast %parallel_loop3A_823 : i32 to index
        %parallel_loop3A_825 = arith.index_cast %parallel_loop3A_397 : i32 to index
        %parallel_loop3A_826 = tpu.vector_load %arg6[%parallel_loop3A_824, %parallel_loop3A_825] {strides = array<i32>} : memref<32x1024xf32, #tpu.memory_space<vmem>>, vector<1x16xf32>,
        %parallel_loop3A_827 = vector.shape_cast %parallel_loop3A_826 : vector<1x16xf32> to vector<16xf32>
        %parallel_loop3A_828 = arith.constant 1 : i32
        %parallel_loop3A_829 = arith.index_cast %parallel_loop3A_828 : i32 to index
        %parallel_loop3A_830 = arith.index_cast %parallel_loop3A_397 : i32 to index
        %parallel_loop3A_831 = tpu.vector_load %arg8[%parallel_loop3A_829, %parallel_loop3A_830] {strides = array<i32>} : memref<8x1024xf32, #tpu.memory_space<vmem>>, vector<1x16xf32>,
        %parallel_loop3A_832 = vector.shape_cast %parallel_loop3A_831 : vector<1x16xf32> to vector<16xf32>
        %parallel_loop3A_833 = arith.addf %parallel_loop3A_827, %parallel_loop3A_832 : vector<16xf32>
        %parallel_loop3A_834 = arith.constant 25 : i32
        %parallel_loop3A_835 = arith.index_cast %parallel_loop3A_834 : i32 to index
        %parallel_loop3A_836 = arith.index_cast %parallel_loop3A_397 : i32 to index
        %parallel_loop3A_837 = tpu.vector_load %arg6[%parallel_loop3A_835, %parallel_loop3A_836] {strides = array<i32>} : memref<32x1024xf32, #tpu.memory_space<vmem>>, vector<1x16xf32>,
        %parallel_loop3A_838 = vector.shape_cast %parallel_loop3A_837 : vector<1x16xf32> to vector<16xf32>
        %parallel_loop3A_839 = vector.shape_cast %parallel_loop3A_833 : vector<16xf32> to vector<1x16xf32>
        tpu.vector_store %arg6[%parallel_loop3A_835, %parallel_loop3A_836], %parallel_loop3A_839 {strides = array<i32>} : memref<32x1024xf32, #tpu.memory_space<vmem>>, vector<1x16xf32>,
        %parallel_loop3A_840 = arith.constant 26 : i32
        %parallel_loop3A_841 = arith.index_cast %parallel_loop3A_840 : i32 to index
        %parallel_loop3A_842 = arith.index_cast %parallel_loop3A_397 : i32 to index
        %parallel_loop3A_843 = tpu.vector_load %arg6[%parallel_loop3A_841, %parallel_loop3A_842] {strides = array<i32>} : memref<32x1024xf32, #tpu.memory_space<vmem>>, vector<1x16xf32>,
        %parallel_loop3A_844 = vector.shape_cast %parallel_loop3A_843 : vector<1x16xf32> to vector<16xf32>
        %parallel_loop3A_845 = arith.constant 2 : i32
        %parallel_loop3A_846 = arith.index_cast %parallel_loop3A_845 : i32 to index
        %parallel_loop3A_847 = arith.index_cast %parallel_loop3A_397 : i32 to index
        %parallel_loop3A_848 = tpu.vector_load %arg8[%parallel_loop3A_846, %parallel_loop3A_847] {strides = array<i32>} : memref<8x1024xf32, #tpu.memory_space<vmem>>, vector<1x16xf32>,
        %parallel_loop3A_849 = vector.shape_cast %parallel_loop3A_848 : vector<1x16xf32> to vector<16xf32>
        %parallel_loop3A_850 = arith.addf %parallel_loop3A_844, %parallel_loop3A_849 : vector<16xf32>
        %parallel_loop3A_851 = arith.constant 26 : i32
        %parallel_loop3A_852 = arith.index_cast %parallel_loop3A_851 : i32 to index
        %parallel_loop3A_853 = arith.index_cast %parallel_loop3A_397 : i32 to index
        %parallel_loop3A_854 = tpu.vector_load %arg6[%parallel_loop3A_852, %parallel_loop3A_853] {strides = array<i32>} : memref<32x1024xf32, #tpu.memory_space<vmem>>, vector<1x16xf32>,
        %parallel_loop3A_855 = vector.shape_cast %parallel_loop3A_854 : vector<1x16xf32> to vector<16xf32>
        %parallel_loop3A_856 = vector.shape_cast %parallel_loop3A_850 : vector<16xf32> to vector<1x16xf32>
        tpu.vector_store %arg6[%parallel_loop3A_852, %parallel_loop3A_853], %parallel_loop3A_856 {strides = array<i32>} : memref<32x1024xf32, #tpu.memory_space<vmem>>, vector<1x16xf32>,
        %parallel_loop3A_857 = arith.constant 27 : i32
        %parallel_loop3A_858 = arith.index_cast %parallel_loop3A_857 : i32 to index
        %parallel_loop3A_859 = arith.index_cast %parallel_loop3A_397 : i32 to index
        %parallel_loop3A_860 = tpu.vector_load %arg6[%parallel_loop3A_858, %parallel_loop3A_859] {strides = array<i32>} : memref<32x1024xf32, #tpu.memory_space<vmem>>, vector<1x16xf32>,
        %parallel_loop3A_861 = vector.shape_cast %parallel_loop3A_860 : vector<1x16xf32> to vector<16xf32>
        %parallel_loop3A_862 = arith.constant 3 : i32
        %parallel_loop3A_863 = arith.index_cast %parallel_loop3A_862 : i32 to index
        %parallel_loop3A_864 = arith.index_cast %parallel_loop3A_397 : i32 to index
        %parallel_loop3A_865 = tpu.vector_load %arg8[%parallel_loop3A_863, %parallel_loop3A_864] {strides = array<i32>} : memref<8x1024xf32, #tpu.memory_space<vmem>>, vector<1x16xf32>,
        %parallel_loop3A_866 = vector.shape_cast %parallel_loop3A_865 : vector<1x16xf32> to vector<16xf32>
        %parallel_loop3A_867 = arith.addf %parallel_loop3A_861, %parallel_loop3A_866 : vector<16xf32>
        %parallel_loop3A_868 = arith.constant 27 : i32
        %parallel_loop3A_869 = arith.index_cast %parallel_loop3A_868 : i32 to index
        %parallel_loop3A_870 = arith.index_cast %parallel_loop3A_397 : i32 to index
        %parallel_loop3A_871 = tpu.vector_load %arg6[%parallel_loop3A_869, %parallel_loop3A_870] {strides = array<i32>} : memref<32x1024xf32, #tpu.memory_space<vmem>>, vector<1x16xf32>,
        %parallel_loop3A_872 = vector.shape_cast %parallel_loop3A_871 : vector<1x16xf32> to vector<16xf32>
        %parallel_loop3A_873 = vector.shape_cast %parallel_loop3A_867 : vector<16xf32> to vector<1x16xf32>
        tpu.vector_store %arg6[%parallel_loop3A_869, %parallel_loop3A_870], %parallel_loop3A_873 {strides = array<i32>} : memref<32x1024xf32, #tpu.memory_space<vmem>>, vector<1x16xf32>,
        %parallel_loop3A_874 = arith.constant 28 : i32
        %parallel_loop3A_875 = arith.index_cast %parallel_loop3A_874 : i32 to index
        %parallel_loop3A_876 = arith.index_cast %parallel_loop3A_397 : i32 to index
        %parallel_loop3A_877 = tpu.vector_load %arg6[%parallel_loop3A_875, %parallel_loop3A_876] {strides = array<i32>} : memref<32x1024xf32, #tpu.memory_space<vmem>>, vector<1x16xf32>,
        %parallel_loop3A_878 = vector.shape_cast %parallel_loop3A_877 : vector<1x16xf32> to vector<16xf32>
        %parallel_loop3A_879 = arith.constant 4 : i32
        %parallel_loop3A_880 = arith.index_cast %parallel_loop3A_879 : i32 to index
        %parallel_loop3A_881 = arith.index_cast %parallel_loop3A_397 : i32 to index
        %parallel_loop3A_882 = tpu.vector_load %arg8[%parallel_loop3A_880, %parallel_loop3A_881] {strides = array<i32>} : memref<8x1024xf32, #tpu.memory_space<vmem>>, vector<1x16xf32>,
        %parallel_loop3A_883 = vector.shape_cast %parallel_loop3A_882 : vector<1x16xf32> to vector<16xf32>
        %parallel_loop3A_884 = arith.addf %parallel_loop3A_878, %parallel_loop3A_883 : vector<16xf32>
        %parallel_loop3A_885 = arith.constant 28 : i32
        %parallel_loop3A_886 = arith.index_cast %parallel_loop3A_885 : i32 to index
        %parallel_loop3A_887 = arith.index_cast %parallel_loop3A_397 : i32 to index
        %parallel_loop3A_888 = tpu.vector_load %arg6[%parallel_loop3A_886, %parallel_loop3A_887] {strides = array<i32>} : memref<32x1024xf32, #tpu.memory_space<vmem>>, vector<1x16xf32>,
        %parallel_loop3A_889 = vector.shape_cast %parallel_loop3A_888 : vector<1x16xf32> to vector<16xf32>
        %parallel_loop3A_890 = vector.shape_cast %parallel_loop3A_884 : vector<16xf32> to vector<1x16xf32>
        tpu.vector_store %arg6[%parallel_loop3A_886, %parallel_loop3A_887], %parallel_loop3A_890 {strides = array<i32>} : memref<32x1024xf32, #tpu.memory_space<vmem>>, vector<1x16xf32>,
        %parallel_loop3A_891 = arith.constant 29 : i32
        %parallel_loop3A_892 = arith.index_cast %parallel_loop3A_891 : i32 to index
        %parallel_loop3A_893 = arith.index_cast %parallel_loop3A_397 : i32 to index
        %parallel_loop3A_894 = tpu.vector_load %arg6[%parallel_loop3A_892, %parallel_loop3A_893] {strides = array<i32>} : memref<32x1024xf32, #tpu.memory_space<vmem>>, vector<1x16xf32>,
        %parallel_loop3A_895 = vector.shape_cast %parallel_loop3A_894 : vector<1x16xf32> to vector<16xf32>
        %parallel_loop3A_896 = arith.constant 5 : i32
        %parallel_loop3A_897 = arith.index_cast %parallel_loop3A_896 : i32 to index
        %parallel_loop3A_898 = arith.index_cast %parallel_loop3A_397 : i32 to index
        %parallel_loop3A_899 = tpu.vector_load %arg8[%parallel_loop3A_897, %parallel_loop3A_898] {strides = array<i32>} : memref<8x1024xf32, #tpu.memory_space<vmem>>, vector<1x16xf32>,
        %parallel_loop3A_900 = vector.shape_cast %parallel_loop3A_899 : vector<1x16xf32> to vector<16xf32>
        %parallel_loop3A_901 = arith.addf %parallel_loop3A_895, %parallel_loop3A_900 : vector<16xf32>
        %parallel_loop3A_902 = arith.constant 29 : i32
        %parallel_loop3A_903 = arith.index_cast %parallel_loop3A_902 : i32 to index
        %parallel_loop3A_904 = arith.index_cast %parallel_loop3A_397 : i32 to index
        %parallel_loop3A_905 = tpu.vector_load %arg6[%parallel_loop3A_903, %parallel_loop3A_904] {strides = array<i32>} : memref<32x1024xf32, #tpu.memory_space<vmem>>, vector<1x16xf32>,
        %parallel_loop3A_906 = vector.shape_cast %parallel_loop3A_905 : vector<1x16xf32> to vector<16xf32>
        %parallel_loop3A_907 = vector.shape_cast %parallel_loop3A_901 : vector<16xf32> to vector<1x16xf32>
        tpu.vector_store %arg6[%parallel_loop3A_903, %parallel_loop3A_904], %parallel_loop3A_907 {strides = array<i32>} : memref<32x1024xf32, #tpu.memory_space<vmem>>, vector<1x16xf32>,
        %parallel_loop3A_908 = arith.constant 30 : i32
        %parallel_loop3A_909 = arith.index_cast %parallel_loop3A_908 : i32 to index
        %parallel_loop3A_910 = arith.index_cast %parallel_loop3A_397 : i32 to index
        %parallel_loop3A_911 = tpu.vector_load %arg6[%parallel_loop3A_909, %parallel_loop3A_910] {strides = array<i32>} : memref<32x1024xf32, #tpu.memory_space<vmem>>, vector<1x16xf32>,
        %parallel_loop3A_912 = vector.shape_cast %parallel_loop3A_911 : vector<1x16xf32> to vector<16xf32>
        %parallel_loop3A_913 = arith.constant 6 : i32
        %parallel_loop3A_914 = arith.index_cast %parallel_loop3A_913 : i32 to index
        %parallel_loop3A_915 = arith.index_cast %parallel_loop3A_397 : i32 to index
        %parallel_loop3A_916 = tpu.vector_load %arg8[%parallel_loop3A_914, %parallel_loop3A_915] {strides = array<i32>} : memref<8x1024xf32, #tpu.memory_space<vmem>>, vector<1x16xf32>,
        %parallel_loop3A_917 = vector.shape_cast %parallel_loop3A_916 : vector<1x16xf32> to vector<16xf32>
        %parallel_loop3A_918 = arith.addf %parallel_loop3A_912, %parallel_loop3A_917 : vector<16xf32>
        %parallel_loop3A_919 = arith.constant 30 : i32
        %parallel_loop3A_920 = arith.index_cast %parallel_loop3A_919 : i32 to index
        %parallel_loop3A_921 = arith.index_cast %parallel_loop3A_397 : i32 to index
        %parallel_loop3A_922 = tpu.vector_load %arg6[%parallel_loop3A_920, %parallel_loop3A_921] {strides = array<i32>} : memref<32x1024xf32, #tpu.memory_space<vmem>>, vector<1x16xf32>,
        %parallel_loop3A_923 = vector.shape_cast %parallel_loop3A_922 : vector<1x16xf32> to vector<16xf32>
        %parallel_loop3A_924 = vector.shape_cast %parallel_loop3A_918 : vector<16xf32> to vector<1x16xf32>
        tpu.vector_store %arg6[%parallel_loop3A_920, %parallel_loop3A_921], %parallel_loop3A_924 {strides = array<i32>} : memref<32x1024xf32, #tpu.memory_space<vmem>>, vector<1x16xf32>,
        %parallel_loop3A_925 = arith.constant 31 : i32
        %parallel_loop3A_926 = arith.index_cast %parallel_loop3A_925 : i32 to index
        %parallel_loop3A_927 = arith.index_cast %parallel_loop3A_397 : i32 to index
        %parallel_loop3A_928 = tpu.vector_load %arg6[%parallel_loop3A_926, %parallel_loop3A_927] {strides = array<i32>} : memref<32x1024xf32, #tpu.memory_space<vmem>>, vector<1x16xf32>,
        %parallel_loop3A_929 = vector.shape_cast %parallel_loop3A_928 : vector<1x16xf32> to vector<16xf32>
        %parallel_loop3A_930 = arith.constant 7 : i32
        %parallel_loop3A_931 = arith.index_cast %parallel_loop3A_930 : i32 to index
        %parallel_loop3A_932 = arith.index_cast %parallel_loop3A_397 : i32 to index
        %parallel_loop3A_933 = tpu.vector_load %arg8[%parallel_loop3A_931, %parallel_loop3A_932] {strides = array<i32>} : memref<8x1024xf32, #tpu.memory_space<vmem>>, vector<1x16xf32>,
        %parallel_loop3A_934 = vector.shape_cast %parallel_loop3A_933 : vector<1x16xf32> to vector<16xf32>
        %parallel_loop3A_935 = arith.addf %parallel_loop3A_929, %parallel_loop3A_934 : vector<16xf32>
        %parallel_loop3A_936 = arith.constant 31 : i32
        %parallel_loop3A_937 = arith.index_cast %parallel_loop3A_936 : i32 to index
        %parallel_loop3A_938 = arith.index_cast %parallel_loop3A_397 : i32 to index
        %parallel_loop3A_939 = tpu.vector_load %arg6[%parallel_loop3A_937, %parallel_loop3A_938] {strides = array<i32>} : memref<32x1024xf32, #tpu.memory_space<vmem>>, vector<1x16xf32>,
        %parallel_loop3A_940 = vector.shape_cast %parallel_loop3A_939 : vector<1x16xf32> to vector<16xf32>
        %parallel_loop3A_941 = vector.shape_cast %parallel_loop3A_935 : vector<16xf32> to vector<1x16xf32>
        tpu.vector_store %arg6[%parallel_loop3A_937, %parallel_loop3A_938], %parallel_loop3A_941 {strides = array<i32>} : memref<32x1024xf32, #tpu.memory_space<vmem>>, vector<1x16xf32>,
      } {sc.loop_unroll_factor = 4 : i64, sc.parallel_access}
      %mul3A_346 = arith.constant 8 : i32
      %mul3A_347 = arith.muli %add3A_280, %mul3A_346 : i32
      %add3A_348 = arith.addi %mul3A_2, %mul3A_347 : i32
      %add3A_349 = arith.constant 0 : i32
      %add3A_350 = arith.addi %add3A_349, %add3A_348 : i32
      %dma_start3A_351 = arith.constant 0 : i32
      %dma_start3A_352 = arith.constant 0 : i32
      %dma_start3A_353 = tpu.memref_slice %arg6[%dma_start3A_351, %dma_start3A_352] : memref<32x1024xf32, #tpu.memory_space<vmem>> -> memref<8x1024xf32, #tpu.memory_space<vmem>>
      %dma_start3A_354 = arith.constant 0 : i32
      %dma_start3A_355 = tpu.memref_slice %arg4[%add3A_350, %dma_start3A_354] : memref<32768x1024xf32, #tpu.memory_space<hbm>> -> memref<8x1024xf32, #tpu.memory_space<hbm>>
      %dma_start3A_356 = arith.constant 0 : i32
      %dma_start3A_357 = tpu.memref_slice %arg4[%add3A_350, %dma_start3A_356] : memref<32768x1024xf32, #tpu.memory_space<hbm>> -> memref<8x1024xf32, #tpu.memory_space<hbm>>
      %dma_start3A_358 = arith.constant 0 : i32
      %dma_start3A_359 = arith.constant 0 : i32
      %dma_start3A_360 = tpu.memref_slice %arg6[%dma_start3A_358, %dma_start3A_359] : memref<32x1024xf32, #tpu.memory_space<vmem>> -> memref<8x1024xf32, #tpu.memory_space<vmem>>
      tpu.enqueue_dma source(%dma_start3A_360 : memref<8x1024xf32, #tpu.memory_space<vmem>>) target(%dma_start3A_357 : memref<8x1024xf32, #tpu.memory_space<hbm>>) target_semaphore(%arg12 : memref<!tpu.dma_semaphore, #tpu.memory_space<semaphore_mem>>)
      %add3A_361 = arith.constant 8192 : i32
      %add3A_362 = arith.addi %add3A_361, %add3A_348 : i32
      %dma_start3A_363 = arith.constant 8 : i32
      %dma_start3A_364 = arith.constant 0 : i32
      %dma_start3A_365 = tpu.memref_slice %arg6[%dma_start3A_363, %dma_start3A_364] : memref<32x1024xf32, #tpu.memory_space<vmem>> -> memref<8x1024xf32, #tpu.memory_space<vmem>>
      %dma_start3A_366 = arith.constant 0 : i32
      %dma_start3A_367 = tpu.memref_slice %arg4[%add3A_362, %dma_start3A_366] : memref<32768x1024xf32, #tpu.memory_space<hbm>> -> memref<8x1024xf32, #tpu.memory_space<hbm>>
      %dma_start3A_368 = arith.constant 0 : i32
      %dma_start3A_369 = tpu.memref_slice %arg4[%add3A_362, %dma_start3A_368] : memref<32768x1024xf32, #tpu.memory_space<hbm>> -> memref<8x1024xf32, #tpu.memory_space<hbm>>
      %dma_start3A_370 = arith.constant 8 : i32
      %dma_start3A_371 = arith.constant 0 : i32
      %dma_start3A_372 = tpu.memref_slice %arg6[%dma_start3A_370, %dma_start3A_371] : memref<32x1024xf32, #tpu.memory_space<vmem>> -> memref<8x1024xf32, #tpu.memory_space<vmem>>
      tpu.enqueue_dma source(%dma_start3A_372 : memref<8x1024xf32, #tpu.memory_space<vmem>>) target(%dma_start3A_369 : memref<8x1024xf32, #tpu.memory_space<hbm>>) target_semaphore(%arg12 : memref<!tpu.dma_semaphore, #tpu.memory_space<semaphore_mem>>)
      %add3A_373 = arith.constant 16384 : i32
      %add3A_374 = arith.addi %add3A_373, %add3A_348 : i32
      %dma_start3A_375 = arith.constant 16 : i32
      %dma_start3A_376 = arith.constant 0 : i32
      %dma_start3A_377 = tpu.memref_slice %arg6[%dma_start3A_375, %dma_start3A_376] : memref<32x1024xf32, #tpu.memory_space<vmem>> -> memref<8x1024xf32, #tpu.memory_space<vmem>>
      %dma_start3A_378 = arith.constant 0 : i32
      %dma_start3A_379 = tpu.memref_slice %arg4[%add3A_374, %dma_start3A_378] : memref<32768x1024xf32, #tpu.memory_space<hbm>> -> memref<8x1024xf32, #tpu.memory_space<hbm>>
      %dma_start3A_380 = arith.constant 0 : i32
      %dma_start3A_381 = tpu.memref_slice %arg4[%add3A_374, %dma_start3A_380] : memref<32768x1024xf32, #tpu.memory_space<hbm>> -> memref<8x1024xf32, #tpu.memory_space<hbm>>
      %dma_start3A_382 = arith.constant 16 : i32
      %dma_start3A_383 = arith.constant 0 : i32
      %dma_start3A_384 = tpu.memref_slice %arg6[%dma_start3A_382, %dma_start3A_383] : memref<32x1024xf32, #tpu.memory_space<vmem>> -> memref<8x1024xf32, #tpu.memory_space<vmem>>
      tpu.enqueue_dma source(%dma_start3A_384 : memref<8x1024xf32, #tpu.memory_space<vmem>>) target(%dma_start3A_381 : memref<8x1024xf32, #tpu.memory_space<hbm>>) target_semaphore(%arg12 : memref<!tpu.dma_semaphore, #tpu.memory_space<semaphore_mem>>)
      %add3A_385 = arith.constant 24576 : i32
      %add3A_386 = arith.addi %add3A_385, %add3A_348 : i32
      %dma_start3A_387 = arith.constant 24 : i32
      %dma_start3A_388 = arith.constant 0 : i32
      %dma_start3A_389 = tpu.memref_slice %arg6[%dma_start3A_387, %dma_start3A_388] : memref<32x1024xf32, #tpu.memory_space<vmem>> -> memref<8x1024xf32, #tpu.memory_space<vmem>>
      %dma_start3A_390 = arith.constant 0 : i32
      %dma_start3A_391 = tpu.memref_slice %arg4[%add3A_386, %dma_start3A_390] : memref<32768x1024xf32, #tpu.memory_space<hbm>> -> memref<8x1024xf32, #tpu.memory_space<hbm>>
      %dma_start3A_392 = arith.constant 0 : i32
      %dma_start3A_393 = tpu.memref_slice %arg4[%add3A_386, %dma_start3A_392] : memref<32768x1024xf32, #tpu.memory_space<hbm>> -> memref<8x1024xf32, #tpu.memory_space<hbm>>
      %dma_start3A_394 = arith.constant 24 : i32
      %dma_start3A_395 = arith.constant 0 : i32
      %dma_start3A_396 = tpu.memref_slice %arg6[%dma_start3A_394, %dma_start3A_395] : memref<32x1024xf32, #tpu.memory_space<vmem>> -> memref<8x1024xf32, #tpu.memory_space<vmem>>
      tpu.enqueue_dma source(%dma_start3A_396 : memref<8x1024xf32, #tpu.memory_space<vmem>>) target(%dma_start3A_393 : memref<8x1024xf32, #tpu.memory_space<hbm>>) target_semaphore(%arg12 : memref<!tpu.dma_semaphore, #tpu.memory_space<semaphore_mem>>)
    }
    %scan3A_60 = arith.constant 16 : i32
    %add3A_61 = arith.constant 240 : i32
    %add3A_62 = arith.addi %mul3A_2, %add3A_61 : i32
    %add3A_63 = arith.constant 0 : i32
    %add3A_64 = arith.addi %add3A_63, %add3A_62 : i32
    %dma_wait3A = arith.constant 0 : i32
    %dma_wait3A_65 = arith.constant 0 : i32
    %dma_wait3A_66 = tpu.memref_slice %arg5[%dma_wait3A, %dma_wait3A_65] : memref<32x1024xf32, #tpu.memory_space<vmem>> -> memref<8x1024xf32, #tpu.memory_space<vmem>>
    %dma_wait3A_67 = arith.constant 0 : i32
    %dma_wait3A_68 = tpu.memref_slice %arg4[%add3A_64, %dma_wait3A_67] : memref<32768x1024xf32, #tpu.memory_space<hbm>> -> memref<8x1024xf32, #tpu.memory_space<hbm>>
    %dma_wait3A_69 = arith.constant 0 : i32
    %dma_wait3A_70 = tpu.memref_slice %arg4[%add3A_64, %dma_wait3A_69] : memref<32768x1024xf32, #tpu.memory_space<hbm>> -> memref<8x1024xf32, #tpu.memory_space<hbm>>
    %dma_wait3A_71 = arith.constant 0 : i32
    %dma_wait3A_72 = arith.constant 0 : i32
    %dma_wait3A_73 = tpu.memref_slice %arg5[%dma_wait3A_71, %dma_wait3A_72] : memref<32x1024xf32, #tpu.memory_space<vmem>> -> memref<8x1024xf32, #tpu.memory_space<vmem>>
    tpu.wait_dma2 semaphore(%arg11 : memref<!tpu.dma_semaphore, #tpu.memory_space<semaphore_mem>>) src(%dma_wait3A_73 : memref<8x1024xf32, #tpu.memory_space<vmem>>) dst(%dma_wait3A_70 : memref<8x1024xf32, #tpu.memory_space<hbm>>)
    %add3A_74 = arith.constant 8192 : i32
    %add3A_75 = arith.addi %add3A_74, %add3A_62 : i32
    %dma_wait3A_76 = arith.constant 8 : i32
    %dma_wait3A_77 = arith.constant 0 : i32
    %dma_wait3A_78 = tpu.memref_slice %arg5[%dma_wait3A_76, %dma_wait3A_77] : memref<32x1024xf32, #tpu.memory_space<vmem>> -> memref<8x1024xf32, #tpu.memory_space<vmem>>
    %dma_wait3A_79 = arith.constant 0 : i32
    %dma_wait3A_80 = tpu.memref_slice %arg4[%add3A_75, %dma_wait3A_79] : memref<32768x1024xf32, #tpu.memory_space<hbm>> -> memref<8x1024xf32, #tpu.memory_space<hbm>>
    %dma_wait3A_81 = arith.constant 0 : i32
    %dma_wait3A_82 = tpu.memref_slice %arg4[%add3A_75, %dma_wait3A_81] : memref<32768x1024xf32, #tpu.memory_space<hbm>> -> memref<8x1024xf32, #tpu.memory_space<hbm>>
    %dma_wait3A_83 = arith.constant 8 : i32
    %dma_wait3A_84 = arith.constant 0 : i32
    %dma_wait3A_85 = tpu.memref_slice %arg5[%dma_wait3A_83, %dma_wait3A_84] : memref<32x1024xf32, #tpu.memory_space<vmem>> -> memref<8x1024xf32, #tpu.memory_space<vmem>>
    tpu.wait_dma2 semaphore(%arg11 : memref<!tpu.dma_semaphore, #tpu.memory_space<semaphore_mem>>) src(%dma_wait3A_85 : memref<8x1024xf32, #tpu.memory_space<vmem>>) dst(%dma_wait3A_82 : memref<8x1024xf32, #tpu.memory_space<hbm>>)
    %add3A_86 = arith.constant 16384 : i32
    %add3A_87 = arith.addi %add3A_86, %add3A_62 : i32
    %dma_wait3A_88 = arith.constant 16 : i32
    %dma_wait3A_89 = arith.constant 0 : i32
    %dma_wait3A_90 = tpu.memref_slice %arg5[%dma_wait3A_88, %dma_wait3A_89] : memref<32x1024xf32, #tpu.memory_space<vmem>> -> memref<8x1024xf32, #tpu.memory_space<vmem>>
    %dma_wait3A_91 = arith.constant 0 : i32
    %dma_wait3A_92 = tpu.memref_slice %arg4[%add3A_87, %dma_wait3A_91] : memref<32768x1024xf32, #tpu.memory_space<hbm>> -> memref<8x1024xf32, #tpu.memory_space<hbm>>
    %dma_wait3A_93 = arith.constant 0 : i32
    %dma_wait3A_94 = tpu.memref_slice %arg4[%add3A_87, %dma_wait3A_93] : memref<32768x1024xf32, #tpu.memory_space<hbm>> -> memref<8x1024xf32, #tpu.memory_space<hbm>>
    %dma_wait3A_95 = arith.constant 16 : i32
    %dma_wait3A_96 = arith.constant 0 : i32
    %dma_wait3A_97 = tpu.memref_slice %arg5[%dma_wait3A_95, %dma_wait3A_96] : memref<32x1024xf32, #tpu.memory_space<vmem>> -> memref<8x1024xf32, #tpu.memory_space<vmem>>
    tpu.wait_dma2 semaphore(%arg11 : memref<!tpu.dma_semaphore, #tpu.memory_space<semaphore_mem>>) src(%dma_wait3A_97 : memref<8x1024xf32, #tpu.memory_space<vmem>>) dst(%dma_wait3A_94 : memref<8x1024xf32, #tpu.memory_space<hbm>>)
    %add3A_98 = arith.constant 24576 : i32
    %add3A_99 = arith.addi %add3A_98, %add3A_62 : i32
    %dma_wait3A_100 = arith.constant 24 : i32
    %dma_wait3A_101 = arith.constant 0 : i32
    %dma_wait3A_102 = tpu.memref_slice %arg5[%dma_wait3A_100, %dma_wait3A_101] : memref<32x1024xf32, #tpu.memory_space<vmem>> -> memref<8x1024xf32, #tpu.memory_space<vmem>>
    %dma_wait3A_103 = arith.constant 0 : i32
    %dma_wait3A_104 = tpu.memref_slice %arg4[%add3A_99, %dma_wait3A_103] : memref<32768x1024xf32, #tpu.memory_space<hbm>> -> memref<8x1024xf32, #tpu.memory_space<hbm>>
    %dma_wait3A_105 = arith.constant 0 : i32
    %dma_wait3A_106 = tpu.memref_slice %arg4[%add3A_99, %dma_wait3A_105] : memref<32768x1024xf32, #tpu.memory_space<hbm>> -> memref<8x1024xf32, #tpu.memory_space<hbm>>
    %dma_wait3A_107 = arith.constant 24 : i32
    %dma_wait3A_108 = arith.constant 0 : i32
    %dma_wait3A_109 = tpu.memref_slice %arg5[%dma_wait3A_107, %dma_wait3A_108] : memref<32x1024xf32, #tpu.memory_space<vmem>> -> memref<8x1024xf32, #tpu.memory_space<vmem>>
    tpu.wait_dma2 semaphore(%arg11 : memref<!tpu.dma_semaphore, #tpu.memory_space<semaphore_mem>>) src(%dma_wait3A_109 : memref<8x1024xf32, #tpu.memory_space<vmem>>) dst(%dma_wait3A_106 : memref<8x1024xf32, #tpu.memory_space<hbm>>)
    %add3A_110 = arith.constant 248 : i32
    %add3A_111 = arith.addi %mul3A_2, %add3A_110 : i32
    %add3A_112 = arith.constant 0 : i32
    %add3A_113 = arith.addi %add3A_112, %add3A_111 : i32
    %dma_wait3A_114 = arith.constant 0 : i32
    %dma_wait3A_115 = arith.constant 0 : i32
    %dma_wait3A_116 = tpu.memref_slice %arg6[%dma_wait3A_114, %dma_wait3A_115] : memref<32x1024xf32, #tpu.memory_space<vmem>> -> memref<8x1024xf32, #tpu.memory_space<vmem>>
    %dma_wait3A_117 = arith.constant 0 : i32
    %dma_wait3A_118 = tpu.memref_slice %arg4[%add3A_113, %dma_wait3A_117] : memref<32768x1024xf32, #tpu.memory_space<hbm>> -> memref<8x1024xf32, #tpu.memory_space<hbm>>
    %dma_wait3A_119 = arith.constant 0 : i32
    %dma_wait3A_120 = tpu.memref_slice %arg4[%add3A_113, %dma_wait3A_119] : memref<32768x1024xf32, #tpu.memory_space<hbm>> -> memref<8x1024xf32, #tpu.memory_space<hbm>>
    %dma_wait3A_121 = arith.constant 0 : i32
    %dma_wait3A_122 = arith.constant 0 : i32
    %dma_wait3A_123 = tpu.memref_slice %arg6[%dma_wait3A_121, %dma_wait3A_122] : memref<32x1024xf32, #tpu.memory_space<vmem>> -> memref<8x1024xf32, #tpu.memory_space<vmem>>
    tpu.wait_dma2 semaphore(%arg12 : memref<!tpu.dma_semaphore, #tpu.memory_space<semaphore_mem>>) src(%dma_wait3A_123 : memref<8x1024xf32, #tpu.memory_space<vmem>>) dst(%dma_wait3A_120 : memref<8x1024xf32, #tpu.memory_space<hbm>>)
    %add3A_124 = arith.constant 8192 : i32
    %add3A_125 = arith.addi %add3A_124, %add3A_111 : i32
    %dma_wait3A_126 = arith.constant 8 : i32
    %dma_wait3A_127 = arith.constant 0 : i32
    %dma_wait3A_128 = tpu.memref_slice %arg6[%dma_wait3A_126, %dma_wait3A_127] : memref<32x1024xf32, #tpu.memory_space<vmem>> -> memref<8x1024xf32, #tpu.memory_space<vmem>>
    %dma_wait3A_129 = arith.constant 0 : i32
    %dma_wait3A_130 = tpu.memref_slice %arg4[%add3A_125, %dma_wait3A_129] : memref<32768x1024xf32, #tpu.memory_space<hbm>> -> memref<8x1024xf32, #tpu.memory_space<hbm>>
    %dma_wait3A_131 = arith.constant 0 : i32
    %dma_wait3A_132 = tpu.memref_slice %arg4[%add3A_125, %dma_wait3A_131] : memref<32768x1024xf32, #tpu.memory_space<hbm>> -> memref<8x1024xf32, #tpu.memory_space<hbm>>
    %dma_wait3A_133 = arith.constant 8 : i32
    %dma_wait3A_134 = arith.constant 0 : i32
    %dma_wait3A_135 = tpu.memref_slice %arg6[%dma_wait3A_133, %dma_wait3A_134] : memref<32x1024xf32, #tpu.memory_space<vmem>> -> memref<8x1024xf32, #tpu.memory_space<vmem>>
    tpu.wait_dma2 semaphore(%arg12 : memref<!tpu.dma_semaphore, #tpu.memory_space<semaphore_mem>>) src(%dma_wait3A_135 : memref<8x1024xf32, #tpu.memory_space<vmem>>) dst(%dma_wait3A_132 : memref<8x1024xf32, #tpu.memory_space<hbm>>)
    %add3A_136 = arith.constant 16384 : i32
    %add3A_137 = arith.addi %add3A_136, %add3A_111 : i32
    %dma_wait3A_138 = arith.constant 16 : i32
    %dma_wait3A_139 = arith.constant 0 : i32
    %dma_wait3A_140 = tpu.memref_slice %arg6[%dma_wait3A_138, %dma_wait3A_139] : memref<32x1024xf32, #tpu.memory_space<vmem>> -> memref<8x1024xf32, #tpu.memory_space<vmem>>
    %dma_wait3A_141 = arith.constant 0 : i32
    %dma_wait3A_142 = tpu.memref_slice %arg4[%add3A_137, %dma_wait3A_141] : memref<32768x1024xf32, #tpu.memory_space<hbm>> -> memref<8x1024xf32, #tpu.memory_space<hbm>>
    %dma_wait3A_143 = arith.constant 0 : i32
    %dma_wait3A_144 = tpu.memref_slice %arg4[%add3A_137, %dma_wait3A_143] : memref<32768x1024xf32, #tpu.memory_space<hbm>> -> memref<8x1024xf32, #tpu.memory_space<hbm>>
    %dma_wait3A_145 = arith.constant 16 : i32
    %dma_wait3A_146 = arith.constant 0 : i32
    %dma_wait3A_147 = tpu.memref_slice %arg6[%dma_wait3A_145, %dma_wait3A_146] : memref<32x1024xf32, #tpu.memory_space<vmem>> -> memref<8x1024xf32, #tpu.memory_space<vmem>>
    tpu.wait_dma2 semaphore(%arg12 : memref<!tpu.dma_semaphore, #tpu.memory_space<semaphore_mem>>) src(%dma_wait3A_147 : memref<8x1024xf32, #tpu.memory_space<vmem>>) dst(%dma_wait3A_144 : memref<8x1024xf32, #tpu.memory_space<hbm>>)
    %add3A_148 = arith.constant 24576 : i32
    %add3A_149 = arith.addi %add3A_148, %add3A_111 : i32
    %dma_wait3A_150 = arith.constant 24 : i32
    %dma_wait3A_151 = arith.constant 0 : i32
    %dma_wait3A_152 = tpu.memref_slice %arg6[%dma_wait3A_150, %dma_wait3A_151] : memref<32x1024xf32, #tpu.memory_space<vmem>> -> memref<8x1024xf32, #tpu.memory_space<vmem>>
    %dma_wait3A_153 = arith.constant 0 : i32
    %dma_wait3A_154 = tpu.memref_slice %arg4[%add3A_149, %dma_wait3A_153] : memref<32768x1024xf32, #tpu.memory_space<hbm>> -> memref<8x1024xf32, #tpu.memory_space<hbm>>
    %dma_wait3A_155 = arith.constant 0 : i32
    %dma_wait3A_156 = tpu.memref_slice %arg4[%add3A_149, %dma_wait3A_155] : memref<32768x1024xf32, #tpu.memory_space<hbm>> -> memref<8x1024xf32, #tpu.memory_space<hbm>>
    %dma_wait3A_157 = arith.constant 24 : i32
    %dma_wait3A_158 = arith.constant 0 : i32
    %dma_wait3A_159 = tpu.memref_slice %arg6[%dma_wait3A_157, %dma_wait3A_158] : memref<32x1024xf32, #tpu.memory_space<vmem>> -> memref<8x1024xf32, #tpu.memory_space<vmem>>
    tpu.wait_dma2 semaphore(%arg12 : memref<!tpu.dma_semaphore, #tpu.memory_space<semaphore_mem>>) src(%dma_wait3A_159 : memref<8x1024xf32, #tpu.memory_space<vmem>>) dst(%dma_wait3A_156 : memref<8x1024xf32, #tpu.memory_space<hbm>>)
    return
  }
}

</mosaic_0001>

<sc_bundles>
// kernel: kernel.3.cloned.1.call-start
scs
__scs_entry_jumppad:
0x0: {  	(pc) =	sbr.rel $0x88, $3  }
0x1: {  	(tag) =	ssettag $0x0;
	lr =	simm.s32 $0x1  }
0x2: {  	[smem:$0x3F9F] =	sst lr;
	_ =	strace $0xD0000000  }
0x3: {  	_ = 	snop  }
0x4: {  	_ = 	snop  }
0x5: {  	_ = 	snop  }
0x6: {  	_ = 	snop  }
0x7: {  	_ = 	snop  }
__scs_overlays_trampoline_lowered:
0x8: {  	[smem:$0x3FAE] =	sst s0  }
0x9: {  	[smem:$0x3FAF] =	sst s1  }
0xa: {  	[smem:$0x3FB0] =	sst s2  }
0xb: {  	[smem:$0x3FB1] =	sst s3  }
0xc: {  	[smem:$0x3FB2] =	sst s4  }
0xd: {  	[smem:$0x3FB3] =	sst s5  }
0xe: {  	[smem:$0x3FB4] =	sst s6  }
0xf: {  	[smem:$0x3FB5] =	sst s7  }
0x10: {  	[smem:$0x3FB6] =	sst s8  }
0x11: {  	[smem:$0x3FB7] =	sst s9;
	s0 =	simm.s32 @!p0 $0x0  }
0x12: {  	s1 =	sld [smem:$0x3F9D];
	s0 =	simm.s32 @p0 $0x1  }
0x13: {  	[smem:$0x3FB8] =	sst s0;
	s0 =	simm.s32 @!p1 $0x0  }
0x14: {  	s2 =	sld [smem:$0x3F9C];
	s0 =	simm.s32 @p1 $0x1  }
0x15: {  	[smem:$0x3FB9] =	sst s0;
	s0 =	simm.s32 @!p2 $0x0  }
0x16: {  	s3 =	sld [smem:$0x3FDB];
	s0 =	simm.s32 @p2 $0x1  }
0x17: {  	s4 =	simm.s32 $0x1BF5;
	[smem:$0x3FBB] =	sst s0  }
0x18: {  	s0 =	sld [smem:$0x3F9E];
	_ =	swait.ge [sflag:s4], $0x0  }
0x19: {  	s7 =	sld [smem:$0x3F9F]  }
0x1a: {  	s8 =	sadd.s32 $0xFFFFE003, lr  }
0x1b: {  	s9 =	sadd.s32 $0xFFFFFEF7, lr;
	s5 =	simm.s32 $0xFFFFFFFF;
	p2 =	slt.u32 s8, $0xFFFFF086  }
0x1c: {  	p1 =	slt.u32 s9, $0xF7A;
	s5 =	simm.s32 @!p2 $0x0  }
0x1d: {  	s5 =	simm.s32 @p1 $0x1;
	p0 =	seq.s32 s7, s2  }
0x1e: {  	s7 =	smul.u32 @!p0 $0xF7A, s2;
	p2 =	seq.s32 @!p0 s5, $0x0  }
0x1f: {  	s9 =	smul.u32 $0xF7A, s1;
	s8 =	simm.s32 @!p0 $0x1BF5;
	p2 =	por !p2, p0  }
0x20: {  	[sflag:s8] =	ssyncset.s32 @!p0 $0xFFFFF086;
	s6 =	sadd.s32 @!p0 s3, s7;
	s7 =	simm.s32 @!p0 $0x108  }
0x21: {  	s3 =	sadd.s32 s3, s9;
	s6 =	sadd.s32 @!p0 $0x88, s6;
	s7 =	simm.s32 @p2 $0x1082  }
0x22: {  	[simem:s7], [sflag:s8] =	dma.local @!p0 [hbm:s6], $0xF7A  }
0x23: {  	s9 =	sor.u32 $0xD0000000, s2;
	s6 =	simm.s32 $0x108;
	_ =	swait.ge @!p0 [sflag:s8], $0x0  }
0x24: {  	s3 =	sadd.s32 $0x88, s3;
	s6 =	simm.s32 @!p1 $0x1082;
	[sflag:s4] =	ssyncset.s32 $0xFFFFF086  }
0x25: {  	[simem:s6], [sflag:s4] =	dma.local [hbm:s3], $0xF7A  }
0x26: {  	[smem:$0x3F9F] =	sst s1;
	(tag) =	ssettag s2;
	_ =	strace s9  }
0x27: {  	s1 =	sld [smem:$0x3FAF]  }
0x28: {  	s2 =	sld [smem:$0x3FB0]  }
0x29: {  	s4 =	sld [smem:$0x3FB2]  }
0x2a: {  	p0 =	seq.s32 s5, $0x0;
	s5 =	sld [smem:$0x3FB3]  }
0x2b: {  	s6 =	sld [smem:$0x3FB4]  }
0x2c: {  	s7 =	sld [smem:$0x3FB5]  }
0x2d: {  	s3 =	simm.s32 $0x108;
	s8 =	sld [smem:$0x3FB6]  }
0x2e: {  	s3 =	simm.s32 @!p0 $0x1082;
	s9 =	sld [smem:$0x3FB7]  }
0x2f: {  	lr =	sadd.s32 s0, s3;
	s0 =	sld [smem:$0x3FAE]  }
0x30: {  	s3 =	sld [smem:$0x3FB1]  }
0x31: {  	[smem:$0x3FBA] =	sst s10  }
0x32: {  	s10 =	sld [smem:$0x3FB8];
	_ =	sdelay $0x3  }
0x33: {  	p0 =	seq.s32 s10, $0x1;
	s10 =	sld [smem:$0x3FBA];
	_ =	sdelay $0x3  }
0x34: {  	[smem:$0x3FBA] =	sst s10  }
0x35: {  	s10 =	sld [smem:$0x3FB9];
	_ =	sdelay $0x3  }
0x36: {  	p1 =	seq.s32 s10, $0x1;
	s10 =	sld [smem:$0x3FBA];
	_ =	sdelay $0x3  }
0x37: {  	[smem:$0x3FBA] =	sst s10  }
0x38: {  	s10 =	sld [smem:$0x3FBB]  }
0x39: {  	_ = 	snop;
	(pc) =	sbr.ind lr, $3  }
0x3a: {  	_ = 	snop  }
0x3b: {  	_ = 	snop  }
0x3c: {  	p2 =	seq.s32 s10, $0x1;
	s10 =	sld [smem:$0x3FBA]  }
0x3d: {  	_ =	shalt  }
0x3e: {  	_ =	shalt  }
0x3f: {  	_ =	shalt  }
0x40: {  	_ =	shalt  }
0x41: {  	_ =	shalt  }
0x42: {  	_ =	shalt  }
0x43: {  	_ =	shalt  }
0x44: {  	_ =	shalt  }
0x45: {  	_ =	shalt  }
0x46: {  	_ =	shalt  }
0x47: {  	_ =	shalt  }
0x48: {  	_ =	shalt  }
0x49: {  	_ =	shalt  }
0x4a: {  	_ =	shalt  }
0x4b: {  	_ =	shalt  }
0x4c: {  	_ =	shalt  }
0x4d: {  	_ =	shalt  }
0x4e: {  	_ =	shalt  }
0x4f: {  	_ =	shalt  }
0x50: {  	_ =	shalt  }
0x51: {  	_ =	shalt  }
0x52: {  	_ =	shalt  }
0x53: {  	_ =	shalt  }
0x54: {  	_ =	shalt  }
0x55: {  	_ =	shalt  }
0x56: {  	_ =	shalt  }
0x57: {  	_ =	shalt  }
0x58: {  	_ =	shalt  }
0x59: {  	_ =	shalt  }
0x5a: {  	_ =	shalt  }
0x5b: {  	_ =	shalt  }
0x5c: {  	_ =	shalt  }
0x5d: {  	_ =	shalt  }
0x5e: {  	_ =	shalt  }
0x5f: {  	_ =	shalt  }
0x60: {  	_ =	shalt  }
0x61: {  	_ =	shalt  }
0x62: {  	_ =	shalt  }
0x63: {  	_ =	shalt  }
0x64: {  	_ =	shalt  }
0x65: {  	_ =	shalt  }
0x66: {  	_ =	shalt  }
0x67: {  	_ =	shalt  }
0x68: {  	_ =	shalt  }
0x69: {  	_ =	shalt  }
0x6a: {  	_ =	shalt  }
0x6b: {  	_ =	shalt  }
0x6c: {  	_ =	shalt  }
0x6d: {  	_ =	shalt  }
0x6e: {  	_ =	shalt  }
0x6f: {  	_ =	shalt  }
0x70: {  	_ =	shalt  }
0x71: {  	_ =	shalt  }
0x72: {  	_ =	shalt  }
0x73: {  	_ =	shalt  }
0x74: {  	_ =	shalt  }
0x75: {  	_ =	shalt  }
0x76: {  	_ =	shalt  }
0x77: {  	_ =	shalt  }
0x78: {  	_ =	shalt  }
0x79: {  	_ =	shalt  }
0x7a: {  	_ =	shalt  }
0x7b: {  	_ =	shalt  }
0x7c: {  	_ =	shalt  }
0x7d: {  	_ =	shalt  }
0x7e: {  	_ =	shalt  }
0x7f: {  	_ =	shalt  }
0x80: {  	_ =	shalt  }
0x81: {  	_ =	shalt  }
0x82: {  	_ =	shalt  }
0x83: {  	_ =	shalt  }
0x84: {  	_ =	shalt  }
0x85: {  	_ =	shalt  }
0x86: {  	_ =	shalt  }
0x87: {  	_ =	shalt  }
.Lfunc_end0:
.L_simem_size_0:
called_computation_lowered:
.L_overlay_start_0:
0x88: {  	s2 =	sld [smem:$0x3FD9]  }
0x89: {  	s3 =	sld [smem:$0x3FFE];
	_ =	sdelay $0x1  }
0x8a: {  	s1 =	srdreg.scid  }
0x8b: {  	s0 =	sand.u32 $0x1, s1  }
0x8c: {  	s18 =	sshll.u32 s0, $0xA;
	s2 =	sadd.s32 s3, s2  }
0x8d: {  	s2 =	sadd.s32 s2, s18  }
0x8e: {  	[smem:$0x3FC6] =	sst s2  }
0x8f: {  	_ = 	snop  }
0x90: {  	s2 =	sld [smem:$0x3FC9]  }
0x91: {  	s19 =	sld [smem:$0x3FC8]  }
0x92: {  	s4 =	sld [smem:$0x3FD0];
	(tm) =	ssettm $0x1  }
0x93: {  	s5 =	sld [smem:$0x3FFB];
	_ =	sdelay $0x3  }
0x94: {  	_ =	strace s5  }
0x95: {  	s5 =	sld [smem:$0x3FFC];
	_ =	sdelay $0x3  }
0x96: {  	_ =	strace s5  }
0x97: {  	s5 =	sld [smem:$0x3FFD];
	_ =	sdelay $0x3  }
0x98: {  	_ =	strace s5  }
0x99: {  	_ =	strace $0x8FFFFFFF  }
0x9a: {  	s20 =	sld [smem:$0x3FDB];
	_ =	sdelay $0x1  }
0x9b: {  	s6 =	simm.s32 $_scs_section_size  }
0x9c: {  	s7 =	simm.s32 $_size__tile_overlayer_lowered;
	s8 =	simm.s32 $_tile_overlayer_lowered  }
0x9d: {  	s23 =	simm.s32 $0x1BFF;
	s22 =	sshll.u32 s8, $0x1;
	s5 =	sadd.s32 s6, s20  }
0x9e: {  	s9 =	simm.s32 $0x0;
	s21 =	sshll.u32 s7, $0x1;
	s7 =	sadd.s32 s22, s5  }
0x9f: {  	[timem:s9], [sflag:s23] =	dma.local [hbm:s7], s21  }
0xa0: {  	_ =	swait.ge [sflag:s23], s21  }
0xa1: {  	s6 =	ssub.s32 $0x0, s21;
	[sflag:s23] =	ssyncset.done $0x0  }
0xa2: {  	[sflag:s23] =	ssyncadd.s32 s6;
	_ =	sdelay $0x1  }
0xa3: {  	s24 =	simm.s32 $0x1B8B  }
0xa4: {  	_ =	swait.ge [sflag:s24], $0x1  }
0xa5: {  	[sflag:s24] =	ssyncset.done $0x0  }
0xa6: {  	s25 =	simm.s32 $0x1B8E;
	[sflag:s24] =	ssyncadd.s32 $0xFFFFFFFF  }
0xa7: {  	s26 =	simm.s32 $execute0_lowered;
	[smem:$0x3FD2] =	sst s25  }
0xa8: {  	s6 =	sshll.u32 s26, $0x1;
	_ =	strace $0x80000046;
	[dreg:$0x1] =	wrdreg $0xFFFFFFFF  }
0xa9: {  	s28 =	simm.s32 $_size_execute0_lowered;
	s5 =	sadd.s32 s5, s6;
	[dreg:$0x0] =	wrdreg $0x0  }
0xaa: {  	s6 =	sshll.u32 s28, $0x1;
	[dreg:$0x2] =	wrdreg s5  }
0xab: {  	[dreg:$0x3] =	wrdreg s6  }
0xac: {  	[dreg:$0x4] =	wrdreg $0xC0  }
0xad: {  	_ =	task [dreg:s9], $0x5FFFF  }
0xae: {  	[dreg:$0x1] =	wrdreg $0xFFFFFFFF  }
0xaf: {  	[dreg:$0x0] =	wrdreg $0x60  }
0xb0: {  	[dreg:$0x2] =	wrdreg s2  }
0xb1: {  	[dreg:$0x3] =	wrdreg s19  }
0xb2: {  	[dreg:$0x4] =	wrdreg s4  }
0xb3: {  	[dreg:$0x5] =	wrdreg $0x9  }
0xb4: {  	_ =	task.clear_ibuf [dreg:s9], $0x6FFFF;
	_ =	strace $0x90000046  }
0xb5: {  	s29 =	simm.s32 $0x9;
	_ =	strace $0x80000048  }
0xb6: {  	_ =	swait.ge [sflag:s29], $0x1  }
0xb7: {  	[sflag:s29] =	ssyncadd.s32 $0xFFFFFFFF  }
0xb8: {  	_ =	strace $0x90000048  }
0xb9: {  	_ =	sfence  }
0xba: {  	s30 =	sld [smem:$0x0];
	_ =	sdelay $0x2  }
0xbb: {  	s31 =	sshll.u32 s1, $0xD;
	s1 =	sshrl.u32 s1, $0x2  }
0xbc: {  	s3 =	sand.u32 $0x4000, s31;
	s1 =	sadd.s32 s1, s30  }
0xbd: {  	s0 =	sor.u32 s3, s0;
	s1 =	sshll.u32 s1, $0x11  }
0xbe: {  	s0 =	sor.u32 s1, s0  }
0xbf: {  	s0 =	sadd.s32 $0x8F2B, s0  }
0xc0: {  	[sflag:s0] =	ssyncadd.remote.s32 $0x1  }
0xc1: {  	_ =	sfence.sel $0xFFFF  }
0xc2: {  	[dreg:$0x0] =	wrdreg $0xFFFFFFFF;
	(pc) =	sbr.abs _section_cstart, $3  }
0xc3: {  	[dreg:$0x1] =	wrdreg $0xFFFFFFFF  }
0xc4: {  	_ =	task.clear_ibuf [dreg:s9], $0x2FFFF;
	_ =	strace $0x9FFFFFFF  }
0xc5: {  	(tm) =	ssettm $0x7FFFFFFF  }
tec
execute0_lowered:
.L_overlay_start_1:
0x0: {  	(tag) =	ssettag $0x1  }
0x1: {  	s3 =	rddreg [dreg:$0x0]  }
0x2: {  	s4 =	rddreg [dreg:$0x1]  }
0x3: {  	s5 =	rddreg [dreg:$0x2];
	s6 =	simm.s32 $0x0  }
0x4: {  	s0 =	srdreg.scid;
	[smem:$0x7FF] =	sst s6;
	s22 =	sadd.s32 $0x100000, s3  }
0x5: {  	s23 =	sadd.s32 $0x200000, s3;
	_ =	strace $0x80000047;
	[smem:$0x7F1] =	sst s22  }
0x6: {  	s1 =	stileid.u32;
	s25 =	sadd.s32 $0x300000, s3;
	[smem:$0x7F3] =	sst s23  }
0x7: {  	s0 =	sand.u32 $0x1, s0;
	s26 =	sadd.s32 $0x100000, s5;
	[smem:$0x7F5] =	sst s25  }
0x8: {  	s1 =	sshll.u32 s1, $0x9;
	s28 =	sadd.s32 $0x200000, s5;
	[smem:$0x7F7] =	sst s26  }
0x9: {  	s29 =	sadd.s32 $0x300000, s5;
	s2 =	sshll.u32 s0, $0x8;
	[smem:$0x7F8] =	sst s28  }
0xa: {  	[smem:$0x7F9] =	sst s29;
	s7 =	sor.u32 s2, s1  }
0xb: {  	s2 =	sshll.u32 s7, $0x7;
	[smem:$0x7FA] =	sst s7;
	s30 =	sor.u32 $0x10, s7  }
0xc: {  	s20 =	sadd.s32 s4, s2;
	[smem:$0x7FB] =	sst s30  }
0xd: {  	s0 =	ssub.s32 $0x2, s0;
	s21 =	sadd.s32 s3, s2;
	[smem:$0x7EF] =	sst s20  }
0xe: {  	s19 =	sshrl.u32 s0, $0x1;
	s1 =	sadd.s32 s2, s22;
	[smem:$0x7F0] =	sst s21  }
0xf: {  	s0 =	ssub.s32 s0, s19;
	s24 =	sadd.s32 s2, s23;
	[smem:$0x7F2] =	sst s1  }
0x10: {  	s5 =	simm.s32 $0xC000;
	s0 =	smax.u32 s0, $0x1;
	[smem:$0x7F4] =	sst s24  }
0x11: {  	s6 =	simm.s32 $0xE000;
	s31 =	sor.u32 $0x400, s2;
	[smem:$0x7FC] =	sst s0  }
0x12: {  	s3 =	simm.s32 $0x8000;
	s1 =	sadd.s32 s2, s25;
	[smem:$0x7FD] =	sst s31  }
0x13: {  	s4 =	simm.s32 $0xA000;
	s2 =	simm.s32 $0x0;
	[smem:$0x7F6] =	sst s1  }
.LBB2_1:
0x14: {  	s1 =	sld [smem:$0x7EF];
	_ =	sdelay $0x1  }
0x15: {  	s0 =	simm.s32 $0x0;
	s23 =	simm.s32 $0x10000;
	s24 =	sld [smem:$0x7F0]  }
0x16: {  	[tilespmem:s23], [sflag:$0x1] =	stream.linear.gather [hbm4b:s1+s0], $0x2000, $0x38;
	[tilespmem:$0x14000] =	vst v63  }
0x17: {  	s25 =	sld [smem:$0x7F2]  }
0x18: {  	[tilespmem:s0], [sflag:$0x1] =	stream.linear.gather [hbm4b:s24+s0], $0x2000, $0x38;
	[tilespmem:$0x14000] =	vst v63  }
0x19: {  	s26 =	simm.s32 $0x2000;
	s28 =	sld [smem:$0x7F4]  }
0x1a: {  	[tilespmem:s26], [sflag:$0x1] =	stream.linear.gather [hbm4b:s25+s0], $0x2000, $0x38;
	[tilespmem:$0x14000] =	vst v63  }
0x1b: {  	s29 =	simm.s32 $0x4000;
	s30 =	sld [smem:$0x7F6]  }
0x1c: {  	[tilespmem:s29], [sflag:$0x1] =	stream.linear.gather [hbm4b:s28+s0], $0x2000, $0x38;
	[tilespmem:$0x14000] =	vst v63  }
0x1d: {  	[smem:$0x7EE] =	sst s2;
	s31 =	simm.s32 $0x6000;
	s1 =	simm.s32 $0x0  }
0x1e: {  	[tilespmem:s31], [sflag:$0x1] =	stream.linear.gather [hbm4b:s30+s0], $0x2000, $0x38;
	[tilespmem:$0x14000] =	vst v63  }
.LBB2_2:
0x1f: {  	p0 =	seq.s32 s1, $0x0  }
0x20: {  	s0 =	simm.s32 @!p0 $0x4  }
0x21: {  	_ =	swait.ge @!p0 [sflag:s0], $0x2000  }
0x22: {  	[sflag:s0] =	ssyncset.done @!p0 $0x0  }
0x23: {  	[sflag:s0] =	ssyncadd.s32 @!p0 $0xFFFFE000  }
0x24: {  	_ =	swait.ge @!p0 [sflag:s0], $0x2000  }
0x25: {  	[sflag:s0] =	ssyncset.done @!p0 $0x0  }
0x26: {  	[sflag:s0] =	ssyncadd.s32 @!p0 $0xFFFFE000  }
0x27: {  	_ =	swait.ge @!p0 [sflag:s0], $0x2000  }
0x28: {  	[sflag:s0] =	ssyncset.done @!p0 $0x0  }
0x29: {  	[sflag:s0] =	ssyncadd.s32 @!p0 $0xFFFFE000  }
0x2a: {  	_ =	swait.ge @!p0 [sflag:s0], $0x2000  }
0x2b: {  	s2 =	sld [smem:$0x7FD]  }
0x2c: {  	[sflag:s0] =	ssyncset.done @!p0 $0x0  }
0x2d: {  	s11 =	sshll.u32 s1, $0xB;
	[smem:$0x7CC] =	sst s1;
	[sflag:s0] =	ssyncadd.s32 @!p0 $0xFFFFE000  }
0x2e: {  	s10 =	simm.s32 $0x0;
	s0 =	rddreg [dreg:$0x1];
	s2 =	sadd.s32 s2, s11  }
0x2f: {  	s12 =	simm.s32 $0x12000;
	s13 =	rddreg [dreg:$0x0];
	s0 =	sadd.s32 s0, s2  }
0x30: {  	[tilespmem:s12], [sflag:$0x2] =	stream.linear.gather [hbm4b:s0+s10], $0x2000, $0x38;
	[tilespmem:$0x14000] =	vst v63  }
0x31: {  	s14 =	sadd.s32 s13, s2;
	s15 =	sor.u32 $0x100000, s2;
	[smem:$0x7CF] =	sst s2  }
0x32: {  	[tilespmem:s3], [sflag:$0x2] =	stream.linear.gather [hbm4b:s14+s10], $0x2000, $0x38;
	[tilespmem:$0x14000] =	vst v63  }
0x33: {  	s16 =	sor.u32 $0x200000, s2;
	[smem:$0x7CD] =	sst s15;
	s0 =	sadd.s32 s13, s15  }
0x34: {  	[tilespmem:s4], [sflag:$0x2] =	stream.linear.gather [hbm4b:s0+s10], $0x2000, $0x38;
	[tilespmem:$0x14000] =	vst v63  }
0x35: {  	s17 =	sor.u32 $0x300000, s2;
	[smem:$0x7CE] =	sst s16;
	s0 =	sadd.s32 s13, s16  }
0x36: {  	[tilespmem:s5], [sflag:$0x2] =	stream.linear.gather [hbm4b:s0+s10], $0x2000, $0x38;
	[tilespmem:$0x14000] =	vst v63  }
0x37: {  	s18 =	simm.s32 $0x1;
	[smem:$0x7D0] =	sst s17;
	s0 =	sadd.s32 s13, s17  }
0x38: {  	[tilespmem:s6], [sflag:$0x2] =	stream.linear.gather [hbm4b:s0+s10], $0x2000, $0x38;
	[tilespmem:$0x14000] =	vst v63  }
0x39: {  	_ =	swait.ge [sflag:s18], $0x2000  }
0x3a: {  	[sflag:s18] =	ssyncset.done $0x0  }
0x3b: {  	[sflag:s18] =	ssyncadd.s32 $0xFFFFE000  }
0x3c: {  	_ =	swait.ge [sflag:s18], $0x2000  }
0x3d: {  	[sflag:s18] =	ssyncset.done $0x0  }
0x3e: {  	[sflag:s18] =	ssyncadd.s32 $0xFFFFE000  }
0x3f: {  	_ =	swait.ge [sflag:s18], $0x2000  }
0x40: {  	[sflag:s18] =	ssyncset.done $0x0  }
0x41: {  	[sflag:s18] =	ssyncadd.s32 $0xFFFFE000  }
0x42: {  	_ =	swait.ge [sflag:s18], $0x2000  }
0x43: {  	[sflag:s18] =	ssyncset.done $0x0  }
0x44: {  	s11 =	simm.s32 $0x0;
	[sflag:s18] =	ssyncadd.s32 $0xFFFFE000  }
0x45: {  	s12 =	sand.u32 $0x40, s11;
	_ =	swait.ge [sflag:s18], $0x2000  }
0x46: {  	s19 =	sand.u32 $0x1C00, s10;
	s5 =	sor.u32 $0x30, s12;
	[sflag:s18] =	ssyncset.done $0x0  }
0x47: {  	s0 =	sor.u32 s5, s19;
	[sflag:s18] =	ssyncadd.s32 $0xFFFFE000  }
0x48: {  	v0 =	vld [tilespmem:s0+$0x0]  }
0x49: {  	v1 =	vld [tilespmem:s0+$0x10000]  }
0x4a: {  	v2 =	vld [tilespmem:s0+$0x80]  }
0x4b: {  	v3 =	vld [tilespmem:s0+$0x10080]  }
0x4c: {  	v4 =	vld [tilespmem:s0+$0x100]  }
0x4d: {  	v5 =	vld [tilespmem:s0+$0x10100]  }
0x4e: {  	v6 =	vld [tilespmem:s0+$0x180]  }
0x4f: {  	v7 =	vld [tilespmem:s0+$0x10180];
	_ =	sdelay $0x1  }
0x50: {  	s1 =	simm.s32 $0x1;
	p0 =	por $0x0, $0x0;
	v0 =	vadd.f32 v1, v0  }
0x51: {  	s1 =	simm.s32 @!p0 $0x0;
	v1 =	vadd.f32 v3, v2  }
0x52: {  	s1 =	sshll.u32 s1, $0x6;
	s14 =	sor.u32 $0x10, s12;
	[tilespmem:s0+$0x0] =	vst v0;
	v0 =	vadd.f32 v5, v4  }
0x53: {  	s2 =	sor.u32 s14, s19;
	s13 =	sadd.s32 $0x0, s1;
	[tilespmem:s0+$0x80] =	vst v1;
	v1 =	vadd.f32 v7, v6  }
0x54: {  	s1 =	sadd.s32 $0x30, s13;
	v8 =	vld [tilespmem:s2+$0x180];
	[tilespmem:s0+$0x100] =	vst v0  }
0x55: {  	s7 =	sor.u32 $0x200, s1;
	v9 =	vld [tilespmem:s2+$0x10180];
	[tilespmem:s0+$0x180] =	vst v1  }
0x56: {  	s31 =	sor.u32 $0x20, s12;
	v1 =	vld [tilespmem:s7+$0x0]  }
0x57: {  	s3 =	sor.u32 s31, s19;
	v4 =	vld [tilespmem:s7+$0x10000]  }
0x58: {  	v10 =	vld [tilespmem:s3+$0x10000]  }
0x59: {  	v2 =	vld [tilespmem:s2+$0x0]  }
0x5a: {  	v3 =	vld [tilespmem:s2+$0x10000]  }
0x5b: {  	v5 =	vld [tilespmem:s2+$0x10080]  }
0x5c: {  	v6 =	vld [tilespmem:s2+$0x100];
	v1 =	vadd.f32 v4, v1  }
0x5d: {  	v7 =	vld [tilespmem:s2+$0x10100]  }
0x5e: {  	s20 =	sor.u32 $0x280, s1;
	v0 =	vld [tilespmem:s2+$0x80];
	[tilespmem:s7+$0x0] =	vst v1  }
0x5f: {  	v1 =	vld [tilespmem:s20+$0x0]  }
0x60: {  	v11 =	vld [tilespmem:s20+$0x10000]  }
0x61: {  	v4 =	vld [tilespmem:s3+$0x0];
	[smem:$0x7D1] =	sst s20  }
0x62: {  	v12 =	vld [tilespmem:s3+$0x80]  }
0x63: {  	v13 =	vld [tilespmem:s3+$0x10080]  }
0x64: {  	v14 =	vld [tilespmem:s3+$0x100]  }
0x65: {  	v15 =	vld [tilespmem:s3+$0x10100];
	v1 =	vadd.f32 v11, v1  }
0x66: {  	v16 =	vld [tilespmem:s3+$0x180]  }
0x67: {  	s21 =	sor.u32 $0x300, s1;
	v37 =	vld [tilespmem:s3+$0x10180];
	[tilespmem:s20+$0x0] =	vst v1  }
0x68: {  	v1 =	vld [tilespmem:s21+$0x0]  }
0x69: {  	s16 =	sor.u32 s12, s19;
	v2 =	vadd.f32 v3, v2;
	v3 =	vld [tilespmem:s21+$0x10000]  }
0x6a: {  	v0 =	vadd.f32 v5, v0;
	v17 =	vld [tilespmem:s16+$0x0]  }
0x6b: {  	v5 =	vld [tilespmem:s16+$0x10000];
	[tilespmem:s2+$0x0] =	vst v2;
	v2 =	vadd.f32 v7, v6  }
0x6c: {  	v6 =	vld [tilespmem:s16+$0x80];
	[tilespmem:s2+$0x80] =	vst v0;
	v0 =	vadd.f32 v9, v8  }
0x6d: {  	v7 =	vld [tilespmem:s16+$0x10080];
	[tilespmem:s2+$0x100] =	vst v2;
	v2 =	vadd.f32 v10, v4  }
0x6e: {  	v38 =	vld [tilespmem:s16+$0x10180];
	[tilespmem:s2+$0x180] =	vst v0;
	v1 =	vadd.f32 v3, v1  }
0x6f: {  	v4 =	vld [tilespmem:s16+$0x100];
	[tilespmem:s3+$0x0] =	vst v2  }
0x70: {  	v0 =	vld [tilespmem:s16+$0x10100];
	v2 =	vadd.f32 v13, v12;
	[tilespmem:s21+$0x0] =	vst v1  }
0x71: {  	v8 =	vadd.f32 v15, v14;
	v3 =	vld [tilespmem:s16+$0x180];
	[smem:$0x7D2] =	sst s21  }
0x72: {  	v1 =	vadd.f32 v37, v16;
	[tilespmem:s3+$0x80] =	vst v2  }
0x73: {  	s9 =	sor.u32 $0x380, s1;
	v5 =	vadd.f32 v5, v17;
	[tilespmem:s3+$0x100] =	vst v8  }
0x74: {  	s18 =	sadd.s32 $0x10, s13;
	v2 =	vld [tilespmem:s9+$0x0];
	[tilespmem:s3+$0x180] =	vst v1;
	v1 =	vadd.f32 v7, v6  }
0x75: {  	s8 =	sor.u32 $0x200, s18;
	v8 =	vld [tilespmem:s9+$0x10000];
	[tilespmem:s16+$0x0] =	vst v5  }
0x76: {  	s20 =	sadd.s32 $0x20, s13;
	v0 =	vadd.f32 v0, v4;
	v5 =	vld [tilespmem:s8+$0x0];
	[tilespmem:s16+$0x80] =	vst v1  }
0x77: {  	s30 =	sor.u32 $0x200, s20;
	v3 =	vadd.f32 v38, v3;
	v1 =	vld [tilespmem:s8+$0x10000];
	[smem:$0x7D7] =	sst s8  }
0x78: {  	v4 =	vld [tilespmem:s30+$0x0];
	[tilespmem:s16+$0x100] =	vst v0  }
0x79: {  	s15 =	sor.u32 $0x200, s13;
	v0 =	vld [tilespmem:s30+$0x10000];
	[tilespmem:s16+$0x180] =	vst v3  }
0x7a: {  	v2 =	vadd.f32 v8, v2;
	v3 =	vld [tilespmem:s15+$0x0]  }
0x7b: {  	s17 =	sor.u32 $0x2000, s19;
	v6 =	vld [tilespmem:s15+$0x10000]  }
0x7c: {  	s21 =	sor.u32 s5, s17;
	[tilespmem:s9+$0x0] =	vst v2  }
0x7d: {  	v1 =	vadd.f32 v1, v5;
	v2 =	vld [tilespmem:s21+$0x0]  }
0x7e: {  	v5 =	vld [tilespmem:s0+$0x10000];
	v0 =	vadd.f32 v0, v4  }
0x7f: {  	s29 =	sor.u32 $0x280, s18;
	[tilespmem:s8+$0x0] =	vst v1  }
0x80: {  	v1 =	vld [tilespmem:s29+$0x0];
	[tilespmem:s30+$0x0] =	vst v0;
	v0 =	vadd.f32 v6, v3  }
0x81: {  	s22 =	sor.u32 $0x280, s20;
	v4 =	vld [tilespmem:s29+$0x10000];
	[smem:$0x7D8] =	sst s30  }
0x82: {  	v3 =	vld [tilespmem:s22+$0x0];
	[tilespmem:s15+$0x0] =	vst v0  }
0x83: {  	s24 =	sor.u32 $0x280, s13;
	v6 =	vld [tilespmem:s22+$0x10000];
	v0 =	vadd.f32 v5, v2;
	[smem:$0x7DA] =	sst s15  }
0x84: {  	v2 =	vld [tilespmem:s24+$0x0]  }
0x85: {  	s15 =	sor.u32 $0x2080, s19;
	[tilespmem:s21+$0x0] =	vst v0;
	v0 =	vld [tilespmem:s24+$0x10000]  }
0x86: {  	s23 =	sor.u32 s5, s15;
	v1 =	vadd.f32 v4, v1  }
0x87: {  	v4 =	vld [tilespmem:s23+$0x0]  }
0x88: {  	v5 =	vld [tilespmem:s0+$0x10080];
	[tilespmem:s29+$0x0] =	vst v1;
	v1 =	vadd.f32 v6, v3  }
0x89: {  	s25 =	sor.u32 $0x300, s18  }
0x8a: {  	v3 =	vld [tilespmem:s25+$0x0];
	[tilespmem:s22+$0x0] =	vst v1;
	v0 =	vadd.f32 v0, v2  }
0x8b: {  	s28 =	smov.u32 s22;
	v6 =	vld [tilespmem:s25+$0x10000];
	[smem:$0x7DF] =	sst s22;
	s22 =	sor.u32 $0x300, s20  }
0x8c: {  	v1 =	vld [tilespmem:s22+$0x0];
	[tilespmem:s24+$0x0] =	vst v0  }
0x8d: {  	s6 =	sor.u32 $0x300, s13;
	v2 =	vld [tilespmem:s22+$0x10000];
	v0 =	vadd.f32 v5, v4;
	[smem:$0x7E0] =	sst s24  }
0x8e: {  	s13 =	sor.u32 $0x2100, s19;
	v4 =	vld [tilespmem:s6+$0x0]  }
0x8f: {  	s21 =	sor.u32 s5, s13;
	[tilespmem:s23+$0x0] =	vst v0;
	v0 =	vld [tilespmem:s6+$0x10000]  }
0x90: {  	v5 =	vld [tilespmem:s21+$0x0]  }
0x91: {  	v3 =	vadd.f32 v6, v3;
	v6 =	vld [tilespmem:s0+$0x10100];
	_ =	sdelay $0x1  }
0x92: {  	s26 =	smov.u32 s24;
	s24 =	sor.u32 $0x380, s18;
	[tilespmem:s25+$0x0] =	vst v3;
	v1 =	vadd.f32 v2, v1  }
0x93: {  	v3 =	vld [tilespmem:s24+$0x10000];
	v0 =	vadd.f32 v0, v4  }
0x94: {  	s4 =	sor.u32 $0x380, s20;
	v2 =	vld [tilespmem:s24+$0x0];
	[tilespmem:s22+$0x0] =	vst v1  }
0x95: {  	s10 =	sor.u32 s10, s11;
	v1 =	vld [tilespmem:s4+$0x0];
	[tilespmem:s6+$0x0] =	vst v0;
	v0 =	vadd.f32 v6, v5  }
0x96: {  	s1 =	sor.u32 $0x380, s10;
	v4 =	vld [tilespmem:s4+$0x10000];
	[smem:$0x7E9] =	sst s6  }
0x97: {  	s10 =	sor.u32 $0x2180, s19;
	v5 =	vld [tilespmem:s1+$0x0];
	[tilespmem:s21+$0x0] =	vst v0  }
0x98: {  	s23 =	smov.u32 s4;
	s4 =	sor.u32 s5, s10;
	v0 =	vld [tilespmem:s1+$0x10000];
	[dreg:$0x4] =	wrdreg s1  }
0x99: {  	v2 =	vadd.f32 v3, v2;
	v3 =	vld [tilespmem:s4+$0x0]  }
0x9a: {  	s8 =	smov.u32 s24;
	v6 =	vld [tilespmem:s0+$0x10180]  }
0x9b: {  	s21 =	sor.u32 s14, s17;
	[tilespmem:s8+$0x0] =	vst v2;
	v1 =	vadd.f32 v4, v1  }
0x9c: {  	v2 =	vld [tilespmem:s21+$0x0]  }
0x9d: {  	s24 =	smov.u32 s22;
	s22 =	smov.u32 s8;
	s8 =	sor.u32 s31, s17;
	v4 =	vld [tilespmem:s2+$0x10000];
	[tilespmem:s23+$0x0] =	vst v1;
	v0 =	vadd.f32 v0, v5  }
0x9e: {  	v1 =	vld [tilespmem:s8+$0x0]  }
0x9f: {  	s17 =	sor.u32 s12, s17;
	v5 =	vld [tilespmem:s3+$0x10000];
	[tilespmem:s1+$0x0] =	vst v0;
	v0 =	vadd.f32 v6, v3  }
0xa0: {  	s11 =	sor.u32 $0x2200, s19;
	v3 =	vld [tilespmem:s17+$0x0]  }
0xa1: {  	[tilespmem:s4+$0x0] =	vst v0;
	v0 =	vld [tilespmem:s16+$0x10000];
	s4 =	sor.u32 s5, s11  }
0xa2: {  	v2 =	vadd.f32 v4, v2;
	v4 =	vld [tilespmem:s4+$0x0]  }
0xa3: {  	v6 =	vld [tilespmem:s7+$0x10000];
	_ =	sdelay $0x2  }
0xa4: {  	s20 =	sor.u32 s14, s15;
	[tilespmem:s21+$0x0] =	vst v2;
	v1 =	vadd.f32 v5, v1  }
0xa5: {  	v2 =	vld [tilespmem:s20+$0x0];
	v0 =	vadd.f32 v0, v3  }
0xa6: {  	s21 =	sor.u32 s31, s15;
	[tilespmem:s8+$0x0] =	vst v1;
	v1 =	vld [tilespmem:s2+$0x10080];
	v4 =	vadd.f32 v6, v4  }
0xa7: {  	v3 =	vld [tilespmem:s21+$0x0];
	[tilespmem:s17+$0x0] =	vst v0  }
0xa8: {  	s8 =	sor.u32 s12, s15;
	v0 =	vld [tilespmem:s3+$0x10080];
	[tilespmem:s4+$0x0] =	vst v4  }
0xa9: {  	s15 =	sor.u32 $0x2280, s19;
	v5 =	vld [tilespmem:s8+$0x0];
	s4 =	sld [smem:$0x7D1]  }
0xaa: {  	s1 =	sor.u32 s5, s15;
	v4 =	vld [tilespmem:s16+$0x10080]  }
0xab: {  	v1 =	vadd.f32 v1, v2;
	v2 =	vld [tilespmem:s1+$0x0]  }
0xac: {  	v6 =	vld [tilespmem:s4+$0x10000];
	_ =	sdelay $0x2  }
0xad: {  	[tilespmem:s20+$0x0] =	vst v1;
	s20 =	sor.u32 s14, s13;
	v0 =	vadd.f32 v0, v3  }
0xae: {  	v1 =	vld [tilespmem:s20+$0x0];
	v3 =	vadd.f32 v4, v5  }
0xaf: {  	[tilespmem:s21+$0x0] =	vst v0;
	v0 =	vld [tilespmem:s2+$0x10100];
	s21 =	sor.u32 s31, s13;
	v2 =	vadd.f32 v6, v2  }
0xb0: {  	v4 =	vld [tilespmem:s21+$0x0];
	[tilespmem:s8+$0x0] =	vst v3  }
0xb1: {  	s17 =	sor.u32 s12, s13;
	v3 =	vld [tilespmem:s3+$0x10100];
	[tilespmem:s1+$0x0] =	vst v2  }
0xb2: {  	s13 =	sor.u32 $0x2300, s19;
	v5 =	vld [tilespmem:s17+$0x0];
	s1 =	sld [smem:$0x7D2]  }
0xb3: {  	s8 =	sor.u32 s5, s13;
	v2 =	vld [tilespmem:s16+$0x10100]  }
0xb4: {  	v0 =	vadd.f32 v0, v1;
	v1 =	vld [tilespmem:s8+$0x0]  }
0xb5: {  	v6 =	vld [tilespmem:s1+$0x10000]  }
0xb6: {  	[tilespmem:s20+$0x0] =	vst v0;
	v0 =	vadd.f32 v3, v4;
	s20 =	sor.u32 s14, s10  }
0xb7: {  	v3 =	vld [tilespmem:s20+$0x0]  }
0xb8: {  	[tilespmem:s21+$0x0] =	vst v0;
	v0 =	vld [tilespmem:s2+$0x10180];
	s1 =	sor.u32 s31, s10;
	v2 =	vadd.f32 v2, v5  }
0xb9: {  	v4 =	vld [tilespmem:s1+$0x0]  }
0xba: {  	s10 =	sor.u32 s12, s10;
	[tilespmem:s17+$0x0] =	vst v2;
	v2 =	vld [tilespmem:s3+$0x10180];
	v1 =	vadd.f32 v6, v1  }
0xbb: {  	s17 =	sor.u32 $0x2380, s19;
	v5 =	vld [tilespmem:s10+$0x0]  }
0xbc: {  	s18 =	sor.u32 s5, s17;
	[tilespmem:s8+$0x0] =	vst v1;
	v1 =	vld [tilespmem:s16+$0x10180]  }
0xbd: {  	v0 =	vadd.f32 v0, v3;
	v3 =	vld [tilespmem:s18+$0x0]  }
0xbe: {  	v6 =	vld [tilespmem:s9+$0x10000];
	[smem:$0x7D4] =	sst s9  }
0xbf: {  	[tilespmem:s20+$0x0] =	vst v0;
	v0 =	vadd.f32 v2, v4;
	_ =	sdelay $0x1  }
0xc0: {  	[tilespmem:s1+$0x0] =	vst v0  }
0xc1: {  	s1 =	sld [smem:$0x7D7]  }
0xc2: {  	s20 =	sor.u32 s14, s11;
	v1 =	vadd.f32 v1, v5  }
0xc3: {  	v2 =	vld [tilespmem:s20+$0x0];
	v3 =	vadd.f32 v6, v3  }
0xc4: {  	s21 =	sor.u32 s31, s11;
	[tilespmem:s10+$0x0] =	vst v1;
	v0 =	vld [tilespmem:s1+$0x10000]  }
0xc5: {  	v4 =	vld [tilespmem:s21+$0x0];
	[tilespmem:s18+$0x0] =	vst v3  }
0xc6: {  	v1 =	vld [tilespmem:s30+$0x10000];
	s18 =	sld [smem:$0x7DA]  }
0xc7: {  	s10 =	sor.u32 s12, s11  }
0xc8: {  	v5 =	vld [tilespmem:s10+$0x0]  }
0xc9: {  	v3 =	vld [tilespmem:s18+$0x10000];
	v0 =	vadd.f32 v0, v2  }
0xca: {  	s11 =	sor.u32 $0x4000, s19  }
0xcb: {  	v6 =	vld [tilespmem:s0+$0x10000];
	s18 =	sor.u32 s5, s11;
	[tilespmem:s20+$0x0] =	vst v0;
	v0 =	vadd.f32 v1, v4  }
0xcc: {  	v2 =	vld [tilespmem:s18+$0x0];
	s20 =	sor.u32 s14, s15  }
0xcd: {  	v1 =	vld [tilespmem:s20+$0x0];
	[tilespmem:s21+$0x0] =	vst v0  }
0xce: {  	v0 =	vld [tilespmem:s29+$0x10000];
	v3 =	vadd.f32 v3, v5;
	s21 =	sor.u32 s31, s15;
	[smem:$0x7DD] =	sst s29  }
0xcf: {  	v4 =	vld [tilespmem:s21+$0x0]  }
0xd0: {  	[tilespmem:s10+$0x0] =	vst v3;
	v3 =	vld [tilespmem:s28+$0x10000]  }
0xd1: {  	s8 =	smov.u32 s9;
	s9 =	smov.u32 s29;
	s29 =	sor.u32 s12, s15;
	v2 =	vadd.f32 v6, v2  }
0xd2: {  	v5 =	vld [tilespmem:s29+$0x0]  }
0xd3: {  	[tilespmem:s18+$0x0] =	vst v2;
	v2 =	vld [tilespmem:s26+$0x10000];
	v0 =	vadd.f32 v0, v1  }
0xd4: {  	s15 =	sor.u32 $0x4080, s19  }
0xd5: {  	s26 =	sor.u32 s5, s15;
	v6 =	vld [tilespmem:s0+$0x10080];
	[tilespmem:s20+$0x0] =	vst v0;
	v0 =	vadd.f32 v3, v4  }
0xd6: {  	s28 =	sor.u32 s14, s13;
	v1 =	vld [tilespmem:s26+$0x0]  }
0xd7: {  	v3 =	vld [tilespmem:s28+$0x0];
	[tilespmem:s21+$0x0] =	vst v0  }
0xd8: {  	s30 =	smov.u32 s25;
	v2 =	vadd.f32 v2, v5;
	v0 =	vld [tilespmem:s25+$0x10000];
	[smem:$0x7E4] =	sst s25;
	s25 =	sor.u32 s31, s13  }
0xd9: {  	v4 =	vld [tilespmem:s25+$0x0]  }
0xda: {  	[tilespmem:s29+$0x0] =	vst v2;
	v2 =	vld [tilespmem:s24+$0x10000]  }
0xdb: {  	s13 =	sor.u32 s12, s13;
	v1 =	vadd.f32 v6, v1;
	[smem:$0x7E5] =	sst s24  }
0xdc: {  	s10 =	sor.u32 $0x4100, s19;
	v5 =	vld [tilespmem:s13+$0x0]  }
0xdd: {  	[tilespmem:s26+$0x0] =	vst v1;
	v1 =	vld [tilespmem:s6+$0x10000];
	s26 =	sor.u32 s5, s10;
	v0 =	vadd.f32 v0, v3  }
0xde: {  	v3 =	vld [tilespmem:s26+$0x0]  }
0xdf: {  	v6 =	vld [tilespmem:s0+$0x10100];
	[tilespmem:s28+$0x0] =	vst v0;
	v0 =	vadd.f32 v2, v4;
	_ =	sdelay $0x1  }
0xe0: {  	s20 =	sor.u32 s14, s17;
	[tilespmem:s25+$0x0] =	vst v0  }
0xe1: {  	v2 =	vld [tilespmem:s20+$0x0];
	v1 =	vadd.f32 v1, v5;
	[smem:$0x7EA] =	sst s22  }
0xe2: {  	s29 =	smov.u32 s24;
	s24 =	sor.u32 s31, s17;
	v0 =	vld [tilespmem:s22+$0x10000]  }
0xe3: {  	s23 =	smov.u32 s23;
	v3 =	vadd.f32 v6, v3;
	v4 =	vld [tilespmem:s24+$0x0];
	[tilespmem:s13+$0x0] =	vst v1  }
0xe4: {  	s25 =	sor.u32 s12, s17;
	v1 =	vld [tilespmem:s23+$0x10000];
	[smem:$0x7EB] =	sst s23  }
0xe5: {  	v5 =	vld [tilespmem:s25+$0x0];
	[tilespmem:s26+$0x0] =	vst v3  }
0xe6: {  	s21 =	sor.u32 $0x4180, s19;
	s26 =	rddreg [dreg:$0x4];
	v6 =	vld [tilespmem:s0+$0x10180]  }
0xe7: {  	s18 =	sor.u32 s5, s21;
	v3 =	vld [tilespmem:s26+$0x10000]  }
0xe8: {  	v0 =	vadd.f32 v0, v2;
	v2 =	vld [tilespmem:s18+$0x0];
	_ =	sdelay $0x1  }
0xe9: {  	[tilespmem:s20+$0x0] =	vst v0;
	v0 =	vadd.f32 v1, v4;
	s20 =	sor.u32 s14, s11  }
0xea: {  	v1 =	vld [tilespmem:s20+$0x0]  }
0xeb: {  	[tilespmem:s24+$0x0] =	vst v0;
	v0 =	vld [tilespmem:s2+$0x10000];
	v3 =	vadd.f32 v3, v5  }
0xec: {  	s28 =	smov.u32 s23;
	s23 =	sor.u32 s31, s11;
	v2 =	vadd.f32 v6, v2  }
0xed: {  	v4 =	vld [tilespmem:s23+$0x0];
	[tilespmem:s25+$0x0] =	vst v3  }
0xee: {  	s6 =	smov.u32 s22;
	s22 =	sor.u32 $0x4200, s19;
	v3 =	vld [tilespmem:s3+$0x10000];
	[tilespmem:s18+$0x0] =	vst v2  }
0xef: {  	s24 =	sor.u32 s5, s22;
	v6 =	vld [tilespmem:s7+$0x10000]  }
0xf0: {  	v0 =	vadd.f32 v0, v1;
	v1 =	vld [tilespmem:s24+$0x0];
	_ =	sdelay $0x3  }
0xf1: {  	[tilespmem:s20+$0x0] =	vst v0;
	v0 =	vadd.f32 v3, v4  }
0xf2: {  	s11 =	sor.u32 s12, s11;
	v1 =	vadd.f32 v6, v1  }
0xf3: {  	s26 =	sor.u32 s31, s15;
	v5 =	vld [tilespmem:s11+$0x0];
	s20 =	sor.u32 $0x4280, s19;
	[tilespmem:s23+$0x0] =	vst v0  }
0xf4: {  	s25 =	sor.u32 s14, s15;
	v2 =	vld [tilespmem:s16+$0x10000];
	s23 =	sor.u32 s12, s15;
	s15 =	sor.u32 s5, s20;
	[tilespmem:s24+$0x0] =	vst v1  }
0xf5: {  	v1 =	vld [tilespmem:s15+$0x0]  }
0xf6: {  	v6 =	vld [tilespmem:s4+$0x10000];
	_ =	sdelay $0x3  }
0xf7: {  	v2 =	vadd.f32 v2, v5  }
0xf8: {  	v1 =	vadd.f32 v6, v1  }
0xf9: {  	v3 =	vld [tilespmem:s25+$0x0];
	[tilespmem:s11+$0x0] =	vst v2  }
0xfa: {  	v0 =	vld [tilespmem:s2+$0x10080];
	[tilespmem:s15+$0x0] =	vst v1  }
0xfb: {  	s18 =	sor.u32 $0x4300, s19;
	v4 =	vld [tilespmem:s26+$0x0];
	s13 =	sld [smem:$0x7D2]  }
0xfc: {  	v2 =	vld [tilespmem:s3+$0x10080];
	s11 =	sor.u32 s5, s18  }
0xfd: {  	v1 =	vld [tilespmem:s11+$0x0]  }
0xfe: {  	v6 =	vld [tilespmem:s13+$0x10000]  }
0xff: {  	v0 =	vadd.f32 v0, v3;
	_ =	sdelay $0x1  }
0x100: {  	[tilespmem:s25+$0x0] =	vst v0;
	v0 =	vadd.f32 v2, v4;
	s25 =	sor.u32 s14, s10  }
0x101: {  	v2 =	vld [tilespmem:s25+$0x0]  }
0x102: {  	[tilespmem:s26+$0x0] =	vst v0;
	v0 =	vld [tilespmem:s2+$0x10100];
	s26 =	sor.u32 s31, s10;
	v1 =	vadd.f32 v6, v1  }
0x103: {  	s15 =	sor.u32 $0x4380, s19;
	v3 =	vld [tilespmem:s26+$0x0]  }
0x104: {  	s24 =	sor.u32 s5, s15;
	[tilespmem:s11+$0x0] =	vst v1;
	v1 =	vld [tilespmem:s3+$0x10100]  }
0x105: {  	v4 =	vld [tilespmem:s24+$0x0]  }
0x106: {  	v6 =	vld [tilespmem:s8+$0x10000]  }
0x107: {  	v0 =	vadd.f32 v0, v2;
	_ =	sdelay $0x1  }
0x108: {  	[tilespmem:s25+$0x0] =	vst v0;
	s25 =	sor.u32 s14, s21;
	v0 =	vadd.f32 v1, v3  }
0x109: {  	v1 =	vld [tilespmem:s25+$0x0]  }
0x10a: {  	s8 =	sor.u32 s31, s21;
	v2 =	vadd.f32 v6, v4;
	[tilespmem:s26+$0x0] =	vst v0;
	v0 =	vld [tilespmem:s2+$0x10180]  }
0x10b: {  	s17 =	sor.u32 $0x6000, s19;
	v3 =	vld [tilespmem:s8+$0x0]  }
0x10c: {  	s26 =	sor.u32 s5, s17;
	[tilespmem:s24+$0x0] =	vst v2;
	v2 =	vld [tilespmem:s3+$0x10180]  }
0x10d: {  	v4 =	vld [tilespmem:s26+$0x0]  }
0x10e: {  	v6 =	vld [tilespmem:s0+$0x10000];
	_ =	sdelay $0x1  }
0x10f: {  	v0 =	vadd.f32 v0, v1;
	_ =	sdelay $0x1  }
0x110: {  	[tilespmem:s25+$0x0] =	vst v0;
	v0 =	vadd.f32 v2, v3  }
0x111: {  	v2 =	vadd.f32 v6, v4  }
0x112: {  	s25 =	sor.u32 s14, s22;
	[tilespmem:s8+$0x0] =	vst v0  }
0x113: {  	v1 =	vld [tilespmem:s25+$0x0];
	[tilespmem:s26+$0x0] =	vst v2  }
0x114: {  	s13 =	sor.u32 $0x6080, s19;
	v0 =	vld [tilespmem:s1+$0x10000];
	s8 =	sor.u32 s31, s22;
	s26 =	sld [smem:$0x7D8]  }
0x115: {  	s1 =	sor.u32 s5, s13;
	v3 =	vld [tilespmem:s8+$0x0]  }
0x116: {  	v4 =	vld [tilespmem:s1+$0x0]  }
0x117: {  	v2 =	vld [tilespmem:s26+$0x10000]  }
0x118: {  	v6 =	vld [tilespmem:s0+$0x10080];
	_ =	sdelay $0x1  }
0x119: {  	v0 =	vadd.f32 v0, v1;
	_ =	sdelay $0x1  }
0x11a: {  	[tilespmem:s25+$0x0] =	vst v0;
	v0 =	vadd.f32 v2, v3  }
0x11b: {  	v2 =	vadd.f32 v6, v4  }
0x11c: {  	v5 =	vld [tilespmem:s23+$0x0];
	s25 =	sor.u32 s14, s20;
	[tilespmem:s8+$0x0] =	vst v0  }
0x11d: {  	v1 =	vld [tilespmem:s25+$0x0];
	[tilespmem:s1+$0x0] =	vst v2  }
0x11e: {  	s11 =	sor.u32 s31, s20;
	v0 =	vld [tilespmem:s9+$0x10000];
	s26 =	sld [smem:$0x7DF]  }
0x11f: {  	v3 =	vld [tilespmem:s11+$0x0]  }
0x120: {  	s8 =	sor.u32 $0x6100, s19;
	v6 =	vld [tilespmem:s0+$0x10100]  }
0x121: {  	s1 =	sor.u32 s5, s8;
	v2 =	vld [tilespmem:s26+$0x10000]  }
0x122: {  	v4 =	vld [tilespmem:s1+$0x0]  }
0x123: {  	v7 =	vld [tilespmem:s16+$0x10080]  }
0x124: {  	v0 =	vadd.f32 v0, v1;
	_ =	sdelay $0x1  }
0x125: {  	s9 =	sor.u32 s14, s18;
	[tilespmem:s25+$0x0] =	vst v0;
	v0 =	vadd.f32 v2, v3  }
0x126: {  	v1 =	vld [tilespmem:s9+$0x0];
	v2 =	vadd.f32 v6, v4  }
0x127: {  	v3 =	vadd.f32 v7, v5;
	[tilespmem:s11+$0x0] =	vst v0;
	v0 =	vld [tilespmem:s30+$0x10000];
	s11 =	sor.u32 s31, s18  }
0x128: {  	[tilespmem:s1+$0x0] =	vst v2;
	v4 =	vld [tilespmem:s11+$0x0]  }
0x129: {  	[tilespmem:s23+$0x0] =	vst v3;
	v2 =	vld [tilespmem:s29+$0x10000];
	s29 =	sor.u32 $0x6180, s19  }
0x12a: {  	s26 =	sor.u32 s12, s10;
	v3 =	vld [tilespmem:s0+$0x10180];
	[smem:$0x7D5] =	sst s29  }
0x12b: {  	s1 =	sor.u32 s5, s29;
	v5 =	vld [tilespmem:s26+$0x0]  }
0x12c: {  	v0 =	vadd.f32 v0, v1;
	v1 =	vld [tilespmem:s1+$0x0]  }
0x12d: {  	v6 =	vld [tilespmem:s16+$0x10100];
	_ =	sdelay $0x1  }
0x12e: {  	[tilespmem:s9+$0x0] =	vst v0;
	v0 =	vadd.f32 v2, v4;
	s9 =	sor.u32 s14, s15  }
0x12f: {  	v2 =	vld [tilespmem:s9+$0x0]  }
0x130: {  	s10 =	sor.u32 s31, s15;
	[tilespmem:s11+$0x0] =	vst v0;
	v0 =	vld [tilespmem:s6+$0x10000];
	v1 =	vadd.f32 v3, v1  }
0x131: {  	v4 =	vld [tilespmem:s10+$0x0];
	v3 =	vadd.f32 v6, v5  }
0x132: {  	v5 =	vld [tilespmem:s28+$0x10000];
	[tilespmem:s1+$0x0] =	vst v1  }
0x133: {  	s11 =	sor.u32 s12, s21;
	s21 =	sor.u32 $0x6200, s19;
	[tilespmem:s26+$0x0] =	vst v3  }
0x134: {  	v1 =	vld [tilespmem:s7+$0x10000];
	[smem:$0x7DB] =	sst s21  }
0x135: {  	s23 =	sor.u32 s5, s21;
	v3 =	vld [tilespmem:s11+$0x0];
	v0 =	vadd.f32 v0, v2;
	[smem:$0x7ED] =	sst s5  }
0x136: {  	v2 =	vld [tilespmem:s23+$0x0]  }
0x137: {  	s25 =	sor.u32 s14, s17;
	v4 =	vadd.f32 v5, v4;
	[tilespmem:s9+$0x0] =	vst v0;
	v0 =	vld [tilespmem:s16+$0x10180]  }
0x138: {  	v5 =	vld [tilespmem:s25+$0x0]  }
0x139: {  	[tilespmem:s10+$0x0] =	vst v4;
	v4 =	vld [tilespmem:s2+$0x10000];
	_ =	sdelay $0x2  }
0x13a: {  	s26 =	sor.u32 s31, s17;
	v1 =	vadd.f32 v1, v2  }
0x13b: {  	v6 =	vld [tilespmem:s26+$0x0];
	v0 =	vadd.f32 v0, v3  }
0x13c: {  	v7 =	vld [tilespmem:s3+$0x10000];
	[tilespmem:s23+$0x0] =	vst v1;
	v1 =	vadd.f32 v4, v5  }
0x13d: {  	[tilespmem:s11+$0x0] =	vst v0  }
0x13e: {  	[tilespmem:s25+$0x0] =	vst v1  }
0x13f: {  	s1 =	sld [smem:$0x7DA]  }
0x140: {  	s28 =	sor.u32 s12, s22;
	s10 =	simm.s32 $0x40;
	v0 =	vld [tilespmem:s4+$0x10000]  }
0x141: {  	s29 =	sand.u32 $0x40, s10;
	v2 =	vld [tilespmem:s28+$0x0]  }
0x142: {  	s23 =	simm.s32 $0x200;
	v3 =	vadd.f32 v7, v6;
	s4 =	sor.u32 s14, s13;
	v1 =	vld [tilespmem:s1+$0x10000];
	[smem:$0x7D6] =	sst s14  }
0x143: {  	s7 =	sand.u32 $0x1C00, s23;
	s25 =	sor.u32 $0x30, s29;
	v4 =	vld [tilespmem:s4+$0x0]  }
0x144: {  	s6 =	sor.u32 s25, s7;
	[tilespmem:s26+$0x0] =	vst v3;
	v3 =	vld [tilespmem:s2+$0x10080]  }
0x145: {  	v7 =	vld [tilespmem:s6+$0x0]  }
0x146: {  	v8 =	vld [tilespmem:s6+$0x10000]  }
0x147: {  	v39 =	vld [tilespmem:s6+$0x80]  }
0x148: {  	s11 =	sor.u32 s31, s13;
	v40 =	vld [tilespmem:s6+$0x10080];
	v1 =	vadd.f32 v1, v2  }
0x149: {  	v5 =	vld [tilespmem:s11+$0x0]  }
0x14a: {  	v6 =	vld [tilespmem:s3+$0x10080];
	[tilespmem:s28+$0x0] =	vst v1;
	v1 =	vadd.f32 v3, v4  }
0x14b: {  	v41 =	vld [tilespmem:s6+$0x100]  }
0x14c: {  	v42 =	vld [tilespmem:s6+$0x180];
	[tilespmem:s4+$0x0] =	vst v1  }
0x14d: {  	v2 =	vld [tilespmem:s6+$0x10100];
	s26 =	sld [smem:$0x7E0]  }
0x14e: {  	s24 =	sor.u32 s12, s20;
	v3 =	vld [tilespmem:s6+$0x10180]  }
0x14f: {  	v5 =	vadd.f32 v6, v5;
	v4 =	vld [tilespmem:s24+$0x0]  }
0x150: {  	v6 =	vadd.f32 v8, v7;
	v1 =	vld [tilespmem:s26+$0x10000];
	[smem:$0x7D3] =	sst s8  }
0x151: {  	s28 =	sor.u32 s14, s8;
	v7 =	vadd.f32 v40, v39;
	[tilespmem:s11+$0x0] =	vst v5  }
0x152: {  	p0 =	por !p0, !p0;
	s21 =	simm.s32 $0x1;
	v5 =	vld [tilespmem:s28+$0x0];
	[tilespmem:s6+$0x0] =	vst v6  }
0x153: {  	s21 =	simm.s32 @!p0 $0x0;
	s1 =	sor.u32 s31, s8;
	s4 =	sor.u32 $0x6280, s19;
	v8 =	vld [tilespmem:s2+$0x10100];
	[tilespmem:s6+$0x80] =	vst v7  }
0x154: {  	s21 =	sshll.u32 s21, $0x6;
	v2 =	vadd.f32 v2, v41;
	v6 =	vld [tilespmem:s1+$0x0];
	[smem:$0x7E3] =	sst s4  }
0x155: {  	s22 =	sadd.s32 $0x200, s21;
	s5 =	sor.u32 s5, s4;
	v3 =	vadd.f32 v3, v42;
	v7 =	vld [tilespmem:s3+$0x10100]  }
0x156: {  	s30 =	sadd.s32 $0x30, s22;
	[tilespmem:s6+$0x100] =	vst v2;
	v2 =	vld [tilespmem:s5+$0x0];
	v1 =	vadd.f32 v1, v4  }
0x157: {  	s11 =	sor.u32 $0x200, s30;
	[tilespmem:s6+$0x180] =	vst v3  }
0x158: {  	v3 =	vld [tilespmem:s11+$0x0];
	[tilespmem:s24+$0x0] =	vst v1  }
0x159: {  	v5 =	vadd.f32 v8, v5;
	v1 =	vld [tilespmem:s11+$0x10000];
	s10 =	sld [smem:$0x7E9]  }
0x15a: {  	s8 =	sor.u32 s12, s18;
	v6 =	vadd.f32 v7, v6  }
0x15b: {  	v4 =	vld [tilespmem:s8+$0x0];
	[tilespmem:s28+$0x0] =	vst v5;
	v0 =	vadd.f32 v0, v2  }
0x15c: {  	[tilespmem:s1+$0x0] =	vst v6;
	v43 =	vld [tilespmem:s10+$0x10000]  }
0x15d: {  	[tilespmem:s5+$0x0] =	vst v0  }
0x15e: {  	s14 =	sld [smem:$0x7D2];
	v3 =	vadd.f32 v1, v3  }
0x15f: {  	v2 =	vld [tilespmem:s2+$0x10180]  }
0x160: {  	v1 =	vld [tilespmem:s3+$0x10180];
	[tilespmem:s11+$0x0] =	vst v3  }
0x161: {  	s18 =	sor.u32 $0x280, s30;
	v0 =	vld [tilespmem:s14+$0x10000];
	[smem:$0x7E6] =	sst s11;
	v4 =	vadd.f32 v43, v4  }
0x162: {  	v3 =	vld [tilespmem:s18+$0x0]  }
0x163: {  	s24 =	sor.u32 $0x10, s29;
	[tilespmem:s8+$0x0] =	vst v4;
	v4 =	vld [tilespmem:s18+$0x10000]  }
0x164: {  	s20 =	sor.u32 s24, s7  }
0x165: {  	v7 =	vld [tilespmem:s20+$0x0]  }
0x166: {  	v8 =	vld [tilespmem:s20+$0x10000]  }
0x167: {  	v44 =	vld [tilespmem:s20+$0x80]  }
0x168: {  	s21 =	sor.u32 s12, s15;
	v45 =	vld [tilespmem:s20+$0x100];
	v3 =	vadd.f32 v4, v3  }
0x169: {  	v5 =	vld [tilespmem:s21+$0x0];
	s23 =	rddreg [dreg:$0x4]  }
0x16a: {  	v6 =	vld [tilespmem:s23+$0x10000];
	[tilespmem:s18+$0x0] =	vst v3  }
0x16b: {  	v4 =	vld [tilespmem:s20+$0x10080];
	[smem:$0x7EC] =	sst s18;
	s18 =	sor.u32 $0x300, s30  }
0x16c: {  	v3 =	vld [tilespmem:s18+$0x0]  }
0x16d: {  	v46 =	vld [tilespmem:s18+$0x10000]  }
0x16e: {  	v47 =	vld [tilespmem:s20+$0x10100]  }
0x16f: {  	s3 =	sor.u32 $0x20, s29;
	v48 =	vld [tilespmem:s20+$0x180]  }
0x170: {  	s15 =	sor.u32 s3, s7;
	v49 =	vld [tilespmem:s20+$0x10180]  }
0x171: {  	v50 =	vld [tilespmem:s15+$0x0]  }
0x172: {  	v51 =	vld [tilespmem:s15+$0x10000];
	v3 =	vadd.f32 v46, v3  }
0x173: {  	v52 =	vld [tilespmem:s15+$0x80]  }
0x174: {  	s26 =	sor.u32 $0x380, s30;
	v53 =	vld [tilespmem:s15+$0x10080];
	[tilespmem:s18+$0x0] =	vst v3  }
0x175: {  	v3 =	vld [tilespmem:s26+$0x0]  }
0x176: {  	v7 =	vadd.f32 v8, v7;
	v18 =	vld [tilespmem:s26+$0x10000];
	[dreg:$0x18] =	wrdreg s26  }
0x177: {  	v4 =	vadd.f32 v4, v44;
	v8 =	vld [tilespmem:s15+$0x100]  }
0x178: {  	v54 =	vld [tilespmem:s15+$0x10100];
	[tilespmem:s20+$0x0] =	vst v7;
	v7 =	vadd.f32 v47, v45  }
0x179: {  	v55 =	vld [tilespmem:s15+$0x180];
	[tilespmem:s20+$0x80] =	vst v4;
	v4 =	vadd.f32 v49, v48  }
0x17a: {  	s9 =	sor.u32 s29, s7;
	s5 =	sadd.s32 $0x10, s22;
	v56 =	vld [tilespmem:s15+$0x10180];
	[tilespmem:s20+$0x100] =	vst v7  }
0x17b: {  	s28 =	sor.u32 $0x200, s5;
	v7 =	vld [tilespmem:s9+$0x0];
	[tilespmem:s20+$0x180] =	vst v4  }
0x17c: {  	v4 =	vld [tilespmem:s9+$0x10000];
	[smem:$0x7DC] =	sst s28;
	v3 =	vadd.f32 v18, v3  }
0x17d: {  	s23 =	sor.u32 $0x2000, s7;
	v57 =	vld [tilespmem:s28+$0x0]  }
0x17e: {  	s30 =	sor.u32 s25, s23;
	v59 =	vld [tilespmem:s28+$0x10000];
	[tilespmem:s26+$0x0] =	vst v3  }
0x17f: {  	v3 =	vld [tilespmem:s30+$0x0]  }
0x180: {  	v58 =	vld [tilespmem:s6+$0x10000]  }
0x181: {  	v5 =	vadd.f32 v6, v5;
	v19 =	vld [tilespmem:s9+$0x80]  }
0x182: {  	v6 =	vld [tilespmem:s9+$0x10080]  }
0x183: {  	v11 =	vadd.f32 v53, v52;
	[tilespmem:s21+$0x0] =	vst v5;
	v5 =	vld [tilespmem:s9+$0x10100]  }
0x184: {  	v61 =	vld [tilespmem:s9+$0x180];
	v4 =	vadd.f32 v4, v7  }
0x185: {  	s8 =	sor.u32 s12, s17;
	[tilespmem:s15+$0x80] =	vst v11;
	v7 =	vld [tilespmem:s9+$0x100];
	v3 =	vadd.f32 v58, v3  }
0x186: {  	v60 =	vld [tilespmem:s8+$0x0];
	[tilespmem:s9+$0x0] =	vst v4;
	v4 =	vadd.f32 v59, v57  }
0x187: {  	v12 =	vld [tilespmem:s16+$0x10000];
	[tilespmem:s30+$0x0] =	vst v3;
	v3 =	vadd.f32 v51, v50  }
0x188: {  	v62 =	vadd.f32 v56, v55;
	s26 =	sor.u32 $0x280, s5;
	[tilespmem:s28+$0x0] =	vst v4;
	v4 =	vld [tilespmem:s9+$0x10180]  }
0x189: {  	v63 =	vld [tilespmem:s26+$0x10000];
	[tilespmem:s15+$0x0] =	vst v3;
	v3 =	vadd.f32 v54, v8  }
0x18a: {  	s17 =	sor.u32 $0x2080, s7;
	[tilespmem:s15+$0x180] =	vst v62;
	v5 =	vadd.f32 v5, v7;
	v7 =	vld [tilespmem:s6+$0x10080]  }
0x18b: {  	s4 =	sor.u32 s25, s17;
	s30 =	sadd.s32 $0x20, s22;
	v8 =	vld [tilespmem:s26+$0x0];
	[tilespmem:s15+$0x100] =	vst v3;
	v3 =	vadd.f32 v6, v19  }
0x18c: {  	[tilespmem:s9+$0x100] =	vst v5;
	s14 =	sor.u32 $0x200, s30;
	v6 =	vld [tilespmem:s4+$0x0]  }
0x18d: {  	v5 =	vld [tilespmem:s14+$0x10000];
	[tilespmem:s9+$0x80] =	vst v3;
	v3 =	vadd.f32 v4, v61  }
0x18e: {  	v4 =	vld [tilespmem:s14+$0x0];
	[dreg:$0xc] =	wrdreg s14  }
0x18f: {  	s1 =	sor.u32 $0x200, s22;
	[tilespmem:s9+$0x180] =	vst v3  }
0x190: {  	v3 =	vadd.f32 v63, v8;
	v8 =	vld [tilespmem:s1+$0x0]  }
0x191: {  	v15 =	vld [tilespmem:s1+$0x10000];
	[dreg:$0xe] =	wrdreg s1  }
0x192: {  	[tilespmem:s26+$0x0] =	vst v3;
	v3 =	vadd.f32 v7, v6  }
0x193: {  	s28 =	sor.u32 $0x300, s5  }
0x194: {  	v6 =	vld [tilespmem:s28+$0x0];
	[tilespmem:s4+$0x0] =	vst v3;
	v3 =	vadd.f32 v12, v60  }
0x195: {  	s10 =	sor.u32 $0x2100, s7;
	v7 =	vld [tilespmem:s28+$0x10000];
	[smem:$0x7DE] =	sst s28  }
0x196: {  	s2 =	sor.u32 s25, s10;
	[tilespmem:s8+$0x0] =	vst v3  }
0x197: {  	v4 =	vadd.f32 v5, v4;
	v5 =	vld [tilespmem:s2+$0x0];
	[smem:$0x7D9] =	sst s12  }
0x198: {  	s8 =	sor.u32 s12, s13;
	v3 =	vld [tilespmem:s6+$0x10100]  }
0x199: {  	v16 =	vld [tilespmem:s8+$0x0];
	[tilespmem:s14+$0x0] =	vst v4;
	s14 =	sor.u32 $0x280, s30  }
0x19a: {  	v4 =	vadd.f32 v15, v8;
	v8 =	vld [tilespmem:s14+$0x0]  }
0x19b: {  	v17 =	vld [tilespmem:s14+$0x10000];
	[dreg:$0x10] =	wrdreg s14  }
0x19c: {  	s4 =	smov.u32 s28;
	s28 =	sor.u32 $0x280, s22;
	[tilespmem:s1+$0x0] =	vst v4;
	v4 =	vadd.f32 v7, v6  }
0x19d: {  	v6 =	vld [tilespmem:s28+$0x0];
	v3 =	vadd.f32 v3, v5  }
0x19e: {  	s1 =	sor.u32 $0x380, s5;
	v7 =	vld [tilespmem:s28+$0x10000];
	[tilespmem:s4+$0x0] =	vst v4  }
0x19f: {  	s13 =	sor.u32 $0x2180, s7;
	v4 =	vld [tilespmem:s1+$0x0];
	[tilespmem:s2+$0x0] =	vst v3  }
0x1a0: {  	s5 =	sor.u32 s25, s13;
	v3 =	vld [tilespmem:s1+$0x10000];
	[smem:$0x7E2] =	sst s1  }
0x1a1: {  	v5 =	vadd.f32 v17, v8;
	v8 =	vld [tilespmem:s5+$0x0]  }
0x1a2: {  	v18 =	vld [tilespmem:s6+$0x10180]  }
0x1a3: {  	s21 =	sor.u32 $0x300, s30;
	v19 =	vld [tilespmem:s16+$0x10080];
	[tilespmem:s14+$0x0] =	vst v5;
	v5 =	vadd.f32 v7, v6  }
0x1a4: {  	v6 =	vld [tilespmem:s21+$0x0]  }
0x1a5: {  	s0 =	sor.u32 $0x300, s22;
	v7 =	vld [tilespmem:s21+$0x10000];
	[tilespmem:s28+$0x0] =	vst v5  }
0x1a6: {  	v3 =	vadd.f32 v3, v4;
	v4 =	vld [tilespmem:s0+$0x0]  }
0x1a7: {  	v5 =	vld [tilespmem:s0+$0x10000];
	[dreg:$0x17] =	wrdreg s0  }
0x1a8: {  	[tilespmem:s1+$0x0] =	vst v3;
	v3 =	vadd.f32 v18, v8;
	_ =	sdelay $0x1  }
0x1a9: {  	[tilespmem:s5+$0x0] =	vst v3;
	v3 =	vadd.f32 v19, v16;
	_ =	sdelay $0x1  }
0x1aa: {  	s22 =	sor.u32 s24, s23;
	[tilespmem:s8+$0x0] =	vst v3  }
0x1ab: {  	s14 =	sor.u32 $0x2200, s7;
	v8 =	vld [tilespmem:s22+$0x0];
	s1 =	sld [smem:$0x7D3]  }
0x1ac: {  	s2 =	sor.u32 s25, s14;
	v20 =	vld [tilespmem:s20+$0x10000];
	v6 =	vadd.f32 v7, v6  }
0x1ad: {  	v7 =	vld [tilespmem:s2+$0x0]  }
0x1ae: {  	s5 =	simm.s32 $0x200;
	v3 =	vld [tilespmem:s11+$0x10000];
	[tilespmem:s21+$0x0] =	vst v6;
	s4 =	sor.u32 s12, s1;
	s12 =	smov.u32 s21  }
0x1af: {  	s8 =	sor.u32 $0x380, s30;
	s21 =	simm.s32 $0x40;
	v21 =	vld [tilespmem:s4+$0x0];
	[dreg:$0x12] =	wrdreg s12  }
0x1b0: {  	v4 =	vadd.f32 v5, v4;
	s11 =	simm.s32 $0x40;
	v5 =	vld [tilespmem:s8+$0x0];
	[dreg:$0x6] =	wrdreg s21;
	s21 =	simm.s32 $0x200  }
0x1b1: {  	[dreg:$0x8] =	wrdreg s5;
	s5 =	sor.u32 s21, s11;
	s11 =	smov.u32 s8  }
0x1b2: {  	v6 =	vld [tilespmem:s8+$0x10000];
	[dreg:$0x13] =	wrdreg s11  }
0x1b3: {  	[tilespmem:s0+$0x0] =	vst v4;
	v4 =	vadd.f32 v20, v8  }
0x1b4: {  	s1 =	sor.u32 $0x380, s5  }
0x1b5: {  	v3 =	vadd.f32 v3, v7;
	v8 =	vld [tilespmem:s1+$0x0];
	[tilespmem:s22+$0x0] =	vst v4  }
0x1b6: {  	s0 =	sor.u32 s24, s17;
	v4 =	vld [tilespmem:s1+$0x10000];
	[smem:$0x7E7] =	sst s1  }
0x1b7: {  	v7 =	vld [tilespmem:s0+$0x0];
	[tilespmem:s2+$0x0] =	vst v3  }
0x1b8: {  	s30 =	sor.u32 $0x2280, s7;
	v3 =	vld [tilespmem:s20+$0x10080];
	s2 =	sld [smem:$0x7EC]  }
0x1b9: {  	s21 =	sor.u32 s25, s30;
	v5 =	vadd.f32 v6, v5;
	v23 =	vld [tilespmem:s16+$0x10100]  }
0x1ba: {  	v6 =	vld [tilespmem:s21+$0x0]  }
0x1bb: {  	s5 =	sor.u32 s3, s23;
	[tilespmem:s11+$0x0] =	vst v5;
	v4 =	vadd.f32 v4, v8;
	v22 =	vld [tilespmem:s2+$0x10000]  }
0x1bc: {  	s22 =	smov.u32 s1;
	v5 =	vld [tilespmem:s5+$0x0]  }
0x1bd: {  	s23 =	sor.u32 s29, s23;
	v8 =	vld [tilespmem:s15+$0x10000];
	[tilespmem:s22+$0x0] =	vst v4  }
0x1be: {  	v3 =	vadd.f32 v3, v7;
	v4 =	vld [tilespmem:s23+$0x0]  }
0x1bf: {  	v7 =	vld [tilespmem:s9+$0x10000]  }
0x1c0: {  	[tilespmem:s0+$0x0] =	vst v3;
	v3 =	vadd.f32 v22, v6  }
0x1c1: {  	s8 =	sor.u32 s24, s10;
	s22 =	sor.u32 $0x2300, s7;
	v24 =	vld [tilespmem:s20+$0x10100]  }
0x1c2: {  	v5 =	vadd.f32 v8, v5;
	v6 =	vld [tilespmem:s8+$0x0];
	[tilespmem:s21+$0x0] =	vst v3;
	s21 =	sor.u32 s25, s22  }
0x1c3: {  	v3 =	vadd.f32 v23, v21;
	v8 =	vld [tilespmem:s21+$0x0]  }
0x1c4: {  	s2 =	sor.u32 s3, s17;
	[tilespmem:s5+$0x0] =	vst v5;
	v4 =	vadd.f32 v7, v4;
	v25 =	vld [tilespmem:s18+$0x10000]  }
0x1c5: {  	v5 =	vld [tilespmem:s2+$0x0];
	[tilespmem:s4+$0x0] =	vst v3  }
0x1c6: {  	[tilespmem:s23+$0x0] =	vst v4;
	v4 =	vld [tilespmem:s15+$0x10080]  }
0x1c7: {  	s17 =	sor.u32 s29, s17;
	v3 =	vld [tilespmem:s16+$0x10180];
	v6 =	vadd.f32 v24, v6  }
0x1c8: {  	v7 =	vld [tilespmem:s17+$0x0]  }
0x1c9: {  	s11 =	sor.u32 s24, s13;
	[tilespmem:s8+$0x0] =	vst v6;
	v6 =	vld [tilespmem:s9+$0x10080];
	v8 =	vadd.f32 v25, v8  }
0x1ca: {  	s16 =	sor.u32 $0x2380, s7;
	v26 =	vld [tilespmem:s11+$0x0]  }
0x1cb: {  	s23 =	sor.u32 $0x6300, s19;
	[tilespmem:s21+$0x0] =	vst v8;
	v8 =	vld [tilespmem:s20+$0x10180];
	s21 =	sor.u32 s25, s16  }
0x1cc: {  	v4 =	vadd.f32 v4, v5;
	v5 =	vld [tilespmem:s21+$0x0];
	[smem:$0x7E8] =	sst s23  }
0x1cd: {  	s5 =	rddreg [dreg:$0x18]  }
0x1ce: {  	v27 =	vld [tilespmem:s5+$0x10000];
	_ =	sdelay $0x1  }
0x1cf: {  	s8 =	sld [smem:$0x7ED]  }
0x1d0: {  	v6 =	vadd.f32 v6, v7  }
0x1d1: {  	s1 =	sor.u32 s3, s10;
	[tilespmem:s2+$0x0] =	vst v4;
	v8 =	vadd.f32 v8, v26  }
0x1d2: {  	v7 =	vld [tilespmem:s1+$0x0];
	s8 =	sor.u32 s8, s23;
	[tilespmem:s17+$0x0] =	vst v6;
	v5 =	vadd.f32 v27, v5  }
0x1d3: {  	v4 =	vld [tilespmem:s8+$0x0];
	[tilespmem:s11+$0x0] =	vst v8  }
0x1d4: {  	s5 =	sor.u32 s29, s10;
	v6 =	vld [tilespmem:s15+$0x10100];
	[tilespmem:s21+$0x0] =	vst v5  }
0x1d5: {  	v28 =	vld [tilespmem:s5+$0x0];
	s0 =	sld [smem:$0x7DC]  }
0x1d6: {  	v8 =	vld [tilespmem:s9+$0x10100];
	s11 =	sor.u32 s24, s14  }
0x1d7: {  	s2 =	sor.u32 $0x4000, s7;
	v29 =	vld [tilespmem:s11+$0x0]  }
0x1d8: {  	s21 =	sor.u32 s25, s2;
	v0 =	vadd.f32 v0, v4;
	v4 =	vld [tilespmem:s0+$0x10000]  }
0x1d9: {  	v5 =	vadd.f32 v6, v7;
	v6 =	vld [tilespmem:s21+$0x0]  }
0x1da: {  	v7 =	vld [tilespmem:s6+$0x10000];
	[tilespmem:s8+$0x0] =	vst v0  }
0x1db: {  	s10 =	sor.u32 s3, s13;
	s4 =	sld [smem:$0x7D4];
	[tilespmem:s1+$0x0] =	vst v5;
	v5 =	vadd.f32 v8, v28  }
0x1dc: {  	v8 =	vld [tilespmem:s10+$0x0]  }
0x1dd: {  	s13 =	sor.u32 s29, s13;
	[tilespmem:s5+$0x0] =	vst v5;
	v5 =	vld [tilespmem:s15+$0x10180];
	v4 =	vadd.f32 v4, v29  }
0x1de: {  	v30 =	vld [tilespmem:s13+$0x0]  }
0x1df: {  	s17 =	sor.u32 s24, s30;
	v6 =	vadd.f32 v7, v6;
	[tilespmem:s11+$0x0] =	vst v4;
	v4 =	vld [tilespmem:s9+$0x10180]  }
0x1e0: {  	v7 =	vld [tilespmem:s17+$0x0]  }
0x1e1: {  	s1 =	sor.u32 $0x4080, s7;
	[tilespmem:s21+$0x0] =	vst v6;
	v6 =	vld [tilespmem:s26+$0x10000]  }
0x1e2: {  	s0 =	sor.u32 s25, s1;
	v31 =	vld [tilespmem:s6+$0x10080];
	s11 =	sld [smem:$0x7D5]  }
0x1e3: {  	v5 =	vadd.f32 v5, v8;
	v8 =	vld [tilespmem:s0+$0x0];
	s21 =	sld [smem:$0x7D6];
	_ =	sdelay $0x1  }
0x1e4: {  	v0 =	vld [tilespmem:s4+$0x10000];
	s4 =	sor.u32 s3, s14;
	[tilespmem:s10+$0x0] =	vst v5;
	v4 =	vadd.f32 v4, v30  }
0x1e5: {  	v32 =	vld [tilespmem:s4+$0x0];
	s23 =	sor.u32 s21, s11;
	v6 =	vadd.f32 v6, v7  }
0x1e6: {  	s10 =	sor.u32 s29, s14;
	v5 =	vld [tilespmem:s23+$0x0];
	[tilespmem:s13+$0x0] =	vst v4  }
0x1e7: {  	v8 =	vadd.f32 v31, v8;
	s5 =	rddreg [dreg:$0xc];
	v7 =	vld [tilespmem:s10+$0x0];
	[tilespmem:s17+$0x0] =	vst v6  }
0x1e8: {  	v4 =	vld [tilespmem:s5+$0x10000];
	s13 =	rddreg [dreg:$0xe]  }
0x1e9: {  	s17 =	sor.u32 $0x4100, s7;
	s5 =	sor.u32 s24, s22;
	[tilespmem:s0+$0x0] =	vst v8;
	v6 =	vld [tilespmem:s13+$0x10000]  }
0x1ea: {  	s14 =	sor.u32 s25, s17;
	v33 =	vld [tilespmem:s5+$0x0];
	s0 =	sld [smem:$0x7DE]  }
0x1eb: {  	v2 =	vadd.f32 v2, v5;
	v8 =	vld [tilespmem:s14+$0x0]  }
0x1ec: {  	v34 =	vld [tilespmem:s6+$0x10100]  }
0x1ed: {  	[tilespmem:s23+$0x0] =	vst v2;
	v5 =	vld [tilespmem:s0+$0x10000];
	v4 =	vadd.f32 v4, v32  }
0x1ee: {  	s13 =	sld [smem:$0x7D7]  }
0x1ef: {  	[tilespmem:s4+$0x0] =	vst v4;
	v4 =	vadd.f32 v6, v7;
	_ =	sdelay $0x1  }
0x1f0: {  	s8 =	sor.u32 s3, s30;
	v8 =	vadd.f32 v34, v8;
	v2 =	vld [tilespmem:s13+$0x10000];
	[tilespmem:s10+$0x0] =	vst v4  }
0x1f1: {  	v6 =	vld [tilespmem:s8+$0x0];
	v5 =	vadd.f32 v5, v33;
	s23 =	rddreg [dreg:$0x10]  }
0x1f2: {  	s4 =	sor.u32 s29, s30;
	[tilespmem:s14+$0x0] =	vst v8;
	v4 =	vld [tilespmem:s23+$0x10000]  }
0x1f3: {  	v7 =	vld [tilespmem:s4+$0x0];
	[tilespmem:s5+$0x0] =	vst v5  }
0x1f4: {  	v5 =	vld [tilespmem:s28+$0x10000];
	s0 =	sld [smem:$0x7E2]  }
0x1f5: {  	s10 =	sor.u32 s24, s16;
	v36 =	vld [tilespmem:s6+$0x10180]  }
0x1f6: {  	s23 =	sor.u32 $0x4180, s7;
	v35 =	vld [tilespmem:s10+$0x0]  }
0x1f7: {  	s13 =	sor.u32 s25, s23;
	v8 =	vld [tilespmem:s0+$0x10000];
	v4 =	vadd.f32 v4, v6  }
0x1f8: {  	s14 =	sor.u32 s31, s11;
	v6 =	vld [tilespmem:s13+$0x0]  }
0x1f9: {  	[tilespmem:s8+$0x0] =	vst v4;
	v4 =	vld [tilespmem:s14+$0x0];
	_ =	sdelay $0x1  }
0x1fa: {  	v5 =	vadd.f32 v5, v7;
	s8 =	sor.u32 s3, s22  }
0x1fb: {  	v7 =	vld [tilespmem:s8+$0x0];
	v8 =	vadd.f32 v8, v35  }
0x1fc: {  	[tilespmem:s4+$0x0] =	vst v5;
	s22 =	sor.u32 s29, s22;
	v5 =	vld [tilespmem:s12+$0x10000];
	v6 =	vadd.f32 v36, v6  }
0x1fd: {  	s30 =	smov.u32 s18;
	s18 =	smov.u32 s28;
	s28 =	sor.u32 s24, s2;
	v37 =	vld [tilespmem:s22+$0x0];
	[tilespmem:s10+$0x0] =	vst v8;
	v1 =	vadd.f32 v1, v4  }
0x1fe: {  	s4 =	rddreg [dreg:$0x17];
	v38 =	vld [tilespmem:s28+$0x0];
	[tilespmem:s13+$0x0] =	vst v6  }
0x1ff: {  	v8 =	vld [tilespmem:s4+$0x10000];
	[tilespmem:s14+$0x0] =	vst v1  }
0x200: {  	v4 =	vld [tilespmem:s20+$0x10000];
	s4 =	sor.u32 $0x4200, s7;
	s13 =	sld [smem:$0x7E6]  }
0x201: {  	s12 =	sor.u32 s25, s4  }
0x202: {  	v5 =	vadd.f32 v5, v7;
	v6 =	vld [tilespmem:s12+$0x0]  }
0x203: {  	v7 =	vld [tilespmem:s13+$0x10000]  }
0x204: {  	s14 =	sld [smem:$0x7D8];
	[tilespmem:s8+$0x0] =	vst v5;
	v5 =	vadd.f32 v8, v37  }
0x205: {  	v4 =	vadd.f32 v4, v38  }
0x206: {  	[tilespmem:s22+$0x0] =	vst v5  }
0x207: {  	s8 =	sor.u32 s3, s16;
	v1 =	vld [tilespmem:s14+$0x10000];
	s22 =	rddreg [dreg:$0x13];
	[tilespmem:s28+$0x0] =	vst v4  }
0x208: {  	v8 =	vld [tilespmem:s8+$0x0];
	s5 =	sld [smem:$0x7E7];
	v6 =	vadd.f32 v7, v6  }
0x209: {  	s16 =	sor.u32 s29, s16;
	v5 =	vld [tilespmem:s22+$0x10000]  }
0x20a: {  	v39 =	vld [tilespmem:s16+$0x0];
	[tilespmem:s12+$0x0] =	vst v6  }
0x20b: {  	s28 =	sor.u32 s24, s1;
	v4 =	vld [tilespmem:s5+$0x10000];
	s12 =	sld [smem:$0x7D9]  }
0x20c: {  	s13 =	sor.u32 $0x4280, s7;
	v7 =	vld [tilespmem:s28+$0x0];
	s14 =	sld [smem:$0x7EC]  }
0x20d: {  	s0 =	sor.u32 s25, s13;
	v6 =	vld [tilespmem:s20+$0x10080]  }
0x20e: {  	v5 =	vadd.f32 v5, v8;
	v8 =	vld [tilespmem:s0+$0x0]  }
0x20f: {  	s10 =	sor.u32 s12, s11;
	v40 =	vld [tilespmem:s14+$0x10000]  }
0x210: {  	s22 =	sor.u32 s3, s2;
	[tilespmem:s8+$0x0] =	vst v5;
	v5 =	vld [tilespmem:s10+$0x0];
	v4 =	vadd.f32 v4, v39  }
0x211: {  	v41 =	vld [tilespmem:s22+$0x0]  }
0x212: {  	s14 =	sor.u32 s29, s2;
	v6 =	vadd.f32 v6, v7;
	[tilespmem:s16+$0x0] =	vst v4;
	v4 =	vld [tilespmem:s15+$0x10000]  }
0x213: {  	v7 =	vld [tilespmem:s14+$0x0]  }
0x214: {  	[tilespmem:s28+$0x0] =	vst v6;
	s28 =	sor.u32 s24, s17;
	v6 =	vld [tilespmem:s9+$0x10000];
	v8 =	vadd.f32 v40, v8  }
0x215: {  	s2 =	sor.u32 $0x4300, s7;
	v42 =	vld [tilespmem:s28+$0x0]  }
0x216: {  	s11 =	sor.u32 s25, s2;
	v3 =	vadd.f32 v3, v5;
	v5 =	vld [tilespmem:s20+$0x10100];
	[tilespmem:s0+$0x0] =	vst v8  }
0x217: {  	v4 =	vadd.f32 v4, v41;
	v8 =	vld [tilespmem:s11+$0x0]  }
0x218: {  	[tilespmem:s10+$0x0] =	vst v3;
	v3 =	vld [tilespmem:s30+$0x10000]  }
0x219: {  	s10 =	sld [smem:$0x7DA];
	[tilespmem:s22+$0x0] =	vst v4;
	v4 =	vadd.f32 v6, v7;
	s22 =	sor.u32 s3, s1  }
0x21a: {  	v6 =	vld [tilespmem:s22+$0x0]  }
0x21b: {  	s1 =	sor.u32 s29, s1;
	v5 =	vadd.f32 v5, v42;
	[tilespmem:s14+$0x0] =	vst v4;
	v4 =	vld [tilespmem:s15+$0x10080]  }
0x21c: {  	v7 =	vld [tilespmem:s1+$0x0]  }
0x21d: {  	s14 =	sor.u32 s24, s23;
	[tilespmem:s28+$0x0] =	vst v5;
	v5 =	vld [tilespmem:s9+$0x10080];
	v3 =	vadd.f32 v3, v8  }
0x21e: {  	s8 =	sor.u32 $0x4380, s7;
	v8 =	vld [tilespmem:s14+$0x0]  }
0x21f: {  	s16 =	sor.u32 s25, s8;
	[tilespmem:s11+$0x0] =	vst v3;
	v3 =	vld [tilespmem:s20+$0x10180]  }
0x220: {  	s28 =	rddreg [dreg:$0x18];
	v4 =	vadd.f32 v4, v6;
	v6 =	vld [tilespmem:s16+$0x0]  }
0x221: {  	v44 =	vld [tilespmem:s28+$0x10000]  }
0x222: {  	s28 =	sld [smem:$0x7DB];
	_ =	sdelay $0x1  }
0x223: {  	v43 =	vld [tilespmem:s10+$0x10000];
	v5 =	vadd.f32 v5, v7;
	[tilespmem:s22+$0x0] =	vst v4;
	s22 =	sor.u32 s3, s17  }
0x224: {  	s11 =	sor.u32 s21, s28;
	v7 =	vld [tilespmem:s22+$0x0];
	v3 =	vadd.f32 v3, v8  }
0x225: {  	[tilespmem:s1+$0x0] =	vst v5;
	v4 =	vld [tilespmem:s11+$0x0];
	v6 =	vadd.f32 v44, v6  }
0x226: {  	s1 =	sor.u32 s29, s17;
	v5 =	vld [tilespmem:s15+$0x10100];
	[tilespmem:s14+$0x0] =	vst v3  }
0x227: {  	v8 =	vld [tilespmem:s1+$0x0];
	[tilespmem:s16+$0x0] =	vst v6  }
0x228: {  	s5 =	sor.u32 s24, s4;
	s10 =	sor.u32 $0x6000, s7;
	v3 =	vld [tilespmem:s9+$0x10100];
	s0 =	sld [smem:$0x7DC]  }
0x229: {  	s14 =	sor.u32 s25, s10;
	v45 =	vld [tilespmem:s5+$0x0]  }
0x22a: {  	v6 =	vld [tilespmem:s14+$0x0];
	v2 =	vadd.f32 v2, v4  }
0x22b: {  	v4 =	vld [tilespmem:s0+$0x10000]  }
0x22c: {  	v5 =	vadd.f32 v5, v7;
	[tilespmem:s11+$0x0] =	vst v2;
	v2 =	vld [tilespmem:s6+$0x10000];
	_ =	sdelay $0x1  }
0x22d: {  	s17 =	sor.u32 s3, s23;
	v3 =	vadd.f32 v3, v8;
	s16 =	sld [smem:$0x7DD];
	[tilespmem:s22+$0x0] =	vst v5  }
0x22e: {  	v5 =	vld [tilespmem:s17+$0x0]  }
0x22f: {  	s11 =	sor.u32 s29, s23;
	[tilespmem:s1+$0x0] =	vst v3;
	v3 =	vld [tilespmem:s15+$0x10180];
	v4 =	vadd.f32 v4, v45  }
0x230: {  	v8 =	vld [tilespmem:s11+$0x0];
	v2 =	vadd.f32 v2, v6  }
0x231: {  	v7 =	vld [tilespmem:s16+$0x10000];
	[tilespmem:s5+$0x0] =	vst v4  }
0x232: {  	s22 =	sor.u32 s24, s13;
	v4 =	vld [tilespmem:s9+$0x10180];
	[tilespmem:s14+$0x0] =	vst v2  }
0x233: {  	s1 =	sor.u32 $0x6080, s7;
	v6 =	vld [tilespmem:s22+$0x0];
	[dreg:$0xa] =	wrdreg s26  }
0x234: {  	s23 =	sor.u32 s25, s1;
	v2 =	vld [tilespmem:s26+$0x10000]  }
0x235: {  	v46 =	vld [tilespmem:s23+$0x0]  }
0x236: {  	v3 =	vadd.f32 v3, v5;
	s14 =	sor.u32 s31, s28;
	v5 =	vld [tilespmem:s6+$0x10080]  }
0x237: {  	v47 =	vld [tilespmem:s14+$0x0];
	v4 =	vadd.f32 v4, v8  }
0x238: {  	s26 =	sor.u32 s12, s28;
	[tilespmem:s17+$0x0] =	vst v3  }
0x239: {  	s28 =	sor.u32 s3, s4;
	v3 =	vld [tilespmem:s26+$0x0];
	[tilespmem:s11+$0x0] =	vst v4;
	v2 =	vadd.f32 v2, v6  }
0x23a: {  	v8 =	vld [tilespmem:s28+$0x0];
	s0 =	rddreg [dreg:$0xc]  }
0x23b: {  	v5 =	vadd.f32 v5, v46;
	v4 =	vld [tilespmem:s0+$0x10000];
	[tilespmem:s22+$0x0] =	vst v2  }
0x23c: {  	v1 =	vadd.f32 v1, v47;
	s11 =	rddreg [dreg:$0xe]  }
0x23d: {  	s4 =	sor.u32 s29, s4;
	[tilespmem:s23+$0x0] =	vst v5;
	v2 =	vld [tilespmem:s11+$0x10000];
	s11 =	sor.u32 $0x6100, s7  }
0x23e: {  	v6 =	vld [tilespmem:s4+$0x0];
	[tilespmem:s14+$0x0] =	vst v1;
	s17 =	sor.u32 s25, s11  }
0x23f: {  	v3 =	vadd.f32 v43, v3;
	s14 =	sld [smem:$0x7DE];
	v48 =	vld [tilespmem:s17+$0x0]  }
0x240: {  	s5 =	sor.u32 s24, s2;
	v4 =	vadd.f32 v4, v8;
	v8 =	vld [tilespmem:s6+$0x10100]  }
0x241: {  	v5 =	vld [tilespmem:s5+$0x0];
	s22 =	sld [smem:$0x7DF];
	[tilespmem:s26+$0x0] =	vst v3  }
0x242: {  	v1 =	vld [tilespmem:s14+$0x10000];
	[tilespmem:s28+$0x0] =	vst v4  }
0x243: {  	v2 =	vadd.f32 v2, v6;
	s0 =	rddreg [dreg:$0x17]  }
0x244: {  	s23 =	sor.u32 s3, s13;
	v49 =	vld [tilespmem:s22+$0x10000];
	s22 =	rddreg [dreg:$0x10]  }
0x245: {  	v4 =	vld [tilespmem:s23+$0x0];
	s28 =	sld [smem:$0x7E0];
	[tilespmem:s4+$0x0] =	vst v2;
	v2 =	vadd.f32 v8, v48  }
0x246: {  	s14 =	sor.u32 s29, s13;
	v3 =	vld [tilespmem:s22+$0x10000]  }
0x247: {  	v8 =	vld [tilespmem:s14+$0x0];
	v1 =	vadd.f32 v1, v5;
	[tilespmem:s17+$0x0] =	vst v2  }
0x248: {  	v6 =	vld [tilespmem:s28+$0x10000];
	[smem:$0x7E1] =	sst s18  }
0x249: {  	[tilespmem:s5+$0x0] =	vst v1  }
0x24a: {  	v2 =	vld [tilespmem:s18+$0x10000];
	s17 =	sld [smem:$0x7E2]  }
0x24b: {  	v1 =	vld [tilespmem:s6+$0x10180];
	s18 =	sor.u32 s24, s8;
	v3 =	vadd.f32 v3, v4;
	s6 =	sld [smem:$0x7E3]  }
0x24c: {  	v4 =	vld [tilespmem:s18+$0x0]  }
0x24d: {  	[tilespmem:s23+$0x0] =	vst v3;
	s23 =	sor.u32 s3, s2;
	v5 =	vld [tilespmem:s17+$0x10000]  }
0x24e: {  	v50 =	vld [tilespmem:s23+$0x0];
	s22 =	sor.u32 s21, s6  }
0x24f: {  	s17 =	rddreg [dreg:$0x12];
	v3 =	vld [tilespmem:s22+$0x0];
	v2 =	vadd.f32 v2, v8  }
0x250: {  	s26 =	sor.u32 s31, s6;
	v8 =	vld [tilespmem:s17+$0x10000]  }
0x251: {  	s4 =	sor.u32 s29, s2;
	s2 =	sor.u32 $0x6180, s7;
	[tilespmem:s14+$0x0] =	vst v2;
	v2 =	vld [tilespmem:s26+$0x0]  }
0x252: {  	s28 =	sor.u32 s25, s2;
	v51 =	vld [tilespmem:s4+$0x0];
	v4 =	vadd.f32 v5, v4  }
0x253: {  	v5 =	vld [tilespmem:s28+$0x0]  }
0x254: {  	s5 =	sor.u32 s24, s10;
	v3 =	vadd.f32 v7, v3;
	[tilespmem:s18+$0x0] =	vst v4;
	v4 =	vld [tilespmem:s0+$0x10000]  }
0x255: {  	v7 =	vadd.f32 v8, v50;
	v8 =	vld [tilespmem:s5+$0x0]  }
0x256: {  	[tilespmem:s22+$0x0] =	vst v3;
	v3 =	vld [tilespmem:s20+$0x10000];
	v2 =	vadd.f32 v49, v2  }
0x257: {  	s14 =	sld [smem:$0x7E4];
	[tilespmem:s23+$0x0] =	vst v7  }
0x258: {  	s18 =	sor.u32 s3, s8;
	[tilespmem:s26+$0x0] =	vst v2  }
0x259: {  	v7 =	vld [tilespmem:s18+$0x0];
	v1 =	vadd.f32 v1, v5;
	s23 =	rddreg [dreg:$0x13]  }
0x25a: {  	s26 =	sld [smem:$0x7E5];
	v2 =	vld [tilespmem:s23+$0x10000];
	v4 =	vadd.f32 v4, v51  }
0x25b: {  	[tilespmem:s28+$0x0] =	vst v1;
	v3 =	vadd.f32 v3, v8  }
0x25c: {  	v52 =	vld [tilespmem:s14+$0x10000];
	[tilespmem:s4+$0x0] =	vst v4  }
0x25d: {  	s0 =	sor.u32 s29, s8;
	v5 =	vld [tilespmem:s26+$0x10000];
	s28 =	sld [smem:$0x7E6];
	[tilespmem:s5+$0x0] =	vst v3  }
0x25e: {  	v4 =	vld [tilespmem:s0+$0x0];
	s22 =	sld [smem:$0x7E7]  }
0x25f: {  	s8 =	sor.u32 s24, s1;
	v8 =	vld [tilespmem:s20+$0x10080];
	v2 =	vadd.f32 v2, v7  }
0x260: {  	v7 =	vld [tilespmem:s8+$0x0]  }
0x261: {  	v3 =	vld [tilespmem:s22+$0x10000];
	[tilespmem:s18+$0x0] =	vst v2  }
0x262: {  	s16 =	sor.u32 s12, s6;
	v1 =	vld [tilespmem:s28+$0x10000];
	s6 =	sld [smem:$0x7E8]  }
0x263: {  	s17 =	sor.u32 s3, s10;
	v2 =	vld [tilespmem:s16+$0x0]  }
0x264: {  	v53 =	vld [tilespmem:s17+$0x0]  }
0x265: {  	s4 =	sor.u32 $0x6200, s7;
	v54 =	vld [tilespmem:s15+$0x10000];
	v7 =	vadd.f32 v8, v7;
	s18 =	sor.u32 s21, s6  }
0x266: {  	s23 =	sor.u32 s25, s4;
	v3 =	vadd.f32 v3, v4;
	v4 =	vld [tilespmem:s18+$0x0]  }
0x267: {  	s14 =	smov.u32 s21;
	s21 =	sor.u32 s31, s6;
	[tilespmem:s8+$0x0] =	vst v7;
	v7 =	vld [tilespmem:s23+$0x0]  }
0x268: {  	s26 =	sor.u32 s24, s11;
	[tilespmem:s0+$0x0] =	vst v3;
	v3 =	vld [tilespmem:s21+$0x0]  }
0x269: {  	v55 =	vld [tilespmem:s26+$0x0]  }
0x26a: {  	s10 =	sor.u32 s29, s10;
	v2 =	vadd.f32 v6, v2;
	v56 =	vld [tilespmem:s20+$0x10100]  }
0x26b: {  	v10 =	vadd.f32 v54, v53;
	v8 =	vld [tilespmem:s10+$0x0]  }
0x26c: {  	[tilespmem:s16+$0x0] =	vst v2;
	v6 =	vld [tilespmem:s9+$0x10000];
	v4 =	vadd.f32 v52, v4  }
0x26d: {  	[tilespmem:s17+$0x0] =	vst v10;
	v2 =	vadd.f32 v5, v3  }
0x26e: {  	s28 =	sor.u32 s3, s1;
	[tilespmem:s18+$0x0] =	vst v4  }
0x26f: {  	s13 =	sor.u32 $0x6380, s19;
	v57 =	vld [tilespmem:s28+$0x0];
	v1 =	vadd.f32 v1, v7;
	s16 =	sld [smem:$0x7E9];
	[tilespmem:s21+$0x0] =	vst v2  }
0x270: {  	s14 =	sor.u32 s14, s13;
	v3 =	vld [tilespmem:s15+$0x10080];
	v5 =	vadd.f32 v56, v55;
	s17 =	sld [smem:$0x7EA]  }
0x271: {  	v61 =	vld [tilespmem:s14+$0x0];
	s18 =	sld [smem:$0x7EB];
	[tilespmem:s23+$0x0] =	vst v1;
	v1 =	vadd.f32 v6, v8  }
0x272: {  	v4 =	vld [tilespmem:s16+$0x10000];
	s21 =	sld [smem:$0x7EC];
	[tilespmem:s26+$0x0] =	vst v5  }
0x273: {  	[tilespmem:s10+$0x0] =	vst v1;
	v1 =	vld [tilespmem:s20+$0x10180]  }
0x274: {  	v2 =	vld [tilespmem:s17+$0x10000]  }
0x275: {  	s1 =	sor.u32 s29, s1;
	v3 =	vadd.f32 v3, v57;
	v7 =	vld [tilespmem:s18+$0x10000]  }
0x276: {  	v5 =	vld [tilespmem:s1+$0x0]  }
0x277: {  	s23 =	sor.u32 s3, s11;
	[tilespmem:s28+$0x0] =	vst v3;
	v3 =	vld [tilespmem:s9+$0x10080]  }
0x278: {  	v8 =	vld [tilespmem:s23+$0x0];
	s16 =	sld [smem:$0x7ED]  }
0x279: {  	v58 =	vld [tilespmem:s15+$0x10100]  }
0x27a: {  	v6 =	vld [tilespmem:s21+$0x10000];
	s28 =	sor.u32 s12, s6  }
0x27b: {  	v59 =	vld [tilespmem:s28+$0x0];
	s17 =	sor.u32 s16, s13;
	s16 =	sor.u32 $0x6280, s7  }
0x27c: {  	v60 =	vld [tilespmem:s17+$0x0];
	v3 =	vadd.f32 v3, v5;
	s18 =	sor.u32 s25, s16  }
0x27d: {  	s26 =	sor.u32 s31, s13;
	v5 =	vld [tilespmem:s18+$0x0]  }
0x27e: {  	s6 =	sor.u32 s29, s11;
	[tilespmem:s1+$0x0] =	vst v3;
	v3 =	vadd.f32 v58, v8;
	v8 =	vld [tilespmem:s26+$0x0]  }
0x27f: {  	v2 =	vadd.f32 v2, v61;
	v62 =	vld [tilespmem:s6+$0x0]  }
0x280: {  	s19 =	sor.u32 s12, s13;
	s0 =	sor.u32 s29, s2;
	s31 =	smov.u32 s22;
	v4 =	vadd.f32 v4, v59;
	v63 =	vld [tilespmem:s9+$0x10100];
	[tilespmem:s23+$0x0] =	vst v3  }
0x281: {  	s22 =	sor.u32 s24, s4;
	s20 =	smov.u32 s9;
	s12 =	sor.u32 s24, s2;
	[tilespmem:s14+$0x0] =	vst v2;
	v0 =	vadd.f32 v0, v60;
	v3 =	vld [tilespmem:s15+$0x10180]  }
0x282: {  	s11 =	sor.u32 s3, s2;
	s13 =	sor.u32 s3, s4;
	s21 =	sor.u32 s24, s16;
	[tilespmem:s28+$0x0] =	vst v4;
	v4 =	vadd.f32 v6, v5;
	v5 =	vld [tilespmem:s12+$0x0]  }
0x283: {  	s28 =	sor.u32 $0x6300, s7;
	s23 =	sor.u32 s29, s4;
	s4 =	sor.u32 s29, s16;
	[tilespmem:s17+$0x0] =	vst v0;
	v0 =	vld [tilespmem:s19+$0x0];
	v2 =	vadd.f32 v7, v8  }
0x284: {  	s1 =	sor.u32 s25, s28;
	s14 =	sor.u32 s24, s28;
	s8 =	sor.u32 s3, s28;
	[tilespmem:s18+$0x0] =	vst v4;
	v4 =	vld [tilespmem:s11+$0x0]  }
0x285: {  	s5 =	sor.u32 s29, s28;
	s17 =	sor.u32 s3, s16;
	v6 =	vadd.f32 v63, v62;
	s18 =	smov.u32 s29;
	[tilespmem:s26+$0x0] =	vst v2;
	v2 =	vld [tilespmem:s1+$0x0]  }
.LBB2_3:
0x286: {  	[smem:$0x7BA] =	sst s23  }
0x287: {  	[smem:$0x7BC] =	sst s17  }
0x288: {  	[smem:$0x7C3] =	sst s8  }
0x289: {  	s23 =	rddreg [dreg:$0x6]  }
0x28a: {  	v7 =	vld [tilespmem:s30+$0x10000];
	s26 =	rddreg [dreg:$0x8];
	s8 =	sadd.s32 $0x40, s23;
	[tilespmem:s6+$0x0] =	vst v6  }
0x28b: {  	s28 =	rddreg [dreg:$0x4];
	s17 =	sadd.s32 $0x200, s26;
	s2 =	sand.u32 $0x40, s8;
	v6 =	vld [tilespmem:s0+$0x0];
	v1 =	vadd.f32 v1, v5  }
0x28c: {  	s29 =	sand.u32 $0x1C00, s17;
	s15 =	sor.u32 $0x30, s2;
	v5 =	vld [tilespmem:s28+$0x10000]  }
0x28d: {  	[smem:$0x7C2] =	sst s14;
	v8 =	vld [tilespmem:s20+$0x10180];
	s14 =	sor.u32 s15, s29;
	[tilespmem:s12+$0x0] =	vst v1;
	v1 =	vadd.f32 v3, v4  }
0x28e: {  	v3 =	vld [tilespmem:s14+$0x0]  }
0x28f: {  	v4 =	vld [tilespmem:s14+$0x10000];
	[tilespmem:s11+$0x0] =	vst v1;
	v1 =	vadd.f32 v7, v2  }
0x290: {  	s10 =	smov.u32 s31;
	s23 =	sor.u32 $0x6380, s7;
	v2 =	vld [tilespmem:s14+$0x80]  }
0x291: {  	[dreg:$0x4] =	wrdreg s10;
	s28 =	sor.u32 s25, s23;
	v0 =	vadd.f32 v5, v0;
	v5 =	vld [tilespmem:s14+$0x10080];
	[tilespmem:s1+$0x0] =	vst v1  }
0x292: {  	s10 =	rddreg [dreg:$0x18];
	v1 =	vadd.f32 v8, v6;
	v6 =	vld [tilespmem:s28+$0x0]  }
0x293: {  	[tilespmem:s19+$0x0] =	vst v0;
	v0 =	vld [tilespmem:s10+$0x10000]  }
0x294: {  	v7 =	vld [tilespmem:s14+$0x100]  }
0x295: {  	v8 =	vld [tilespmem:s14+$0x180]  }
0x296: {  	s6 =	sor.u32 $0x10, s2;
	[tilespmem:s0+$0x0] =	vst v1;
	v1 =	vld [tilespmem:s14+$0x10100]  }
0x297: {  	[smem:$0x7C5] =	sst s5;
	s5 =	sor.u32 s6, s29;
	v9 =	vld [tilespmem:s14+$0x10180]  }
0x298: {  	v10 =	vld [tilespmem:s5+$0x0];
	v0 =	vadd.f32 v0, v6  }
0x299: {  	p0 =	por !p0, !p0;
	v3 =	vadd.f32 v4, v3;
	s0 =	simm.s32 $0x1;
	v6 =	vld [tilespmem:s5+$0x10000]  }
0x29a: {  	v4 =	vld [tilespmem:s5+$0x80];
	s0 =	simm.s32 @!p0 $0x0;
	v2 =	vadd.f32 v5, v2;
	[tilespmem:s28+$0x0] =	vst v0  }
0x29b: {  	s0 =	sshll.u32 s0, $0x6;
	v5 =	vld [tilespmem:s5+$0x10100];
	v1 =	vadd.f32 v1, v7;
	[tilespmem:s14+$0x0] =	vst v3  }
0x29c: {  	s11 =	sadd.s32 s0, s17;
	v0 =	vld [tilespmem:s5+$0x10080];
	[tilespmem:s14+$0x80] =	vst v2;
	v2 =	vadd.f32 v9, v8  }
0x29d: {  	s0 =	sadd.s32 $0x30, s11;
	v3 =	vld [tilespmem:s5+$0x100];
	[tilespmem:s14+$0x100] =	vst v1  }
0x29e: {  	s19 =	sor.u32 $0x200, s0;
	v1 =	vadd.f32 v6, v10;
	v6 =	vld [tilespmem:s5+$0x180];
	[tilespmem:s14+$0x180] =	vst v2  }
0x29f: {  	v2 =	vld [tilespmem:s19+$0x0]  }
0x2a0: {  	p1 =	slt.u32 s8, $0x3C0;
	s16 =	sor.u32 $0x20, s2;
	[tilespmem:s5+$0x0] =	vst v1;
	v1 =	vld [tilespmem:s19+$0x10000]  }
0x2a1: {  	[dreg:$0x6] =	wrdreg s8;
	s20 =	sor.u32 s17, s8;
	s8 =	sor.u32 s16, s29;
	v0 =	vadd.f32 v0, v4;
	v4 =	vld [tilespmem:s5+$0x10180]  }
0x2a2: {  	v7 =	vld [tilespmem:s8+$0x10080]  }
0x2a3: {  	[tilespmem:s5+$0x80] =	vst v0;
	v0 =	vadd.f32 v5, v3;
	v3 =	vld [tilespmem:s8+$0x0]  }
0x2a4: {  	v5 =	vld [tilespmem:s8+$0x10000]  }
0x2a5: {  	[tilespmem:s5+$0x100] =	vst v0;
	v0 =	vld [tilespmem:s8+$0x80];
	v1 =	vadd.f32 v1, v2  }
0x2a6: {  	[smem:$0x7BB] =	sst s21;
	s21 =	sor.u32 $0x380, s20;
	v2 =	vadd.f32 v4, v6;
	v4 =	vld [tilespmem:s8+$0x100]  }
0x2a7: {  	[smem:$0x7E7] =	sst s21;
	s21 =	sor.u32 $0x280, s0;
	v6 =	vld [tilespmem:s8+$0x10100];
	[tilespmem:s19+$0x0] =	vst v1  }
0x2a8: {  	[tilespmem:s5+$0x180] =	vst v2;
	v2 =	vld [tilespmem:s21+$0x0]  }
0x2a9: {  	v1 =	vadd.f32 v5, v3;
	v3 =	vld [tilespmem:s21+$0x10000]  }
0x2aa: {  	v5 =	vld [tilespmem:s8+$0x10180];
	v0 =	vadd.f32 v7, v0  }
0x2ab: {  	s9 =	sor.u32 s2, s29;
	[tilespmem:s8+$0x0] =	vst v1;
	v1 =	vld [tilespmem:s8+$0x180]  }
0x2ac: {  	v7 =	vld [tilespmem:s9+$0x0];
	[tilespmem:s8+$0x80] =	vst v0;
	v0 =	vadd.f32 v6, v4  }
0x2ad: {  	v4 =	vld [tilespmem:s9+$0x10000]  }
0x2ae: {  	v6 =	vld [tilespmem:s9+$0x80];
	[tilespmem:s8+$0x100] =	vst v0;
	v0 =	vadd.f32 v3, v2  }
0x2af: {  	s26 =	sor.u32 s24, s23;
	v2 =	vld [tilespmem:s9+$0x10080]  }
0x2b0: {  	[smem:$0x7C7] =	sst s26;
	s26 =	sor.u32 $0x300, s0;
	v3 =	vld [tilespmem:s9+$0x100];
	v1 =	vadd.f32 v5, v1;
	[tilespmem:s21+$0x0] =	vst v0  }
0x2b1: {  	v0 =	vld [tilespmem:s26+$0x0]  }
0x2b2: {  	v4 =	vadd.f32 v4, v7;
	[tilespmem:s8+$0x180] =	vst v1;
	v1 =	vld [tilespmem:s26+$0x10000]  }
0x2b3: {  	v5 =	vld [tilespmem:s9+$0x10100]  }
0x2b4: {  	s3 =	sor.u32 s3, s23;
	s25 =	smov.u32 s15;
	s15 =	sadd.s32 $0x10, s11;
	[tilespmem:s9+$0x0] =	vst v4;
	v4 =	vld [tilespmem:s9+$0x180]  }
0x2b5: {  	s7 =	smov.u32 s29;
	s29 =	smov.u32 s2;
	s2 =	sor.u32 $0x200, s15;
	v2 =	vadd.f32 v2, v6;
	v6 =	vld [tilespmem:s9+$0x10180]  }
0x2b6: {  	[dreg:$0x1f] =	wrdreg s3;
	s3 =	smov.u32 s16;
	s16 =	sadd.s32 $0x20, s11;
	v7 =	vld [tilespmem:s2+$0x10000]  }
0x2b7: {  	s30 =	sor.u32 $0x200, s16;
	[tilespmem:s9+$0x80] =	vst v2;
	v2 =	vld [tilespmem:s2+$0x0];
	v0 =	vadd.f32 v1, v0  }
0x2b8: {  	v1 =	vadd.f32 v5, v3;
	v3 =	vld [tilespmem:s30+$0x0]  }
0x2b9: {  	s0 =	sor.u32 $0x380, s0;
	v5 =	vld [tilespmem:s30+$0x10000];
	[tilespmem:s26+$0x0] =	vst v0  }
0x2ba: {  	[tilespmem:s9+$0x100] =	vst v1;
	v0 =	vadd.f32 v6, v4;
	v1 =	vld [tilespmem:s0+$0x0]  }
0x2bb: {  	v4 =	vld [tilespmem:s0+$0x10000]  }
0x2bc: {  	s12 =	sor.u32 $0x200, s11;
	[tilespmem:s9+$0x180] =	vst v0;
	v0 =	vadd.f32 v7, v2;
	v2 =	vld [tilespmem:s22+$0x0]  }
0x2bd: {  	v6 =	vld [tilespmem:s12+$0x0]  }
0x2be: {  	[smem:$0x7C1] =	sst s4;
	s4 =	sor.u32 s18, s23;
	s23 =	sor.u32 $0x280, s15;
	v7 =	vld [tilespmem:s12+$0x10000];
	[tilespmem:s2+$0x0] =	vst v0;
	v0 =	vadd.f32 v5, v3  }
0x2bf: {  	[dreg:$0x8] =	wrdreg s17;
	v3 =	vld [tilespmem:s23+$0x0]  }
0x2c0: {  	[dreg:$0x1d] =	wrdreg s4;
	s4 =	sor.u32 $0x2000, s7;
	s17 =	sor.u32 $0x280, s16;
	v5 =	vld [tilespmem:s23+$0x10000];
	[tilespmem:s30+$0x0] =	vst v0;
	v0 =	vadd.f32 v4, v1  }
0x2c1: {  	s1 =	sor.u32 s25, s4;
	v1 =	vld [tilespmem:s17+$0x0]  }
0x2c2: {  	s18 =	sor.u32 $0x300, s16;
	s10 =	sor.u32 $0x380, s16;
	s16 =	sld [smem:$0x7DC];
	v4 =	vld [tilespmem:s17+$0x10000];
	[tilespmem:s0+$0x0] =	vst v0  }
0x2c3: {  	v0 =	vadd.f32 v7, v6;
	v6 =	vld [tilespmem:s1+$0x0]  }
0x2c4: {  	v7 =	vld [tilespmem:s14+$0x10000]  }
0x2c5: {  	s24 =	smov.u32 s6;
	s6 =	sor.u32 $0x280, s11;
	[tilespmem:s12+$0x0] =	vst v0;
	v0 =	vadd.f32 v5, v3;
	v3 =	vld [tilespmem:s16+$0x10000]  }
0x2c6: {  	v5 =	vld [tilespmem:s6+$0x0]  }
0x2c7: {  	s28 =	sor.u32 $0x300, s15;
	v8 =	vld [tilespmem:s6+$0x10000];
	[tilespmem:s23+$0x0] =	vst v0;
	v0 =	vadd.f32 v4, v1  }
0x2c8: {  	v1 =	vld [tilespmem:s28+$0x0]  }
0x2c9: {  	v4 =	vld [tilespmem:s28+$0x10000];
	[tilespmem:s17+$0x0] =	vst v0;
	v0 =	vadd.f32 v7, v6  }
0x2ca: {  	[smem:$0x7CB] =	sst s21;
	s21 =	sor.u32 $0x2080, s7;
	v6 =	vld [tilespmem:s18+$0x0]  }
0x2cb: {  	v2 =	vadd.f32 v3, v2;
	v3 =	vld [tilespmem:s18+$0x10000];
	[tilespmem:s1+$0x0] =	vst v0;
	s1 =	sor.u32 s25, s21  }
0x2cc: {  	v0 =	vadd.f32 v8, v5;
	v5 =	vld [tilespmem:s1+$0x0]  }
0x2cd: {  	[tilespmem:s22+$0x0] =	vst v2;
	v2 =	vld [tilespmem:s14+$0x10080]  }
0x2ce: {  	s20 =	sor.u32 $0x300, s11;
	[smem:$0x7BE] =	sst s6;
	[tilespmem:s6+$0x0] =	vst v0;
	v0 =	vadd.f32 v4, v1;
	v1 =	vld [tilespmem:s13+$0x0]  }
0x2cf: {  	[smem:$0x7C4] =	sst s26;
	s26 =	smov.u32 s2;
	s2 =	smov.u32 s28;
	v4 =	vld [tilespmem:s20+$0x0]  }
0x2d0: {  	s11 =	sor.u32 $0x380, s15;
	[dreg:$0x18] =	wrdreg s0;
	v7 =	vld [tilespmem:s20+$0x10000];
	[tilespmem:s2+$0x0] =	vst v0;
	v0 =	vadd.f32 v3, v6  }
0x2d1: {  	[smem:$0x7BD] =	sst s17;
	v3 =	vld [tilespmem:s11+$0x0]  }
0x2d2: {  	[smem:$0x7C0] =	sst s18;
	v6 =	vld [tilespmem:s11+$0x10000];
	[tilespmem:s18+$0x0] =	vst v0;
	v0 =	vadd.f32 v2, v5  }
0x2d3: {  	[smem:$0x7BF] =	sst s28;
	s16 =	sor.u32 s24, s21;
	s18 =	sor.u32 $0x2100, s7;
	v2 =	vld [tilespmem:s10+$0x0]  }
0x2d4: {  	s28 =	sor.u32 s3, s21;
	s17 =	sor.u32 s29, s21;
	v5 =	vld [tilespmem:s10+$0x10000];
	s21 =	sor.u32 s25, s18;
	[tilespmem:s1+$0x0] =	vst v0  }
0x2d5: {  	s0 =	sld [smem:$0x7E7];
	v0 =	vadd.f32 v7, v4;
	v4 =	vld [tilespmem:s21+$0x0]  }
0x2d6: {  	s22 =	rddreg [dreg:$0xc];
	s6 =	smov.u32 s20;
	v7 =	vld [tilespmem:s14+$0x10100]  }
0x2d7: {  	[tilespmem:s6+$0x0] =	vst v0;
	v0 =	vadd.f32 v6, v3;
	v3 =	vld [tilespmem:s22+$0x10000]  }
0x2d8: {  	v6 =	vld [tilespmem:s0+$0x0]  }
0x2d9: {  	v8 =	vld [tilespmem:s0+$0x10000]  }
0x2da: {  	[smem:$0x7CA] =	sst s19;
	s19 =	sor.u32 s24, s4;
	[tilespmem:s11+$0x0] =	vst v0;
	v0 =	vadd.f32 v5, v2  }
0x2db: {  	v2 =	vld [tilespmem:s19+$0x0]  }
0x2dc: {  	s15 =	sor.u32 s3, s4;
	v5 =	vld [tilespmem:s5+$0x10000];
	[tilespmem:s10+$0x0] =	vst v0;
	v0 =	vadd.f32 v7, v4  }
0x2dd: {  	s1 =	sor.u32 $0x2180, s7;
	v4 =	vld [tilespmem:s15+$0x0];
	v1 =	vadd.f32 v3, v1  }
0x2de: {  	[smem:$0x7C9] =	sst s10;
	s10 =	sor.u32 s25, s1;
	v3 =	vld [tilespmem:s8+$0x10000];
	[tilespmem:s21+$0x0] =	vst v0;
	v0 =	vadd.f32 v8, v6  }
0x2df: {  	v6 =	vld [tilespmem:s10+$0x0];
	[tilespmem:s13+$0x0] =	vst v1  }
0x2e0: {  	s4 =	sor.u32 s29, s4;
	v1 =	vld [tilespmem:s14+$0x10180];
	[tilespmem:s0+$0x0] =	vst v0;
	s0 =	sld [smem:$0x7BA]  }
0x2e1: {  	v0 =	vadd.f32 v5, v2;
	v5 =	vld [tilespmem:s4+$0x0]  }
0x2e2: {  	v7 =	vld [tilespmem:s9+$0x10000]  }
0x2e3: {  	[tilespmem:s19+$0x0] =	vst v0;
	v0 =	vadd.f32 v3, v4;
	v2 =	vld [tilespmem:s0+$0x0]  }
0x2e4: {  	v3 =	vld [tilespmem:s16+$0x0]  }
0x2e5: {  	[smem:$0x7C8] =	sst s11;
	v4 =	vld [tilespmem:s5+$0x10080];
	[tilespmem:s15+$0x0] =	vst v0;
	v0 =	vadd.f32 v1, v6  }
0x2e6: {  	s11 =	sor.u32 $0x2200, s7;
	s21 =	sld [smem:$0x7CA];
	v1 =	vld [tilespmem:s28+$0x0]  }
0x2e7: {  	v6 =	vld [tilespmem:s8+$0x10080];
	[tilespmem:s10+$0x0] =	vst v0;
	s10 =	sor.u32 s25, s11;
	v0 =	vadd.f32 v7, v5  }
0x2e8: {  	s13 =	sor.u32 s29, s11;
	v5 =	vld [tilespmem:s10+$0x0]  }
0x2e9: {  	s19 =	sor.u32 s24, s11;
	s15 =	sor.u32 s3, s11;
	s11 =	rddreg [dreg:$0xe];
	v7 =	vld [tilespmem:s21+$0x10000];
	[tilespmem:s4+$0x0] =	vst v0  }
0x2ea: {  	v0 =	vadd.f32 v4, v3;
	v3 =	vld [tilespmem:s11+$0x10000]  }
0x2eb: {  	v4 =	vld [tilespmem:s17+$0x0]  }
0x2ec: {  	v8 =	vld [tilespmem:s9+$0x10080];
	[tilespmem:s16+$0x0] =	vst v0;
	v0 =	vadd.f32 v6, v1  }
0x2ed: {  	[smem:$0x7C6] =	sst s20;
	s2 =	sor.u32 s24, s18  }
0x2ee: {  	s20 =	sor.u32 s3, s18;
	s31 =	sor.u32 s29, s18;
	s18 =	smov.u32 s30;
	v1 =	vld [tilespmem:s2+$0x0];
	[tilespmem:s28+$0x0] =	vst v0;
	v0 =	vadd.f32 v7, v5  }
0x2ef: {  	s30 =	sor.u32 s3, s1;
	s6 =	sor.u32 s24, s1;
	s22 =	sor.u32 s29, s1;
	v6 =	vld [tilespmem:s5+$0x10100]  }
0x2f0: {  	s1 =	smov.u32 s12;
	s12 =	sor.u32 $0x2280, s7;
	v5 =	vld [tilespmem:s20+$0x0];
	v2 =	vadd.f32 v3, v2;
	[tilespmem:s10+$0x0] =	vst v0;
	s10 =	sld [smem:$0x7CB]  }
0x2f1: {  	s16 =	sor.u32 s25, s12;
	v3 =	vld [tilespmem:s8+$0x10100];
	v0 =	vadd.f32 v8, v4  }
0x2f2: {  	v4 =	vld [tilespmem:s16+$0x0];
	[tilespmem:s0+$0x0] =	vst v2  }
0x2f3: {  	v2 =	vld [tilespmem:s10+$0x10000];
	[tilespmem:s17+$0x0] =	vst v0;
	s17 =	sld [smem:$0x7BB]  }
0x2f4: {  	v0 =	vadd.f32 v6, v1;
	v6 =	vld [tilespmem:s31+$0x0]  }
0x2f5: {  	v7 =	vld [tilespmem:s9+$0x10100]  }
0x2f6: {  	v1 =	vld [tilespmem:s17+$0x0];
	[tilespmem:s2+$0x0] =	vst v0;
	v0 =	vadd.f32 v3, v5  }
0x2f7: {  	v3 =	vld [tilespmem:s6+$0x0]  }
0x2f8: {  	v5 =	vld [tilespmem:s5+$0x10180];
	[tilespmem:s20+$0x0] =	vst v0;
	v0 =	vadd.f32 v2, v4  }
0x2f9: {  	s11 =	sor.u32 $0x2300, s7;
	s20 =	sld [smem:$0x7C4];
	v2 =	vld [tilespmem:s30+$0x0]  }
0x2fa: {  	v4 =	vld [tilespmem:s8+$0x10180];
	[tilespmem:s16+$0x0] =	vst v0;
	s16 =	sor.u32 s25, s11  }
0x2fb: {  	v0 =	vadd.f32 v7, v6;
	v6 =	vld [tilespmem:s16+$0x0]  }
0x2fc: {  	s0 =	rddreg [dreg:$0xa];
	v7 =	vld [tilespmem:s20+$0x10000]  }
0x2fd: {  	[tilespmem:s31+$0x0] =	vst v0;
	v0 =	vadd.f32 v5, v3;
	v3 =	vld [tilespmem:s0+$0x10000]  }
0x2fe: {  	v5 =	vld [tilespmem:s22+$0x0]  }
0x2ff: {  	v8 =	vld [tilespmem:s9+$0x10180]  }
0x300: {  	[tilespmem:s6+$0x0] =	vst v0;
	v0 =	vadd.f32 v4, v2  }
0x301: {  	v2 =	vld [tilespmem:s19+$0x0]  }
0x302: {  	v4 =	vld [tilespmem:s26+$0x10000];
	[tilespmem:s30+$0x0] =	vst v0;
	v0 =	vadd.f32 v7, v6  }
0x303: {  	s6 =	sor.u32 $0x2380, s7;
	v6 =	vld [tilespmem:s15+$0x0];
	v1 =	vadd.f32 v3, v1  }
0x304: {  	[smem:$0x7DC] =	sst s26;
	s30 =	sor.u32 s25, s6;
	v3 =	vld [tilespmem:s18+$0x10000];
	[tilespmem:s16+$0x0] =	vst v0;
	v0 =	vadd.f32 v8, v5  }
0x305: {  	s26 =	rddreg [dreg:$0x18];
	v5 =	vld [tilespmem:s30+$0x0];
	[tilespmem:s17+$0x0] =	vst v1  }
0x306: {  	v1 =	vld [tilespmem:s26+$0x10000];
	s26 =	sld [smem:$0x7BC];
	[tilespmem:s22+$0x0] =	vst v0  }
0x307: {  	v0 =	vadd.f32 v4, v2;
	v4 =	vld [tilespmem:s13+$0x0]  }
0x308: {  	v7 =	vld [tilespmem:s1+$0x10000]  }
0x309: {  	s21 =	sor.u32 s24, s12;
	v2 =	vld [tilespmem:s26+$0x0];
	[tilespmem:s19+$0x0] =	vst v0;
	v0 =	vadd.f32 v3, v6  }
0x30a: {  	s31 =	smov.u32 s23;
	s17 =	sld [smem:$0x7BD];
	v3 =	vld [tilespmem:s21+$0x0]  }
0x30b: {  	s28 =	sor.u32 s3, s12;
	s23 =	sor.u32 s24, s6;
	v6 =	vld [tilespmem:s31+$0x10000];
	[tilespmem:s15+$0x0] =	vst v0;
	v0 =	vadd.f32 v1, v5  }
0x30c: {  	s20 =	sor.u32 s3, s6;
	s2 =	sor.u32 s29, s6;
	s6 =	sor.u32 $0x4000, s7;
	v1 =	vld [tilespmem:s28+$0x0]  }
0x30d: {  	[dreg:$0xc] =	wrdreg s18;
	v5 =	vld [tilespmem:s17+$0x10000];
	[tilespmem:s30+$0x0] =	vst v0;
	s30 =	sor.u32 s25, s6  }
0x30e: {  	s18 =	rddreg [dreg:$0x10];
	v0 =	vadd.f32 v7, v4;
	v4 =	vld [tilespmem:s30+$0x0]  }
0x30f: {  	s22 =	smov.u32 s17;
	s17 =	sld [smem:$0x7BE];
	v7 =	vld [tilespmem:s14+$0x10000]  }
0x310: {  	s12 =	sor.u32 s29, s12;
	[tilespmem:s13+$0x0] =	vst v0;
	v0 =	vadd.f32 v6, v3;
	v3 =	vld [tilespmem:s18+$0x10000]  }
0x311: {  	v6 =	vld [tilespmem:s12+$0x0]  }
0x312: {  	s18 =	sld [smem:$0x7BF];
	v8 =	vld [tilespmem:s17+$0x10000]  }
0x313: {  	s4 =	sor.u32 s24, s11;
	[dreg:$0xa] =	wrdreg s31;
	[tilespmem:s21+$0x0] =	vst v0;
	v0 =	vadd.f32 v5, v1  }
0x314: {  	s31 =	sld [smem:$0x7C0];
	v1 =	vld [tilespmem:s4+$0x0]  }
0x315: {  	s10 =	sor.u32 s3, s11;
	v5 =	vld [tilespmem:s18+$0x10000];
	[tilespmem:s28+$0x0] =	vst v0;
	v0 =	vadd.f32 v7, v4  }
0x316: {  	[dreg:$0xe] =	wrdreg s1;
	s1 =	sor.u32 $0x4080, s7;
	v4 =	vld [tilespmem:s10+$0x0];
	v2 =	vadd.f32 v3, v2  }
0x317: {  	s21 =	sor.u32 s25, s1;
	v3 =	vld [tilespmem:s31+$0x10000];
	[tilespmem:s30+$0x0] =	vst v0;
	v0 =	vadd.f32 v8, v6  }
0x318: {  	s13 =	sld [smem:$0x7C6];
	v6 =	vld [tilespmem:s21+$0x0];
	[tilespmem:s26+$0x0] =	vst v2  }
0x319: {  	s11 =	sor.u32 s29, s11;
	s28 =	sld [smem:$0x7C1];
	v2 =	vld [tilespmem:s14+$0x10080];
	[tilespmem:s12+$0x0] =	vst v0  }
0x31a: {  	v0 =	vadd.f32 v5, v1;
	v5 =	vld [tilespmem:s11+$0x0]  }
0x31b: {  	s26 =	sld [smem:$0x7C8];
	v7 =	vld [tilespmem:s13+$0x10000]  }
0x31c: {  	v1 =	vld [tilespmem:s28+$0x0];
	[tilespmem:s4+$0x0] =	vst v0;
	v0 =	vadd.f32 v3, v4  }
0x31d: {  	s13 =	sld [smem:$0x7C9];
	v3 =	vld [tilespmem:s23+$0x0]  }
0x31e: {  	v4 =	vld [tilespmem:s26+$0x10000];
	[tilespmem:s10+$0x0] =	vst v0;
	v0 =	vadd.f32 v2, v6  }
0x31f: {  	s4 =	sor.u32 $0x4100, s7;
	v2 =	vld [tilespmem:s20+$0x0]  }
0x320: {  	s26 =	sld [smem:$0x7E1];
	v6 =	vld [tilespmem:s13+$0x10000];
	[tilespmem:s21+$0x0] =	vst v0;
	s21 =	sor.u32 s25, s4;
	v0 =	vadd.f32 v7, v5  }
0x321: {  	v5 =	vld [tilespmem:s21+$0x0]  }
0x322: {  	s30 =	sld [smem:$0x7E7];
	v7 =	vld [tilespmem:s14+$0x10100];
	[tilespmem:s11+$0x0] =	vst v0  }
0x323: {  	v0 =	vadd.f32 v4, v3;
	v3 =	vld [tilespmem:s26+$0x10000]  }
0x324: {  	v4 =	vld [tilespmem:s2+$0x0]  }
0x325: {  	s16 =	sor.u32 s24, s6;
	v8 =	vld [tilespmem:s30+$0x10000];
	[tilespmem:s23+$0x0] =	vst v0;
	v0 =	vadd.f32 v6, v2  }
0x326: {  	v2 =	vld [tilespmem:s16+$0x0]  }
0x327: {  	s15 =	sor.u32 s3, s6;
	v6 =	vld [tilespmem:s5+$0x10000];
	[tilespmem:s20+$0x0] =	vst v0;
	v0 =	vadd.f32 v7, v5  }
0x328: {  	s10 =	sor.u32 $0x4180, s7;
	v5 =	vld [tilespmem:s15+$0x0]  }
0x329: {  	s11 =	sor.u32 s25, s10;
	s23 =	sld [smem:$0x7C2];
	v1 =	vadd.f32 v3, v1;
	v3 =	vld [tilespmem:s8+$0x10000];
	[tilespmem:s21+$0x0] =	vst v0  }
0x32a: {  	v0 =	vadd.f32 v8, v4;
	v4 =	vld [tilespmem:s11+$0x0]  }
0x32b: {  	[tilespmem:s28+$0x0] =	vst v1;
	v1 =	vld [tilespmem:s14+$0x10180]  }
0x32c: {  	s19 =	sor.u32 s29, s6;
	[tilespmem:s2+$0x0] =	vst v0;
	v0 =	vadd.f32 v6, v2;
	v2 =	vld [tilespmem:s23+$0x0]  }
0x32d: {  	v6 =	vld [tilespmem:s19+$0x0]  }
0x32e: {  	s6 =	sor.u32 s24, s1;
	v7 =	vld [tilespmem:s9+$0x10000];
	[tilespmem:s16+$0x0] =	vst v0  }
0x32f: {  	v0 =	vadd.f32 v3, v5;
	v3 =	vld [tilespmem:s6+$0x0]  }
0x330: {  	s0 =	sor.u32 s29, s1;
	[dreg:$0x10] =	wrdreg s22;
	v5 =	vld [tilespmem:s5+$0x10080]  }
0x331: {  	s22 =	sor.u32 s3, s1;
	s1 =	sor.u32 s24, s4;
	s12 =	sor.u32 s29, s4;
	[tilespmem:s15+$0x0] =	vst v0;
	v0 =	vadd.f32 v1, v4  }
0x332: {  	s13 =	sor.u32 s3, s4;
	s4 =	sor.u32 $0x4200, s7;
	s28 =	sld [smem:$0x7DE];
	v1 =	vld [tilespmem:s22+$0x0]  }
0x333: {  	s21 =	sor.u32 s25, s4;
	v4 =	vld [tilespmem:s8+$0x10080];
	[tilespmem:s11+$0x0] =	vst v0;
	v0 =	vadd.f32 v7, v6;
	s11 =	sld [smem:$0x7CA]  }
0x334: {  	v6 =	vld [tilespmem:s21+$0x0]  }
0x335: {  	[tilespmem:s19+$0x0] =	vst v0;
	v0 =	vadd.f32 v5, v3;
	v3 =	vld [tilespmem:s28+$0x10000]  }
0x336: {  	v7 =	vld [tilespmem:s11+$0x10000]  }
0x337: {  	v5 =	vld [tilespmem:s0+$0x0]  }
0x338: {  	v8 =	vld [tilespmem:s9+$0x10080];
	[tilespmem:s6+$0x0] =	vst v0  }
0x339: {  	v0 =	vadd.f32 v4, v1;
	v1 =	vld [tilespmem:s1+$0x0]  }
0x33a: {  	v4 =	vld [tilespmem:s5+$0x10100]  }
0x33b: {  	[tilespmem:s22+$0x0] =	vst v0;
	v0 =	vadd.f32 v7, v6  }
0x33c: {  	s28 =	smov.u32 s18;
	s18 =	sld [smem:$0x7CB];
	s11 =	sor.u32 $0x4280, s7;
	v2 =	vadd.f32 v3, v2;
	v3 =	vld [tilespmem:s8+$0x10100]  }
0x33d: {  	v6 =	vld [tilespmem:s13+$0x0];
	[tilespmem:s21+$0x0] =	vst v0;
	s21 =	sor.u32 s25, s11;
	v0 =	vadd.f32 v8, v5  }
0x33e: {  	[tilespmem:s23+$0x0] =	vst v2;
	v5 =	vld [tilespmem:s21+$0x0]  }
0x33f: {  	v2 =	vld [tilespmem:s18+$0x10000];
	[tilespmem:s0+$0x0] =	vst v0;
	v0 =	vadd.f32 v4, v1  }
0x340: {  	v4 =	vld [tilespmem:s12+$0x0]  }
0x341: {  	s20 =	sor.u32 s24, s10;
	s23 =	sld [smem:$0x7C3];
	v7 =	vld [tilespmem:s9+$0x10100];
	[tilespmem:s1+$0x0] =	vst v0  }
0x342: {  	v0 =	vadd.f32 v3, v6;
	v3 =	vld [tilespmem:s20+$0x0]  }
0x343: {  	v6 =	vld [tilespmem:s5+$0x10180]  }
0x344: {  	s26 =	smov.u32 s17;
	s17 =	sor.u32 s3, s10;
	s6 =	sor.u32 s24, s11;
	v1 =	vld [tilespmem:s23+$0x0];
	[tilespmem:s13+$0x0] =	vst v0;
	v0 =	vadd.f32 v2, v5  }
0x345: {  	s19 =	sor.u32 s3, s11;
	s2 =	sor.u32 s29, s11;
	s22 =	sor.u32 $0x4300, s7;
	v2 =	vld [tilespmem:s17+$0x0]  }
0x346: {  	s11 =	sor.u32 s3, s22;
	s13 =	sor.u32 s25, s22;
	v5 =	vld [tilespmem:s8+$0x10180];
	[tilespmem:s21+$0x0] =	vst v0;
	v0 =	vadd.f32 v7, v4;
	s21 =	sld [smem:$0x7C4]  }
0x347: {  	s0 =	sor.u32 s29, s22;
	s1 =	sor.u32 s24, s22;
	s22 =	rddreg [dreg:$0x12];
	v4 =	vld [tilespmem:s13+$0x0]  }
0x348: {  	[tilespmem:s12+$0x0] =	vst v0;
	v0 =	vadd.f32 v6, v3;
	v3 =	vld [tilespmem:s22+$0x10000]  }
0x349: {  	s10 =	sor.u32 s29, s10;
	v7 =	vld [tilespmem:s21+$0x10000]  }
0x34a: {  	v6 =	vld [tilespmem:s10+$0x0]  }
0x34b: {  	s18 =	sld [smem:$0x7DC];
	v8 =	vld [tilespmem:s9+$0x10180]  }
0x34c: {  	s16 =	sor.u32 s24, s4;
	[tilespmem:s20+$0x0] =	vst v0;
	v0 =	vadd.f32 v5, v2  }
0x34d: {  	v2 =	vld [tilespmem:s16+$0x0]  }
0x34e: {  	s20 =	rddreg [dreg:$0xc];
	v5 =	vld [tilespmem:s18+$0x10000];
	[tilespmem:s17+$0x0] =	vst v0;
	v0 =	vadd.f32 v7, v4  }
0x34f: {  	s15 =	sor.u32 s3, s4;
	s17 =	sor.u32 $0x4380, s7;
	v1 =	vadd.f32 v3, v1;
	v3 =	vld [tilespmem:s20+$0x10000]  }
0x350: {  	s20 =	sor.u32 s25, s17;
	v4 =	vld [tilespmem:s15+$0x0];
	[tilespmem:s13+$0x0] =	vst v0;
	v0 =	vadd.f32 v8, v6  }
0x351: {  	[tilespmem:s23+$0x0] =	vst v1;
	s23 =	rddreg [dreg:$0x18];
	v6 =	vld [tilespmem:s20+$0x0]  }
0x352: {  	s4 =	sor.u32 s29, s4;
	s18 =	sor.u32 s24, s17;
	v1 =	vld [tilespmem:s23+$0x10000];
	s23 =	sld [smem:$0x7C5];
	[tilespmem:s10+$0x0] =	vst v0  }
0x353: {  	s12 =	sor.u32 s3, s17;
	s13 =	sor.u32 s29, s17;
	s17 =	rddreg [dreg:$0xe];
	v0 =	vadd.f32 v5, v2;
	v5 =	vld [tilespmem:s4+$0x0]  }
0x354: {  	v7 =	vld [tilespmem:s17+$0x10000]  }
0x355: {  	v2 =	vld [tilespmem:s23+$0x0];
	[tilespmem:s16+$0x0] =	vst v0;
	v0 =	vadd.f32 v3, v4  }
0x356: {  	s16 =	rddreg [dreg:$0xa];
	v3 =	vld [tilespmem:s6+$0x0]  }
0x357: {  	v4 =	vld [tilespmem:s16+$0x10000];
	[tilespmem:s15+$0x0] =	vst v0;
	v0 =	vadd.f32 v1, v6  }
0x358: {  	s17 =	rddreg [dreg:$0x10];
	s15 =	sor.u32 $0x6000, s7;
	v1 =	vld [tilespmem:s19+$0x0]  }
0x359: {  	v6 =	vld [tilespmem:s17+$0x10000];
	[tilespmem:s20+$0x0] =	vst v0;
	s20 =	sor.u32 s25, s15;
	v0 =	vadd.f32 v7, v5  }
0x35a: {  	s16 =	sor.u32 s24, s15;
	v5 =	vld [tilespmem:s20+$0x0]  }
0x35b: {  	s10 =	sor.u32 s3, s15;
	s17 =	sor.u32 s29, s15;
	s15 =	rddreg [dreg:$0x17];
	v7 =	vld [tilespmem:s14+$0x10000];
	[tilespmem:s4+$0x0] =	vst v0  }
0x35c: {  	v0 =	vadd.f32 v4, v3;
	v3 =	vld [tilespmem:s15+$0x10000]  }
0x35d: {  	v4 =	vld [tilespmem:s2+$0x0]  }
0x35e: {  	v8 =	vld [tilespmem:s26+$0x10000];
	[tilespmem:s6+$0x0] =	vst v0;
	v0 =	vadd.f32 v6, v1  }
0x35f: {  	[smem:$0x7E1] =	sst s26;
	v1 =	vld [tilespmem:s1+$0x0]  }
0x360: {  	[smem:$0x7DE] =	sst s28;
	s22 =	smov.u32 s31;
	v6 =	vld [tilespmem:s28+$0x10000];
	[tilespmem:s19+$0x0] =	vst v0;
	v0 =	vadd.f32 v7, v5  }
0x361: {  	[dreg:$0x12] =	wrdreg s22;
	s26 =	sor.u32 $0x6080, s7;
	v5 =	vld [tilespmem:s11+$0x0]  }
0x362: {  	s28 =	sor.u32 s25, s26;
	v2 =	vadd.f32 v3, v2;
	v3 =	vld [tilespmem:s22+$0x10000];
	[tilespmem:s20+$0x0] =	vst v0;
	s22 =	sld [smem:$0x7C7]  }
0x363: {  	s15 =	sld [smem:$0x7C6];
	v0 =	vadd.f32 v8, v4;
	v4 =	vld [tilespmem:s28+$0x0]  }
0x364: {  	[tilespmem:s23+$0x0] =	vst v2;
	v2 =	vld [tilespmem:s14+$0x10080]  }
0x365: {  	[tilespmem:s2+$0x0] =	vst v0;
	v0 =	vadd.f32 v6, v1;
	v1 =	vld [tilespmem:s22+$0x0]  }
0x366: {  	s31 =	smov.u32 s30;
	s30 =	smov.u32 s15;
	s23 =	sld [smem:$0x7C8];
	v6 =	vld [tilespmem:s0+$0x0]  }
0x367: {  	[dreg:$0x17] =	wrdreg s30;
	v7 =	vld [tilespmem:s30+$0x10000];
	[tilespmem:s1+$0x0] =	vst v0;
	v0 =	vadd.f32 v3, v5  }
0x368: {  	s30 =	smov.u32 s21;
	s21 =	sld [smem:$0x7C9];
	v3 =	vld [tilespmem:s18+$0x0]  }
0x369: {  	s4 =	sor.u32 s3, s26;
	v5 =	vld [tilespmem:s23+$0x10000];
	[tilespmem:s11+$0x0] =	vst v0;
	v0 =	vadd.f32 v2, v4  }
0x36a: {  	s19 =	sor.u32 s24, s26;
	s15 =	sor.u32 s29, s26;
	s26 =	sor.u32 $0x6100, s7;
	v2 =	vld [tilespmem:s12+$0x0]  }
0x36b: {  	s20 =	sor.u32 s25, s26;
	v4 =	vld [tilespmem:s21+$0x10000];
	[tilespmem:s28+$0x0] =	vst v0;
	s28 =	sld [smem:$0x7E2]  }
0x36c: {  	v0 =	vadd.f32 v7, v6;
	v6 =	vld [tilespmem:s20+$0x0]  }
0x36d: {  	v7 =	vld [tilespmem:s14+$0x10100]  }
0x36e: {  	[tilespmem:s0+$0x0] =	vst v0;
	v0 =	vadd.f32 v5, v3;
	v3 =	vld [tilespmem:s28+$0x10000]  }
0x36f: {  	v5 =	vld [tilespmem:s13+$0x0]  }
0x370: {  	v8 =	vld [tilespmem:s31+$0x10000];
	[tilespmem:s18+$0x0] =	vst v0;
	v0 =	vadd.f32 v4, v2  }
0x371: {  	v2 =	vld [tilespmem:s16+$0x0]  }
0x372: {  	s6 =	sor.u32 s29, s26;
	v4 =	vld [tilespmem:s5+$0x10000];
	[tilespmem:s12+$0x0] =	vst v0;
	v0 =	vadd.f32 v7, v6  }
0x373: {  	s2 =	sor.u32 s3, s26;
	s1 =	sor.u32 s24, s26;
	s26 =	sor.u32 $0x6180, s7;
	v6 =	vld [tilespmem:s10+$0x0]  }
0x374: {  	s28 =	sor.u32 s25, s26;
	v1 =	vadd.f32 v3, v1;
	v3 =	vld [tilespmem:s8+$0x10000];
	[tilespmem:s20+$0x0] =	vst v0  }
0x375: {  	v0 =	vadd.f32 v8, v5;
	v5 =	vld [tilespmem:s28+$0x0]  }
0x376: {  	s20 =	rddreg [dreg:$0x1f];
	[tilespmem:s22+$0x0] =	vst v1;
	v1 =	vld [tilespmem:s14+$0x10180]  }
0x377: {  	[tilespmem:s13+$0x0] =	vst v0;
	v0 =	vadd.f32 v4, v2;
	v2 =	vld [tilespmem:s20+$0x0]  }
0x378: {  	v4 =	vld [tilespmem:s17+$0x0]  }
0x379: {  	v7 =	vld [tilespmem:s9+$0x10000];
	[tilespmem:s16+$0x0] =	vst v0;
	v0 =	vadd.f32 v3, v6  }
0x37a: {  	v3 =	vld [tilespmem:s19+$0x0]  }
0x37b: {  	v6 =	vld [tilespmem:s5+$0x10080];
	[tilespmem:s10+$0x0] =	vst v0;
	v0 =	vadd.f32 v1, v5  }
0x37c: {  	s18 =	sld [smem:$0x7CA];
	s16 =	sor.u32 $0x6200, s7;
	v1 =	vld [tilespmem:s4+$0x0]  }
0x37d: {  	s11 =	smov.u32 s23;
	s14 =	sor.u32 s25, s16;
	v5 =	vld [tilespmem:s8+$0x10080];
	[tilespmem:s28+$0x0] =	vst v0  }
0x37e: {  	[smem:$0x7E2] =	sst s11;
	s11 =	sor.u32 s3, s26;
	v0 =	vadd.f32 v7, v4;
	v4 =	vld [tilespmem:s14+$0x0]  }
0x37f: {  	s0 =	sor.u32 s29, s26;
	s12 =	sor.u32 s24, s26;
	s26 =	rddreg [dreg:$0x13];
	v7 =	vld [tilespmem:s18+$0x10000]  }
0x380: {  	[tilespmem:s17+$0x0] =	vst v0;
	v0 =	vadd.f32 v6, v3;
	v3 =	vld [tilespmem:s26+$0x10000]  }
0x381: {  	v6 =	vld [tilespmem:s15+$0x0]  }
0x382: {  	v8 =	vld [tilespmem:s9+$0x10080]  }
0x383: {  	[tilespmem:s19+$0x0] =	vst v0;
	v0 =	vadd.f32 v5, v1  }
0x384: {  	v1 =	vld [tilespmem:s1+$0x0]  }
0x385: {  	s22 =	sor.u32 s24, s16;
	s13 =	sor.u32 s3, s16;
	v5 =	vld [tilespmem:s5+$0x10100];
	[tilespmem:s4+$0x0] =	vst v0;
	v0 =	vadd.f32 v7, v4  }
0x386: {  	s23 =	sor.u32 s29, s16;
	s16 =	sor.u32 $0x6280, s7;
	s26 =	sld [smem:$0x7CB];
	v4 =	vld [tilespmem:s2+$0x0];
	v2 =	vadd.f32 v3, v2  }
0x387: {  	s18 =	sor.u32 s25, s16;
	v3 =	vld [tilespmem:s8+$0x10100];
	[tilespmem:s14+$0x0] =	vst v0;
	v0 =	vadd.f32 v8, v6  }
0x388: {  	v6 =	vld [tilespmem:s18+$0x0];
	[tilespmem:s20+$0x0] =	vst v2  }
0x389: {  	s19 =	rddreg [dreg:$0x1d];
	v2 =	vld [tilespmem:s26+$0x10000];
	[tilespmem:s15+$0x0] =	vst v0  }
0x38a: {  	v1 =	vadd.f32 v5, v1;
	v0 =	vld [tilespmem:s19+$0x0]  }
0x38b: {  	v7 =	vld [tilespmem:s6+$0x0]  }
0x38c: {  	v8 =	vld [tilespmem:s9+$0x10100];
	[tilespmem:s1+$0x0] =	vst v1;
	v3 =	vadd.f32 v3, v4  }
.Ltmp0:
0x38d: {  	s28 =	smov.u32 s21;
	v5 =	vld [tilespmem:s12+$0x0];
	(pc) =	sbr.rel @p1 .LBB2_3-.Ltmp0, $4  }
0x38e: {  	s21 =	sor.u32 s24, s16;
	[dreg:$0x13] =	wrdreg s28;
	v1 =	vld [tilespmem:s5+$0x10180];
	[tilespmem:s2+$0x0] =	vst v3;
	v2 =	vadd.f32 v2, v6  }
0x38f: {  	s28 =	sor.u32 $0x6300, s7;
	s17 =	sor.u32 s3, s16;
	s4 =	sor.u32 s29, s16;
	v4 =	vld [tilespmem:s11+$0x0]  }
0x390: {  	s14 =	sor.u32 s24, s28;
	s20 =	smov.u32 s9;
	s1 =	sor.u32 s25, s28;
	v3 =	vld [tilespmem:s8+$0x10180];
	[tilespmem:s18+$0x0] =	vst v2  }
0x391: {  	s5 =	sor.u32 s29, s28;
	s8 =	sor.u32 s3, s28;
	v6 =	vadd.f32 v8, v7;
	s18 =	smov.u32 s29;
	v2 =	vld [tilespmem:s1+$0x0]  }
0x392: {  	_ = 	snop  }
0x393: {  	[tilespmem:s6+$0x0] =	vst v6  }
0x394: {  	v1 =	vadd.f32 v1, v5;
	v6 =	vld [tilespmem:s20+$0x10180]  }
0x395: {  	v7 =	vld [tilespmem:s0+$0x0]  }
0x396: {  	[tilespmem:s12+$0x0] =	vst v1  }
0x397: {  	v1 =	vadd.f32 v3, v4;
	s2 =	sld [smem:$0x7DC];
	_ =	sdelay $0x1  }
0x398: {  	v4 =	vld [tilespmem:s22+$0x0];
	[tilespmem:s11+$0x0] =	vst v1  }
0x399: {  	s20 =	rddreg [dreg:$0xc];
	v3 =	vld [tilespmem:s2+$0x10000];
	v1 =	vadd.f32 v6, v7  }
0x39a: {  	v5 =	vld [tilespmem:s20+$0x10000]  }
0x39b: {  	[tilespmem:s0+$0x0] =	vst v1;
	v1 =	vld [tilespmem:s13+$0x0]  }
0x39c: {  	s0 =	rddreg [dreg:$0xe];
	v7 =	vld [tilespmem:s23+$0x0]  }
0x39d: {  	v6 =	vld [tilespmem:s0+$0x10000];
	_ =	sdelay $0x1  }
0x39e: {  	v3 =	vadd.f32 v3, v4  }
0x39f: {  	v1 =	vadd.f32 v5, v1  }
0x3a0: {  	[tilespmem:s22+$0x0] =	vst v3  }
0x3a1: {  	[tilespmem:s13+$0x0] =	vst v1;
	v1 =	vadd.f32 v6, v7  }
0x3a2: {  	v3 =	vld [tilespmem:s21+$0x0]  }
0x3a3: {  	s26 =	rddreg [dreg:$0xa];
	v5 =	vld [tilespmem:s17+$0x0];
	[tilespmem:s23+$0x0] =	vst v1  }
0x3a4: {  	v4 =	vld [tilespmem:s26+$0x10000];
	s2 =	rddreg [dreg:$0x10]  }
0x3a5: {  	s6 =	sld [smem:$0x7E1];
	v1 =	vld [tilespmem:s2+$0x10000];
	_ =	sdelay $0x1  }
0x3a6: {  	v6 =	vld [tilespmem:s4+$0x0]  }
0x3a7: {  	v7 =	vld [tilespmem:s6+$0x10000]  }
0x3a8: {  	v3 =	vadd.f32 v4, v3  }
0x3a9: {  	v1 =	vadd.f32 v1, v5  }
0x3aa: {  	[tilespmem:s21+$0x0] =	vst v3  }
0x3ab: {  	[tilespmem:s17+$0x0] =	vst v1  }
0x3ac: {  	v4 =	vld [tilespmem:s30+$0x10000];
	v1 =	vadd.f32 v7, v6;
	s9 =	sld [smem:$0x7DE]  }
0x3ad: {  	v3 =	vld [tilespmem:s14+$0x0]  }
0x3ae: {  	v6 =	vld [tilespmem:s8+$0x0];
	[tilespmem:s4+$0x0] =	vst v1  }
0x3af: {  	s10 =	rddreg [dreg:$0x12];
	v5 =	vld [tilespmem:s9+$0x10000]  }
0x3b0: {  	v1 =	vld [tilespmem:s10+$0x10000];
	_ =	sdelay $0x1  }
0x3b1: {  	v2 =	vadd.f32 v4, v2  }
0x3b2: {  	s12 =	rddreg [dreg:$0x17]  }
0x3b3: {  	v4 =	vld [tilespmem:s5+$0x0];
	s13 =	rddreg [dreg:$0x4];
	[tilespmem:s1+$0x0] =	vst v2;
	v2 =	vadd.f32 v5, v3  }
0x3b4: {  	v7 =	vld [tilespmem:s12+$0x10000];
	v1 =	vadd.f32 v1, v6  }
0x3b5: {  	s11 =	sor.u32 $0x6380, s7;
	s4 =	rddreg [dreg:$0x18];
	[tilespmem:s14+$0x0] =	vst v2  }
0x3b6: {  	s15 =	sor.u32 s25, s11;
	v8 =	vld [tilespmem:s13+$0x10000];
	[tilespmem:s8+$0x0] =	vst v1  }
0x3b7: {  	v3 =	vld [tilespmem:s15+$0x0];
	s17 =	sld [smem:$0x7E2]  }
0x3b8: {  	s16 =	sor.u32 s24, s11;
	v5 =	vld [tilespmem:s4+$0x10000]  }
0x3b9: {  	v1 =	vadd.f32 v7, v4;
	v2 =	vld [tilespmem:s16+$0x0]  }
0x3ba: {  	s3 =	sor.u32 s3, s11;
	v4 =	vld [tilespmem:s17+$0x10000]  }
0x3bb: {  	s0 =	sor.u32 s18, s11;
	v6 =	vld [tilespmem:s3+$0x0];
	[tilespmem:s5+$0x0] =	vst v1  }
0x3bc: {  	s18 =	rddreg [dreg:$0x13];
	v7 =	vld [tilespmem:s0+$0x0]  }
0x3bd: {  	v0 =	vadd.f32 v8, v0;
	v1 =	vld [tilespmem:s18+$0x10000]  }
0x3be: {  	v9 =	vld [tilespmem:s31+$0x10000];
	v3 =	vadd.f32 v5, v3  }
0x3bf: {  	[tilespmem:s19+$0x0] =	vst v0;
	v0 =	vadd.f32 v4, v2  }
0x3c0: {  	[tilespmem:s15+$0x0] =	vst v3  }
0x3c1: {  	s5 =	sld [smem:$0x7CC];
	[tilespmem:s16+$0x0] =	vst v0  }
0x3c2: {  	v1 =	vadd.f32 v1, v6;
	s2 =	sld [smem:$0x7FA]  }
0x3c3: {  	v0 =	vadd.f32 v9, v7  }
0x3c4: {  	s1 =	sshll.u32 s5, $0x4;
	[tilespmem:s3+$0x0] =	vst v1  }
0x3c5: {  	s20 =	rddreg [dreg:$0x2];
	[tilespmem:s0+$0x0] =	vst v0;
	s2 =	sor.u32 s2, s1  }
0x3c6: {  	s22 =	sld [smem:$0x7F7];
	s2 =	sshll.u32 s2, $0x7  }
0x3c7: {  	s21 =	simm.s32 $0x0;
	s24 =	sld [smem:$0x7F8];
	s0 =	sadd.s32 s20, s2  }
0x3c8: {  	[hbm4b:s0+s21] =	stream.linear.scatter [tilespmem:s21], [sflag:$0x3], $0x2000, $0x38;
	[tilespmem:$0x14000] =	vst v63  }
0x3c9: {  	s23 =	simm.s32 $0x2000;
	s26 =	sld [smem:$0x7F9];
	s0 =	sadd.s32 s2, s22  }
0x3ca: {  	[hbm4b:s0+s21] =	stream.linear.scatter [tilespmem:s23], [sflag:$0x3], $0x2000, $0x38;
	[tilespmem:$0x14000] =	vst v63  }
0x3cb: {  	s25 =	simm.s32 $0x4000;
	s0 =	sadd.s32 s2, s24  }
0x3cc: {  	[hbm4b:s0+s21] =	stream.linear.scatter [tilespmem:s25], [sflag:$0x3], $0x2000, $0x38;
	[tilespmem:$0x14000] =	vst v63  }
0x3cd: {  	s31 =	simm.s32 $0x6000;
	p0 =	seq.s32 s5, $0xF;
	s0 =	sadd.s32 s2, s26  }
0x3ce: {  	[hbm4b:s0+s21] =	stream.linear.scatter [tilespmem:s31], [sflag:$0x3], $0x2000, $0x38;
	[tilespmem:$0x14000] =	vst v63  }
0x3cf: {  	s0 =	simm.s32 @!p0 $0x3  }
0x3d0: {  	_ =	swait.ge @!p0 [sflag:s0], $0x2000  }
0x3d1: {  	[sflag:s0] =	ssyncset.done @!p0 $0x0  }
0x3d2: {  	[sflag:s0] =	ssyncadd.s32 @!p0 $0xFFFFE000  }
0x3d3: {  	_ =	swait.ge @!p0 [sflag:s0], $0x2000  }
0x3d4: {  	[sflag:s0] =	ssyncset.done @!p0 $0x0  }
0x3d5: {  	[sflag:s0] =	ssyncadd.s32 @!p0 $0xFFFFE000  }
0x3d6: {  	_ =	swait.ge @!p0 [sflag:s0], $0x2000  }
0x3d7: {  	[sflag:s0] =	ssyncset.done @!p0 $0x0  }
0x3d8: {  	[sflag:s0] =	ssyncadd.s32 @!p0 $0xFFFFE000  }
0x3d9: {  	_ =	swait.ge @!p0 [sflag:s0], $0x2000  }
0x3da: {  	s2 =	sld [smem:$0x7FB];
	_ =	sdelay $0x1  }
0x3db: {  	[sflag:s0] =	ssyncset.done @!p0 $0x0  }
0x3dc: {  	[sflag:s0] =	ssyncadd.s32 @!p0 $0xFFFFE000;
	s1 =	sadd.s32 @!p0 s1, s2  }
0x3dd: {  	s0 =	sshll.u32 @!p0 s1, $0x7;
	s1 =	rddreg [dreg:$0x1]  }
0x3de: {  	s3 =	simm.s32 @!p0 $0x10000;
	s2 =	simm.s32 @!p0 $0x0;
	s1 =	sadd.s32 @!p0 s1, s0  }
0x3df: {  	[tilespmem:s3], [sflag:$0x1] =	stream.linear.gather @!p0 [hbm4b:s1+s2], $0x2000, $0x38;
	[tilespmem:$0x14000] =	vst v63  }
0x3e0: {  	s1 =	rddreg [dreg:$0x0]  }
0x3e1: {  	s1 =	sadd.s32 @!p0 s1, s0  }
0x3e2: {  	[tilespmem:s2], [sflag:$0x1] =	stream.linear.gather @!p0 [hbm4b:s1+s2], $0x2000, $0x38;
	[tilespmem:$0x14000] =	vst v63  }
0x3e3: {  	s1 =	sld [smem:$0x7F1];
	_ =	sdelay $0x2  }
0x3e4: {  	s3 =	simm.s32 @!p0 $0x2000;
	s1 =	sadd.s32 @!p0 s0, s1  }
0x3e5: {  	[tilespmem:s3], [sflag:$0x1] =	stream.linear.gather @!p0 [hbm4b:s1+s2], $0x2000, $0x38;
	[tilespmem:$0x14000] =	vst v63  }
0x3e6: {  	s1 =	sld [smem:$0x7F3];
	_ =	sdelay $0x2  }
0x3e7: {  	s3 =	simm.s32 @!p0 $0x4000;
	s1 =	sadd.s32 @!p0 s0, s1  }
0x3e8: {  	[tilespmem:s3], [sflag:$0x1] =	stream.linear.gather @!p0 [hbm4b:s1+s2], $0x2000, $0x38;
	[tilespmem:$0x14000] =	vst v63  }
0x3e9: {  	s1 =	sld [smem:$0x7F5];
	_ =	sdelay $0x2  }
0x3ea: {  	s4 =	simm.s32 $0x2;
	s0 =	sadd.s32 @!p0 s0, s1;
	s1 =	simm.s32 @!p0 $0x6000  }
0x3eb: {  	[tilespmem:s1], [sflag:$0x1] =	stream.linear.gather @!p0 [hbm4b:s0+s2], $0x2000, $0x38;
	[tilespmem:$0x14000] =	vst v63  }
0x3ec: {  	_ =	swait.ge [sflag:s4], $0x2000  }
0x3ed: {  	[sflag:s4] =	ssyncset.done $0x0  }
0x3ee: {  	[sflag:s4] =	ssyncadd.s32 $0xFFFFE000  }
0x3ef: {  	_ =	swait.ge [sflag:s4], $0x2000  }
0x3f0: {  	[sflag:s4] =	ssyncset.done $0x0  }
0x3f1: {  	[sflag:s4] =	ssyncadd.s32 $0xFFFFE000  }
0x3f2: {  	_ =	swait.ge [sflag:s4], $0x2000  }
0x3f3: {  	[sflag:s4] =	ssyncset.done $0x0  }
0x3f4: {  	[sflag:s4] =	ssyncadd.s32 $0xFFFFE000  }
0x3f5: {  	_ =	swait.ge [sflag:s4], $0x2000  }
0x3f6: {  	[sflag:s4] =	ssyncset.done $0x0  }
0x3f7: {  	s10 =	simm.s32 $0x0;
	[sflag:s4] =	ssyncadd.s32 $0xFFFFE000  }
0x3f8: {  	s11 =	simm.s32 $0x0;
	s12 =	sand.u32 $0x40, s10;
	_ =	swait.ge [sflag:s4], $0x2000  }
0x3f9: {  	s19 =	sand.u32 $0x1C00, s11;
	s5 =	sor.u32 $0x30, s12;
	[sflag:s4] =	ssyncset.done $0x0  }
0x3fa: {  	s0 =	sor.u32 s5, s19;
	[sflag:s4] =	ssyncadd.s32 $0xFFFFE000  }
0x3fb: {  	v0 =	vld [tilespmem:s0+$0x8000]  }
0x3fc: {  	v1 =	vld [tilespmem:s0+$0x12000]  }
0x3fd: {  	v2 =	vld [tilespmem:s0+$0x8080]  }
0x3fe: {  	v3 =	vld [tilespmem:s0+$0x12080]  }
0x3ff: {  	v4 =	vld [tilespmem:s0+$0x8100]  }
0x400: {  	v5 =	vld [tilespmem:s0+$0x12100]  }
0x401: {  	v6 =	vld [tilespmem:s0+$0x8180]  }
0x402: {  	v7 =	vld [tilespmem:s0+$0x12180];
	_ =	sdelay $0x1  }
0x403: {  	p0 =	por $0x0, $0x0;
	s1 =	simm.s32 $0x1;
	v0 =	vadd.f32 v1, v0  }
0x404: {  	s1 =	simm.s32 @!p0 $0x0;
	v1 =	vadd.f32 v3, v2  }
0x405: {  	s14 =	sor.u32 $0x10, s12;
	s1 =	sshll.u32 s1, $0x6;
	[tilespmem:s0+$0x8000] =	vst v0;
	v0 =	vadd.f32 v5, v4  }
0x406: {  	s2 =	sor.u32 s14, s19;
	s6 =	sadd.s32 $0x0, s1;
	[tilespmem:s0+$0x8080] =	vst v1;
	v1 =	vadd.f32 v7, v6  }
0x407: {  	s1 =	sadd.s32 $0x30, s6;
	v8 =	vld [tilespmem:s2+$0x8180];
	[tilespmem:s0+$0x8100] =	vst v0  }
0x408: {  	s7 =	sor.u32 $0x200, s1;
	v36 =	vld [tilespmem:s2+$0x12180];
	[tilespmem:s0+$0x8180] =	vst v1  }
0x409: {  	s31 =	sor.u32 $0x20, s12;
	v1 =	vld [tilespmem:s7+$0x8000]  }
0x40a: {  	s3 =	sor.u32 s31, s19;
	v4 =	vld [tilespmem:s7+$0x12000]  }
0x40b: {  	v10 =	vld [tilespmem:s3+$0x12000]  }
0x40c: {  	v12 =	vld [tilespmem:s3+$0x8080]  }
0x40d: {  	v13 =	vld [tilespmem:s3+$0x12080]  }
0x40e: {  	v14 =	vld [tilespmem:s3+$0x8100]  }
0x40f: {  	v15 =	vld [tilespmem:s3+$0x12100];
	v1 =	vadd.f32 v4, v1  }
0x410: {  	v16 =	vld [tilespmem:s3+$0x8180]  }
0x411: {  	s20 =	sor.u32 $0x280, s1;
	v37 =	vld [tilespmem:s3+$0x12180];
	[tilespmem:s7+$0x8000] =	vst v1  }
0x412: {  	v1 =	vld [tilespmem:s20+$0x8000]  }
0x413: {  	s16 =	sor.u32 s12, s19;
	v11 =	vld [tilespmem:s20+$0x12000]  }
0x414: {  	v17 =	vld [tilespmem:s16+$0x8000]  }
0x415: {  	v2 =	vld [tilespmem:s2+$0x8000]  }
0x416: {  	v3 =	vld [tilespmem:s2+$0x12000]  }
0x417: {  	v5 =	vld [tilespmem:s2+$0x12080]  }
0x418: {  	v6 =	vld [tilespmem:s2+$0x8100];
	v1 =	vadd.f32 v11, v1  }
0x419: {  	v0 =	vld [tilespmem:s2+$0x8080]  }
0x41a: {  	v7 =	vld [tilespmem:s2+$0x12100];
	[tilespmem:s20+$0x8000] =	vst v1  }
0x41b: {  	s21 =	sor.u32 $0x300, s1;
	v4 =	vld [tilespmem:s3+$0x8000];
	[smem:$0x7A0] =	sst s20  }
0x41c: {  	v1 =	vld [tilespmem:s21+$0x8000]  }
0x41d: {  	v2 =	vadd.f32 v3, v2;
	v3 =	vld [tilespmem:s21+$0x12000];
	[smem:$0x7A2] =	sst s21  }
0x41e: {  	v0 =	vadd.f32 v5, v0;
	v5 =	vld [tilespmem:s16+$0x12000]  }
0x41f: {  	[tilespmem:s2+$0x8000] =	vst v2;
	v2 =	vadd.f32 v7, v6;
	v6 =	vld [tilespmem:s16+$0x8080]  }
0x420: {  	[tilespmem:s2+$0x8080] =	vst v0;
	v0 =	vadd.f32 v36, v8;
	v7 =	vld [tilespmem:s16+$0x12080]  }
0x421: {  	v8 =	vadd.f32 v15, v14;
	[tilespmem:s2+$0x8100] =	vst v2;
	v2 =	vadd.f32 v10, v4;
	v4 =	vld [tilespmem:s16+$0x8100]  }
0x422: {  	[tilespmem:s2+$0x8180] =	vst v0;
	v0 =	vld [tilespmem:s16+$0x12100]  }
0x423: {  	v38 =	vld [tilespmem:s16+$0x12180];
	[tilespmem:s3+$0x8100] =	vst v8;
	v1 =	vadd.f32 v3, v1  }
0x424: {  	[tilespmem:s3+$0x8000] =	vst v2;
	v2 =	vadd.f32 v13, v12;
	v3 =	vld [tilespmem:s16+$0x8180]  }
0x425: {  	s8 =	sor.u32 $0x380, s1;
	v5 =	vadd.f32 v5, v17;
	[tilespmem:s21+$0x8000] =	vst v1  }
0x426: {  	s18 =	sadd.s32 $0x10, s6;
	[tilespmem:s3+$0x8080] =	vst v2;
	v1 =	vadd.f32 v37, v16;
	v2 =	vld [tilespmem:s8+$0x8000]  }
0x427: {  	s26 =	sor.u32 $0x200, s18;
	s20 =	sadd.s32 $0x20, s6;
	v8 =	vld [tilespmem:s8+$0x12000];
	[tilespmem:s16+$0x8000] =	vst v5;
	v0 =	vadd.f32 v0, v4  }
0x428: {  	s22 =	sor.u32 $0x200, s20;
	v5 =	vld [tilespmem:s26+$0x8000];
	[tilespmem:s3+$0x8180] =	vst v1;
	v1 =	vadd.f32 v7, v6  }
0x429: {  	v3 =	vadd.f32 v38, v3;
	v4 =	vld [tilespmem:s22+$0x8000];
	[tilespmem:s16+$0x8100] =	vst v0  }
0x42a: {  	[tilespmem:s16+$0x8080] =	vst v1;
	v1 =	vld [tilespmem:s26+$0x12000]  }
0x42b: {  	s15 =	sor.u32 $0x200, s6;
	v0 =	vld [tilespmem:s22+$0x12000];
	[tilespmem:s16+$0x8180] =	vst v3  }
0x42c: {  	v2 =	vadd.f32 v8, v2;
	v3 =	vld [tilespmem:s15+$0x8000]  }
0x42d: {  	s17 =	sor.u32 $0xA000, s19;
	v6 =	vld [tilespmem:s15+$0x12000]  }
0x42e: {  	s24 =	sor.u32 s5, s17;
	[tilespmem:s8+$0x8000] =	vst v2  }
0x42f: {  	v1 =	vadd.f32 v1, v5;
	v2 =	vld [tilespmem:s24+$0x0]  }
0x430: {  	v0 =	vadd.f32 v0, v4;
	v5 =	vld [tilespmem:s0+$0x12000]  }
0x431: {  	s25 =	sor.u32 $0x280, s18;
	[tilespmem:s26+$0x8000] =	vst v1  }
0x432: {  	[tilespmem:s22+$0x8000] =	vst v0;
	v0 =	vadd.f32 v6, v3;
	v1 =	vld [tilespmem:s25+$0x8000]  }
0x433: {  	s28 =	sor.u32 $0x280, s20;
	v4 =	vld [tilespmem:s25+$0x12000]  }
0x434: {  	v3 =	vld [tilespmem:s28+$0x8000];
	[tilespmem:s15+$0x8000] =	vst v0  }
0x435: {  	s9 =	sor.u32 $0x280, s6;
	v6 =	vld [tilespmem:s28+$0x12000];
	[smem:$0x7A9] =	sst s15;
	v0 =	vadd.f32 v5, v2  }
0x436: {  	v2 =	vld [tilespmem:s9+$0x8000]  }
0x437: {  	s30 =	smov.u32 s15;
	s15 =	sor.u32 $0xA080, s19;
	[tilespmem:s24+$0x0] =	vst v0;
	v0 =	vld [tilespmem:s9+$0x12000]  }
0x438: {  	s1 =	sor.u32 s5, s15;
	v1 =	vadd.f32 v4, v1  }
0x439: {  	v4 =	vld [tilespmem:s1+$0x0]  }
0x43a: {  	v5 =	vld [tilespmem:s0+$0x12080];
	[tilespmem:s25+$0x8000] =	vst v1  }
0x43b: {  	s29 =	smov.u32 s25;
	v1 =	vadd.f32 v6, v3;
	[smem:$0x7AB] =	sst s25;
	s25 =	sor.u32 $0x300, s18  }
0x43c: {  	v3 =	vld [tilespmem:s25+$0x8000];
	v0 =	vadd.f32 v0, v2  }
0x43d: {  	s24 =	sor.u32 $0x300, s20;
	v6 =	vld [tilespmem:s25+$0x12000];
	[tilespmem:s28+$0x8000] =	vst v1  }
0x43e: {  	v1 =	vld [tilespmem:s24+$0x8000];
	[tilespmem:s9+$0x8000] =	vst v0  }
0x43f: {  	s6 =	sor.u32 $0x300, s6;
	v2 =	vld [tilespmem:s24+$0x12000];
	v0 =	vadd.f32 v5, v4;
	[smem:$0x7AE] =	sst s9  }
0x440: {  	s13 =	sor.u32 $0xA100, s19;
	v4 =	vld [tilespmem:s6+$0x8000]  }
0x441: {  	s21 =	sor.u32 s5, s13;
	[tilespmem:s1+$0x0] =	vst v0;
	v0 =	vld [tilespmem:s6+$0x12000]  }
0x442: {  	v5 =	vld [tilespmem:s21+$0x0]  }
0x443: {  	v3 =	vadd.f32 v6, v3;
	v6 =	vld [tilespmem:s0+$0x12100];
	_ =	sdelay $0x1  }
0x444: {  	s18 =	sor.u32 $0x380, s18;
	v1 =	vadd.f32 v2, v1;
	[tilespmem:s25+$0x8000] =	vst v3  }
0x445: {  	v2 =	vld [tilespmem:s18+$0x8000];
	v0 =	vadd.f32 v0, v4  }
0x446: {  	s20 =	sor.u32 $0x380, s20;
	v3 =	vld [tilespmem:s18+$0x12000];
	[tilespmem:s24+$0x8000] =	vst v1  }
0x447: {  	s10 =	sor.u32 s11, s10;
	v1 =	vld [tilespmem:s20+$0x8000];
	[tilespmem:s6+$0x8000] =	vst v0;
	v0 =	vadd.f32 v6, v5  }
0x448: {  	s1 =	sor.u32 $0x380, s10;
	v4 =	vld [tilespmem:s20+$0x12000];
	[smem:$0x7B5] =	sst s6  }
0x449: {  	s4 =	smov.u32 s22;
	s10 =	sor.u32 $0xA180, s19;
	v5 =	vld [tilespmem:s1+$0x8000];
	[tilespmem:s21+$0x0] =	vst v0  }
0x44a: {  	s22 =	smov.u32 s18;
	s18 =	sor.u32 s5, s10;
	v0 =	vld [tilespmem:s1+$0x12000];
	[dreg:$0x5] =	wrdreg s1  }
0x44b: {  	v2 =	vadd.f32 v3, v2;
	v3 =	vld [tilespmem:s18+$0x0]  }
0x44c: {  	v6 =	vld [tilespmem:s0+$0x12180]  }
0x44d: {  	s23 =	smov.u32 s20;
	s20 =	sor.u32 s14, s17;
	v1 =	vadd.f32 v4, v1;
	[tilespmem:s22+$0x8000] =	vst v2  }
0x44e: {  	v2 =	vld [tilespmem:s20+$0x0]  }
0x44f: {  	s21 =	sor.u32 s31, s17;
	v4 =	vld [tilespmem:s2+$0x12000];
	[tilespmem:s23+$0x8000] =	vst v1;
	v0 =	vadd.f32 v0, v5  }
0x450: {  	v1 =	vld [tilespmem:s21+$0x0]  }
0x451: {  	s17 =	sor.u32 s12, s17;
	v5 =	vld [tilespmem:s3+$0x12000];
	[tilespmem:s1+$0x8000] =	vst v0;
	v0 =	vadd.f32 v6, v3  }
0x452: {  	s11 =	sor.u32 $0xA200, s19;
	v3 =	vld [tilespmem:s17+$0x0]  }
0x453: {  	s1 =	sor.u32 s5, s11;
	[tilespmem:s18+$0x0] =	vst v0;
	v0 =	vld [tilespmem:s16+$0x12000]  }
0x454: {  	v2 =	vadd.f32 v4, v2;
	v4 =	vld [tilespmem:s1+$0x0];
	[smem:$0x7A1] =	sst s7  }
0x455: {  	v6 =	vld [tilespmem:s7+$0x12000];
	_ =	sdelay $0x2  }
0x456: {  	v1 =	vadd.f32 v5, v1;
	[tilespmem:s20+$0x0] =	vst v2;
	s20 =	sor.u32 s14, s15  }
0x457: {  	v2 =	vld [tilespmem:s20+$0x0];
	v0 =	vadd.f32 v0, v3  }
0x458: {  	[tilespmem:s21+$0x0] =	vst v1;
	v1 =	vld [tilespmem:s2+$0x12080];
	s21 =	sor.u32 s31, s15;
	v4 =	vadd.f32 v6, v4  }
0x459: {  	v3 =	vld [tilespmem:s21+$0x0];
	[tilespmem:s17+$0x0] =	vst v0  }
0x45a: {  	s17 =	sor.u32 s12, s15;
	v0 =	vld [tilespmem:s3+$0x12080];
	[tilespmem:s1+$0x0] =	vst v4  }
0x45b: {  	s15 =	sor.u32 $0xA280, s19;
	v5 =	vld [tilespmem:s17+$0x0];
	s1 =	sld [smem:$0x7A0]  }
0x45c: {  	s18 =	sor.u32 s5, s15;
	v4 =	vld [tilespmem:s16+$0x12080]  }
0x45d: {  	v1 =	vadd.f32 v1, v2;
	v2 =	vld [tilespmem:s18+$0x0]  }
0x45e: {  	v6 =	vld [tilespmem:s1+$0x12000];
	_ =	sdelay $0x2  }
0x45f: {  	[tilespmem:s20+$0x0] =	vst v1;
	s20 =	sor.u32 s14, s13;
	v0 =	vadd.f32 v0, v3  }
0x460: {  	v1 =	vld [tilespmem:s20+$0x0];
	v3 =	vadd.f32 v4, v5  }
0x461: {  	[tilespmem:s21+$0x0] =	vst v0;
	v0 =	vld [tilespmem:s2+$0x12100];
	s21 =	sor.u32 s31, s13;
	v2 =	vadd.f32 v6, v2  }
0x462: {  	v4 =	vld [tilespmem:s21+$0x0];
	[tilespmem:s17+$0x0] =	vst v3  }
0x463: {  	s17 =	sor.u32 s12, s13;
	v3 =	vld [tilespmem:s3+$0x12100];
	[tilespmem:s18+$0x0] =	vst v2  }
0x464: {  	s13 =	sor.u32 $0xA300, s19;
	v5 =	vld [tilespmem:s17+$0x0];
	s1 =	sld [smem:$0x7A2]  }
0x465: {  	v2 =	vld [tilespmem:s16+$0x12100];
	s18 =	sor.u32 s5, s13  }
0x466: {  	v0 =	vadd.f32 v0, v1;
	v1 =	vld [tilespmem:s18+$0x0]  }
0x467: {  	v6 =	vld [tilespmem:s1+$0x12000]  }
0x468: {  	[tilespmem:s20+$0x0] =	vst v0;
	v0 =	vadd.f32 v3, v4;
	s20 =	sor.u32 s14, s10  }
0x469: {  	v3 =	vld [tilespmem:s20+$0x0]  }
0x46a: {  	[tilespmem:s21+$0x0] =	vst v0;
	v0 =	vld [tilespmem:s2+$0x12180];
	s21 =	sor.u32 s31, s10;
	v2 =	vadd.f32 v2, v5  }
0x46b: {  	v4 =	vld [tilespmem:s21+$0x0]  }
0x46c: {  	s10 =	sor.u32 s12, s10;
	[tilespmem:s17+$0x0] =	vst v2;
	v2 =	vld [tilespmem:s3+$0x12180];
	v1 =	vadd.f32 v6, v1  }
0x46d: {  	s17 =	sor.u32 $0xA380, s19;
	v5 =	vld [tilespmem:s10+$0x0]  }
0x46e: {  	[tilespmem:s18+$0x0] =	vst v1;
	v1 =	vld [tilespmem:s16+$0x12180];
	s18 =	sor.u32 s5, s17  }
0x46f: {  	v0 =	vadd.f32 v0, v3;
	v3 =	vld [tilespmem:s18+$0x0]  }
0x470: {  	v6 =	vld [tilespmem:s8+$0x12000];
	[smem:$0x7A3] =	sst s8  }
0x471: {  	[tilespmem:s20+$0x0] =	vst v0;
	v0 =	vadd.f32 v2, v4  }
0x472: {  	s20 =	sor.u32 s14, s11  }
0x473: {  	v2 =	vld [tilespmem:s20+$0x0];
	[tilespmem:s21+$0x0] =	vst v0;
	v1 =	vadd.f32 v1, v5  }
0x474: {  	v0 =	vld [tilespmem:s26+$0x12000];
	[smem:$0x7A5] =	sst s26  }
0x475: {  	s21 =	sor.u32 s31, s11;
	[tilespmem:s10+$0x0] =	vst v1  }
0x476: {  	v4 =	vld [tilespmem:s21+$0x0];
	[smem:$0x7A7] =	sst s4  }
0x477: {  	v3 =	vadd.f32 v6, v3;
	s10 =	sor.u32 s12, s11;
	v1 =	vld [tilespmem:s4+$0x12000]  }
0x478: {  	v5 =	vld [tilespmem:s10+$0x0]  }
0x479: {  	s11 =	sor.u32 $0xC000, s19;
	[tilespmem:s18+$0x0] =	vst v3;
	v3 =	vld [tilespmem:s30+$0x12000]  }
0x47a: {  	s18 =	sor.u32 s5, s11;
	v0 =	vadd.f32 v0, v2  }
0x47b: {  	v2 =	vld [tilespmem:s18+$0x0]  }
0x47c: {  	v6 =	vld [tilespmem:s0+$0x12000];
	[tilespmem:s20+$0x0] =	vst v0;
	s20 =	sor.u32 s14, s15;
	v0 =	vadd.f32 v1, v4  }
0x47d: {  	v1 =	vld [tilespmem:s20+$0x0]  }
0x47e: {  	v3 =	vadd.f32 v3, v5;
	[tilespmem:s21+$0x0] =	vst v0;
	v0 =	vld [tilespmem:s29+$0x12000];
	s21 =	sor.u32 s31, s15  }
0x47f: {  	v4 =	vld [tilespmem:s21+$0x0]  }
0x480: {  	[tilespmem:s10+$0x0] =	vst v3;
	v3 =	vld [tilespmem:s28+$0x12000]  }
0x481: {  	v2 =	vadd.f32 v6, v2;
	s10 =	sor.u32 s12, s15;
	[smem:$0x7AD] =	sst s28  }
0x482: {  	v5 =	vld [tilespmem:s10+$0x0]  }
0x483: {  	[tilespmem:s18+$0x0] =	vst v2;
	v2 =	vld [tilespmem:s9+$0x12000];
	v0 =	vadd.f32 v0, v1  }
0x484: {  	s15 =	sor.u32 $0xC080, s19  }
0x485: {  	s18 =	sor.u32 s5, s15;
	v6 =	vld [tilespmem:s0+$0x12080];
	[tilespmem:s20+$0x0] =	vst v0;
	v0 =	vadd.f32 v3, v4  }
0x486: {  	v1 =	vld [tilespmem:s18+$0x0];
	s20 =	sor.u32 s14, s13  }
0x487: {  	v3 =	vld [tilespmem:s20+$0x0];
	[tilespmem:s21+$0x0] =	vst v0  }
0x488: {  	v2 =	vadd.f32 v2, v5;
	v0 =	vld [tilespmem:s25+$0x12000];
	s21 =	sor.u32 s31, s13;
	[smem:$0x7B0] =	sst s25  }
0x489: {  	v4 =	vld [tilespmem:s21+$0x0]  }
0x48a: {  	[tilespmem:s10+$0x0] =	vst v2;
	v2 =	vld [tilespmem:s24+$0x12000]  }
0x48b: {  	s13 =	sor.u32 s12, s13;
	v1 =	vadd.f32 v6, v1;
	[smem:$0x7B1] =	sst s24  }
0x48c: {  	s10 =	sor.u32 $0xC100, s19;
	v5 =	vld [tilespmem:s13+$0x0]  }
0x48d: {  	s9 =	smov.u32 s25;
	s25 =	sor.u32 s5, s10;
	[tilespmem:s18+$0x0] =	vst v1;
	v1 =	vld [tilespmem:s6+$0x12000];
	v0 =	vadd.f32 v0, v3  }
0x48e: {  	v3 =	vld [tilespmem:s25+$0x0]  }
0x48f: {  	v6 =	vld [tilespmem:s0+$0x12100];
	[tilespmem:s20+$0x0] =	vst v0;
	v0 =	vadd.f32 v2, v4;
	_ =	sdelay $0x1  }
0x490: {  	s22 =	smov.u32 s22;
	s20 =	sor.u32 s14, s17;
	[tilespmem:s21+$0x0] =	vst v0  }
0x491: {  	v2 =	vld [tilespmem:s20+$0x0];
	v1 =	vadd.f32 v1, v5;
	[smem:$0x7B6] =	sst s22  }
0x492: {  	s30 =	smov.u32 s24;
	s24 =	sor.u32 s31, s17;
	v0 =	vld [tilespmem:s22+$0x12000]  }
0x493: {  	s23 =	smov.u32 s23;
	v3 =	vadd.f32 v6, v3;
	v4 =	vld [tilespmem:s24+$0x0];
	[tilespmem:s13+$0x0] =	vst v1  }
0x494: {  	v1 =	vld [tilespmem:s23+$0x12000];
	[smem:$0x7B7] =	sst s23  }
0x495: {  	s13 =	sor.u32 s12, s17;
	[tilespmem:s25+$0x0] =	vst v3  }
0x496: {  	v5 =	vld [tilespmem:s13+$0x0];
	s25 =	rddreg [dreg:$0x5]  }
0x497: {  	s21 =	sor.u32 $0xC180, s19;
	v3 =	vld [tilespmem:s25+$0x12000]  }
0x498: {  	s18 =	sor.u32 s5, s21;
	v6 =	vld [tilespmem:s0+$0x12180];
	v0 =	vadd.f32 v0, v2  }
0x499: {  	v2 =	vld [tilespmem:s18+$0x0]  }
0x49a: {  	s29 =	smov.u32 s23;
	s23 =	sor.u32 s14, s11;
	[tilespmem:s20+$0x0] =	vst v0;
	v0 =	vadd.f32 v1, v4  }
0x49b: {  	v1 =	vld [tilespmem:s23+$0x0]  }
0x49c: {  	[tilespmem:s24+$0x0] =	vst v0;
	v0 =	vld [tilespmem:s2+$0x12000];
	v3 =	vadd.f32 v3, v5;
	s24 =	sor.u32 s31, s11  }
0x49d: {  	v4 =	vld [tilespmem:s24+$0x0]  }
0x49e: {  	s11 =	sor.u32 s12, s11;
	v2 =	vadd.f32 v6, v2;
	[tilespmem:s13+$0x0] =	vst v3;
	v3 =	vld [tilespmem:s3+$0x12000]  }
0x49f: {  	v5 =	vld [tilespmem:s11+$0x0]  }
0x4a0: {  	s6 =	smov.u32 s22;
	s22 =	sor.u32 $0xC200, s19;
	[tilespmem:s18+$0x0] =	vst v2;
	v2 =	vld [tilespmem:s16+$0x12000]  }
0x4a1: {  	s25 =	sor.u32 s5, s22;
	v6 =	vld [tilespmem:s7+$0x12000]  }
0x4a2: {  	v0 =	vadd.f32 v0, v1;
	v1 =	vld [tilespmem:s25+$0x0];
	_ =	sdelay $0x2  }
0x4a3: {  	[tilespmem:s23+$0x0] =	vst v0;
	v0 =	vadd.f32 v3, v4  }
0x4a4: {  	v2 =	vadd.f32 v2, v5  }
0x4a5: {  	[tilespmem:s24+$0x0] =	vst v0;
	v1 =	vadd.f32 v6, v1  }
0x4a6: {  	[tilespmem:s11+$0x0] =	vst v2  }
0x4a7: {  	[tilespmem:s25+$0x0] =	vst v1  }
0x4a8: {  	s20 =	sor.u32 $0xC280, s19;
	s7 =	sld [smem:$0x7A0]  }
0x4a9: {  	s25 =	sor.u32 s5, s20  }
0x4aa: {  	v1 =	vld [tilespmem:s25+$0x0]  }
0x4ab: {  	v6 =	vld [tilespmem:s7+$0x12000];
	_ =	sdelay $0x2  }
0x4ac: {  	s17 =	sor.u32 s14, s15  }
0x4ad: {  	v3 =	vld [tilespmem:s17+$0x0]  }
0x4ae: {  	v0 =	vld [tilespmem:s2+$0x12080];
	s24 =	sor.u32 s31, s15;
	v1 =	vadd.f32 v6, v1  }
0x4af: {  	s18 =	sor.u32 $0xC300, s19;
	v4 =	vld [tilespmem:s24+$0x0]  }
0x4b0: {  	s13 =	sor.u32 s5, s18;
	v2 =	vld [tilespmem:s3+$0x12080];
	[tilespmem:s25+$0x0] =	vst v1  }
0x4b1: {  	v1 =	vld [tilespmem:s13+$0x0]  }
0x4b2: {  	v6 =	vld [tilespmem:s1+$0x12000]  }
0x4b3: {  	v0 =	vadd.f32 v0, v3;
	_ =	sdelay $0x1  }
0x4b4: {  	[tilespmem:s17+$0x0] =	vst v0;
	v0 =	vadd.f32 v2, v4;
	s17 =	sor.u32 s14, s10  }
0x4b5: {  	v2 =	vld [tilespmem:s17+$0x0]  }
0x4b6: {  	[tilespmem:s24+$0x0] =	vst v0;
	v0 =	vld [tilespmem:s2+$0x12100];
	s1 =	sor.u32 s31, s10;
	v1 =	vadd.f32 v6, v1  }
0x4b7: {  	s23 =	sor.u32 s12, s15;
	s15 =	sor.u32 $0xC380, s19;
	v3 =	vld [tilespmem:s1+$0x0]  }
0x4b8: {  	s25 =	sor.u32 s5, s15;
	[tilespmem:s13+$0x0] =	vst v1;
	v1 =	vld [tilespmem:s3+$0x12100]  }
0x4b9: {  	v4 =	vld [tilespmem:s25+$0x0]  }
0x4ba: {  	v6 =	vld [tilespmem:s8+$0x12000]  }
0x4bb: {  	v0 =	vadd.f32 v0, v2;
	_ =	sdelay $0x1  }
0x4bc: {  	s24 =	sor.u32 s14, s21;
	[tilespmem:s17+$0x0] =	vst v0;
	v0 =	vadd.f32 v1, v3  }
0x4bd: {  	v1 =	vld [tilespmem:s24+$0x0]  }
0x4be: {  	v2 =	vadd.f32 v6, v4;
	[tilespmem:s1+$0x0] =	vst v0;
	v0 =	vld [tilespmem:s2+$0x12180];
	s1 =	sor.u32 s31, s21  }
0x4bf: {  	s17 =	sor.u32 $0xE000, s19;
	v3 =	vld [tilespmem:s1+$0x0]  }
0x4c0: {  	[tilespmem:s25+$0x0] =	vst v2;
	v2 =	vld [tilespmem:s3+$0x12180];
	s25 =	sor.u32 s5, s17  }
0x4c1: {  	v4 =	vld [tilespmem:s25+$0x0]  }
0x4c2: {  	v6 =	vld [tilespmem:s0+$0x12000]  }
0x4c3: {  	v0 =	vadd.f32 v0, v1;
	_ =	sdelay $0x1  }
0x4c4: {  	s8 =	sor.u32 s14, s22;
	[tilespmem:s24+$0x0] =	vst v0;
	v0 =	vadd.f32 v2, v3  }
0x4c5: {  	v1 =	vld [tilespmem:s8+$0x0]  }
0x4c6: {  	v2 =	vadd.f32 v6, v4;
	[tilespmem:s1+$0x0] =	vst v0;
	v0 =	vld [tilespmem:s26+$0x12000];
	s1 =	sor.u32 s31, s22  }
0x4c7: {  	v3 =	vld [tilespmem:s1+$0x0]  }
0x4c8: {  	[tilespmem:s25+$0x0] =	vst v2;
	v2 =	vld [tilespmem:s4+$0x12000];
	_ =	sdelay $0x1  }
0x4c9: {  	s13 =	sor.u32 $0xE080, s19  }
0x4ca: {  	s26 =	sor.u32 s5, s13;
	v0 =	vadd.f32 v0, v1  }
0x4cb: {  	v4 =	vld [tilespmem:s26+$0x0]  }
0x4cc: {  	v6 =	vld [tilespmem:s0+$0x12080];
	[tilespmem:s8+$0x0] =	vst v0;
	v0 =	vadd.f32 v2, v3;
	_ =	sdelay $0x1  }
0x4cd: {  	[tilespmem:s1+$0x0] =	vst v0  }
0x4ce: {  	v5 =	vld [tilespmem:s23+$0x0];
	s25 =	sor.u32 s14, s20;
	s4 =	sld [smem:$0x7AB]  }
0x4cf: {  	s8 =	sor.u32 s31, s20;
	v1 =	vld [tilespmem:s25+$0x0]  }
0x4d0: {  	v2 =	vadd.f32 v6, v4;
	v3 =	vld [tilespmem:s8+$0x0]  }
0x4d1: {  	s11 =	sor.u32 $0xE100, s19;
	v0 =	vld [tilespmem:s4+$0x12000]  }
0x4d2: {  	s1 =	sor.u32 s5, s11;
	[tilespmem:s26+$0x0] =	vst v2;
	v2 =	vld [tilespmem:s28+$0x12000]  }
0x4d3: {  	v4 =	vld [tilespmem:s1+$0x0]  }
0x4d4: {  	v6 =	vld [tilespmem:s0+$0x12100]  }
0x4d5: {  	v7 =	vld [tilespmem:s16+$0x12080]  }
0x4d6: {  	v0 =	vadd.f32 v0, v1;
	_ =	sdelay $0x1  }
0x4d7: {  	[tilespmem:s25+$0x0] =	vst v0;
	v0 =	vadd.f32 v2, v3;
	s25 =	sor.u32 s14, s18  }
0x4d8: {  	v2 =	vadd.f32 v6, v4;
	v1 =	vld [tilespmem:s25+$0x0]  }
0x4d9: {  	s4 =	sor.u32 s31, s18;
	v3 =	vadd.f32 v7, v5;
	[tilespmem:s8+$0x0] =	vst v0;
	v0 =	vld [tilespmem:s9+$0x12000]  }
0x4da: {  	[tilespmem:s1+$0x0] =	vst v2;
	v4 =	vld [tilespmem:s4+$0x0]  }
0x4db: {  	[tilespmem:s23+$0x0] =	vst v3;
	s9 =	sor.u32 $0xE180, s19;
	v2 =	vld [tilespmem:s30+$0x12000]  }
0x4dc: {  	s8 =	sor.u32 s12, s10;
	v3 =	vld [tilespmem:s0+$0x12180];
	[smem:$0x7A4] =	sst s9  }
0x4dd: {  	s10 =	sor.u32 s5, s9;
	v5 =	vld [tilespmem:s8+$0x0]  }
0x4de: {  	v0 =	vadd.f32 v0, v1;
	v1 =	vld [tilespmem:s10+$0x0]  }
0x4df: {  	v6 =	vld [tilespmem:s16+$0x12100];
	_ =	sdelay $0x2  }
0x4e0: {  	[tilespmem:s25+$0x0] =	vst v0;
	v0 =	vadd.f32 v2, v4  }
0x4e1: {  	s26 =	sor.u32 s14, s15;
	v1 =	vadd.f32 v3, v1  }
0x4e2: {  	v2 =	vld [tilespmem:s26+$0x0];
	[tilespmem:s4+$0x0] =	vst v0;
	v3 =	vadd.f32 v6, v5  }
0x4e3: {  	s1 =	sor.u32 s31, s15;
	v0 =	vld [tilespmem:s6+$0x12000];
	[tilespmem:s10+$0x0] =	vst v1  }
0x4e4: {  	v4 =	vld [tilespmem:s1+$0x0];
	[tilespmem:s8+$0x0] =	vst v3  }
0x4e5: {  	v5 =	vld [tilespmem:s29+$0x12000];
	s0 =	sld [smem:$0x7A1];
	_ =	sdelay $0x1  }
0x4e6: {  	s6 =	sor.u32 $0xE200, s19  }
0x4e7: {  	s4 =	sor.u32 s12, s21;
	v1 =	vld [tilespmem:s0+$0x12000];
	[smem:$0x7AA] =	sst s6  }
0x4e8: {  	s8 =	sor.u32 s5, s6;
	v0 =	vadd.f32 v0, v2;
	v3 =	vld [tilespmem:s4+$0x0];
	[smem:$0x7B9] =	sst s5  }
0x4e9: {  	v4 =	vadd.f32 v5, v4;
	v2 =	vld [tilespmem:s8+$0x0]  }
0x4ea: {  	s10 =	sor.u32 s14, s17;
	[tilespmem:s26+$0x0] =	vst v0;
	v0 =	vld [tilespmem:s16+$0x12180]  }
0x4eb: {  	v5 =	vld [tilespmem:s10+$0x0];
	[tilespmem:s1+$0x0] =	vst v4  }
0x4ec: {  	v4 =	vld [tilespmem:s2+$0x12000];
	_ =	sdelay $0x1  }
0x4ed: {  	s25 =	sor.u32 s31, s17  }
0x4ee: {  	v6 =	vld [tilespmem:s25+$0x0];
	v1 =	vadd.f32 v1, v2  }
0x4ef: {  	v7 =	vld [tilespmem:s3+$0x12000];
	v0 =	vadd.f32 v0, v3  }
0x4f0: {  	[tilespmem:s8+$0x0] =	vst v1;
	v1 =	vadd.f32 v4, v5  }
0x4f1: {  	[tilespmem:s4+$0x0] =	vst v0  }
0x4f2: {  	[tilespmem:s10+$0x0] =	vst v1  }
0x4f3: {  	s26 =	sor.u32 s12, s22;
	v0 =	vld [tilespmem:s7+$0x12000];
	s1 =	sld [smem:$0x7A9]  }
0x4f4: {  	v3 =	vadd.f32 v7, v6;
	s4 =	sor.u32 s14, s13;
	v2 =	vld [tilespmem:s26+$0x0]  }
0x4f5: {  	v4 =	vld [tilespmem:s4+$0x0]  }
0x4f6: {  	s8 =	sor.u32 s31, s13;
	s7 =	simm.s32 $0x40;
	[tilespmem:s25+$0x0] =	vst v3;
	v1 =	vld [tilespmem:s1+$0x12000]  }
0x4f7: {  	s29 =	sand.u32 $0x40, s7;
	s10 =	simm.s32 $0x200;
	v3 =	vld [tilespmem:s2+$0x12080];
	[smem:$0x7A6] =	sst s31  }
0x4f8: {  	s25 =	sand.u32 $0x1C00, s10;
	s7 =	sor.u32 $0x30, s29;
	v5 =	vld [tilespmem:s8+$0x0]  }
0x4f9: {  	s6 =	sor.u32 s7, s25;
	v6 =	vld [tilespmem:s3+$0x12080]  }
0x4fa: {  	v7 =	vld [tilespmem:s6+$0x8000]  }
0x4fb: {  	v8 =	vld [tilespmem:s6+$0x12000];
	v1 =	vadd.f32 v1, v2  }
0x4fc: {  	v39 =	vld [tilespmem:s6+$0x8080]  }
0x4fd: {  	v40 =	vld [tilespmem:s6+$0x12080];
	[tilespmem:s26+$0x0] =	vst v1;
	v1 =	vadd.f32 v3, v4  }
0x4fe: {  	v41 =	vld [tilespmem:s6+$0x8100]  }
0x4ff: {  	v42 =	vld [tilespmem:s6+$0x8180];
	[tilespmem:s4+$0x0] =	vst v1  }
0x500: {  	v2 =	vld [tilespmem:s6+$0x12100];
	s23 =	sld [smem:$0x7AE]  }
0x501: {  	s20 =	sor.u32 s12, s20;
	v5 =	vadd.f32 v6, v5;
	v3 =	vld [tilespmem:s6+$0x12180]  }
0x502: {  	v6 =	vadd.f32 v8, v7;
	v4 =	vld [tilespmem:s20+$0x0]  }
0x503: {  	s24 =	sor.u32 s14, s11;
	v7 =	vadd.f32 v40, v39;
	[tilespmem:s8+$0x0] =	vst v5;
	v1 =	vld [tilespmem:s23+$0x12000]  }
0x504: {  	p0 =	por !p0, !p0;
	v5 =	vld [tilespmem:s24+$0x0];
	[tilespmem:s6+$0x8000] =	vst v6  }
0x505: {  	s21 =	simm.s32 $0x1;
	s1 =	sor.u32 s31, s11;
	s4 =	sor.u32 $0xE280, s19;
	v8 =	vld [tilespmem:s2+$0x12100];
	[tilespmem:s6+$0x8080] =	vst v7  }
0x506: {  	s21 =	simm.s32 @!p0 $0x0;
	v2 =	vadd.f32 v2, v41;
	v6 =	vld [tilespmem:s1+$0x0];
	[smem:$0x7AF] =	sst s4  }
0x507: {  	s21 =	sshll.u32 s21, $0x6;
	s8 =	sor.u32 s5, s4;
	v3 =	vadd.f32 v3, v42;
	v7 =	vld [tilespmem:s3+$0x12100]  }
0x508: {  	s22 =	sadd.s32 $0x200, s21;
	[tilespmem:s6+$0x8100] =	vst v2;
	v2 =	vld [tilespmem:s8+$0x0];
	v1 =	vadd.f32 v1, v4  }
0x509: {  	s30 =	sadd.s32 $0x30, s22;
	[tilespmem:s6+$0x8180] =	vst v3  }
0x50a: {  	s10 =	sor.u32 $0x200, s30;
	[tilespmem:s20+$0x0] =	vst v1  }
0x50b: {  	v3 =	vld [tilespmem:s10+$0x8000];
	v5 =	vadd.f32 v8, v5;
	s26 =	sld [smem:$0x7B5]  }
0x50c: {  	s21 =	sor.u32 s12, s18;
	v6 =	vadd.f32 v7, v6;
	v1 =	vld [tilespmem:s10+$0x12000];
	[smem:$0x7B2] =	sst s10  }
0x50d: {  	v0 =	vadd.f32 v0, v2;
	v4 =	vld [tilespmem:s21+$0x0];
	[tilespmem:s24+$0x0] =	vst v5  }
0x50e: {  	[tilespmem:s1+$0x0] =	vst v6;
	v43 =	vld [tilespmem:s26+$0x12000]  }
0x50f: {  	[tilespmem:s8+$0x0] =	vst v0  }
0x510: {  	s31 =	sld [smem:$0x7A2]  }
0x511: {  	v3 =	vadd.f32 v1, v3  }
0x512: {  	v2 =	vld [tilespmem:s2+$0x12180]  }
0x513: {  	s8 =	sor.u32 $0x280, s30;
	v0 =	vld [tilespmem:s31+$0x12000];
	[tilespmem:s10+$0x8000] =	vst v3;
	v4 =	vadd.f32 v43, v4  }
0x514: {  	v3 =	vld [tilespmem:s8+$0x8000]  }
0x515: {  	s31 =	sor.u32 $0x10, s29;
	[tilespmem:s21+$0x0] =	vst v4;
	v4 =	vld [tilespmem:s8+$0x12000]  }
0x516: {  	v1 =	vld [tilespmem:s3+$0x12180];
	s20 =	sor.u32 s31, s25  }
0x517: {  	v7 =	vld [tilespmem:s20+$0x8000]  }
0x518: {  	v8 =	vld [tilespmem:s20+$0x12000]  }
0x519: {  	v44 =	vld [tilespmem:s20+$0x8080]  }
0x51a: {  	s0 =	sor.u32 s12, s15;
	v45 =	vld [tilespmem:s20+$0x8100];
	v3 =	vadd.f32 v4, v3  }
0x51b: {  	v5 =	vld [tilespmem:s0+$0x0];
	s1 =	rddreg [dreg:$0x5]  }
0x51c: {  	v6 =	vld [tilespmem:s1+$0x12000];
	[tilespmem:s8+$0x8000] =	vst v3  }
0x51d: {  	s26 =	sor.u32 $0x300, s30;
	v4 =	vld [tilespmem:s20+$0x12080];
	[smem:$0x7B8] =	sst s8  }
0x51e: {  	v3 =	vld [tilespmem:s26+$0x8000]  }
0x51f: {  	v46 =	vld [tilespmem:s26+$0x12000]  }
0x520: {  	v47 =	vld [tilespmem:s20+$0x12100]  }
0x521: {  	s9 =	sor.u32 $0x20, s29;
	v48 =	vld [tilespmem:s20+$0x8180]  }
0x522: {  	s15 =	sor.u32 s9, s25;
	v49 =	vld [tilespmem:s20+$0x12180]  }
0x523: {  	v50 =	vld [tilespmem:s15+$0x8000]  }
0x524: {  	v51 =	vld [tilespmem:s15+$0x12000];
	v3 =	vadd.f32 v46, v3  }
0x525: {  	v52 =	vld [tilespmem:s15+$0x8080]  }
0x526: {  	s3 =	sor.u32 $0x380, s30;
	v53 =	vld [tilespmem:s15+$0x12080];
	[tilespmem:s26+$0x8000] =	vst v3  }
0x527: {  	v3 =	vld [tilespmem:s3+$0x8000]  }
0x528: {  	v7 =	vadd.f32 v8, v7;
	v18 =	vld [tilespmem:s3+$0x12000];
	[dreg:$0x1b] =	wrdreg s3  }
0x529: {  	v4 =	vadd.f32 v4, v44;
	v8 =	vld [tilespmem:s15+$0x8100]  }
0x52a: {  	v54 =	vld [tilespmem:s15+$0x12100];
	[tilespmem:s20+$0x8000] =	vst v7;
	v7 =	vadd.f32 v47, v45  }
0x52b: {  	v55 =	vld [tilespmem:s15+$0x8180];
	[tilespmem:s20+$0x8080] =	vst v4;
	v4 =	vadd.f32 v49, v48  }
0x52c: {  	s4 =	sadd.s32 $0x10, s22;
	s24 =	sor.u32 s29, s25;
	v56 =	vld [tilespmem:s15+$0x12180];
	[tilespmem:s20+$0x8100] =	vst v7  }
0x52d: {  	s5 =	sor.u32 $0x200, s4;
	v7 =	vld [tilespmem:s24+$0x8000];
	[tilespmem:s20+$0x8180] =	vst v4  }
0x52e: {  	v4 =	vld [tilespmem:s24+$0x12000];
	[dreg:$0x1a] =	wrdreg s5;
	v3 =	vadd.f32 v18, v3  }
0x52f: {  	s23 =	sor.u32 $0xA000, s25;
	v57 =	vld [tilespmem:s5+$0x8000]  }
0x530: {  	s30 =	sor.u32 s7, s23;
	v59 =	vld [tilespmem:s5+$0x12000];
	[tilespmem:s3+$0x8000] =	vst v3  }
0x531: {  	v3 =	vld [tilespmem:s30+$0x0]  }
0x532: {  	v58 =	vld [tilespmem:s6+$0x12000]  }
0x533: {  	v5 =	vadd.f32 v6, v5;
	v19 =	vld [tilespmem:s24+$0x8080]  }
0x534: {  	v6 =	vld [tilespmem:s24+$0x12080]  }
0x535: {  	v11 =	vadd.f32 v53, v52;
	[tilespmem:s0+$0x0] =	vst v5;
	v5 =	vld [tilespmem:s24+$0x12100]  }
0x536: {  	v61 =	vld [tilespmem:s24+$0x8180];
	v4 =	vadd.f32 v4, v7  }
0x537: {  	s10 =	sor.u32 s12, s17;
	[tilespmem:s15+$0x8080] =	vst v11;
	v7 =	vld [tilespmem:s24+$0x8100];
	v3 =	vadd.f32 v58, v3  }
0x538: {  	v60 =	vld [tilespmem:s10+$0x0];
	[tilespmem:s24+$0x8000] =	vst v4;
	v4 =	vadd.f32 v59, v57  }
0x539: {  	v12 =	vld [tilespmem:s16+$0x12000];
	[tilespmem:s30+$0x0] =	vst v3;
	v3 =	vadd.f32 v51, v50  }
0x53a: {  	s28 =	sor.u32 $0x280, s4;
	v62 =	vadd.f32 v56, v55;
	[tilespmem:s5+$0x8000] =	vst v4;
	v4 =	vld [tilespmem:s24+$0x12180]  }
0x53b: {  	v63 =	vld [tilespmem:s28+$0x12000];
	[tilespmem:s15+$0x8000] =	vst v3;
	v3 =	vadd.f32 v54, v8  }
0x53c: {  	s17 =	sor.u32 $0xA080, s25;
	[tilespmem:s15+$0x8180] =	vst v62;
	v5 =	vadd.f32 v5, v7;
	v8 =	vld [tilespmem:s28+$0x8000]  }
0x53d: {  	s18 =	sor.u32 s7, s17;
	s30 =	sadd.s32 $0x20, s22;
	v7 =	vld [tilespmem:s6+$0x12080];
	[tilespmem:s15+$0x8100] =	vst v3;
	v3 =	vadd.f32 v6, v19  }
0x53e: {  	[tilespmem:s24+$0x8100] =	vst v5;
	s2 =	sor.u32 $0x200, s30;
	v6 =	vld [tilespmem:s18+$0x0]  }
0x53f: {  	v5 =	vld [tilespmem:s2+$0x12000];
	[tilespmem:s24+$0x8080] =	vst v3;
	v3 =	vadd.f32 v4, v61  }
0x540: {  	v4 =	vld [tilespmem:s2+$0x8000];
	[dreg:$0xd] =	wrdreg s2  }
0x541: {  	[tilespmem:s24+$0x8180] =	vst v3;
	v3 =	vadd.f32 v63, v8  }
0x542: {  	s21 =	sor.u32 $0x200, s22  }
0x543: {  	v8 =	vld [tilespmem:s21+$0x8000];
	[tilespmem:s28+$0x8000] =	vst v3;
	v3 =	vadd.f32 v7, v6  }
0x544: {  	s3 =	sor.u32 $0x300, s4;
	v15 =	vld [tilespmem:s21+$0x12000]  }
0x545: {  	v6 =	vld [tilespmem:s3+$0x8000];
	[tilespmem:s18+$0x0] =	vst v3;
	v3 =	vadd.f32 v12, v60  }
0x546: {  	s5 =	sor.u32 $0xA100, s25;
	v7 =	vld [tilespmem:s3+$0x12000];
	[smem:$0x7AC] =	sst s3  }
0x547: {  	s0 =	sor.u32 s7, s5;
	[tilespmem:s10+$0x0] =	vst v3  }
0x548: {  	v4 =	vadd.f32 v5, v4;
	v5 =	vld [tilespmem:s0+$0x0];
	[smem:$0x7A8] =	sst s12  }
0x549: {  	s1 =	sor.u32 s12, s13;
	v3 =	vld [tilespmem:s6+$0x12100]  }
0x54a: {  	s18 =	smov.u32 s12;
	s12 =	sor.u32 $0x280, s30;
	v16 =	vld [tilespmem:s1+$0x0];
	[tilespmem:s2+$0x8000] =	vst v4;
	v4 =	vadd.f32 v15, v8  }
0x54b: {  	v8 =	vld [tilespmem:s12+$0x8000]  }
0x54c: {  	s13 =	sor.u32 $0x280, s22;
	v17 =	vld [tilespmem:s12+$0x12000];
	[tilespmem:s21+$0x8000] =	vst v4  }
0x54d: {  	s10 =	sor.u32 $0x380, s4;
	s4 =	smov.u32 s13;
	v4 =	vadd.f32 v7, v6;
	v6 =	vld [tilespmem:s13+$0x8000]  }
0x54e: {  	v7 =	vld [tilespmem:s13+$0x12000];
	[dreg:$0x11] =	wrdreg s4;
	v3 =	vadd.f32 v3, v5  }
0x54f: {  	[tilespmem:s3+$0x8000] =	vst v4  }
0x550: {  	s13 =	sor.u32 $0xA180, s25;
	v4 =	vld [tilespmem:s10+$0x8000];
	[tilespmem:s0+$0x0] =	vst v3  }
0x551: {  	v3 =	vld [tilespmem:s10+$0x12000];
	s0 =	sor.u32 s7, s13;
	[dreg:$0x19] =	wrdreg s10  }
0x552: {  	v5 =	vadd.f32 v17, v8;
	v8 =	vld [tilespmem:s0+$0x0]  }
0x553: {  	v18 =	vld [tilespmem:s6+$0x12180]  }
0x554: {  	s3 =	sor.u32 $0x300, s30;
	v19 =	vld [tilespmem:s16+$0x12080];
	[tilespmem:s12+$0x8000] =	vst v5  }
0x555: {  	v5 =	vadd.f32 v7, v6;
	v6 =	vld [tilespmem:s3+$0x8000]  }
0x556: {  	v7 =	vld [tilespmem:s3+$0x12000];
	[dreg:$0x14] =	wrdreg s3  }
0x557: {  	s2 =	sor.u32 $0x300, s22;
	[tilespmem:s4+$0x8000] =	vst v5  }
0x558: {  	v3 =	vadd.f32 v3, v4;
	v4 =	vld [tilespmem:s2+$0x8000]  }
0x559: {  	v5 =	vld [tilespmem:s2+$0x12000];
	[dreg:$0x15] =	wrdreg s2  }
0x55a: {  	[tilespmem:s10+$0x8000] =	vst v3;
	v3 =	vadd.f32 v18, v8;
	_ =	sdelay $0x1  }
0x55b: {  	s22 =	sor.u32 s31, s23;
	[tilespmem:s0+$0x0] =	vst v3;
	v3 =	vadd.f32 v19, v16  }
0x55c: {  	s10 =	sor.u32 $0xA200, s25;
	v8 =	vld [tilespmem:s22+$0x0]  }
0x55d: {  	v20 =	vld [tilespmem:s20+$0x12000];
	v6 =	vadd.f32 v7, v6;
	s0 =	sor.u32 s7, s10;
	[tilespmem:s1+$0x0] =	vst v3  }
0x55e: {  	s4 =	sor.u32 s18, s11;
	v7 =	vld [tilespmem:s0+$0x0];
	s18 =	sld [smem:$0x7B2]  }
0x55f: {  	s30 =	sor.u32 $0x380, s30;
	v21 =	vld [tilespmem:s4+$0x0];
	[tilespmem:s3+$0x8000] =	vst v6  }
0x560: {  	v4 =	vadd.f32 v5, v4;
	s3 =	simm.s32 $0x40;
	v5 =	vld [tilespmem:s30+$0x8000]  }
0x561: {  	s11 =	simm.s32 $0x200;
	v3 =	vld [tilespmem:s18+$0x12000];
	[dreg:$0x7] =	wrdreg s3  }
0x562: {  	[dreg:$0x9] =	wrdreg s11;
	s3 =	simm.s32 $0x40;
	s11 =	simm.s32 $0x200  }
0x563: {  	s3 =	sor.u32 s11, s3  }
0x564: {  	s1 =	sor.u32 $0x380, s3;
	s3 =	smov.u32 s30  }
0x565: {  	v6 =	vld [tilespmem:s30+$0x12000];
	[dreg:$0x16] =	wrdreg s3  }
0x566: {  	[tilespmem:s2+$0x8000] =	vst v4;
	v4 =	vadd.f32 v20, v8;
	_ =	sdelay $0x1  }
0x567: {  	v8 =	vld [tilespmem:s1+$0x8000];
	[tilespmem:s22+$0x0] =	vst v4  }
0x568: {  	v3 =	vadd.f32 v3, v7;
	v4 =	vld [tilespmem:s1+$0x12000];
	s22 =	sor.u32 s31, s17;
	[smem:$0x7B3] =	sst s1  }
0x569: {  	s30 =	sor.u32 $0xA280, s25;
	v7 =	vld [tilespmem:s22+$0x0]  }
0x56a: {  	v5 =	vadd.f32 v6, v5;
	[tilespmem:s0+$0x0] =	vst v3;
	v3 =	vld [tilespmem:s20+$0x12080];
	s0 =	sor.u32 s7, s30  }
0x56b: {  	v6 =	vld [tilespmem:s0+$0x0]  }
0x56c: {  	s11 =	smov.u32 s1;
	s1 =	sor.u32 s9, s23;
	[tilespmem:s3+$0x8000] =	vst v5;
	v22 =	vld [tilespmem:s8+$0x12000]  }
0x56d: {  	v5 =	vld [tilespmem:s1+$0x0];
	v4 =	vadd.f32 v4, v8  }
0x56e: {  	v8 =	vld [tilespmem:s15+$0x12000]  }
0x56f: {  	s23 =	sor.u32 s29, s23;
	v23 =	vld [tilespmem:s16+$0x12100];
	[tilespmem:s11+$0x8000] =	vst v4;
	v3 =	vadd.f32 v3, v7  }
0x570: {  	v4 =	vld [tilespmem:s23+$0x0]  }
0x571: {  	s3 =	sor.u32 s31, s5;
	v7 =	vld [tilespmem:s24+$0x12000];
	[tilespmem:s22+$0x0] =	vst v3;
	v3 =	vadd.f32 v22, v6  }
0x572: {  	s22 =	sor.u32 $0xA300, s25;
	v6 =	vld [tilespmem:s3+$0x0]  }
0x573: {  	v24 =	vld [tilespmem:s20+$0x12100];
	s8 =	sor.u32 s7, s22;
	v5 =	vadd.f32 v8, v5;
	[tilespmem:s0+$0x0] =	vst v3  }
0x574: {  	v3 =	vadd.f32 v23, v21;
	v8 =	vld [tilespmem:s8+$0x0]  }
0x575: {  	v25 =	vld [tilespmem:s26+$0x12000];
	[tilespmem:s1+$0x0] =	vst v5;
	s1 =	sor.u32 s9, s17  }
0x576: {  	[tilespmem:s4+$0x0] =	vst v3;
	v4 =	vadd.f32 v7, v4;
	v5 =	vld [tilespmem:s1+$0x0]  }
0x577: {  	v3 =	vld [tilespmem:s16+$0x12180]  }
0x578: {  	s2 =	sor.u32 s29, s17;
	[tilespmem:s23+$0x0] =	vst v4;
	v4 =	vld [tilespmem:s15+$0x12080];
	v6 =	vadd.f32 v24, v6  }
0x579: {  	v7 =	vld [tilespmem:s2+$0x0]  }
0x57a: {  	s17 =	sor.u32 s31, s13;
	[tilespmem:s3+$0x0] =	vst v6;
	v6 =	vld [tilespmem:s24+$0x12080];
	v8 =	vadd.f32 v25, v8  }
0x57b: {  	s16 =	sor.u32 $0xA380, s25;
	v26 =	vld [tilespmem:s17+$0x0]  }
0x57c: {  	s11 =	sor.u32 $0xE300, s19;
	s0 =	sor.u32 s7, s16;
	[tilespmem:s8+$0x0] =	vst v8;
	v8 =	vld [tilespmem:s20+$0x12180]  }
0x57d: {  	v4 =	vadd.f32 v4, v5;
	v5 =	vld [tilespmem:s0+$0x0];
	[smem:$0x7B4] =	sst s11  }
0x57e: {  	s3 =	rddreg [dreg:$0x1b]  }
0x57f: {  	s23 =	sld [smem:$0x7B9]  }
0x580: {  	v27 =	vld [tilespmem:s3+$0x12000]  }
0x581: {  	s4 =	sor.u32 s9, s5;
	[tilespmem:s1+$0x0] =	vst v4  }
0x582: {  	v6 =	vadd.f32 v6, v7;
	s3 =	sor.u32 s23, s11;
	v7 =	vld [tilespmem:s4+$0x0]  }
0x583: {  	v4 =	vld [tilespmem:s3+$0x0]  }
0x584: {  	s5 =	sor.u32 s29, s5;
	[tilespmem:s2+$0x0] =	vst v6;
	v6 =	vld [tilespmem:s15+$0x12100];
	v8 =	vadd.f32 v8, v26  }
0x585: {  	v28 =	vld [tilespmem:s5+$0x0];
	v5 =	vadd.f32 v27, v5  }
0x586: {  	[tilespmem:s17+$0x0] =	vst v8;
	v8 =	vld [tilespmem:s24+$0x12100]  }
0x587: {  	s11 =	sor.u32 s31, s10;
	[tilespmem:s0+$0x0] =	vst v5  }
0x588: {  	v29 =	vld [tilespmem:s11+$0x0];
	v0 =	vadd.f32 v0, v4;
	s0 =	rddreg [dreg:$0x1a]  }
0x589: {  	s2 =	sor.u32 $0xC000, s25;
	v5 =	vadd.f32 v6, v7;
	v4 =	vld [tilespmem:s0+$0x12000]  }
0x58a: {  	v7 =	vld [tilespmem:s6+$0x12000];
	s0 =	sor.u32 s7, s2;
	[tilespmem:s3+$0x0] =	vst v0  }
0x58b: {  	v6 =	vld [tilespmem:s0+$0x0];
	s3 =	sld [smem:$0x7A3];
	[tilespmem:s4+$0x0] =	vst v5;
	v5 =	vadd.f32 v8, v28;
	s4 =	sor.u32 s9, s13  }
0x58c: {  	v8 =	vld [tilespmem:s4+$0x0]  }
0x58d: {  	[tilespmem:s5+$0x0] =	vst v5;
	v5 =	vld [tilespmem:s15+$0x12180]  }
0x58e: {  	v0 =	vld [tilespmem:s3+$0x12000];
	s3 =	sor.u32 s29, s13;
	v4 =	vadd.f32 v4, v29  }
0x58f: {  	v30 =	vld [tilespmem:s3+$0x0]  }
0x590: {  	s13 =	sor.u32 s31, s30;
	v6 =	vadd.f32 v7, v6;
	[tilespmem:s11+$0x0] =	vst v4;
	v4 =	vld [tilespmem:s24+$0x12180]  }
0x591: {  	s11 =	sor.u32 $0xC080, s25;
	v7 =	vld [tilespmem:s13+$0x0]  }
0x592: {  	[tilespmem:s0+$0x0] =	vst v6;
	v6 =	vld [tilespmem:s28+$0x12000];
	s0 =	sor.u32 s7, s11  }
0x593: {  	v5 =	vadd.f32 v5, v8;
	v8 =	vld [tilespmem:s0+$0x0]  }
0x594: {  	v31 =	vld [tilespmem:s6+$0x12080];
	_ =	sdelay $0x1  }
0x595: {  	s1 =	sld [smem:$0x7A4]  }
0x596: {  	v4 =	vadd.f32 v4, v30  }
0x597: {  	[tilespmem:s4+$0x0] =	vst v5;
	s4 =	sor.u32 s9, s10;
	v6 =	vadd.f32 v6, v7  }
0x598: {  	s23 =	sor.u32 s14, s1;
	v32 =	vld [tilespmem:s4+$0x0];
	[tilespmem:s3+$0x0] =	vst v4;
	v8 =	vadd.f32 v31, v8  }
0x599: {  	s10 =	sor.u32 s29, s10;
	v5 =	vld [tilespmem:s23+$0x0];
	s17 =	rddreg [dreg:$0xd];
	[tilespmem:s13+$0x0] =	vst v6  }
0x59a: {  	v7 =	vld [tilespmem:s10+$0x0];
	[tilespmem:s0+$0x0] =	vst v8  }
0x59b: {  	v4 =	vld [tilespmem:s17+$0x12000];
	s0 =	sld [smem:$0x7AC]  }
0x59c: {  	s3 =	sor.u32 s31, s22;
	v6 =	vld [tilespmem:s21+$0x12000]  }
0x59d: {  	v33 =	vld [tilespmem:s3+$0x0]  }
0x59e: {  	s17 =	sor.u32 $0xC100, s25;
	v2 =	vadd.f32 v2, v5;
	v5 =	vld [tilespmem:s0+$0x12000]  }
0x59f: {  	v34 =	vld [tilespmem:s6+$0x12100];
	s0 =	sor.u32 s7, s17  }
0x5a0: {  	v4 =	vadd.f32 v4, v32;
	v8 =	vld [tilespmem:s0+$0x0]  }
0x5a1: {  	[tilespmem:s23+$0x0] =	vst v2  }
0x5a2: {  	s13 =	sld [smem:$0x7A5];
	[tilespmem:s4+$0x0] =	vst v4;
	v4 =	vadd.f32 v6, v7  }
0x5a3: {  	s8 =	sor.u32 s9, s30;
	v5 =	vadd.f32 v5, v33  }
0x5a4: {  	v6 =	vld [tilespmem:s8+$0x0];
	[tilespmem:s10+$0x0] =	vst v4  }
0x5a5: {  	s4 =	sor.u32 s29, s30;
	v4 =	vld [tilespmem:s12+$0x12000];
	v8 =	vadd.f32 v34, v8;
	[tilespmem:s3+$0x0] =	vst v5  }
0x5a6: {  	v7 =	vld [tilespmem:s4+$0x0];
	s5 =	rddreg [dreg:$0x11]  }
0x5a7: {  	s10 =	sor.u32 s31, s16;
	[tilespmem:s0+$0x0] =	vst v8;
	v5 =	vld [tilespmem:s5+$0x12000]  }
0x5a8: {  	v35 =	vld [tilespmem:s10+$0x0];
	s0 =	rddreg [dreg:$0x19]  }
0x5a9: {  	s3 =	sld [smem:$0x7A6];
	v8 =	vld [tilespmem:s0+$0x12000]  }
0x5aa: {  	s23 =	sor.u32 $0xC180, s25;
	v2 =	vld [tilespmem:s13+$0x12000]  }
0x5ab: {  	s13 =	sor.u32 s7, s23;
	v36 =	vld [tilespmem:s6+$0x12180];
	v4 =	vadd.f32 v4, v6  }
0x5ac: {  	s30 =	smov.u32 s12;
	v6 =	vld [tilespmem:s13+$0x0];
	s12 =	sor.u32 s3, s1;
	v5 =	vadd.f32 v5, v7  }
0x5ad: {  	[tilespmem:s8+$0x0] =	vst v4;
	s8 =	sor.u32 s9, s22;
	v4 =	vld [tilespmem:s12+$0x0]  }
0x5ae: {  	s22 =	sor.u32 s29, s22;
	v7 =	vld [tilespmem:s8+$0x0];
	v8 =	vadd.f32 v8, v35;
	[tilespmem:s4+$0x0] =	vst v5  }
0x5af: {  	s4 =	rddreg [dreg:$0x14];
	v37 =	vld [tilespmem:s22+$0x0]  }
0x5b0: {  	s5 =	sor.u32 s31, s2;
	[tilespmem:s10+$0x0] =	vst v8;
	v5 =	vld [tilespmem:s4+$0x12000]  }
0x5b1: {  	v6 =	vadd.f32 v36, v6;
	s10 =	rddreg [dreg:$0x15];
	v38 =	vld [tilespmem:s5+$0x0]  }
0x5b2: {  	s4 =	sor.u32 $0xC200, s25;
	v8 =	vld [tilespmem:s10+$0x12000]  }
0x5b3: {  	[tilespmem:s13+$0x0] =	vst v6;
	v1 =	vadd.f32 v1, v4;
	v4 =	vld [tilespmem:s20+$0x12000];
	s0 =	sor.u32 s7, s4  }
0x5b4: {  	v6 =	vld [tilespmem:s0+$0x0]  }
0x5b5: {  	[tilespmem:s12+$0x0] =	vst v1;
	v5 =	vadd.f32 v5, v7;
	v7 =	vld [tilespmem:s18+$0x12000]  }
0x5b6: {  	s12 =	sld [smem:$0x7A7]  }
0x5b7: {  	[tilespmem:s8+$0x0] =	vst v5;
	v5 =	vadd.f32 v8, v37;
	_ =	sdelay $0x1  }
0x5b8: {  	v4 =	vadd.f32 v4, v38;
	v1 =	vld [tilespmem:s12+$0x12000];
	s8 =	sor.u32 s9, s16;
	[tilespmem:s22+$0x0] =	vst v5  }
0x5b9: {  	v8 =	vld [tilespmem:s8+$0x0];
	s13 =	rddreg [dreg:$0x16];
	v6 =	vadd.f32 v7, v6  }
0x5ba: {  	s18 =	sor.u32 s31, s11;
	[tilespmem:s5+$0x0] =	vst v4;
	v5 =	vld [tilespmem:s13+$0x12000]  }
0x5bb: {  	s5 =	sld [smem:$0x7B3];
	v7 =	vld [tilespmem:s18+$0x0];
	[tilespmem:s0+$0x0] =	vst v6  }
0x5bc: {  	s16 =	sor.u32 s29, s16;
	v6 =	vld [tilespmem:s20+$0x12080];
	s12 =	sld [smem:$0x7A8]  }
0x5bd: {  	v39 =	vld [tilespmem:s16+$0x0];
	s13 =	sor.u32 $0xC280, s25;
	s22 =	sld [smem:$0x7B8]  }
0x5be: {  	s0 =	sor.u32 s7, s13;
	v4 =	vld [tilespmem:s5+$0x12000]  }
0x5bf: {  	v5 =	vadd.f32 v5, v8;
	v8 =	vld [tilespmem:s0+$0x0]  }
0x5c0: {  	s10 =	sor.u32 s12, s1;
	v40 =	vld [tilespmem:s22+$0x12000]  }
0x5c1: {  	v6 =	vadd.f32 v6, v7;
	[tilespmem:s8+$0x0] =	vst v5;
	v5 =	vld [tilespmem:s10+$0x0]  }
0x5c2: {  	s8 =	sor.u32 s9, s2  }
0x5c3: {  	v4 =	vadd.f32 v4, v39;
	v41 =	vld [tilespmem:s8+$0x0];
	[tilespmem:s18+$0x0] =	vst v6;
	s18 =	sor.u32 s31, s17  }
0x5c4: {  	v42 =	vld [tilespmem:s18+$0x0]  }
0x5c5: {  	s1 =	sor.u32 s29, s2;
	[tilespmem:s16+$0x0] =	vst v4;
	v4 =	vld [tilespmem:s15+$0x12000];
	v8 =	vadd.f32 v40, v8  }
0x5c6: {  	v7 =	vld [tilespmem:s1+$0x0];
	v3 =	vadd.f32 v3, v5  }
0x5c7: {  	s2 =	sor.u32 $0xC300, s25;
	v6 =	vld [tilespmem:s24+$0x12000];
	[tilespmem:s0+$0x0] =	vst v8  }
0x5c8: {  	s22 =	sor.u32 s7, s2;
	v5 =	vld [tilespmem:s20+$0x12100];
	[tilespmem:s10+$0x0] =	vst v3  }
0x5c9: {  	v8 =	vld [tilespmem:s22+$0x0];
	[dreg:$0x1c] =	wrdreg s26  }
0x5ca: {  	s10 =	sld [smem:$0x7A9]  }
0x5cb: {  	v4 =	vadd.f32 v4, v41;
	v3 =	vld [tilespmem:s26+$0x12000];
	_ =	sdelay $0x1  }
0x5cc: {  	[tilespmem:s8+$0x0] =	vst v4;
	v4 =	vadd.f32 v6, v7;
	v43 =	vld [tilespmem:s10+$0x12000];
	s10 =	sor.u32 s9, s11  }
0x5cd: {  	v6 =	vld [tilespmem:s10+$0x0]  }
0x5ce: {  	v5 =	vadd.f32 v5, v42;
	[tilespmem:s1+$0x0] =	vst v4;
	s1 =	sor.u32 s29, s11;
	v4 =	vld [tilespmem:s15+$0x12080]  }
0x5cf: {  	v7 =	vld [tilespmem:s1+$0x0];
	v3 =	vadd.f32 v3, v8  }
0x5d0: {  	s5 =	sor.u32 s31, s23;
	[tilespmem:s18+$0x0] =	vst v5;
	v5 =	vld [tilespmem:s24+$0x12080]  }
0x5d1: {  	s8 =	sor.u32 $0xC380, s25;
	v8 =	vld [tilespmem:s5+$0x0];
	[tilespmem:s22+$0x0] =	vst v3  }
0x5d2: {  	s16 =	sor.u32 s7, s8;
	v3 =	vld [tilespmem:s20+$0x12180];
	s18 =	rddreg [dreg:$0x1b]  }
0x5d3: {  	v4 =	vadd.f32 v4, v6;
	v6 =	vld [tilespmem:s16+$0x0];
	s26 =	sld [smem:$0x7AA]  }
0x5d4: {  	v44 =	vld [tilespmem:s18+$0x12000]  }
0x5d5: {  	s11 =	sor.u32 s9, s17;
	[tilespmem:s10+$0x0] =	vst v4  }
0x5d6: {  	v5 =	vadd.f32 v5, v7;
	s22 =	sor.u32 s14, s26;
	v7 =	vld [tilespmem:s11+$0x0]  }
0x5d7: {  	v4 =	vld [tilespmem:s22+$0x0]  }
0x5d8: {  	s17 =	sor.u32 s29, s17;
	[tilespmem:s1+$0x0] =	vst v5;
	v5 =	vld [tilespmem:s15+$0x12100];
	v3 =	vadd.f32 v3, v8  }
0x5d9: {  	v8 =	vld [tilespmem:s17+$0x0];
	v6 =	vadd.f32 v44, v6  }
0x5da: {  	s10 =	sor.u32 $0xE000, s25;
	[tilespmem:s5+$0x0] =	vst v3;
	v3 =	vld [tilespmem:s24+$0x12100];
	s5 =	sor.u32 s31, s4  }
0x5db: {  	s18 =	sor.u32 s7, s10;
	v45 =	vld [tilespmem:s5+$0x0];
	[tilespmem:s16+$0x0] =	vst v6  }
0x5dc: {  	v2 =	vadd.f32 v2, v4;
	s0 =	rddreg [dreg:$0x1a];
	v6 =	vld [tilespmem:s18+$0x0]  }
0x5dd: {  	v4 =	vld [tilespmem:s0+$0x12000]  }
0x5de: {  	v5 =	vadd.f32 v5, v7;
	[tilespmem:s22+$0x0] =	vst v2;
	v2 =	vld [tilespmem:s6+$0x12000];
	_ =	sdelay $0x1  }
0x5df: {  	v3 =	vadd.f32 v3, v8;
	s16 =	sld [smem:$0x7AB];
	[tilespmem:s11+$0x0] =	vst v5;
	s11 =	sor.u32 s9, s23  }
0x5e0: {  	v5 =	vld [tilespmem:s11+$0x0]  }
0x5e1: {  	[tilespmem:s17+$0x0] =	vst v3;
	s17 =	sor.u32 s29, s23;
	v3 =	vld [tilespmem:s15+$0x12180];
	v4 =	vadd.f32 v4, v45  }
0x5e2: {  	v8 =	vld [tilespmem:s17+$0x0];
	v2 =	vadd.f32 v2, v6  }
0x5e3: {  	v7 =	vld [tilespmem:s16+$0x12000];
	[tilespmem:s5+$0x0] =	vst v4  }
0x5e4: {  	s22 =	sor.u32 s31, s13;
	v4 =	vld [tilespmem:s24+$0x12180];
	[tilespmem:s18+$0x0] =	vst v2  }
0x5e5: {  	s1 =	sor.u32 $0xE080, s25;
	v6 =	vld [tilespmem:s22+$0x0];
	[dreg:$0xb] =	wrdreg s28  }
0x5e6: {  	s23 =	sor.u32 s7, s1;
	v2 =	vld [tilespmem:s28+$0x12000]  }
0x5e7: {  	v46 =	vld [tilespmem:s23+$0x0]  }
0x5e8: {  	v3 =	vadd.f32 v3, v5;
	s18 =	sor.u32 s3, s26;
	v5 =	vld [tilespmem:s6+$0x12080]  }
0x5e9: {  	v47 =	vld [tilespmem:s18+$0x0];
	v4 =	vadd.f32 v4, v8  }
0x5ea: {  	s26 =	sor.u32 s12, s26;
	[tilespmem:s11+$0x0] =	vst v3  }
0x5eb: {  	v3 =	vld [tilespmem:s26+$0x0];
	s11 =	sor.u32 s9, s4;
	[tilespmem:s17+$0x0] =	vst v4;
	v2 =	vadd.f32 v2, v6  }
0x5ec: {  	v8 =	vld [tilespmem:s11+$0x0];
	s0 =	rddreg [dreg:$0xd]  }
0x5ed: {  	s4 =	sor.u32 s29, s4;
	v5 =	vadd.f32 v5, v46;
	v4 =	vld [tilespmem:s0+$0x12000];
	[tilespmem:s22+$0x0] =	vst v2  }
0x5ee: {  	v6 =	vld [tilespmem:s4+$0x0];
	v1 =	vadd.f32 v1, v47;
	[dreg:$0xf] =	wrdreg s21  }
0x5ef: {  	s0 =	sor.u32 $0xE100, s25;
	[tilespmem:s23+$0x0] =	vst v5  }
0x5f0: {  	s17 =	sor.u32 s7, s0;
	v2 =	vld [tilespmem:s21+$0x12000];
	[tilespmem:s18+$0x0] =	vst v1  }
0x5f1: {  	v48 =	vld [tilespmem:s17+$0x0];
	s18 =	sld [smem:$0x7AC]  }
0x5f2: {  	s5 =	sor.u32 s31, s2;
	v3 =	vadd.f32 v43, v3;
	s22 =	sld [smem:$0x7AD];
	v4 =	vadd.f32 v4, v8;
	v8 =	vld [tilespmem:s6+$0x12100]  }
0x5f3: {  	v5 =	vld [tilespmem:s5+$0x0]  }
0x5f4: {  	[tilespmem:s26+$0x0] =	vst v3;
	v1 =	vld [tilespmem:s18+$0x12000]  }
0x5f5: {  	s16 =	sor.u32 s9, s13;
	v49 =	vld [tilespmem:s22+$0x12000];
	[tilespmem:s11+$0x0] =	vst v4;
	v2 =	vadd.f32 v2, v6  }
0x5f6: {  	v4 =	vld [tilespmem:s16+$0x0];
	s26 =	rddreg [dreg:$0x19]  }
0x5f7: {  	v3 =	vld [tilespmem:s30+$0x12000];
	s22 =	sld [smem:$0x7AE];
	[tilespmem:s4+$0x0] =	vst v2;
	v2 =	vadd.f32 v8, v48;
	_ =	sdelay $0x1  }
0x5f8: {  	s11 =	sor.u32 s29, s13;
	v1 =	vadd.f32 v1, v5;
	[tilespmem:s17+$0x0] =	vst v2  }
0x5f9: {  	v8 =	vld [tilespmem:s11+$0x0];
	s13 =	rddreg [dreg:$0x11]  }
0x5fa: {  	s17 =	sor.u32 s31, s8;
	v2 =	vld [tilespmem:s13+$0x12000];
	[tilespmem:s5+$0x0] =	vst v1  }
0x5fb: {  	v3 =	vadd.f32 v3, v4;
	v4 =	vld [tilespmem:s17+$0x0]  }
0x5fc: {  	v5 =	vld [tilespmem:s26+$0x12000];
	s18 =	sld [smem:$0x7AF]  }
0x5fd: {  	v6 =	vld [tilespmem:s22+$0x12000]  }
0x5fe: {  	v1 =	vld [tilespmem:s6+$0x12180];
	[tilespmem:s16+$0x0] =	vst v3;
	s26 =	sor.u32 s9, s2  }
0x5ff: {  	v50 =	vld [tilespmem:s26+$0x0];
	s21 =	sor.u32 s14, s18  }
0x600: {  	s23 =	smov.u32 s24;
	s24 =	smov.u32 s7;
	s6 =	rddreg [dreg:$0x14];
	v3 =	vld [tilespmem:s21+$0x0];
	v2 =	vadd.f32 v2, v8  }
0x601: {  	s4 =	sor.u32 s29, s2;
	s2 =	sor.u32 $0xE180, s25;
	s7 =	sor.u32 s3, s18;
	v8 =	vld [tilespmem:s6+$0x12000];
	v4 =	vadd.f32 v5, v4  }
0x602: {  	s22 =	sor.u32 s24, s2;
	[tilespmem:s11+$0x0] =	vst v2;
	v2 =	vld [tilespmem:s7+$0x0]  }
0x603: {  	v5 =	vld [tilespmem:s22+$0x0];
	[tilespmem:s17+$0x0] =	vst v4  }
0x604: {  	v51 =	vld [tilespmem:s4+$0x0];
	s5 =	rddreg [dreg:$0x15]  }
0x605: {  	s11 =	sor.u32 s31, s10;
	v3 =	vadd.f32 v7, v3;
	v4 =	vld [tilespmem:s5+$0x12000]  }
0x606: {  	v7 =	vadd.f32 v8, v50;
	v8 =	vld [tilespmem:s11+$0x0]  }
0x607: {  	[tilespmem:s21+$0x0] =	vst v3;
	v3 =	vld [tilespmem:s20+$0x12000];
	v2 =	vadd.f32 v49, v2  }
0x608: {  	s13 =	sld [smem:$0x7B0];
	[tilespmem:s26+$0x0] =	vst v7  }
0x609: {  	s21 =	sor.u32 s9, s8;
	[tilespmem:s7+$0x0] =	vst v2  }
0x60a: {  	v1 =	vadd.f32 v1, v5;
	v7 =	vld [tilespmem:s21+$0x0];
	s26 =	rddreg [dreg:$0x16]  }
0x60b: {  	v4 =	vadd.f32 v4, v51;
	s7 =	sld [smem:$0x7B1];
	v2 =	vld [tilespmem:s26+$0x12000]  }
0x60c: {  	[tilespmem:s22+$0x0] =	vst v1;
	v3 =	vadd.f32 v3, v8  }
0x60d: {  	v52 =	vld [tilespmem:s13+$0x12000];
	[tilespmem:s4+$0x0] =	vst v4  }
0x60e: {  	s8 =	sor.u32 s29, s8;
	v5 =	vld [tilespmem:s7+$0x12000];
	s4 =	sld [smem:$0x7B2];
	[tilespmem:s11+$0x0] =	vst v3  }
0x60f: {  	v4 =	vld [tilespmem:s8+$0x0];
	s7 =	sld [smem:$0x7B3]  }
0x610: {  	s16 =	sor.u32 s31, s1;
	v8 =	vld [tilespmem:s20+$0x12080];
	v2 =	vadd.f32 v2, v7  }
0x611: {  	v7 =	vld [tilespmem:s16+$0x0]  }
0x612: {  	v3 =	vld [tilespmem:s7+$0x12000];
	[tilespmem:s21+$0x0] =	vst v2  }
0x613: {  	s17 =	sor.u32 s12, s18;
	v1 =	vld [tilespmem:s4+$0x12000];
	s11 =	sld [smem:$0x7B4]  }
0x614: {  	s18 =	sor.u32 s9, s10;
	v2 =	vld [tilespmem:s17+$0x0]  }
0x615: {  	v53 =	vld [tilespmem:s18+$0x0]  }
0x616: {  	s4 =	sor.u32 $0xE200, s25;
	v54 =	vld [tilespmem:s15+$0x12000];
	v7 =	vadd.f32 v8, v7;
	s22 =	sor.u32 s14, s11  }
0x617: {  	s21 =	sor.u32 s24, s4;
	v3 =	vadd.f32 v3, v4;
	v4 =	vld [tilespmem:s22+$0x0]  }
0x618: {  	s26 =	sor.u32 s3, s11;
	[tilespmem:s16+$0x0] =	vst v7;
	v7 =	vld [tilespmem:s21+$0x0]  }
0x619: {  	s5 =	sor.u32 s31, s0;
	[tilespmem:s8+$0x0] =	vst v3;
	v3 =	vld [tilespmem:s26+$0x0]  }
0x61a: {  	v55 =	vld [tilespmem:s5+$0x0]  }
0x61b: {  	s10 =	sor.u32 s29, s10;
	v2 =	vadd.f32 v6, v2;
	v56 =	vld [tilespmem:s20+$0x12100]  }
0x61c: {  	v10 =	vadd.f32 v54, v53;
	v8 =	vld [tilespmem:s10+$0x0]  }
0x61d: {  	[tilespmem:s17+$0x0] =	vst v2;
	v6 =	vld [tilespmem:s23+$0x12000];
	v4 =	vadd.f32 v52, v4  }
0x61e: {  	[tilespmem:s18+$0x0] =	vst v10;
	v2 =	vadd.f32 v5, v3  }
0x61f: {  	s13 =	sor.u32 s9, s1;
	[tilespmem:s22+$0x0] =	vst v4  }
0x620: {  	v57 =	vld [tilespmem:s13+$0x0];
	v1 =	vadd.f32 v1, v7;
	s18 =	sld [smem:$0x7B5];
	[tilespmem:s26+$0x0] =	vst v2  }
0x621: {  	s11 =	sor.u32 s12, s11;
	v3 =	vld [tilespmem:s15+$0x12080];
	v5 =	vadd.f32 v56, v55;
	s22 =	sld [smem:$0x7B6]  }
0x622: {  	v59 =	vld [tilespmem:s11+$0x0];
	s26 =	sld [smem:$0x7B7];
	[tilespmem:s21+$0x0] =	vst v1;
	v1 =	vadd.f32 v6, v8  }
0x623: {  	v4 =	vld [tilespmem:s18+$0x12000];
	s8 =	sld [smem:$0x7B8];
	[tilespmem:s5+$0x0] =	vst v5  }
0x624: {  	[tilespmem:s10+$0x0] =	vst v1;
	v1 =	vld [tilespmem:s20+$0x12180]  }
0x625: {  	v2 =	vld [tilespmem:s22+$0x12000]  }
0x626: {  	s1 =	sor.u32 s29, s1;
	v3 =	vadd.f32 v3, v57;
	v7 =	vld [tilespmem:s26+$0x12000]  }
0x627: {  	v5 =	vld [tilespmem:s1+$0x0]  }
0x628: {  	s10 =	sor.u32 s9, s0;
	[tilespmem:s13+$0x0] =	vst v3;
	v3 =	vld [tilespmem:s23+$0x12080]  }
0x629: {  	v8 =	vld [tilespmem:s10+$0x0];
	s16 =	sld [smem:$0x7B9]  }
0x62a: {  	s13 =	sor.u32 $0xE380, s19;
	v58 =	vld [tilespmem:s15+$0x12100]  }
0x62b: {  	v6 =	vld [tilespmem:s8+$0x12000];
	s14 =	sor.u32 s14, s13  }
0x62c: {  	s18 =	sor.u32 $0xE280, s25;
	v61 =	vld [tilespmem:s14+$0x0];
	s17 =	sor.u32 s16, s13  }
0x62d: {  	s20 =	sor.u32 s24, s18;
	v60 =	vld [tilespmem:s17+$0x0];
	v3 =	vadd.f32 v3, v5  }
0x62e: {  	s21 =	smov.u32 s7;
	s7 =	sor.u32 s3, s13;
	v5 =	vld [tilespmem:s20+$0x0]  }
0x62f: {  	s6 =	sor.u32 s29, s0;
	[tilespmem:s1+$0x0] =	vst v3;
	v3 =	vadd.f32 v58, v8;
	v8 =	vld [tilespmem:s7+$0x0]  }
0x630: {  	v4 =	vadd.f32 v4, v59;
	v62 =	vld [tilespmem:s6+$0x0]  }
0x631: {  	s28 =	smov.u32 s30;
	s30 =	sor.u32 s29, s4;
	v2 =	vadd.f32 v2, v61;
	v63 =	vld [tilespmem:s23+$0x12100];
	[tilespmem:s10+$0x0] =	vst v3  }
0x632: {  	s0 =	sor.u32 s29, s2;
	s19 =	sor.u32 s12, s13;
	s12 =	sor.u32 s31, s2;
	[tilespmem:s11+$0x0] =	vst v4;
	v0 =	vadd.f32 v0, v60;
	v3 =	vld [tilespmem:s15+$0x12180]  }
0x633: {  	s22 =	sor.u32 s31, s4;
	s26 =	sor.u32 s31, s18;
	s3 =	smov.u32 s31;
	[tilespmem:s14+$0x0] =	vst v2;
	v4 =	vadd.f32 v6, v5;
	v5 =	vld [tilespmem:s12+$0x0]  }
0x634: {  	s11 =	sor.u32 s9, s2;
	s13 =	sor.u32 s9, s4;
	s15 =	sor.u32 $0xE300, s25;
	[tilespmem:s17+$0x0] =	vst v0;
	v0 =	vld [tilespmem:s19+$0x0];
	v2 =	vadd.f32 v7, v8  }
0x635: {  	s10 =	sor.u32 s29, s18;
	s1 =	sor.u32 s24, s15;
	s5 =	sor.u32 s9, s15;
	[tilespmem:s20+$0x0] =	vst v4;
	v4 =	vld [tilespmem:s11+$0x0]  }
0x636: {  	s4 =	sor.u32 s29, s15;
	s20 =	sor.u32 s9, s18;
	v6 =	vadd.f32 v63, v62;
	[tilespmem:s7+$0x0] =	vst v2;
	s7 =	sor.u32 s31, s15;
	v2 =	vld [tilespmem:s1+$0x0]  }
.LBB2_5:
0x637: {  	[smem:$0x796] =	sst s5  }
0x638: {  	s8 =	rddreg [dreg:$0x7]  }
0x639: {  	s2 =	rddreg [dreg:$0x1c]  }
0x63a: {  	s17 =	rddreg [dreg:$0x9];
	s8 =	sadd.s32 $0x40, s8;
	v7 =	vld [tilespmem:s2+$0x12000];
	[tilespmem:s6+$0x0] =	vst v6  }
0x63b: {  	s5 =	rddreg [dreg:$0x5];
	s17 =	sadd.s32 $0x200, s17;
	s2 =	sand.u32 $0x40, s8;
	v6 =	vld [tilespmem:s0+$0x0];
	v1 =	vadd.f32 v1, v5  }
0x63c: {  	s6 =	sand.u32 $0x1C00, s17;
	s15 =	sor.u32 $0x30, s2;
	v5 =	vld [tilespmem:s5+$0x12000]  }
0x63d: {  	v8 =	vld [tilespmem:s23+$0x12180];
	s14 =	sor.u32 s15, s6;
	[tilespmem:s12+$0x0] =	vst v1;
	v1 =	vadd.f32 v3, v4  }
0x63e: {  	v3 =	vld [tilespmem:s14+$0x8000]  }
0x63f: {  	v4 =	vld [tilespmem:s14+$0x12000];
	[tilespmem:s11+$0x0] =	vst v1;
	v1 =	vadd.f32 v7, v2  }
0x640: {  	s31 =	sor.u32 $0xE380, s25;
	v2 =	vld [tilespmem:s14+$0x8080]  }
0x641: {  	[smem:$0x794] =	sst s10;
	s10 =	sor.u32 s24, s31;
	v0 =	vadd.f32 v5, v0;
	v5 =	vld [tilespmem:s14+$0x12080];
	[tilespmem:s1+$0x0] =	vst v1  }
0x642: {  	s12 =	rddreg [dreg:$0x1b];
	v1 =	vadd.f32 v8, v6;
	v6 =	vld [tilespmem:s10+$0x0]  }
0x643: {  	[tilespmem:s19+$0x0] =	vst v0;
	v0 =	vld [tilespmem:s12+$0x12000]  }
0x644: {  	v7 =	vld [tilespmem:s14+$0x8100]  }
0x645: {  	v8 =	vld [tilespmem:s14+$0x8180]  }
0x646: {  	s18 =	sor.u32 $0x10, s2;
	[tilespmem:s0+$0x0] =	vst v1;
	v1 =	vld [tilespmem:s14+$0x12100]  }
0x647: {  	s5 =	sor.u32 s18, s6;
	v9 =	vld [tilespmem:s14+$0x12180]  }
0x648: {  	[smem:$0x790] =	sst s20;
	p0 =	por !p0, !p0;
	v10 =	vld [tilespmem:s5+$0x8000];
	v0 =	vadd.f32 v0, v6  }
0x649: {  	s9 =	sor.u32 s9, s31;
	p1 =	slt.u32 s8, $0x3C0;
	v3 =	vadd.f32 v4, v3;
	s0 =	simm.s32 $0x1;
	v6 =	vld [tilespmem:s5+$0x12000]  }
0x64a: {  	[dreg:$0x7] =	wrdreg s8;
	s20 =	sor.u32 s17, s8;
	v4 =	vld [tilespmem:s5+$0x8080];
	s0 =	simm.s32 @!p0 $0x0;
	v2 =	vadd.f32 v5, v2;
	[tilespmem:s10+$0x0] =	vst v0  }
0x64b: {  	[smem:$0x79D] =	sst s9;
	s16 =	sor.u32 $0x20, s2;
	s0 =	sshll.u32 s0, $0x6;
	v5 =	vld [tilespmem:s5+$0x12100];
	v1 =	vadd.f32 v1, v7;
	[tilespmem:s14+$0x8000] =	vst v3  }
0x64c: {  	s8 =	sor.u32 s16, s6;
	s9 =	smov.u32 s16;
	s16 =	sadd.s32 s0, s17;
	v0 =	vld [tilespmem:s5+$0x12080];
	[tilespmem:s14+$0x8080] =	vst v2;
	v2 =	vadd.f32 v9, v8  }
0x64d: {  	s0 =	sadd.s32 $0x30, s16;
	v3 =	vld [tilespmem:s5+$0x8100];
	[tilespmem:s14+$0x8100] =	vst v1  }
0x64e: {  	s19 =	sor.u32 $0x200, s0;
	v1 =	vadd.f32 v6, v10;
	v6 =	vld [tilespmem:s5+$0x8180];
	[tilespmem:s14+$0x8180] =	vst v2  }
0x64f: {  	v2 =	vld [tilespmem:s19+$0x8000]  }
0x650: {  	[tilespmem:s5+$0x8000] =	vst v1;
	v1 =	vld [tilespmem:s19+$0x12000]  }
0x651: {  	[smem:$0x78F] =	sst s26;
	v0 =	vadd.f32 v0, v4;
	v4 =	vld [tilespmem:s5+$0x12180]  }
0x652: {  	[smem:$0x795] =	sst s7;
	v7 =	vld [tilespmem:s8+$0x12080]  }
0x653: {  	s23 =	smov.u32 s21;
	[dreg:$0x9] =	wrdreg s17;
	[tilespmem:s5+$0x8080] =	vst v0;
	v0 =	vadd.f32 v5, v3;
	v3 =	vld [tilespmem:s8+$0x8000]  }
0x654: {  	s7 =	sor.u32 s2, s6;
	[dreg:$0x5] =	wrdreg s23;
	s11 =	sor.u32 s29, s31;
	v5 =	vld [tilespmem:s8+$0x12000]  }
0x655: {  	s26 =	sor.u32 $0x380, s20;
	[dreg:$0x1e] =	wrdreg s11;
	s17 =	sadd.s32 $0x10, s16;
	[tilespmem:s5+$0x8100] =	vst v0;
	v0 =	vld [tilespmem:s8+$0x8080];
	v1 =	vadd.f32 v1, v2  }
0x656: {  	s11 =	smov.u32 s2;
	s2 =	sor.u32 $0x200, s17;
	s23 =	sor.u32 $0x280, s17;
	v2 =	vadd.f32 v4, v6;
	v4 =	vld [tilespmem:s8+$0x8100]  }
0x657: {  	s29 =	sor.u32 $0x300, s17;
	s20 =	sor.u32 $0x380, s17;
	s17 =	sor.u32 $0x280, s0;
	v6 =	vld [tilespmem:s8+$0x12100];
	[tilespmem:s19+$0x8000] =	vst v1  }
0x658: {  	[tilespmem:s5+$0x8180] =	vst v2;
	v2 =	vld [tilespmem:s17+$0x8000]  }
0x659: {  	v1 =	vadd.f32 v5, v3;
	v3 =	vld [tilespmem:s17+$0x12000]  }
0x65a: {  	v5 =	vld [tilespmem:s8+$0x12180];
	v0 =	vadd.f32 v7, v0  }
0x65b: {  	[tilespmem:s8+$0x8000] =	vst v1;
	v1 =	vld [tilespmem:s8+$0x8180]  }
0x65c: {  	[smem:$0x78E] =	sst s30;
	s3 =	sor.u32 s3, s31;
	v7 =	vld [tilespmem:s7+$0x8000];
	[tilespmem:s8+$0x8080] =	vst v0;
	v0 =	vadd.f32 v6, v4  }
0x65d: {  	[smem:$0x79A] =	sst s3;
	s3 =	smov.u32 s18;
	s18 =	sadd.s32 $0x20, s16;
	v4 =	vld [tilespmem:s7+$0x12000]  }
0x65e: {  	[smem:$0x7B3] =	sst s26;
	s30 =	sor.u32 $0x200, s18;
	v6 =	vld [tilespmem:s7+$0x8080];
	[tilespmem:s8+$0x8100] =	vst v0;
	v0 =	vadd.f32 v3, v2  }
0x65f: {  	s26 =	sor.u32 $0x280, s18;
	s31 =	sor.u32 $0x300, s18;
	s10 =	sor.u32 $0x380, s18;
	v2 =	vld [tilespmem:s7+$0x12080]  }
0x660: {  	s18 =	smov.u32 s19;
	[smem:$0x79E] =	sst s19;
	s19 =	sor.u32 $0x300, s0;
	v3 =	vld [tilespmem:s7+$0x8100];
	v1 =	vadd.f32 v5, v1;
	[tilespmem:s17+$0x8000] =	vst v0  }
0x661: {  	v0 =	vld [tilespmem:s19+$0x8000]  }
0x662: {  	v4 =	vadd.f32 v4, v7;
	[tilespmem:s8+$0x8180] =	vst v1;
	v1 =	vld [tilespmem:s19+$0x12000]  }
0x663: {  	v5 =	vld [tilespmem:s7+$0x12100]  }
0x664: {  	[tilespmem:s7+$0x8000] =	vst v4;
	v4 =	vld [tilespmem:s7+$0x8180]  }
0x665: {  	v2 =	vadd.f32 v2, v6;
	v6 =	vld [tilespmem:s7+$0x12180]  }
0x666: {  	v7 =	vld [tilespmem:s2+$0x12000]  }
0x667: {  	[tilespmem:s7+$0x8080] =	vst v2;
	v2 =	vld [tilespmem:s2+$0x8000];
	v0 =	vadd.f32 v1, v0  }
0x668: {  	v1 =	vadd.f32 v5, v3;
	v3 =	vld [tilespmem:s30+$0x8000]  }
0x669: {  	s0 =	sor.u32 $0x380, s0;
	v5 =	vld [tilespmem:s30+$0x12000];
	[tilespmem:s19+$0x8000] =	vst v0  }
0x66a: {  	[tilespmem:s7+$0x8100] =	vst v1;
	v0 =	vadd.f32 v6, v4;
	v1 =	vld [tilespmem:s0+$0x8000]  }
0x66b: {  	v4 =	vld [tilespmem:s0+$0x12000]  }
0x66c: {  	s12 =	sor.u32 $0x200, s16;
	[tilespmem:s7+$0x8180] =	vst v0;
	v0 =	vadd.f32 v7, v2;
	v2 =	vld [tilespmem:s22+$0x0]  }
0x66d: {  	v6 =	vld [tilespmem:s12+$0x8000]  }
0x66e: {  	v7 =	vld [tilespmem:s12+$0x12000];
	[tilespmem:s2+$0x8000] =	vst v0;
	v0 =	vadd.f32 v5, v3  }
0x66f: {  	v3 =	vld [tilespmem:s23+$0x8000]  }
0x670: {  	s25 =	smov.u32 s6;
	v5 =	vld [tilespmem:s23+$0x12000];
	[tilespmem:s30+$0x8000] =	vst v0;
	v0 =	vadd.f32 v4, v1  }
0x671: {  	[smem:$0x797] =	sst s4;
	s24 =	smov.u32 s15;
	s4 =	sor.u32 $0xA000, s25;
	v1 =	vld [tilespmem:s26+$0x8000]  }
0x672: {  	s6 =	sor.u32 $0x280, s16;
	s21 =	sor.u32 $0x300, s16;
	s16 =	sor.u32 s24, s4;
	v4 =	vld [tilespmem:s26+$0x12000];
	[tilespmem:s0+$0x8000] =	vst v0  }
0x673: {  	[smem:$0x79F] =	sst s17;
	v0 =	vadd.f32 v7, v6;
	v6 =	vld [tilespmem:s16+$0x0]  }
0x674: {  	s17 =	rddreg [dreg:$0x1a];
	v7 =	vld [tilespmem:s14+$0x12000]  }
0x675: {  	[tilespmem:s12+$0x8000] =	vst v0;
	v0 =	vadd.f32 v5, v3;
	v3 =	vld [tilespmem:s17+$0x12000]  }
0x676: {  	v5 =	vld [tilespmem:s6+$0x8000]  }
0x677: {  	v8 =	vld [tilespmem:s6+$0x12000]  }
0x678: {  	[tilespmem:s23+$0x8000] =	vst v0;
	v0 =	vadd.f32 v4, v1  }
0x679: {  	v1 =	vld [tilespmem:s29+$0x8000]  }
0x67a: {  	v4 =	vld [tilespmem:s29+$0x12000];
	[tilespmem:s26+$0x8000] =	vst v0;
	v0 =	vadd.f32 v7, v6  }
0x67b: {  	s17 =	sor.u32 $0xA080, s25;
	v6 =	vld [tilespmem:s31+$0x8000];
	v2 =	vadd.f32 v3, v2  }
0x67c: {  	v3 =	vld [tilespmem:s31+$0x12000];
	[tilespmem:s16+$0x0] =	vst v0;
	s16 =	sor.u32 s24, s17;
	v0 =	vadd.f32 v8, v5  }
0x67d: {  	v5 =	vld [tilespmem:s16+$0x0];
	[tilespmem:s22+$0x0] =	vst v2  }
0x67e: {  	v2 =	vld [tilespmem:s14+$0x12080];
	[tilespmem:s6+$0x8000] =	vst v0  }
0x67f: {  	s1 =	smov.u32 s2;
	v0 =	vadd.f32 v4, v1;
	v4 =	vld [tilespmem:s21+$0x8000]  }
0x680: {  	[dreg:$0x1a] =	wrdreg s1;
	s1 =	smov.u32 s13;
	s13 =	smov.u32 s29;
	v7 =	vld [tilespmem:s21+$0x12000]  }
0x681: {  	[tilespmem:s13+$0x8000] =	vst v0;
	v0 =	vadd.f32 v3, v6  }
0x682: {  	[smem:$0x791] =	sst s6;
	v1 =	vld [tilespmem:s1+$0x0]  }
0x683: {  	[smem:$0x799] =	sst s21;
	v3 =	vld [tilespmem:s20+$0x8000];
	[tilespmem:s31+$0x8000] =	vst v0;
	v0 =	vadd.f32 v2, v5  }
0x684: {  	[smem:$0x792] =	sst s29;
	v6 =	vld [tilespmem:s20+$0x12000]  }
0x685: {  	[smem:$0x793] =	sst s31;
	s6 =	sor.u32 $0xA100, s25;
	v2 =	vld [tilespmem:s10+$0x8000];
	[tilespmem:s16+$0x0] =	vst v0;
	v0 =	vadd.f32 v7, v4  }
0x686: {  	[smem:$0x79B] =	sst s20;
	s29 =	smov.u32 s21;
	s13 =	sor.u32 s24, s6;
	v5 =	vld [tilespmem:s10+$0x12000]  }
0x687: {  	s21 =	smov.u32 s20;
	s20 =	sor.u32 s9, s6;
	v4 =	vld [tilespmem:s13+$0x0];
	[tilespmem:s29+$0x8000] =	vst v0;
	s29 =	sld [smem:$0x7B3]  }
0x688: {  	s31 =	sor.u32 s3, s6;
	s16 =	sor.u32 s11, s6;
	s6 =	rddreg [dreg:$0xd];
	v7 =	vld [tilespmem:s14+$0x12100]  }
0x689: {  	v0 =	vadd.f32 v6, v3;
	v3 =	vld [tilespmem:s6+$0x12000]  }
0x68a: {  	v6 =	vld [tilespmem:s29+$0x8000]  }
0x68b: {  	v8 =	vld [tilespmem:s29+$0x12000]  }
0x68c: {  	[dreg:$0x1c] =	wrdreg s19;
	s19 =	sor.u32 s3, s4;
	[tilespmem:s21+$0x8000] =	vst v0;
	v0 =	vadd.f32 v5, v2  }
0x68d: {  	v2 =	vld [tilespmem:s19+$0x0]  }
0x68e: {  	s15 =	sor.u32 s9, s4;
	v5 =	vld [tilespmem:s5+$0x12000];
	[tilespmem:s10+$0x8000] =	vst v0;
	v0 =	vadd.f32 v7, v4  }
0x68f: {  	v4 =	vld [tilespmem:s15+$0x0];
	v1 =	vadd.f32 v3, v1  }
0x690: {  	[smem:$0x79C] =	sst s10;
	s10 =	sor.u32 $0xA180, s25;
	v3 =	vld [tilespmem:s8+$0x12000];
	[tilespmem:s13+$0x0] =	vst v0;
	v0 =	vadd.f32 v8, v6  }
0x691: {  	s13 =	sor.u32 s24, s10;
	[tilespmem:s1+$0x0] =	vst v1;
	v1 =	vld [tilespmem:s14+$0x12180]  }
0x692: {  	s4 =	sor.u32 s11, s4;
	v6 =	vld [tilespmem:s13+$0x0];
	[tilespmem:s29+$0x8000] =	vst v0;
	s29 =	sld [smem:$0x78E]  }
0x693: {  	v0 =	vadd.f32 v5, v2;
	v5 =	vld [tilespmem:s4+$0x0]  }
0x694: {  	v7 =	vld [tilespmem:s7+$0x12000]  }
0x695: {  	s2 =	sor.u32 s3, s17;
	[tilespmem:s19+$0x0] =	vst v0;
	v0 =	vadd.f32 v3, v4;
	v2 =	vld [tilespmem:s29+$0x0]  }
0x696: {  	[smem:$0x798] =	sst s28;
	v3 =	vld [tilespmem:s2+$0x0]  }
0x697: {  	[dreg:$0x1b] =	wrdreg s0;
	s28 =	sor.u32 s9, s17;
	v4 =	vld [tilespmem:s5+$0x12080];
	[tilespmem:s15+$0x0] =	vst v0;
	v0 =	vadd.f32 v1, v6  }
0x698: {  	s6 =	smov.u32 s30;
	s0 =	sor.u32 s3, s10;
	s1 =	sor.u32 $0xA200, s25;
	v1 =	vld [tilespmem:s28+$0x0]  }
0x699: {  	s30 =	sor.u32 s9, s10;
	s22 =	sor.u32 s11, s10;
	s10 =	sor.u32 s24, s1;
	v6 =	vld [tilespmem:s8+$0x12080];
	[tilespmem:s13+$0x0] =	vst v0;
	v0 =	vadd.f32 v7, v5  }
0x69a: {  	s19 =	sor.u32 s3, s1;
	v5 =	vld [tilespmem:s10+$0x0]  }
0x69b: {  	s15 =	sor.u32 s9, s1;
	s13 =	sor.u32 s11, s1;
	s1 =	rddreg [dreg:$0xf];
	v7 =	vld [tilespmem:s18+$0x12000];
	[tilespmem:s4+$0x0] =	vst v0  }
0x69c: {  	s17 =	sor.u32 s11, s17;
	v0 =	vadd.f32 v4, v3;
	v3 =	vld [tilespmem:s1+$0x12000]  }
0x69d: {  	v4 =	vld [tilespmem:s17+$0x0]  }
0x69e: {  	v8 =	vld [tilespmem:s7+$0x12080];
	[tilespmem:s2+$0x0] =	vst v0;
	v0 =	vadd.f32 v6, v1;
	_ =	sdelay $0x1  }
0x69f: {  	v1 =	vld [tilespmem:s31+$0x0];
	[tilespmem:s28+$0x0] =	vst v0;
	v0 =	vadd.f32 v7, v5  }
0x6a0: {  	v6 =	vld [tilespmem:s5+$0x12100]  }
0x6a1: {  	s18 =	smov.u32 s12;
	s12 =	sor.u32 $0xA280, s25;
	v5 =	vld [tilespmem:s20+$0x0];
	v2 =	vadd.f32 v3, v2;
	[tilespmem:s10+$0x0] =	vst v0;
	s10 =	sld [smem:$0x79F]  }
0x6a2: {  	s2 =	sor.u32 s24, s12;
	v3 =	vld [tilespmem:s8+$0x12100];
	v0 =	vadd.f32 v8, v4  }
0x6a3: {  	v4 =	vld [tilespmem:s2+$0x0];
	[tilespmem:s29+$0x0] =	vst v2  }
0x6a4: {  	v2 =	vld [tilespmem:s10+$0x12000];
	[tilespmem:s17+$0x0] =	vst v0;
	s17 =	sld [smem:$0x78F]  }
0x6a5: {  	v0 =	vadd.f32 v6, v1;
	v6 =	vld [tilespmem:s16+$0x0]  }
0x6a6: {  	v7 =	vld [tilespmem:s7+$0x12100]  }
0x6a7: {  	v1 =	vld [tilespmem:s17+$0x0];
	[tilespmem:s31+$0x0] =	vst v0;
	v0 =	vadd.f32 v3, v5  }
0x6a8: {  	v3 =	vld [tilespmem:s0+$0x0]  }
0x6a9: {  	v5 =	vld [tilespmem:s5+$0x12180];
	[tilespmem:s20+$0x0] =	vst v0;
	v0 =	vadd.f32 v2, v4  }
0x6aa: {  	s20 =	sor.u32 $0xA300, s25;
	v2 =	vld [tilespmem:s30+$0x0]  }
0x6ab: {  	s31 =	sor.u32 s3, s20;
	v4 =	vld [tilespmem:s8+$0x12180];
	[tilespmem:s2+$0x0] =	vst v0;
	s2 =	sor.u32 s24, s20  }
0x6ac: {  	s10 =	sor.u32 s9, s20;
	s4 =	sor.u32 s11, s20;
	v0 =	vadd.f32 v7, v6;
	s20 =	rddreg [dreg:$0x1c];
	v6 =	vld [tilespmem:s2+$0x0]  }
0x6ad: {  	v7 =	vld [tilespmem:s20+$0x12000];
	s20 =	rddreg [dreg:$0xb]  }
0x6ae: {  	[tilespmem:s16+$0x0] =	vst v0;
	v0 =	vadd.f32 v5, v3;
	v3 =	vld [tilespmem:s20+$0x12000]  }
0x6af: {  	v5 =	vld [tilespmem:s22+$0x0]  }
0x6b0: {  	v8 =	vld [tilespmem:s7+$0x12180]  }
0x6b1: {  	[tilespmem:s0+$0x0] =	vst v0;
	v0 =	vadd.f32 v4, v2  }
0x6b2: {  	s16 =	rddreg [dreg:$0x1a];
	v2 =	vld [tilespmem:s19+$0x0]  }
0x6b3: {  	v4 =	vld [tilespmem:s16+$0x12000];
	[tilespmem:s30+$0x0] =	vst v0;
	v0 =	vadd.f32 v7, v6  }
0x6b4: {  	s0 =	sor.u32 $0xA380, s25;
	v6 =	vld [tilespmem:s15+$0x0];
	v1 =	vadd.f32 v3, v1  }
0x6b5: {  	s16 =	sor.u32 s24, s0;
	v3 =	vld [tilespmem:s6+$0x12000];
	[tilespmem:s2+$0x0] =	vst v0;
	v0 =	vadd.f32 v8, v5  }
0x6b6: {  	v5 =	vld [tilespmem:s16+$0x0];
	[tilespmem:s17+$0x0] =	vst v1;
	s17 =	rddreg [dreg:$0x1b]  }
0x6b7: {  	v1 =	vld [tilespmem:s17+$0x12000];
	[tilespmem:s22+$0x0] =	vst v0  }
0x6b8: {  	v0 =	vadd.f32 v4, v2;
	v4 =	vld [tilespmem:s13+$0x0]  }
0x6b9: {  	s29 =	sld [smem:$0x790];
	v7 =	vld [tilespmem:s18+$0x12000]  }
0x6ba: {  	[tilespmem:s19+$0x0] =	vst v0;
	v0 =	vadd.f32 v3, v6;
	_ =	sdelay $0x1  }
0x6bb: {  	s21 =	sor.u32 s3, s12;
	v2 =	vld [tilespmem:s29+$0x0];
	[tilespmem:s15+$0x0] =	vst v0;
	v0 =	vadd.f32 v1, v5  }
0x6bc: {  	s1 =	smov.u32 s23;
	v3 =	vld [tilespmem:s21+$0x0]  }
0x6bd: {  	s28 =	sor.u32 s9, s12;
	v6 =	vld [tilespmem:s1+$0x12000];
	[tilespmem:s16+$0x0] =	vst v0;
	v0 =	vadd.f32 v7, v4  }
0x6be: {  	[dreg:$0xd] =	wrdreg s6;
	s6 =	sor.u32 $0xC000, s25;
	v1 =	vld [tilespmem:s28+$0x0]  }
0x6bf: {  	s22 =	sor.u32 s24, s6;
	s17 =	smov.u32 s26;
	v5 =	vld [tilespmem:s26+$0x12000];
	[tilespmem:s13+$0x0] =	vst v0;
	s13 =	sld [smem:$0x798]  }
0x6c0: {  	v4 =	vld [tilespmem:s22+$0x0];
	[smem:$0x798] =	sst s17  }
0x6c1: {  	s12 =	sor.u32 s11, s12;
	v7 =	vld [tilespmem:s14+$0x12000];
	s17 =	sld [smem:$0x791]  }
0x6c2: {  	v0 =	vadd.f32 v6, v3;
	v6 =	vld [tilespmem:s12+$0x0]  }
0x6c3: {  	v3 =	vld [tilespmem:s13+$0x12000]  }
0x6c4: {  	v8 =	vld [tilespmem:s17+$0x12000];
	s13 =	sld [smem:$0x792]  }
0x6c5: {  	[tilespmem:s21+$0x0] =	vst v0;
	v0 =	vadd.f32 v5, v1  }
0x6c6: {  	s26 =	sld [smem:$0x793];
	v1 =	vld [tilespmem:s31+$0x0]  }
0x6c7: {  	[tilespmem:s28+$0x0] =	vst v0;
	v0 =	vadd.f32 v7, v4;
	v5 =	vld [tilespmem:s13+$0x12000]  }
0x6c8: {  	[dreg:$0xf] =	wrdreg s18;
	s18 =	sor.u32 $0xC080, s25;
	v4 =	vld [tilespmem:s10+$0x0];
	v2 =	vadd.f32 v3, v2  }
0x6c9: {  	s23 =	sor.u32 s3, s0;
	s21 =	sor.u32 s24, s18;
	[tilespmem:s22+$0x0] =	vst v0;
	v3 =	vld [tilespmem:s26+$0x12000];
	v0 =	vadd.f32 v8, v6  }
0x6ca: {  	s20 =	sor.u32 s9, s0;
	s2 =	sor.u32 s11, s0;
	s0 =	sld [smem:$0x799];
	v6 =	vld [tilespmem:s21+$0x0];
	[tilespmem:s29+$0x0] =	vst v2  }
0x6cb: {  	v2 =	vld [tilespmem:s14+$0x12080];
	[tilespmem:s12+$0x0] =	vst v0;
	s29 =	sld [smem:$0x794]  }
0x6cc: {  	v0 =	vadd.f32 v5, v1;
	v5 =	vld [tilespmem:s4+$0x0]  }
0x6cd: {  	s22 =	sld [smem:$0x79B];
	v7 =	vld [tilespmem:s0+$0x12000]  }
0x6ce: {  	v1 =	vld [tilespmem:s29+$0x0];
	[tilespmem:s31+$0x0] =	vst v0;
	v0 =	vadd.f32 v3, v4  }
0x6cf: {  	s0 =	sld [smem:$0x79C];
	v3 =	vld [tilespmem:s23+$0x0]  }
0x6d0: {  	v4 =	vld [tilespmem:s22+$0x12000];
	[tilespmem:s10+$0x0] =	vst v0;
	v0 =	vadd.f32 v2, v6  }
0x6d1: {  	s31 =	sor.u32 $0xC100, s25;
	v2 =	vld [tilespmem:s20+$0x0]  }
0x6d2: {  	s28 =	sor.u32 s24, s31;
	v6 =	vld [tilespmem:s0+$0x12000];
	[tilespmem:s21+$0x0] =	vst v0;
	v0 =	vadd.f32 v7, v5  }
0x6d3: {  	s10 =	rddreg [dreg:$0x11];
	v5 =	vld [tilespmem:s28+$0x0]  }
0x6d4: {  	s21 =	sld [smem:$0x7B3];
	v7 =	vld [tilespmem:s14+$0x12100];
	[tilespmem:s4+$0x0] =	vst v0  }
0x6d5: {  	v0 =	vadd.f32 v4, v3;
	v3 =	vld [tilespmem:s10+$0x12000]  }
0x6d6: {  	v4 =	vld [tilespmem:s2+$0x0]  }
0x6d7: {  	[dreg:$0xb] =	wrdreg s1;
	s1 =	sor.u32 s3, s6;
	v8 =	vld [tilespmem:s21+$0x12000];
	[tilespmem:s23+$0x0] =	vst v0;
	v0 =	vadd.f32 v6, v2  }
0x6d8: {  	s15 =	sor.u32 s9, s6;
	s30 =	smov.u32 s17;
	v2 =	vld [tilespmem:s1+$0x0]  }
0x6d9: {  	s22 =	sor.u32 s3, s31;
	s12 =	sor.u32 s11, s31;
	s23 =	sor.u32 $0xC180, s25;
	v6 =	vld [tilespmem:s5+$0x12000];
	[tilespmem:s20+$0x0] =	vst v0;
	v0 =	vadd.f32 v7, v5  }
0x6da: {  	s0 =	sor.u32 s9, s31;
	s21 =	sor.u32 s3, s23;
	s17 =	sor.u32 s9, s23;
	v5 =	vld [tilespmem:s15+$0x0]  }
0x6db: {  	s31 =	sor.u32 s24, s23;
	s10 =	sor.u32 s11, s23;
	s23 =	sld [smem:$0x795];
	v1 =	vadd.f32 v3, v1;
	v3 =	vld [tilespmem:s8+$0x12000];
	[tilespmem:s28+$0x0] =	vst v0  }
0x6dc: {  	v0 =	vadd.f32 v8, v4;
	v4 =	vld [tilespmem:s31+$0x0]  }
0x6dd: {  	[tilespmem:s29+$0x0] =	vst v1;
	v1 =	vld [tilespmem:s14+$0x12180]  }
0x6de: {  	s16 =	sor.u32 s11, s6;
	[tilespmem:s2+$0x0] =	vst v0;
	v0 =	vadd.f32 v6, v2;
	v2 =	vld [tilespmem:s23+$0x0]  }
0x6df: {  	v6 =	vld [tilespmem:s16+$0x0]  }
0x6e0: {  	v7 =	vld [tilespmem:s7+$0x12000];
	[tilespmem:s1+$0x0] =	vst v0;
	v0 =	vadd.f32 v3, v5  }
0x6e1: {  	s6 =	sor.u32 s3, s18  }
0x6e2: {  	v3 =	vld [tilespmem:s6+$0x0];
	[tilespmem:s15+$0x0] =	vst v0;
	v0 =	vadd.f32 v1, v4  }
0x6e3: {  	s19 =	sor.u32 s9, s18;
	v5 =	vld [tilespmem:s5+$0x12080]  }
0x6e4: {  	s4 =	sor.u32 $0xC200, s25;
	v1 =	vld [tilespmem:s19+$0x0];
	[tilespmem:s31+$0x0] =	vst v0;
	s31 =	sld [smem:$0x79E]  }
0x6e5: {  	s20 =	sor.u32 s24, s4;
	v4 =	vld [tilespmem:s8+$0x12080];
	v0 =	vadd.f32 v7, v6  }
0x6e6: {  	v6 =	vld [tilespmem:s20+$0x0]  }
0x6e7: {  	s18 =	sor.u32 s11, s18;
	[tilespmem:s16+$0x0] =	vst v0;
	v7 =	vld [tilespmem:s31+$0x12000];
	s31 =	sld [smem:$0x7AC]  }
0x6e8: {  	v0 =	vadd.f32 v5, v3;
	v5 =	vld [tilespmem:s18+$0x0]  }
0x6e9: {  	v8 =	vld [tilespmem:s7+$0x12080]  }
0x6ea: {  	v3 =	vld [tilespmem:s31+$0x12000];
	[tilespmem:s6+$0x0] =	vst v0;
	v0 =	vadd.f32 v4, v1;
	_ =	sdelay $0x1  }
0x6eb: {  	v1 =	vld [tilespmem:s22+$0x0];
	[tilespmem:s19+$0x0] =	vst v0;
	v0 =	vadd.f32 v7, v6  }
0x6ec: {  	v4 =	vld [tilespmem:s5+$0x12100]  }
0x6ed: {  	s16 =	sor.u32 $0xC280, s25;
	v6 =	vld [tilespmem:s0+$0x0];
	[tilespmem:s20+$0x0] =	vst v0;
	v0 =	vadd.f32 v8, v5;
	s20 =	sld [smem:$0x79F]  }
0x6ee: {  	s31 =	smov.u32 s13;
	s13 =	sor.u32 s24, s16;
	v2 =	vadd.f32 v3, v2;
	v3 =	vld [tilespmem:s8+$0x12100]  }
0x6ef: {  	v5 =	vld [tilespmem:s13+$0x0];
	[tilespmem:s18+$0x0] =	vst v0  }
0x6f0: {  	[tilespmem:s23+$0x0] =	vst v2;
	v2 =	vld [tilespmem:s20+$0x12000];
	s23 =	sld [smem:$0x796]  }
0x6f1: {  	v0 =	vadd.f32 v4, v1;
	v4 =	vld [tilespmem:s12+$0x0]  }
0x6f2: {  	v7 =	vld [tilespmem:s7+$0x12100]  }
0x6f3: {  	[tilespmem:s22+$0x0] =	vst v0;
	v1 =	vld [tilespmem:s23+$0x0];
	v0 =	vadd.f32 v3, v6  }
0x6f4: {  	v3 =	vld [tilespmem:s21+$0x0]  }
0x6f5: {  	v6 =	vld [tilespmem:s5+$0x12180];
	[tilespmem:s0+$0x0] =	vst v0;
	v0 =	vadd.f32 v2, v5  }
0x6f6: {  	s29 =	smov.u32 s11;
	s1 =	sor.u32 s3, s4;
	s22 =	sor.u32 $0xC300, s25;
	v2 =	vld [tilespmem:s17+$0x0]  }
0x6f7: {  	s15 =	sor.u32 s9, s4;
	s4 =	sor.u32 s11, s4;
	v5 =	vld [tilespmem:s8+$0x12180];
	[tilespmem:s13+$0x0] =	vst v0;
	s13 =	sor.u32 s24, s22  }
0x6f8: {  	s2 =	sor.u32 s11, s16;
	s18 =	rddreg [dreg:$0x1c];
	s20 =	sor.u32 s3, s22;
	v0 =	vadd.f32 v7, v4;
	v4 =	vld [tilespmem:s13+$0x0]  }
0x6f9: {  	s11 =	sor.u32 s9, s22;
	s0 =	sor.u32 s29, s22;
	s22 =	rddreg [dreg:$0x14];
	v7 =	vld [tilespmem:s18+$0x12000]  }
0x6fa: {  	[tilespmem:s12+$0x0] =	vst v0;
	v0 =	vadd.f32 v6, v3;
	v3 =	vld [tilespmem:s22+$0x12000]  }
0x6fb: {  	v6 =	vld [tilespmem:s10+$0x0]  }
0x6fc: {  	v8 =	vld [tilespmem:s7+$0x12180]  }
0x6fd: {  	[tilespmem:s21+$0x0] =	vst v0;
	v0 =	vadd.f32 v5, v2  }
0x6fe: {  	s28 =	rddreg [dreg:$0x1a];
	v2 =	vld [tilespmem:s1+$0x0]  }
0x6ff: {  	v5 =	vld [tilespmem:s28+$0x12000];
	[tilespmem:s17+$0x0] =	vst v0;
	v0 =	vadd.f32 v7, v4  }
0x700: {  	s22 =	smov.u32 s26;
	s26 =	sor.u32 $0xC380, s25;
	s21 =	rddreg [dreg:$0xd];
	v4 =	vld [tilespmem:s15+$0x0];
	v1 =	vadd.f32 v3, v1  }
0x701: {  	s17 =	sor.u32 s24, s26;
	v3 =	vld [tilespmem:s21+$0x12000];
	[tilespmem:s13+$0x0] =	vst v0;
	v0 =	vadd.f32 v8, v6  }
0x702: {  	v6 =	vld [tilespmem:s17+$0x0];
	[tilespmem:s23+$0x0] =	vst v1;
	s23 =	rddreg [dreg:$0x1b]  }
0x703: {  	s18 =	sor.u32 s3, s26;
	v1 =	vld [tilespmem:s23+$0x12000];
	[tilespmem:s10+$0x0] =	vst v0;
	s23 =	sld [smem:$0x797]  }
0x704: {  	s12 =	sor.u32 s9, s26;
	s13 =	sor.u32 s29, s26;
	s26 =	rddreg [dreg:$0xf];
	v0 =	vadd.f32 v5, v2;
	v5 =	vld [tilespmem:s4+$0x0]  }
0x705: {  	v7 =	vld [tilespmem:s26+$0x12000]  }
0x706: {  	s6 =	sor.u32 s3, s16;
	s21 =	sld [smem:$0x798];
	[tilespmem:s1+$0x0] =	vst v0;
	v0 =	vadd.f32 v3, v4;
	v2 =	vld [tilespmem:s23+$0x0]  }
0x707: {  	s10 =	rddreg [dreg:$0xb];
	v3 =	vld [tilespmem:s6+$0x0]  }
0x708: {  	s19 =	sor.u32 s9, s16;
	v4 =	vld [tilespmem:s10+$0x12000];
	[tilespmem:s15+$0x0] =	vst v0;
	v0 =	vadd.f32 v1, v6  }
0x709: {  	s16 =	sor.u32 $0xE000, s25;
	v1 =	vld [tilespmem:s19+$0x0]  }
0x70a: {  	v6 =	vld [tilespmem:s21+$0x12000];
	[tilespmem:s17+$0x0] =	vst v0;
	s17 =	sor.u32 s24, s16;
	v0 =	vadd.f32 v7, v5  }
0x70b: {  	v5 =	vld [tilespmem:s17+$0x0]  }
0x70c: {  	s26 =	rddreg [dreg:$0x15];
	v7 =	vld [tilespmem:s14+$0x12000];
	[tilespmem:s4+$0x0] =	vst v0  }
0x70d: {  	v0 =	vadd.f32 v4, v3;
	v3 =	vld [tilespmem:s26+$0x12000]  }
0x70e: {  	v4 =	vld [tilespmem:s2+$0x0]  }
0x70f: {  	v8 =	vld [tilespmem:s30+$0x12000];
	[tilespmem:s6+$0x0] =	vst v0;
	v0 =	vadd.f32 v6, v1  }
0x710: {  	[smem:$0x7AC] =	sst s31;
	v1 =	vld [tilespmem:s20+$0x0]  }
0x711: {  	[dreg:$0x14] =	wrdreg s22;
	v6 =	vld [tilespmem:s31+$0x12000];
	[tilespmem:s19+$0x0] =	vst v0;
	v0 =	vadd.f32 v7, v5  }
0x712: {  	s28 =	smov.u32 s21;
	s15 =	sld [smem:$0x799];
	s21 =	sor.u32 $0xE080, s25;
	v5 =	vld [tilespmem:s11+$0x0]  }
0x713: {  	s31 =	sor.u32 s24, s21;
	v2 =	vadd.f32 v3, v2;
	v3 =	vld [tilespmem:s22+$0x12000];
	[tilespmem:s17+$0x0] =	vst v0;
	s22 =	sld [smem:$0x79A]  }
0x714: {  	v0 =	vadd.f32 v8, v4;
	v4 =	vld [tilespmem:s31+$0x0]  }
0x715: {  	s26 =	smov.u32 s15;
	[tilespmem:s23+$0x0] =	vst v2;
	v2 =	vld [tilespmem:s14+$0x12080]  }
0x716: {  	[dreg:$0x15] =	wrdreg s26;
	[tilespmem:s2+$0x0] =	vst v0;
	v0 =	vadd.f32 v6, v1;
	v1 =	vld [tilespmem:s22+$0x0]  }
0x717: {  	v7 =	vld [tilespmem:s26+$0x12000];
	s26 =	sld [smem:$0x79B]  }
0x718: {  	v6 =	vld [tilespmem:s0+$0x0];
	[tilespmem:s20+$0x0] =	vst v0;
	v0 =	vadd.f32 v3, v5  }
0x719: {  	s23 =	sld [smem:$0x79C];
	v3 =	vld [tilespmem:s18+$0x0]  }
0x71a: {  	v5 =	vld [tilespmem:s26+$0x12000];
	[tilespmem:s11+$0x0] =	vst v0;
	v0 =	vadd.f32 v2, v4  }
0x71b: {  	s11 =	sor.u32 $0xE100, s25;
	v2 =	vld [tilespmem:s12+$0x0]  }
0x71c: {  	s4 =	sor.u32 s9, s21;
	v4 =	vld [tilespmem:s23+$0x12000];
	s20 =	sor.u32 s24, s11;
	[tilespmem:s31+$0x0] =	vst v0  }
0x71d: {  	s15 =	sor.u32 s29, s21;
	s19 =	sor.u32 s3, s21;
	s21 =	sld [smem:$0x7B3];
	v0 =	vadd.f32 v7, v6;
	v6 =	vld [tilespmem:s20+$0x0]  }
0x71e: {  	s31 =	rddreg [dreg:$0x19];
	v7 =	vld [tilespmem:s14+$0x12100]  }
0x71f: {  	[tilespmem:s0+$0x0] =	vst v0;
	v0 =	vadd.f32 v5, v3;
	v3 =	vld [tilespmem:s31+$0x12000]  }
0x720: {  	v5 =	vld [tilespmem:s13+$0x0]  }
0x721: {  	v8 =	vld [tilespmem:s21+$0x12000]  }
0x722: {  	s1 =	sor.u32 s3, s16;
	[tilespmem:s18+$0x0] =	vst v0;
	v0 =	vadd.f32 v4, v2  }
0x723: {  	v2 =	vld [tilespmem:s1+$0x0]  }
0x724: {  	s10 =	sor.u32 s9, s16;
	s17 =	sor.u32 s3, s11;
	s2 =	sor.u32 s9, s11;
	v4 =	vld [tilespmem:s5+$0x12000];
	[tilespmem:s12+$0x0] =	vst v0;
	v0 =	vadd.f32 v7, v6  }
0x725: {  	s6 =	sor.u32 s29, s11;
	s11 =	smov.u32 s26;
	s26 =	sor.u32 $0xE180, s25;
	v6 =	vld [tilespmem:s10+$0x0];
	v1 =	vadd.f32 v3, v1  }
0x726: {  	s31 =	sor.u32 s24, s26;
	v3 =	vld [tilespmem:s8+$0x12000];
	[tilespmem:s20+$0x0] =	vst v0;
	v0 =	vadd.f32 v8, v5  }
0x727: {  	v5 =	vld [tilespmem:s31+$0x0];
	[tilespmem:s22+$0x0] =	vst v1  }
0x728: {  	s16 =	sor.u32 s29, s16;
	v1 =	vld [tilespmem:s14+$0x12180];
	s14 =	sld [smem:$0x79D];
	[tilespmem:s13+$0x0] =	vst v0  }
0x729: {  	v0 =	vadd.f32 v4, v2;
	v4 =	vld [tilespmem:s16+$0x0]  }
0x72a: {  	v7 =	vld [tilespmem:s7+$0x12000]  }
0x72b: {  	v2 =	vld [tilespmem:s14+$0x0];
	[tilespmem:s1+$0x0] =	vst v0;
	v0 =	vadd.f32 v3, v6  }
0x72c: {  	v3 =	vld [tilespmem:s19+$0x0]  }
0x72d: {  	v6 =	vld [tilespmem:s5+$0x12080];
	[tilespmem:s10+$0x0] =	vst v0;
	v0 =	vadd.f32 v1, v5  }
0x72e: {  	s20 =	sld [smem:$0x79E];
	s10 =	sor.u32 $0xE200, s25;
	v1 =	vld [tilespmem:s4+$0x0]  }
0x72f: {  	v5 =	vld [tilespmem:s8+$0x12080];
	s18 =	sor.u32 s24, s10;
	[tilespmem:s31+$0x0] =	vst v0  }
0x730: {  	[dreg:$0x19] =	wrdreg s11;
	s11 =	sor.u32 s9, s26;
	v0 =	vadd.f32 v7, v4;
	v4 =	vld [tilespmem:s18+$0x0]  }
0x731: {  	s0 =	sor.u32 s29, s26;
	s12 =	sor.u32 s3, s26;
	s26 =	rddreg [dreg:$0x16];
	v7 =	vld [tilespmem:s20+$0x12000]  }
0x732: {  	[tilespmem:s16+$0x0] =	vst v0;
	v0 =	vadd.f32 v6, v3;
	v3 =	vld [tilespmem:s26+$0x12000]  }
0x733: {  	v6 =	vld [tilespmem:s15+$0x0]  }
0x734: {  	v8 =	vld [tilespmem:s7+$0x12080];
	[tilespmem:s19+$0x0] =	vst v0;
	v0 =	vadd.f32 v5, v1;
	_ =	sdelay $0x1  }
0x735: {  	v1 =	vld [tilespmem:s17+$0x0];
	[tilespmem:s4+$0x0] =	vst v0;
	v0 =	vadd.f32 v7, v4  }
0x736: {  	v5 =	vld [tilespmem:s5+$0x12100]  }
0x737: {  	s4 =	sor.u32 $0xE280, s25;
	v4 =	vld [tilespmem:s2+$0x0];
	v2 =	vadd.f32 v3, v2;
	[tilespmem:s18+$0x0] =	vst v0;
	s18 =	sld [smem:$0x79F]  }
0x738: {  	v3 =	vld [tilespmem:s8+$0x12100];
	s16 =	sor.u32 s24, s4;
	v0 =	vadd.f32 v8, v6  }
0x739: {  	v6 =	vld [tilespmem:s16+$0x0];
	[tilespmem:s14+$0x0] =	vst v2  }
0x73a: {  	s19 =	rddreg [dreg:$0x1e];
	[tilespmem:s15+$0x0] =	vst v0;
	v2 =	vld [tilespmem:s18+$0x12000]  }
0x73b: {  	v1 =	vadd.f32 v5, v1;
	v0 =	vld [tilespmem:s19+$0x0]  }
0x73c: {  	v7 =	vld [tilespmem:s6+$0x0]  }
0x73d: {  	[dreg:$0x11] =	wrdreg s30;
	v8 =	vld [tilespmem:s7+$0x12100];
	[tilespmem:s17+$0x0] =	vst v1;
	v3 =	vadd.f32 v3, v4  }
.Ltmp1:
0x73e: {  	s22 =	sor.u32 s3, s10;
	s31 =	smov.u32 s23;
	v5 =	vld [tilespmem:s12+$0x0];
	(pc) =	sbr.rel @p1 .LBB2_5-.Ltmp1, $4  }
0x73f: {  	s13 =	sor.u32 s9, s10;
	[dreg:$0x16] =	wrdreg s31;
	s31 =	sor.u32 $0xE300, s25;
	v1 =	vld [tilespmem:s5+$0x12180];
	[tilespmem:s2+$0x0] =	vst v3;
	v2 =	vadd.f32 v2, v6  }
0x740: {  	s30 =	sor.u32 s29, s10;
	s23 =	smov.u32 s7;
	s1 =	sor.u32 s24, s31;
	v4 =	vld [tilespmem:s11+$0x0]  }
0x741: {  	s26 =	sor.u32 s3, s4;
	s20 =	sor.u32 s9, s4;
	s10 =	sor.u32 s29, s4;
	v3 =	vld [tilespmem:s8+$0x12180];
	[tilespmem:s16+$0x0] =	vst v2  }
0x742: {  	s4 =	sor.u32 s29, s31;
	s7 =	sor.u32 s3, s31;
	s5 =	sor.u32 s9, s31;
	v6 =	vadd.f32 v8, v7;
	v2 =	vld [tilespmem:s1+$0x0]  }
0x743: {  	_ = 	snop  }
0x744: {  	[tilespmem:s6+$0x0] =	vst v6  }
0x745: {  	v6 =	vld [tilespmem:s23+$0x12180]  }
0x746: {  	v7 =	vld [tilespmem:s0+$0x0];
	_ =	sdelay $0x2  }
0x747: {  	v1 =	vadd.f32 v1, v5  }
0x748: {  	v3 =	vadd.f32 v3, v4  }
0x749: {  	[tilespmem:s12+$0x0] =	vst v1;
	v32 =	vadd.f32 v6, v7  }
0x74a: {  	v36 =	vld [tilespmem:s22+$0x0];
	[tilespmem:s11+$0x0] =	vst v3  }
0x74b: {  	s2 =	rddreg [dreg:$0x1a];
	v37 =	vld [tilespmem:s13+$0x0];
	[tilespmem:s0+$0x0] =	vst v32  }
0x74c: {  	v33 =	vld [tilespmem:s2+$0x12000];
	s0 =	rddreg [dreg:$0xd]  }
0x74d: {  	v34 =	vld [tilespmem:s0+$0x12000];
	_ =	sdelay $0x1  }
0x74e: {  	s2 =	rddreg [dreg:$0xf];
	v38 =	vld [tilespmem:s30+$0x0]  }
0x74f: {  	v35 =	vld [tilespmem:s2+$0x12000]  }
0x750: {  	v3 =	vadd.f32 v33, v36  }
0x751: {  	v1 =	vadd.f32 v34, v37  }
0x752: {  	[tilespmem:s22+$0x0] =	vst v3  }
0x753: {  	v43 =	vld [tilespmem:s26+$0x0];
	[tilespmem:s13+$0x0] =	vst v1  }
0x754: {  	v39 =	vadd.f32 v35, v38;
	v41 =	vld [tilespmem:s28+$0x12000]  }
0x755: {  	s6 =	rddreg [dreg:$0xb];
	v44 =	vld [tilespmem:s20+$0x0]  }
0x756: {  	[tilespmem:s30+$0x0] =	vst v39;
	v40 =	vld [tilespmem:s6+$0x12000]  }
0x757: {  	s8 =	rddreg [dreg:$0x11];
	v45 =	vld [tilespmem:s10+$0x0]  }
0x758: {  	v42 =	vld [tilespmem:s8+$0x12000];
	_ =	sdelay $0x2  }
0x759: {  	v3 =	vadd.f32 v41, v44  }
0x75a: {  	v1 =	vadd.f32 v40, v43  }
0x75b: {  	s11 =	rddreg [dreg:$0x1c];
	v47 =	vadd.f32 v42, v45;
	[tilespmem:s20+$0x0] =	vst v3  }
0x75c: {  	v46 =	vld [tilespmem:s11+$0x12000];
	[tilespmem:s26+$0x0] =	vst v1  }
0x75d: {  	v52 =	vld [tilespmem:s5+$0x0];
	s12 =	sld [smem:$0x7AC];
	[tilespmem:s10+$0x0] =	vst v47  }
0x75e: {  	v51 =	vld [tilespmem:s7+$0x0];
	s13 =	rddreg [dreg:$0x14]  }
0x75f: {  	v49 =	vld [tilespmem:s13+$0x12000]  }
0x760: {  	v48 =	vld [tilespmem:s12+$0x12000]  }
0x761: {  	s14 =	rddreg [dreg:$0x15];
	v8 =	vld [tilespmem:s4+$0x0]  }
0x762: {  	v2 =	vadd.f32 v46, v2;
	v50 =	vld [tilespmem:s14+$0x12000]  }
0x763: {  	s20 =	sor.u32 $0xE380, s25;
	s15 =	rddreg [dreg:$0x5]  }
0x764: {  	s22 =	sor.u32 s24, s20;
	[tilespmem:s1+$0x0] =	vst v2;
	v53 =	vld [tilespmem:s15+$0x12000];
	v1 =	vadd.f32 v49, v52  }
0x765: {  	s16 =	rddreg [dreg:$0x1b];
	v58 =	vld [tilespmem:s22+$0x0];
	v3 =	vadd.f32 v48, v51  }
0x766: {  	s24 =	sor.u32 s9, s20;
	v2 =	vld [tilespmem:s16+$0x12000];
	[tilespmem:s5+$0x0] =	vst v1  }
0x767: {  	s23 =	sor.u32 s3, s20;
	v54 =	vadd.f32 v50, v8;
	[tilespmem:s7+$0x0] =	vst v3;
	v60 =	vld [tilespmem:s24+$0x0]  }
0x768: {  	s17 =	rddreg [dreg:$0x19];
	v59 =	vld [tilespmem:s23+$0x0]  }
0x769: {  	[tilespmem:s4+$0x0] =	vst v54;
	v55 =	vld [tilespmem:s17+$0x12000]  }
0x76a: {  	s0 =	sor.u32 s29, s20;
	v57 =	vld [tilespmem:s21+$0x12000]  }
0x76b: {  	s18 =	rddreg [dreg:$0x16];
	v9 =	vld [tilespmem:s0+$0x0]  }
0x76c: {  	v56 =	vld [tilespmem:s18+$0x12000]  }
0x76d: {  	v0 =	vadd.f32 v53, v0  }
0x76e: {  	v2 =	vadd.f32 v2, v58  }
0x76f: {  	[tilespmem:s19+$0x0] =	vst v0;
	v61 =	vadd.f32 v55, v59  }
0x770: {  	[tilespmem:s22+$0x0] =	vst v2;
	v63 =	vadd.f32 v57, v9  }
0x771: {  	v62 =	vadd.f32 v56, v60;
	[tilespmem:s23+$0x0] =	vst v61  }
0x772: {  	[tilespmem:s0+$0x0] =	vst v63  }
0x773: {  	[tilespmem:s24+$0x0] =	vst v62  }
0x774: {  	s0 =	sld [smem:$0x7CF]  }
0x775: {  	s31 =	sld [smem:$0x7CC]  }
0x776: {  	s25 =	rddreg [dreg:$0x2]  }
0x777: {  	s26 =	simm.s32 $0x0;
	s3 =	simm.s32 $0x8000;
	s28 =	sld [smem:$0x7CD]  }
0x778: {  	s4 =	simm.s32 $0xA000;
	s0 =	sadd.s32 s25, s0;
	s1 =	sadd.s32 $0x1, s31  }
0x779: {  	[hbm4b:s0+s26] =	stream.linear.scatter [tilespmem:s3], [sflag:$0x4], $0x2000, $0x38;
	[tilespmem:$0x14000] =	vst v63  }
0x77a: {  	s29 =	sld [smem:$0x7CE];
	s0 =	sadd.s32 s25, s28;
	p0 =	sne.s32 s1, $0x10  }
0x77b: {  	[hbm4b:s0+s26] =	stream.linear.scatter [tilespmem:s4], [sflag:$0x4], $0x2000, $0x38;
	[tilespmem:$0x14000] =	vst v63  }
.Ltmp2:
0x77c: {  	s30 =	sld [smem:$0x7D0];
	(pc) =	sbr.rel @p0 .LBB2_2-.Ltmp2, $4  }
0x77d: {  	s5 =	simm.s32 $0xC000;
	s0 =	sadd.s32 s25, s29  }
0x77e: {  	[hbm4b:s0+s26] =	stream.linear.scatter [tilespmem:s5], [sflag:$0x4], $0x2000, $0x38;
	[tilespmem:$0x14000] =	vst v63  }
0x77f: {  	s6 =	simm.s32 $0xE000;
	s0 =	sadd.s32 s25, s30  }
0x780: {  	[hbm4b:s0+s26] =	stream.linear.scatter [tilespmem:s6], [sflag:$0x4], $0x2000, $0x38;
	[tilespmem:$0x14000] =	vst v63  }
0x781: {  	s0 =	simm.s32 $0x3  }
0x782: {  	_ =	swait.ge [sflag:s0], $0x2000  }
0x783: {  	[sflag:s0] =	ssyncset.done $0x0  }
0x784: {  	[sflag:s0] =	ssyncadd.s32 $0xFFFFE000  }
0x785: {  	_ =	swait.ge [sflag:s0], $0x2000  }
0x786: {  	[sflag:s0] =	ssyncset.done $0x0  }
0x787: {  	[sflag:s0] =	ssyncadd.s32 $0xFFFFE000  }
0x788: {  	_ =	swait.ge [sflag:s0], $0x2000  }
0x789: {  	[sflag:s0] =	ssyncset.done $0x0  }
0x78a: {  	[sflag:s0] =	ssyncadd.s32 $0xFFFFE000  }
0x78b: {  	_ =	swait.ge [sflag:s0], $0x2000  }
0x78c: {  	[sflag:s0] =	ssyncset.done $0x0  }
0x78d: {  	s1 =	simm.s32 $0x4;
	[sflag:s0] =	ssyncadd.s32 $0xFFFFE000  }
0x78e: {  	_ =	swait.ge [sflag:s1], $0x2000  }
0x78f: {  	[sflag:s1] =	ssyncset.done $0x0  }
0x790: {  	[sflag:s1] =	ssyncadd.s32 $0xFFFFE000  }
0x791: {  	_ =	swait.ge [sflag:s1], $0x2000  }
0x792: {  	[sflag:s1] =	ssyncset.done $0x0  }
0x793: {  	[sflag:s1] =	ssyncadd.s32 $0xFFFFE000  }
0x794: {  	_ =	swait.ge [sflag:s1], $0x2000  }
0x795: {  	[sflag:s1] =	ssyncset.done $0x0  }
0x796: {  	[sflag:s1] =	ssyncadd.s32 $0xFFFFE000  }
0x797: {  	_ =	swait.ge [sflag:s1], $0x2000  }
0x798: {  	s2 =	sld [smem:$0x7EE]  }
0x799: {  	s31 =	sld [smem:$0x7FC];
	_ =	sdelay $0x1  }
0x79a: {  	s2 =	sadd.s32 $0x1, s2  }
0x79b: {  	p0 =	sne.s32 s2, s31  }
.Ltmp3:
0x79c: {  	_ = 	snop;
	(pc) =	sbr.rel @p0 .LBB2_1-.Ltmp3, $3  }
0x79d: {  	_ =	sdelay $0x1  }
0x79e: {  	[sflag:s1] =	ssyncset.done $0x0  }
0x79f: {  	[sflag:s1] =	ssyncadd.s32 $0xFFFFE000  }
0x7a0: {  	_ =	sfence.sel $0x180000  }
0x7a1: {  	[bflag:$0x0] =	sbarrier.arrive $0xFFFF  }
0x7a2: {  	_ =	strace $0x90000047  }
0x7a3: {  	s0 =	stileid.u32;
	[bflag:$0x2] =	sbarrier.arrive $0xFFFF  }
0x7a4: {  	p0 =	sne.s32 s0, $0x0;
	s0 =	rddreg [dreg:$0x3]  }
0x7a5: {  	s0 =	sadd.s32 @!p0 $0x100000, s0  }
0x7a6: {  	[sflag:s0] =	ssyncadd.tile.s32 @!p0 $0x1;
	_ =	shalt  }
.Lfunc_end2:
_tile_overlayer_lowered:
.L_overlay_start_2:
0x7a7: {  	(tag) =	ssettag $0x2  }
0x7a8: {  	s0 =	rddreg [dreg:$0x0];
	s2 =	stileid.u32  }
0x7a9: {  	s1 =	rddreg [dreg:$0x1];
	p0 =	sne.s32 s2, $0x0  }
0x7aa: {  	s3 =	rddreg [dreg:$0x2];
	[bflag:$0x3] =	sbarrier.arrive $0xFFFF;
	s2 =	simm.s32 @!p0 $0x1C05  }
0x7ab: {  	[timem:s3], [sflag:s2] =	dma.local @!p0 [hbm:s0], s1  }
0x7ac: {  	s0 =	simm.s32 @!p0 $0x5  }
0x7ad: {  	_ =	swait.ge @!p0 [sflag:s0], s1  }
0x7ae: {  	s1 =	ssub.s32 @!p0 $0x0, s1;
	[sflag:s0] =	ssyncset.done @!p0 $0x0  }
0x7af: {  	[sflag:s0] =	ssyncadd.s32 @!p0 s1  }
0x7b0: {  	[bflag:$0x3] =	sbarrier.arrive $0xFFFF  }
0x7b1: {  	_ =	shalt  }

</sc_bundles>
